<compile_context>
chip_gen: v7x
topology: tpu7x:2x2x1
jax: 0.10.2.dev20260603
libtpu: 0.0.44.dev20260713+nightly
codegen_flags: <defaults>
</compile_context>

<pallas_src>
import functools

import jax
import jax.numpy as jnp
from jax import lax
from jax.experimental import pallas as pl
from jax.experimental.pallas import tpu as pltpu
from jax.experimental.pallas import tpu_sc as plsc

_N = 10000
_E = 320000
_D = 128
_DOUT = 40

_NC = 2
_NS = 16
_NW = _NC * _NS
_K = 128
_TOT = 2560
_EPAD = _TOT * _K
_C0, _C1 = 144, 16
_H0, _H1 = 104, 56
_SLAB = 8
_NPAD = 10240
_RPT = _NPAD // _NS
_BM = 256
_NBLK = _NPAD // _BM

_f32 = jnp.float32
_i32 = jnp.int32


def _sc_mesh():
    return plsc.VectorSubcoreMesh(
        core_axis_name="c", subcore_axis_name="s",
        num_cores=_NC, num_subcores=_NS)


def _hist_body(src_hbm, dst_hbm, out_hbm, sidxs, didxs, ones, zvec, asem,
               ho_sh, hi_sh):
    cid = lax.axis_index("c")
    sid = lax.axis_index("s")
    z16 = jnp.zeros((16,), _f32)
    o16 = jnp.ones((16,), _f32)
    for j in range(_K // 16):
        ones[pl.ds(j * 16, 16)] = o16
        zvec[pl.ds(j * 16, 16)] = z16
    for i in range(_RPT // _K):
        pltpu.sync_copy(zvec, ho_sh.at[pl.ds(sid * _RPT + i * _K, _K)])
        pltpu.sync_copy(zvec, hi_sh.at[pl.ds(sid * _RPT + i * _K, _K)])
    base = jnp.where(cid == 0, sid * _H0, _NS * _H0 + sid * _H1)
    nc = jnp.where(cid == 0, _H0, _H1)
    pltpu.sync_copy(src_hbm.at[pl.ds(base, _H1)], sidxs.at[pl.ds(0, _H1)])
    pltpu.sync_copy(dst_hbm.at[pl.ds(base, _H1)], didxs.at[pl.ds(0, _H1)])

    @pl.when(cid == 0)
    def _():
        pltpu.sync_copy(src_hbm.at[pl.ds(base + _H1, _H0 - _H1)],
                        sidxs.at[pl.ds(_H1, _H0 - _H1)])
        pltpu.sync_copy(dst_hbm.at[pl.ds(base + _H1, _H0 - _H1)],
                        didxs.at[pl.ds(_H1, _H0 - _H1)])

    plsc.subcore_barrier()

    def fire(c):
        pltpu.async_copy(ones, ho_sh.at[sidxs.at[c]], asem, add=True)
        pltpu.async_copy(ones, hi_sh.at[didxs.at[c]], asem, add=True)

    def drain2():
        pltpu.make_async_copy(out_hbm.at[pl.ds(0, _K)], ones, asem).wait()
        pltpu.make_async_copy(out_hbm.at[pl.ds(0, _K)], ones, asem).wait()

    fire(0)
    fire(1)

    def chunk(c, carry):
        drain2()

        @pl.when(c + 2 < nc)
        def _():
            fire(c + 2)

        return carry

    lax.fori_loop(0, nc, chunk, 0)
    plsc.subcore_barrier()
    pltpu.sync_copy(ho_sh.at[pl.ds(sid * _RPT, _RPT)],
                    out_hbm.at[pl.ds((cid * 2 + 0) * _NPAD + sid * _RPT, _RPT)])
    pltpu.sync_copy(hi_sh.at[pl.ds(sid * _RPT, _RPT)],
                    out_hbm.at[pl.ds((cid * 2 + 1) * _NPAD + sid * _RPT, _RPT)])


def _run_hist(src2, dst2):
    k = pl.kernel(
        _hist_body,
        out_type=jax.ShapeDtypeStruct((4 * _NPAD,), _f32),
        mesh=_sc_mesh(),
        scratch_types=[
            pltpu.VMEM((_H0, _K), _i32),
            pltpu.VMEM((_H0, _K), _i32),
            pltpu.VMEM((_K,), _f32),
            pltpu.VMEM((_K,), _f32),
            pltpu.SemaphoreType.DMA,
            pltpu.VMEM_SHARED((_NPAD,), _f32),
            pltpu.VMEM_SHARED((_NPAD,), _f32),
        ],
    )
    return k(src2, dst2)


def _pre_body(x_ref, w1_ref, degp_ref, h0s_ref, ns_ref, nd_ref):
    dego = degp_ref[0, 0] + degp_ref[1, 0]
    degi = degp_ref[0, 1] + degp_ref[1, 1]
    ns = lax.rsqrt(jnp.maximum(dego, 1.0))
    nd = lax.rsqrt(jnp.maximum(degi, 1.0))
    ns_ref[...] = ns
    nd_ref[...] = nd
    h0s_ref[...] = jnp.dot(x_ref[...], w1_ref[...],
                           preferred_element_type=_f32) * ns


def _run_pre(xp, W1, degp4):
    return pl.pallas_call(
        _pre_body,
        grid=(_NBLK,),
        in_specs=[
            pl.BlockSpec((_BM, _D), lambda b: (b, 0)),
            pl.BlockSpec((_D, _D), lambda b: (0, 0)),
            pl.BlockSpec((2, 2, _BM, 1), lambda b: (0, 0, b, 0)),
        ],
        out_specs=[
            pl.BlockSpec((_BM, _D), lambda b: (b, 0)),
            pl.BlockSpec((_BM, 1), lambda b: (b, 0)),
            pl.BlockSpec((_BM, 1), lambda b: (b, 0)),
        ],
        out_shape=[
            jax.ShapeDtypeStruct((_NPAD, _D), _f32),
            jax.ShapeDtypeStruct((_NPAD, 1), _f32),
            jax.ShapeDtypeStruct((_NPAD, 1), _f32),
        ],
    )(xp, W1, degp4)


def _main_body(h0s_hbm, src_hbm, dst_hbm, nd_hbm, aggp_hbm, wp_hbm,
               sidxs, didxs, rows, wval, gsem0, gsem1, wsem, ssem,
               agg_sh, w_sh):
    cid = lax.axis_index("c")
    sid = lax.axis_index("s")
    wid = sid * _NC + cid
    z16 = jnp.zeros((16,), _f32)

    def zr(r, carry):
        for j in range(_D // 16):
            rows[r, pl.ds(j * 16, 16)] = z16
        return carry

    lax.fori_loop(0, _K, zr, 0)
    for j in range(_K // 16):
        wval[0, pl.ds(j * 16, 16)] = z16
    zrows = rows.at[pl.ds(0, _K)]
    for i in range(_RPT // _K):
        pltpu.sync_copy(zrows, agg_sh.at[pl.ds(sid * _RPT + i * _K, _K)])
        pltpu.sync_copy(wval.at[0], w_sh.at[pl.ds(sid * _RPT + i * _K, _K)])
    plsc.subcore_barrier()

    gsems = (gsem0, gsem1)
    base = jnp.where(cid == 0, sid * _C0, _NS * _C0 + sid * _C1)
    nslab = jnp.where(cid == 0, _C0 // _SLAB, _C1 // _SLAB)

    def fire(c, p):
        pltpu.async_copy(h0s_hbm.at[sidxs.at[c]],
                         rows.at[pl.ds(p * _K, _K)], gsems[p])

    def drain(p):
        pltpu.make_async_copy(h0s_hbm.at[pl.ds(0, _K)],
                              rows.at[pl.ds(p * _K, _K)], gsems[p]).wait()

    def slab(s, carry):
        sb = base + s * _SLAB
        pltpu.sync_copy(src_hbm.at[pl.ds(sb, _SLAB)], sidxs)
        pltpu.sync_copy(dst_hbm.at[pl.ds(sb, _SLAB)], didxs)
        fire(0, 0)
        fire(1, 1)

        @pl.when(s > 0)
        def _():
            for _i in range(_SLAB):
                pltpu.make_async_copy(nd_hbm.at[pl.ds(0, _K)], wval.at[0],
                                      ssem).wait()

        nd_ds = [pltpu.async_copy(nd_hbm.at[didxs.at[c]], wval.at[c], wsem)
                 for c in range(_SLAB)]
        for c in range(_SLAB):
            p = c % 2
            drain(p)
            pltpu.sync_copy(rows.at[pl.ds(p * _K, _K)],
                            agg_sh.at[didxs.at[c]], add=True)
            if c + 2 < _SLAB:
                fire(c + 2, p)
        for d in nd_ds:
            d.wait()
        for c in range(_SLAB):
            pltpu.async_copy(wval.at[c], w_sh.at[sidxs.at[c]], ssem, add=True)
        return carry

    lax.fori_loop(0, nslab, slab, 0)
    for _i in range(_SLAB):
        pltpu.make_async_copy(nd_hbm.at[pl.ds(0, _K)], wval.at[0],
                              ssem).wait()

    plsc.subcore_barrier()
    pltpu.sync_copy(agg_sh.at[pl.ds(sid * _RPT, _RPT)],
                    aggp_hbm.at[pl.ds(cid * _NPAD + sid * _RPT, _RPT)])
    pltpu.sync_copy(w_sh.at[pl.ds(sid * _RPT, _RPT)],
                    wp_hbm.at[pl.ds(cid * _NPAD + sid * _RPT, _RPT)])


def _run_main(h0s, src2, dst2, nd_flat):
    k = pl.kernel(
        _main_body,
        out_type=(
            jax.ShapeDtypeStruct((2 * _NPAD, _D), _f32),
            jax.ShapeDtypeStruct((2 * _NPAD,), _f32),
        ),
        mesh=_sc_mesh(),
        scratch_types=[
            pltpu.VMEM((_SLAB, _K), _i32),
            pltpu.VMEM((_SLAB, _K), _i32),
            pltpu.VMEM((2 * _K, _D), _f32),
            pltpu.VMEM((_SLAB, _K), _f32),
            pltpu.SemaphoreType.DMA,
            pltpu.SemaphoreType.DMA,
            pltpu.SemaphoreType.DMA,
            pltpu.SemaphoreType.DMA,
            pltpu.VMEM_SHARED((_NPAD, _D), _f32),
            pltpu.VMEM_SHARED((_NPAD,), _f32),
        ],
    )
    return k(h0s, src2, dst2, nd_flat)


def _post_body(aggp_ref, wp_ref, ns_ref, nd_ref, b1_ref, w2_ref, b2_ref,
               out_ref, acc):
    b = pl.program_id(0)

    @pl.when(b == 0)
    def _():
        acc[...] = jnp.zeros_like(acc)

    agg = aggp_ref[0] + aggp_ref[1]
    h1 = jnp.maximum(agg * nd_ref[...] + b1_ref[...], 0.0)
    c = ns_ref[...] * (wp_ref[0] + wp_ref[1])
    rid = b * _BM + lax.broadcasted_iota(_i32, (_BM, 1), 0)
    c = jnp.where(rid < _N, c, 0.0)
    acc[...] += jnp.sum(h1 * c, axis=0, keepdims=True)

    @pl.when(b == _NBLK - 1)
    def _():
        out_ref[...] = (jnp.dot(acc[...], w2_ref[...],
                                preferred_element_type=_f32) * (1.0 / _N)
                        + b2_ref[...])


def _run_post(aggp, wp, ns, nd, b1, W2, b2):
    return pl.pallas_call(
        _post_body,
        grid=(_NBLK,),
        in_specs=[
            pl.BlockSpec((2, _BM, _D), lambda b: (0, b, 0)),
            pl.BlockSpec((2, _BM, 1), lambda b: (0, b, 0)),
            pl.BlockSpec((_BM, 1), lambda b: (b, 0)),
            pl.BlockSpec((_BM, 1), lambda b: (b, 0)),
            pl.BlockSpec((1, _D), lambda b: (0, 0)),
            pl.BlockSpec((_D, _DOUT), lambda b: (0, 0)),
            pl.BlockSpec((1, _DOUT), lambda b: (0, 0)),
        ],
        out_specs=pl.BlockSpec((1, _DOUT), lambda b: (0, 0)),
        out_shape=jax.ShapeDtypeStruct((1, _DOUT), _f32),
        scratch_shapes=[pltpu.VMEM((1, _D), _f32)],
    )(aggp, wp, ns, nd, b1, W2, b2)


def kernel(in_feat, edge_index, W1, b1, W2, b2):
    src = edge_index[0]
    dst = edge_index[1]
    pad = _EPAD - _E
    fill = jnp.full((pad,), _N, _i32)
    src2 = jnp.concatenate([src, fill]).reshape(_TOT, _K)
    dst2 = jnp.concatenate([dst, fill]).reshape(_TOT, _K)
    xp = jnp.pad(in_feat, ((0, _NPAD - _N), (0, 0)))

    degp = _run_hist(src2, dst2)
    degp4 = degp.reshape(2, 2, _NPAD, 1)
    h0s, ns, nd = _run_pre(xp, W1, degp4)
    aggp, wp = _run_main(h0s, src2, dst2, nd.reshape(_NPAD))
    out = _run_post(aggp.reshape(2, _NPAD, _D), wp.reshape(2, _NPAD, 1),
                    ns, nd, b1.reshape(1, _D), W2, b2.reshape(1, _DOUT))
    return out

# --- scband reference (transcript-rebuilt; emitter-appended) ---
"""Pipeline reference for scband-gcn-59098749993497 (READ-ONLY COPY).

The authoritative reference and input builder live on the scoring server;
editing this copy changes nothing except your own understanding.
"""

import jax, jax.numpy as jnp
import numpy as np

N = 10000
E = 320000
D_IN = 128
D_H = 128
D_OUT = 40


def setup_inputs(seed: int = 0) -> dict:
    key = jax.random.key(seed)
    k1, k2, k3, k4, k5, k6 = jax.random.split(key, 6)
    in_feat = jax.random.normal(k1, (N, D_IN), dtype=jnp.float32)
    edge_index = jax.random.randint(k2, (2, E), 0, N, dtype=jnp.int32)
    W1 = jax.random.normal(k3, (D_IN, D_H), dtype=jnp.float32) * (1.0 / np.sqrt(D_IN))
    b1 = jnp.zeros((D_H,), dtype=jnp.float32)
    W2 = jax.random.normal(k4, (D_H, D_OUT), dtype=jnp.float32) * (1.0 / np.sqrt(D_H))
    b2 = jnp.zeros((D_OUT,), dtype=jnp.float32)
    return {"in_feat": in_feat, "edge_index": edge_index, "W1": W1, "b1": b1, "W2": W2, "b2": b2}


def reference(in_feat, edge_index, W1, b1, W2, b2):
    # DGL GraphConv with norm='both': h = D_in^{-1/2} A D_out^{-1/2} X W + b
    src = edge_index[0]
    dst = edge_index[1]
    deg_out = jnp.zeros((N,), jnp.float32).at[src].add(1.0)
    deg_in = jnp.zeros((N,), jnp.float32).at[dst].add(1.0)
    norm_src = jax.lax.rsqrt(jnp.clip(deg_out, 1.0))
    norm_dst = jax.lax.rsqrt(jnp.clip(deg_in, 1.0))

    def graph_conv(x, W, b):
        h = x @ W
        h = h * norm_src[:, None]
        msg = jnp.take(h, src, axis=0)
        agg = jnp.zeros((N, h.shape[1]), h.dtype).at[dst].add(msg)
        return agg * norm_dst[:, None] + b

    h = graph_conv(in_feat, W1, b1)
    h = jax.nn.relu(h)
    h = graph_conv(h, W2, b2)
    # dgl.mean_nodes over a single graph -> [1, num_classes]
    return jnp.mean(h, axis=0, keepdims=True)

if __name__ == "__main__":
    import jax
    _d = setup_inputs()
    print(jax.jit(kernel)(*tuple(_d.values())))

</pallas_src>

<mosaic_0001>
#map = affine_map<(d0, d1) -> (0, 0)>
#map1 = affine_map<(d0, d1) -> (0)>
module attributes {stable_mosaic.version = 14 : i64} {
  func.func @_hist_body(%arg0: i32, %arg1: i32, %arg2: memref<2560x128xi32, #tpu.memory_space<hbm>>, %arg3: memref<2560x128xi32, #tpu.memory_space<hbm>>, %arg4: memref<40960xf32, #tpu.memory_space<hbm>>, %arg5: memref<104x128xi32, #tpu.memory_space<vmem>>, %arg6: memref<104x128xi32, #tpu.memory_space<vmem>>, %arg7: memref<128xf32, #tpu.memory_space<vmem>>, %arg8: memref<128xf32, #tpu.memory_space<vmem>>, %arg9: memref<!tpu.dma_semaphore, #tpu.memory_space<semaphore_mem>>, %arg10: memref<10240xf32, #tpu.memory_space<vmem_shared>>, %arg11: memref<10240xf32, #tpu.memory_space<vmem_shared>>) attributes {dimension_semantics = [#tpu.dimension_semantics<core_parallel>, #tpu.dimension_semantics<subcore_parallel>], iteration_bounds = array<i64: 2, 16>, scalar_prefetch = 0 : i64, scratch_operands = 7 : i64, tpu.core_type = #tpu.core_type<sc_vector_subcore>, window_params = [{transform_indices = #map}, {transform_indices = #map}, {transform_indices = #map1}]} {
    %broadcast_in_dim3A = arith.constant 0.000000e+00 : f32
    %broadcast_in_dim3A_0 = vector.broadcast %broadcast_in_dim3A : f32 to vector<16xf32>
    %broadcast_in_dim3A_1 = arith.constant 1.000000e+00 : f32
    %broadcast_in_dim3A_2 = vector.broadcast %broadcast_in_dim3A_1 : f32 to vector<16xf32>
    %swap3A = arith.constant 0 : index
    %swap3A_3 = tpu.vector_load %arg7[%swap3A] {strides = array<i32>} : memref<128xf32, #tpu.memory_space<vmem>>, vector<16xf32>,
    %swap3A_4 = vector.shape_cast %swap3A_3 : vector<16xf32> to vector<16xf32>
    %swap3A_5 = vector.shape_cast %broadcast_in_dim3A_2 : vector<16xf32> to vector<16xf32>
    tpu.vector_store %arg7[%swap3A], %swap3A_5 {strides = array<i32>} : memref<128xf32, #tpu.memory_space<vmem>>, vector<16xf32>,
    %swap3A_6 = arith.constant 0 : index
    %swap3A_7 = tpu.vector_load %arg8[%swap3A_6] {strides = array<i32>} : memref<128xf32, #tpu.memory_space<vmem>>, vector<16xf32>,
    %swap3A_8 = vector.shape_cast %swap3A_7 : vector<16xf32> to vector<16xf32>
    %swap3A_9 = vector.shape_cast %broadcast_in_dim3A_0 : vector<16xf32> to vector<16xf32>
    tpu.vector_store %arg8[%swap3A_6], %swap3A_9 {strides = array<i32>} : memref<128xf32, #tpu.memory_space<vmem>>, vector<16xf32>,
    %swap3A_10 = arith.constant 16 : index
    %swap3A_11 = tpu.vector_load %arg7[%swap3A_10] {strides = array<i32>} : memref<128xf32, #tpu.memory_space<vmem>>, vector<16xf32>,
    %swap3A_12 = vector.shape_cast %swap3A_11 : vector<16xf32> to vector<16xf32>
    %swap3A_13 = vector.shape_cast %broadcast_in_dim3A_2 : vector<16xf32> to vector<16xf32>
    tpu.vector_store %arg7[%swap3A_10], %swap3A_13 {strides = array<i32>} : memref<128xf32, #tpu.memory_space<vmem>>, vector<16xf32>,
    %swap3A_14 = arith.constant 16 : index
    %swap3A_15 = tpu.vector_load %arg8[%swap3A_14] {strides = array<i32>} : memref<128xf32, #tpu.memory_space<vmem>>, vector<16xf32>,
    %swap3A_16 = vector.shape_cast %swap3A_15 : vector<16xf32> to vector<16xf32>
    %swap3A_17 = vector.shape_cast %broadcast_in_dim3A_0 : vector<16xf32> to vector<16xf32>
    tpu.vector_store %arg8[%swap3A_14], %swap3A_17 {strides = array<i32>} : memref<128xf32, #tpu.memory_space<vmem>>, vector<16xf32>,
    %swap3A_18 = arith.constant 32 : index
    %swap3A_19 = tpu.vector_load %arg7[%swap3A_18] {strides = array<i32>} : memref<128xf32, #tpu.memory_space<vmem>>, vector<16xf32>,
    %swap3A_20 = vector.shape_cast %swap3A_19 : vector<16xf32> to vector<16xf32>
    %swap3A_21 = vector.shape_cast %broadcast_in_dim3A_2 : vector<16xf32> to vector<16xf32>
    tpu.vector_store %arg7[%swap3A_18], %swap3A_21 {strides = array<i32>} : memref<128xf32, #tpu.memory_space<vmem>>, vector<16xf32>,
    %swap3A_22 = arith.constant 32 : index
    %swap3A_23 = tpu.vector_load %arg8[%swap3A_22] {strides = array<i32>} : memref<128xf32, #tpu.memory_space<vmem>>, vector<16xf32>,
    %swap3A_24 = vector.shape_cast %swap3A_23 : vector<16xf32> to vector<16xf32>
    %swap3A_25 = vector.shape_cast %broadcast_in_dim3A_0 : vector<16xf32> to vector<16xf32>
    tpu.vector_store %arg8[%swap3A_22], %swap3A_25 {strides = array<i32>} : memref<128xf32, #tpu.memory_space<vmem>>, vector<16xf32>,
    %swap3A_26 = arith.constant 48 : index
    %swap3A_27 = tpu.vector_load %arg7[%swap3A_26] {strides = array<i32>} : memref<128xf32, #tpu.memory_space<vmem>>, vector<16xf32>,
    %swap3A_28 = vector.shape_cast %swap3A_27 : vector<16xf32> to vector<16xf32>
    %swap3A_29 = vector.shape_cast %broadcast_in_dim3A_2 : vector<16xf32> to vector<16xf32>
    tpu.vector_store %arg7[%swap3A_26], %swap3A_29 {strides = array<i32>} : memref<128xf32, #tpu.memory_space<vmem>>, vector<16xf32>,
    %swap3A_30 = arith.constant 48 : index
    %swap3A_31 = tpu.vector_load %arg8[%swap3A_30] {strides = array<i32>} : memref<128xf32, #tpu.memory_space<vmem>>, vector<16xf32>,
    %swap3A_32 = vector.shape_cast %swap3A_31 : vector<16xf32> to vector<16xf32>
    %swap3A_33 = vector.shape_cast %broadcast_in_dim3A_0 : vector<16xf32> to vector<16xf32>
    tpu.vector_store %arg8[%swap3A_30], %swap3A_33 {strides = array<i32>} : memref<128xf32, #tpu.memory_space<vmem>>, vector<16xf32>,
    %swap3A_34 = arith.constant 64 : index
    %swap3A_35 = tpu.vector_load %arg7[%swap3A_34] {strides = array<i32>} : memref<128xf32, #tpu.memory_space<vmem>>, vector<16xf32>,
    %swap3A_36 = vector.shape_cast %swap3A_35 : vector<16xf32> to vector<16xf32>
    %swap3A_37 = vector.shape_cast %broadcast_in_dim3A_2 : vector<16xf32> to vector<16xf32>
    tpu.vector_store %arg7[%swap3A_34], %swap3A_37 {strides = array<i32>} : memref<128xf32, #tpu.memory_space<vmem>>, vector<16xf32>,
    %swap3A_38 = arith.constant 64 : index
    %swap3A_39 = tpu.vector_load %arg8[%swap3A_38] {strides = array<i32>} : memref<128xf32, #tpu.memory_space<vmem>>, vector<16xf32>,
    %swap3A_40 = vector.shape_cast %swap3A_39 : vector<16xf32> to vector<16xf32>
    %swap3A_41 = vector.shape_cast %broadcast_in_dim3A_0 : vector<16xf32> to vector<16xf32>
    tpu.vector_store %arg8[%swap3A_38], %swap3A_41 {strides = array<i32>} : memref<128xf32, #tpu.memory_space<vmem>>, vector<16xf32>,
    %swap3A_42 = arith.constant 80 : index
    %swap3A_43 = tpu.vector_load %arg7[%swap3A_42] {strides = array<i32>} : memref<128xf32, #tpu.memory_space<vmem>>, vector<16xf32>,
    %swap3A_44 = vector.shape_cast %swap3A_43 : vector<16xf32> to vector<16xf32>
    %swap3A_45 = vector.shape_cast %broadcast_in_dim3A_2 : vector<16xf32> to vector<16xf32>
    tpu.vector_store %arg7[%swap3A_42], %swap3A_45 {strides = array<i32>} : memref<128xf32, #tpu.memory_space<vmem>>, vector<16xf32>,
    %swap3A_46 = arith.constant 80 : index
    %swap3A_47 = tpu.vector_load %arg8[%swap3A_46] {strides = array<i32>} : memref<128xf32, #tpu.memory_space<vmem>>, vector<16xf32>,
    %swap3A_48 = vector.shape_cast %swap3A_47 : vector<16xf32> to vector<16xf32>
    %swap3A_49 = vector.shape_cast %broadcast_in_dim3A_0 : vector<16xf32> to vector<16xf32>
    tpu.vector_store %arg8[%swap3A_46], %swap3A_49 {strides = array<i32>} : memref<128xf32, #tpu.memory_space<vmem>>, vector<16xf32>,
    %swap3A_50 = arith.constant 96 : index
    %swap3A_51 = tpu.vector_load %arg7[%swap3A_50] {strides = array<i32>} : memref<128xf32, #tpu.memory_space<vmem>>, vector<16xf32>,
    %swap3A_52 = vector.shape_cast %swap3A_51 : vector<16xf32> to vector<16xf32>
    %swap3A_53 = vector.shape_cast %broadcast_in_dim3A_2 : vector<16xf32> to vector<16xf32>
    tpu.vector_store %arg7[%swap3A_50], %swap3A_53 {strides = array<i32>} : memref<128xf32, #tpu.memory_space<vmem>>, vector<16xf32>,
    %swap3A_54 = arith.constant 96 : index
    %swap3A_55 = tpu.vector_load %arg8[%swap3A_54] {strides = array<i32>} : memref<128xf32, #tpu.memory_space<vmem>>, vector<16xf32>,
    %swap3A_56 = vector.shape_cast %swap3A_55 : vector<16xf32> to vector<16xf32>
    %swap3A_57 = vector.shape_cast %broadcast_in_dim3A_0 : vector<16xf32> to vector<16xf32>
    tpu.vector_store %arg8[%swap3A_54], %swap3A_57 {strides = array<i32>} : memref<128xf32, #tpu.memory_space<vmem>>, vector<16xf32>,
    %swap3A_58 = arith.constant 112 : index
    %swap3A_59 = tpu.vector_load %arg7[%swap3A_58] {strides = array<i32>} : memref<128xf32, #tpu.memory_space<vmem>>, vector<16xf32>,
    %swap3A_60 = vector.shape_cast %swap3A_59 : vector<16xf32> to vector<16xf32>
    %swap3A_61 = vector.shape_cast %broadcast_in_dim3A_2 : vector<16xf32> to vector<16xf32>
    tpu.vector_store %arg7[%swap3A_58], %swap3A_61 {strides = array<i32>} : memref<128xf32, #tpu.memory_space<vmem>>, vector<16xf32>,
    %swap3A_62 = arith.constant 112 : index
    %swap3A_63 = tpu.vector_load %arg8[%swap3A_62] {strides = array<i32>} : memref<128xf32, #tpu.memory_space<vmem>>, vector<16xf32>,
    %swap3A_64 = vector.shape_cast %swap3A_63 : vector<16xf32> to vector<16xf32>
    %swap3A_65 = vector.shape_cast %broadcast_in_dim3A_0 : vector<16xf32> to vector<16xf32>
    tpu.vector_store %arg8[%swap3A_62], %swap3A_65 {strides = array<i32>} : memref<128xf32, #tpu.memory_space<vmem>>, vector<16xf32>,
    %mul3A = arith.constant 640 : i32
    %mul3A_66 = arith.muli %arg1, %mul3A : i32
    %add3A = arith.constant 0 : i32
    %add3A_67 = arith.addi %mul3A_66, %add3A : i32
    "tpu.region"() ({
      %run_scoped3A = tpu.sem_alloc : memref<!tpu.dma_semaphore, #tpu.memory_space<semaphore_mem>>
      %dma_start3A_173 = tpu.memref_slice %arg10[%add3A_67] : memref<10240xf32, #tpu.memory_space<vmem_shared>> -> memref<128xf32, #tpu.memory_space<vmem_shared>>
      %dma_start3A_174 = tpu.memref_slice %arg10[%add3A_67] : memref<10240xf32, #tpu.memory_space<vmem_shared>> -> memref<128xf32, #tpu.memory_space<vmem_shared>>
      tpu.enqueue_dma source(%arg8 : memref<128xf32, #tpu.memory_space<vmem>>) target(%dma_start3A_174 : memref<128xf32, #tpu.memory_space<vmem_shared>>) target_semaphore(%run_scoped3A : memref<!tpu.dma_semaphore, #tpu.memory_space<semaphore_mem>>)
      %dma_wait3A = tpu.memref_slice %arg10[%add3A_67] : memref<10240xf32, #tpu.memory_space<vmem_shared>> -> memref<128xf32, #tpu.memory_space<vmem_shared>>
      %dma_wait3A_175 = tpu.memref_slice %arg10[%add3A_67] : memref<10240xf32, #tpu.memory_space<vmem_shared>> -> memref<128xf32, #tpu.memory_space<vmem_shared>>
      tpu.wait_dma2 semaphore(%run_scoped3A : memref<!tpu.dma_semaphore, #tpu.memory_space<semaphore_mem>>) src(%arg8 : memref<128xf32, #tpu.memory_space<vmem>>) dst(%dma_wait3A_175 : memref<128xf32, #tpu.memory_space<vmem_shared>>)
      tpu.yield
    }) : () -> ()
    %mul3A_68 = arith.constant 640 : i32
    %mul3A_69 = arith.muli %arg1, %mul3A_68 : i32
    %add3A_70 = arith.constant 0 : i32
    %add3A_71 = arith.addi %mul3A_69, %add3A_70 : i32
    "tpu.region"() ({
      %run_scoped3A = tpu.sem_alloc : memref<!tpu.dma_semaphore, #tpu.memory_space<semaphore_mem>>
      %dma_start3A_173 = tpu.memref_slice %arg11[%add3A_71] : memref<10240xf32, #tpu.memory_space<vmem_shared>> -> memref<128xf32, #tpu.memory_space<vmem_shared>>
      %dma_start3A_174 = tpu.memref_slice %arg11[%add3A_71] : memref<10240xf32, #tpu.memory_space<vmem_shared>> -> memref<128xf32, #tpu.memory_space<vmem_shared>>
      tpu.enqueue_dma source(%arg8 : memref<128xf32, #tpu.memory_space<vmem>>) target(%dma_start3A_174 : memref<128xf32, #tpu.memory_space<vmem_shared>>) target_semaphore(%run_scoped3A : memref<!tpu.dma_semaphore, #tpu.memory_space<semaphore_mem>>)
      %dma_wait3A = tpu.memref_slice %arg11[%add3A_71] : memref<10240xf32, #tpu.memory_space<vmem_shared>> -> memref<128xf32, #tpu.memory_space<vmem_shared>>
      %dma_wait3A_175 = tpu.memref_slice %arg11[%add3A_71] : memref<10240xf32, #tpu.memory_space<vmem_shared>> -> memref<128xf32, #tpu.memory_space<vmem_shared>>
      tpu.wait_dma2 semaphore(%run_scoped3A : memref<!tpu.dma_semaphore, #tpu.memory_space<semaphore_mem>>) src(%arg8 : memref<128xf32, #tpu.memory_space<vmem>>) dst(%dma_wait3A_175 : memref<128xf32, #tpu.memory_space<vmem_shared>>)
      tpu.yield
    }) : () -> ()
    %mul3A_72 = arith.constant 640 : i32
    %mul3A_73 = arith.muli %arg1, %mul3A_72 : i32
    %add3A_74 = arith.constant 128 : i32
    %add3A_75 = arith.addi %mul3A_73, %add3A_74 : i32
    "tpu.region"() ({
      %run_scoped3A = tpu.sem_alloc : memref<!tpu.dma_semaphore, #tpu.memory_space<semaphore_mem>>
      %dma_start3A_173 = tpu.memref_slice %arg10[%add3A_75] : memref<10240xf32, #tpu.memory_space<vmem_shared>> -> memref<128xf32, #tpu.memory_space<vmem_shared>>
      %dma_start3A_174 = tpu.memref_slice %arg10[%add3A_75] : memref<10240xf32, #tpu.memory_space<vmem_shared>> -> memref<128xf32, #tpu.memory_space<vmem_shared>>
      tpu.enqueue_dma source(%arg8 : memref<128xf32, #tpu.memory_space<vmem>>) target(%dma_start3A_174 : memref<128xf32, #tpu.memory_space<vmem_shared>>) target_semaphore(%run_scoped3A : memref<!tpu.dma_semaphore, #tpu.memory_space<semaphore_mem>>)
      %dma_wait3A = tpu.memref_slice %arg10[%add3A_75] : memref<10240xf32, #tpu.memory_space<vmem_shared>> -> memref<128xf32, #tpu.memory_space<vmem_shared>>
      %dma_wait3A_175 = tpu.memref_slice %arg10[%add3A_75] : memref<10240xf32, #tpu.memory_space<vmem_shared>> -> memref<128xf32, #tpu.memory_space<vmem_shared>>
      tpu.wait_dma2 semaphore(%run_scoped3A : memref<!tpu.dma_semaphore, #tpu.memory_space<semaphore_mem>>) src(%arg8 : memref<128xf32, #tpu.memory_space<vmem>>) dst(%dma_wait3A_175 : memref<128xf32, #tpu.memory_space<vmem_shared>>)
      tpu.yield
    }) : () -> ()
    %mul3A_76 = arith.constant 640 : i32
    %mul3A_77 = arith.muli %arg1, %mul3A_76 : i32
    %add3A_78 = arith.constant 128 : i32
    %add3A_79 = arith.addi %mul3A_77, %add3A_78 : i32
    "tpu.region"() ({
      %run_scoped3A = tpu.sem_alloc : memref<!tpu.dma_semaphore, #tpu.memory_space<semaphore_mem>>
      %dma_start3A_173 = tpu.memref_slice %arg11[%add3A_79] : memref<10240xf32, #tpu.memory_space<vmem_shared>> -> memref<128xf32, #tpu.memory_space<vmem_shared>>
      %dma_start3A_174 = tpu.memref_slice %arg11[%add3A_79] : memref<10240xf32, #tpu.memory_space<vmem_shared>> -> memref<128xf32, #tpu.memory_space<vmem_shared>>
      tpu.enqueue_dma source(%arg8 : memref<128xf32, #tpu.memory_space<vmem>>) target(%dma_start3A_174 : memref<128xf32, #tpu.memory_space<vmem_shared>>) target_semaphore(%run_scoped3A : memref<!tpu.dma_semaphore, #tpu.memory_space<semaphore_mem>>)
      %dma_wait3A = tpu.memref_slice %arg11[%add3A_79] : memref<10240xf32, #tpu.memory_space<vmem_shared>> -> memref<128xf32, #tpu.memory_space<vmem_shared>>
      %dma_wait3A_175 = tpu.memref_slice %arg11[%add3A_79] : memref<10240xf32, #tpu.memory_space<vmem_shared>> -> memref<128xf32, #tpu.memory_space<vmem_shared>>
      tpu.wait_dma2 semaphore(%run_scoped3A : memref<!tpu.dma_semaphore, #tpu.memory_space<semaphore_mem>>) src(%arg8 : memref<128xf32, #tpu.memory_space<vmem>>) dst(%dma_wait3A_175 : memref<128xf32, #tpu.memory_space<vmem_shared>>)
      tpu.yield
    }) : () -> ()
    %mul3A_80 = arith.constant 640 : i32
    %mul3A_81 = arith.muli %arg1, %mul3A_80 : i32
    %add3A_82 = arith.constant 256 : i32
    %add3A_83 = arith.addi %mul3A_81, %add3A_82 : i32
    "tpu.region"() ({
      %run_scoped3A = tpu.sem_alloc : memref<!tpu.dma_semaphore, #tpu.memory_space<semaphore_mem>>
      %dma_start3A_173 = tpu.memref_slice %arg10[%add3A_83] : memref<10240xf32, #tpu.memory_space<vmem_shared>> -> memref<128xf32, #tpu.memory_space<vmem_shared>>
      %dma_start3A_174 = tpu.memref_slice %arg10[%add3A_83] : memref<10240xf32, #tpu.memory_space<vmem_shared>> -> memref<128xf32, #tpu.memory_space<vmem_shared>>
      tpu.enqueue_dma source(%arg8 : memref<128xf32, #tpu.memory_space<vmem>>) target(%dma_start3A_174 : memref<128xf32, #tpu.memory_space<vmem_shared>>) target_semaphore(%run_scoped3A : memref<!tpu.dma_semaphore, #tpu.memory_space<semaphore_mem>>)
      %dma_wait3A = tpu.memref_slice %arg10[%add3A_83] : memref<10240xf32, #tpu.memory_space<vmem_shared>> -> memref<128xf32, #tpu.memory_space<vmem_shared>>
      %dma_wait3A_175 = tpu.memref_slice %arg10[%add3A_83] : memref<10240xf32, #tpu.memory_space<vmem_shared>> -> memref<128xf32, #tpu.memory_space<vmem_shared>>
      tpu.wait_dma2 semaphore(%run_scoped3A : memref<!tpu.dma_semaphore, #tpu.memory_space<semaphore_mem>>) src(%arg8 : memref<128xf32, #tpu.memory_space<vmem>>) dst(%dma_wait3A_175 : memref<128xf32, #tpu.memory_space<vmem_shared>>)
      tpu.yield
    }) : () -> ()
    %mul3A_84 = arith.constant 640 : i32
    %mul3A_85 = arith.muli %arg1, %mul3A_84 : i32
    %add3A_86 = arith.constant 256 : i32
    %add3A_87 = arith.addi %mul3A_85, %add3A_86 : i32
    "tpu.region"() ({
      %run_scoped3A = tpu.sem_alloc : memref<!tpu.dma_semaphore, #tpu.memory_space<semaphore_mem>>
      %dma_start3A_173 = tpu.memref_slice %arg11[%add3A_87] : memref<10240xf32, #tpu.memory_space<vmem_shared>> -> memref<128xf32, #tpu.memory_space<vmem_shared>>
      %dma_start3A_174 = tpu.memref_slice %arg11[%add3A_87] : memref<10240xf32, #tpu.memory_space<vmem_shared>> -> memref<128xf32, #tpu.memory_space<vmem_shared>>
      tpu.enqueue_dma source(%arg8 : memref<128xf32, #tpu.memory_space<vmem>>) target(%dma_start3A_174 : memref<128xf32, #tpu.memory_space<vmem_shared>>) target_semaphore(%run_scoped3A : memref<!tpu.dma_semaphore, #tpu.memory_space<semaphore_mem>>)
      %dma_wait3A = tpu.memref_slice %arg11[%add3A_87] : memref<10240xf32, #tpu.memory_space<vmem_shared>> -> memref<128xf32, #tpu.memory_space<vmem_shared>>
      %dma_wait3A_175 = tpu.memref_slice %arg11[%add3A_87] : memref<10240xf32, #tpu.memory_space<vmem_shared>> -> memref<128xf32, #tpu.memory_space<vmem_shared>>
      tpu.wait_dma2 semaphore(%run_scoped3A : memref<!tpu.dma_semaphore, #tpu.memory_space<semaphore_mem>>) src(%arg8 : memref<128xf32, #tpu.memory_space<vmem>>) dst(%dma_wait3A_175 : memref<128xf32, #tpu.memory_space<vmem_shared>>)
      tpu.yield
    }) : () -> ()
    %mul3A_88 = arith.constant 640 : i32
    %mul3A_89 = arith.muli %arg1, %mul3A_88 : i32
    %add3A_90 = arith.constant 384 : i32
    %add3A_91 = arith.addi %mul3A_89, %add3A_90 : i32
    "tpu.region"() ({
      %run_scoped3A = tpu.sem_alloc : memref<!tpu.dma_semaphore, #tpu.memory_space<semaphore_mem>>
      %dma_start3A_173 = tpu.memref_slice %arg10[%add3A_91] : memref<10240xf32, #tpu.memory_space<vmem_shared>> -> memref<128xf32, #tpu.memory_space<vmem_shared>>
      %dma_start3A_174 = tpu.memref_slice %arg10[%add3A_91] : memref<10240xf32, #tpu.memory_space<vmem_shared>> -> memref<128xf32, #tpu.memory_space<vmem_shared>>
      tpu.enqueue_dma source(%arg8 : memref<128xf32, #tpu.memory_space<vmem>>) target(%dma_start3A_174 : memref<128xf32, #tpu.memory_space<vmem_shared>>) target_semaphore(%run_scoped3A : memref<!tpu.dma_semaphore, #tpu.memory_space<semaphore_mem>>)
      %dma_wait3A = tpu.memref_slice %arg10[%add3A_91] : memref<10240xf32, #tpu.memory_space<vmem_shared>> -> memref<128xf32, #tpu.memory_space<vmem_shared>>
      %dma_wait3A_175 = tpu.memref_slice %arg10[%add3A_91] : memref<10240xf32, #tpu.memory_space<vmem_shared>> -> memref<128xf32, #tpu.memory_space<vmem_shared>>
      tpu.wait_dma2 semaphore(%run_scoped3A : memref<!tpu.dma_semaphore, #tpu.memory_space<semaphore_mem>>) src(%arg8 : memref<128xf32, #tpu.memory_space<vmem>>) dst(%dma_wait3A_175 : memref<128xf32, #tpu.memory_space<vmem_shared>>)
      tpu.yield
    }) : () -> ()
    %mul3A_92 = arith.constant 640 : i32
    %mul3A_93 = arith.muli %arg1, %mul3A_92 : i32
    %add3A_94 = arith.constant 384 : i32
    %add3A_95 = arith.addi %mul3A_93, %add3A_94 : i32
    "tpu.region"() ({
      %run_scoped3A = tpu.sem_alloc : memref<!tpu.dma_semaphore, #tpu.memory_space<semaphore_mem>>
      %dma_start3A_173 = tpu.memref_slice %arg11[%add3A_95] : memref<10240xf32, #tpu.memory_space<vmem_shared>> -> memref<128xf32, #tpu.memory_space<vmem_shared>>
      %dma_start3A_174 = tpu.memref_slice %arg11[%add3A_95] : memref<10240xf32, #tpu.memory_space<vmem_shared>> -> memref<128xf32, #tpu.memory_space<vmem_shared>>
      tpu.enqueue_dma source(%arg8 : memref<128xf32, #tpu.memory_space<vmem>>) target(%dma_start3A_174 : memref<128xf32, #tpu.memory_space<vmem_shared>>) target_semaphore(%run_scoped3A : memref<!tpu.dma_semaphore, #tpu.memory_space<semaphore_mem>>)
      %dma_wait3A = tpu.memref_slice %arg11[%add3A_95] : memref<10240xf32, #tpu.memory_space<vmem_shared>> -> memref<128xf32, #tpu.memory_space<vmem_shared>>
      %dma_wait3A_175 = tpu.memref_slice %arg11[%add3A_95] : memref<10240xf32, #tpu.memory_space<vmem_shared>> -> memref<128xf32, #tpu.memory_space<vmem_shared>>
      tpu.wait_dma2 semaphore(%run_scoped3A : memref<!tpu.dma_semaphore, #tpu.memory_space<semaphore_mem>>) src(%arg8 : memref<128xf32, #tpu.memory_space<vmem>>) dst(%dma_wait3A_175 : memref<128xf32, #tpu.memory_space<vmem_shared>>)
      tpu.yield
    }) : () -> ()
    %mul3A_96 = arith.constant 640 : i32
    %mul3A_97 = arith.muli %arg1, %mul3A_96 : i32
    %add3A_98 = arith.constant 512 : i32
    %add3A_99 = arith.addi %mul3A_97, %add3A_98 : i32
    "tpu.region"() ({
      %run_scoped3A = tpu.sem_alloc : memref<!tpu.dma_semaphore, #tpu.memory_space<semaphore_mem>>
      %dma_start3A_173 = tpu.memref_slice %arg10[%add3A_99] : memref<10240xf32, #tpu.memory_space<vmem_shared>> -> memref<128xf32, #tpu.memory_space<vmem_shared>>
      %dma_start3A_174 = tpu.memref_slice %arg10[%add3A_99] : memref<10240xf32, #tpu.memory_space<vmem_shared>> -> memref<128xf32, #tpu.memory_space<vmem_shared>>
      tpu.enqueue_dma source(%arg8 : memref<128xf32, #tpu.memory_space<vmem>>) target(%dma_start3A_174 : memref<128xf32, #tpu.memory_space<vmem_shared>>) target_semaphore(%run_scoped3A : memref<!tpu.dma_semaphore, #tpu.memory_space<semaphore_mem>>)
      %dma_wait3A = tpu.memref_slice %arg10[%add3A_99] : memref<10240xf32, #tpu.memory_space<vmem_shared>> -> memref<128xf32, #tpu.memory_space<vmem_shared>>
      %dma_wait3A_175 = tpu.memref_slice %arg10[%add3A_99] : memref<10240xf32, #tpu.memory_space<vmem_shared>> -> memref<128xf32, #tpu.memory_space<vmem_shared>>
      tpu.wait_dma2 semaphore(%run_scoped3A : memref<!tpu.dma_semaphore, #tpu.memory_space<semaphore_mem>>) src(%arg8 : memref<128xf32, #tpu.memory_space<vmem>>) dst(%dma_wait3A_175 : memref<128xf32, #tpu.memory_space<vmem_shared>>)
      tpu.yield
    }) : () -> ()
    %mul3A_100 = arith.constant 640 : i32
    %mul3A_101 = arith.muli %arg1, %mul3A_100 : i32
    %add3A_102 = arith.constant 512 : i32
    %add3A_103 = arith.addi %mul3A_101, %add3A_102 : i32
    "tpu.region"() ({
      %run_scoped3A = tpu.sem_alloc : memref<!tpu.dma_semaphore, #tpu.memory_space<semaphore_mem>>
      %dma_start3A_173 = tpu.memref_slice %arg11[%add3A_103] : memref<10240xf32, #tpu.memory_space<vmem_shared>> -> memref<128xf32, #tpu.memory_space<vmem_shared>>
      %dma_start3A_174 = tpu.memref_slice %arg11[%add3A_103] : memref<10240xf32, #tpu.memory_space<vmem_shared>> -> memref<128xf32, #tpu.memory_space<vmem_shared>>
      tpu.enqueue_dma source(%arg8 : memref<128xf32, #tpu.memory_space<vmem>>) target(%dma_start3A_174 : memref<128xf32, #tpu.memory_space<vmem_shared>>) target_semaphore(%run_scoped3A : memref<!tpu.dma_semaphore, #tpu.memory_space<semaphore_mem>>)
      %dma_wait3A = tpu.memref_slice %arg11[%add3A_103] : memref<10240xf32, #tpu.memory_space<vmem_shared>> -> memref<128xf32, #tpu.memory_space<vmem_shared>>
      %dma_wait3A_175 = tpu.memref_slice %arg11[%add3A_103] : memref<10240xf32, #tpu.memory_space<vmem_shared>> -> memref<128xf32, #tpu.memory_space<vmem_shared>>
      tpu.wait_dma2 semaphore(%run_scoped3A : memref<!tpu.dma_semaphore, #tpu.memory_space<semaphore_mem>>) src(%arg8 : memref<128xf32, #tpu.memory_space<vmem>>) dst(%dma_wait3A_175 : memref<128xf32, #tpu.memory_space<vmem_shared>>)
      tpu.yield
    }) : () -> ()
    %eq3A = arith.constant 0 : i32
    %eq3A_104 = arith.cmpi eq, %arg0, %eq3A : i32
    %mul3A_105 = arith.constant 104 : i32
    %mul3A_106 = arith.muli %arg1, %mul3A_105 : i32
    %mul3A_107 = arith.constant 56 : i32
    %mul3A_108 = arith.muli %arg1, %mul3A_107 : i32
    %add3A_109 = arith.constant 1664 : i32
    %add3A_110 = arith.addi %add3A_109, %mul3A_108 : i32
    %select_n3A = arith.select %eq3A_104, %mul3A_106, %add3A_110 : i32
    %eq3A_111 = arith.constant 0 : i32
    %eq3A_112 = arith.cmpi eq, %arg0, %eq3A_111 : i32
    %jit3A = arith.constant 104 : i32
    %jit3A_113 = arith.constant 56 : i32
    %select_n3A_114 = arith.select %eq3A_112, %jit3A, %jit3A_113 : i32
    "tpu.region"() ({
      %run_scoped3A = tpu.sem_alloc : memref<!tpu.dma_semaphore, #tpu.memory_space<semaphore_mem>>
      %dma_start3A_173 = arith.constant 0 : i32
      %dma_start3A_174 = arith.constant 0 : i32
      %dma_start3A_175 = tpu.memref_slice %arg5[%dma_start3A_173, %dma_start3A_174] : memref<104x128xi32, #tpu.memory_space<vmem>> -> memref<56x128xi32, #tpu.memory_space<vmem>>
      %dma_start3A_176 = arith.constant 0 : i32
      %dma_start3A_177 = tpu.memref_slice %arg2[%select_n3A, %dma_start3A_176] : memref<2560x128xi32, #tpu.memory_space<hbm>> -> memref<56x128xi32, #tpu.memory_space<hbm>>
      %dma_start3A_178 = arith.constant 0 : i32
      %dma_start3A_179 = arith.constant 0 : i32
      %dma_start3A_180 = tpu.memref_slice %arg5[%dma_start3A_178, %dma_start3A_179] : memref<104x128xi32, #tpu.memory_space<vmem>> -> memref<56x128xi32, #tpu.memory_space<vmem>>
      %dma_start3A_181 = arith.constant 0 : i32
      %dma_start3A_182 = tpu.memref_slice %arg2[%select_n3A, %dma_start3A_181] : memref<2560x128xi32, #tpu.memory_space<hbm>> -> memref<56x128xi32, #tpu.memory_space<hbm>>
      tpu.enqueue_dma source(%dma_start3A_182 : memref<56x128xi32, #tpu.memory_space<hbm>>) target(%dma_start3A_180 : memref<56x128xi32, #tpu.memory_space<vmem>>) target_semaphore(%run_scoped3A : memref<!tpu.dma_semaphore, #tpu.memory_space<semaphore_mem>>)
      %dma_wait3A = arith.constant 0 : i32
      %dma_wait3A_183 = arith.constant 0 : i32
      %dma_wait3A_184 = tpu.memref_slice %arg5[%dma_wait3A, %dma_wait3A_183] : memref<104x128xi32, #tpu.memory_space<vmem>> -> memref<56x128xi32, #tpu.memory_space<vmem>>
      %dma_wait3A_185 = arith.constant 0 : i32
      %dma_wait3A_186 = tpu.memref_slice %arg2[%select_n3A, %dma_wait3A_185] : memref<2560x128xi32, #tpu.memory_space<hbm>> -> memref<56x128xi32, #tpu.memory_space<hbm>>
      %dma_wait3A_187 = arith.constant 0 : i32
      %dma_wait3A_188 = arith.constant 0 : i32
      %dma_wait3A_189 = tpu.memref_slice %arg5[%dma_wait3A_187, %dma_wait3A_188] : memref<104x128xi32, #tpu.memory_space<vmem>> -> memref<56x128xi32, #tpu.memory_space<vmem>>
      %dma_wait3A_190 = arith.constant 0 : i32
      %dma_wait3A_191 = tpu.memref_slice %arg2[%select_n3A, %dma_wait3A_190] : memref<2560x128xi32, #tpu.memory_space<hbm>> -> memref<56x128xi32, #tpu.memory_space<hbm>>
      tpu.wait_dma2 semaphore(%run_scoped3A : memref<!tpu.dma_semaphore, #tpu.memory_space<semaphore_mem>>) src(%dma_wait3A_191 : memref<56x128xi32, #tpu.memory_space<hbm>>) dst(%dma_wait3A_189 : memref<56x128xi32, #tpu.memory_space<vmem>>)
      tpu.yield
    }) : () -> ()
    "tpu.region"() ({
      %run_scoped3A = tpu.sem_alloc : memref<!tpu.dma_semaphore, #tpu.memory_space<semaphore_mem>>
      %dma_start3A_173 = arith.constant 0 : i32
      %dma_start3A_174 = arith.constant 0 : i32
      %dma_start3A_175 = tpu.memref_slice %arg6[%dma_start3A_173, %dma_start3A_174] : memref<104x128xi32, #tpu.memory_space<vmem>> -> memref<56x128xi32, #tpu.memory_space<vmem>>
      %dma_start3A_176 = arith.constant 0 : i32
      %dma_start3A_177 = tpu.memref_slice %arg3[%select_n3A, %dma_start3A_176] : memref<2560x128xi32, #tpu.memory_space<hbm>> -> memref<56x128xi32, #tpu.memory_space<hbm>>
      %dma_start3A_178 = arith.constant 0 : i32
      %dma_start3A_179 = arith.constant 0 : i32
      %dma_start3A_180 = tpu.memref_slice %arg6[%dma_start3A_178, %dma_start3A_179] : memref<104x128xi32, #tpu.memory_space<vmem>> -> memref<56x128xi32, #tpu.memory_space<vmem>>
      %dma_start3A_181 = arith.constant 0 : i32
      %dma_start3A_182 = tpu.memref_slice %arg3[%select_n3A, %dma_start3A_181] : memref<2560x128xi32, #tpu.memory_space<hbm>> -> memref<56x128xi32, #tpu.memory_space<hbm>>
      tpu.enqueue_dma source(%dma_start3A_182 : memref<56x128xi32, #tpu.memory_space<hbm>>) target(%dma_start3A_180 : memref<56x128xi32, #tpu.memory_space<vmem>>) target_semaphore(%run_scoped3A : memref<!tpu.dma_semaphore, #tpu.memory_space<semaphore_mem>>)
      %dma_wait3A = arith.constant 0 : i32
      %dma_wait3A_183 = arith.constant 0 : i32
      %dma_wait3A_184 = tpu.memref_slice %arg6[%dma_wait3A, %dma_wait3A_183] : memref<104x128xi32, #tpu.memory_space<vmem>> -> memref<56x128xi32, #tpu.memory_space<vmem>>
      %dma_wait3A_185 = arith.constant 0 : i32
      %dma_wait3A_186 = tpu.memref_slice %arg3[%select_n3A, %dma_wait3A_185] : memref<2560x128xi32, #tpu.memory_space<hbm>> -> memref<56x128xi32, #tpu.memory_space<hbm>>
      %dma_wait3A_187 = arith.constant 0 : i32
      %dma_wait3A_188 = arith.constant 0 : i32
      %dma_wait3A_189 = tpu.memref_slice %arg6[%dma_wait3A_187, %dma_wait3A_188] : memref<104x128xi32, #tpu.memory_space<vmem>> -> memref<56x128xi32, #tpu.memory_space<vmem>>
      %dma_wait3A_190 = arith.constant 0 : i32
      %dma_wait3A_191 = tpu.memref_slice %arg3[%select_n3A, %dma_wait3A_190] : memref<2560x128xi32, #tpu.memory_space<hbm>> -> memref<56x128xi32, #tpu.memory_space<hbm>>
      tpu.wait_dma2 semaphore(%run_scoped3A : memref<!tpu.dma_semaphore, #tpu.memory_space<semaphore_mem>>) src(%dma_wait3A_191 : memref<56x128xi32, #tpu.memory_space<hbm>>) dst(%dma_wait3A_189 : memref<56x128xi32, #tpu.memory_space<vmem>>)
      tpu.yield
    }) : () -> ()
    %eq3A_115 = arith.constant 0 : i32
    %eq3A_116 = arith.cmpi eq, %arg0, %eq3A_115 : i32
    %convert_element_type3A = arith.extui %eq3A_116 : i1 to i32
    %cond3A = arith.constant 0 : i32
    %cond3A_117 = arith.cmpi ne, %convert_element_type3A, %cond3A : i32
    scf.if %cond3A_117 {
      %add3A_173 = arith.constant 56 : i32
      %add3A_174 = arith.addi %select_n3A, %add3A_173 : i32
      "tpu.region"() ({
        %run_scoped3A = tpu.sem_alloc : memref<!tpu.dma_semaphore, #tpu.memory_space<semaphore_mem>>
        %dma_start3A_177 = arith.constant 56 : i32
        %dma_start3A_178 = arith.constant 0 : i32
        %dma_start3A_179 = tpu.memref_slice %arg5[%dma_start3A_177, %dma_start3A_178] : memref<104x128xi32, #tpu.memory_space<vmem>> -> memref<48x128xi32, #tpu.memory_space<vmem>>
        %dma_start3A_180 = arith.constant 0 : i32
        %dma_start3A_181 = tpu.memref_slice %arg2[%add3A_174, %dma_start3A_180] : memref<2560x128xi32, #tpu.memory_space<hbm>> -> memref<48x128xi32, #tpu.memory_space<hbm>>
        %dma_start3A_182 = arith.constant 56 : i32
        %dma_start3A_183 = arith.constant 0 : i32
        %dma_start3A_184 = tpu.memref_slice %arg5[%dma_start3A_182, %dma_start3A_183] : memref<104x128xi32, #tpu.memory_space<vmem>> -> memref<48x128xi32, #tpu.memory_space<vmem>>
        %dma_start3A_185 = arith.constant 0 : i32
        %dma_start3A_186 = tpu.memref_slice %arg2[%add3A_174, %dma_start3A_185] : memref<2560x128xi32, #tpu.memory_space<hbm>> -> memref<48x128xi32, #tpu.memory_space<hbm>>
        tpu.enqueue_dma source(%dma_start3A_186 : memref<48x128xi32, #tpu.memory_space<hbm>>) target(%dma_start3A_184 : memref<48x128xi32, #tpu.memory_space<vmem>>) target_semaphore(%run_scoped3A : memref<!tpu.dma_semaphore, #tpu.memory_space<semaphore_mem>>)
        %dma_wait3A = arith.constant 56 : i32
        %dma_wait3A_187 = arith.constant 0 : i32
        %dma_wait3A_188 = tpu.memref_slice %arg5[%dma_wait3A, %dma_wait3A_187] : memref<104x128xi32, #tpu.memory_space<vmem>> -> memref<48x128xi32, #tpu.memory_space<vmem>>
        %dma_wait3A_189 = arith.constant 0 : i32
        %dma_wait3A_190 = tpu.memref_slice %arg2[%add3A_174, %dma_wait3A_189] : memref<2560x128xi32, #tpu.memory_space<hbm>> -> memref<48x128xi32, #tpu.memory_space<hbm>>
        %dma_wait3A_191 = arith.constant 56 : i32
        %dma_wait3A_192 = arith.constant 0 : i32
        %dma_wait3A_193 = tpu.memref_slice %arg5[%dma_wait3A_191, %dma_wait3A_192] : memref<104x128xi32, #tpu.memory_space<vmem>> -> memref<48x128xi32, #tpu.memory_space<vmem>>
        %dma_wait3A_194 = arith.constant 0 : i32
        %dma_wait3A_195 = tpu.memref_slice %arg2[%add3A_174, %dma_wait3A_194] : memref<2560x128xi32, #tpu.memory_space<hbm>> -> memref<48x128xi32, #tpu.memory_space<hbm>>
        tpu.wait_dma2 semaphore(%run_scoped3A : memref<!tpu.dma_semaphore, #tpu.memory_space<semaphore_mem>>) src(%dma_wait3A_195 : memref<48x128xi32, #tpu.memory_space<hbm>>) dst(%dma_wait3A_193 : memref<48x128xi32, #tpu.memory_space<vmem>>)
        tpu.yield
      }) : () -> ()
      %add3A_175 = arith.constant 56 : i32
      %add3A_176 = arith.addi %select_n3A, %add3A_175 : i32
      "tpu.region"() ({
        %run_scoped3A = tpu.sem_alloc : memref<!tpu.dma_semaphore, #tpu.memory_space<semaphore_mem>>
        %dma_start3A_177 = arith.constant 56 : i32
        %dma_start3A_178 = arith.constant 0 : i32
        %dma_start3A_179 = tpu.memref_slice %arg6[%dma_start3A_177, %dma_start3A_178] : memref<104x128xi32, #tpu.memory_space<vmem>> -> memref<48x128xi32, #tpu.memory_space<vmem>>
        %dma_start3A_180 = arith.constant 0 : i32
        %dma_start3A_181 = tpu.memref_slice %arg3[%add3A_176, %dma_start3A_180] : memref<2560x128xi32, #tpu.memory_space<hbm>> -> memref<48x128xi32, #tpu.memory_space<hbm>>
        %dma_start3A_182 = arith.constant 56 : i32
        %dma_start3A_183 = arith.constant 0 : i32
        %dma_start3A_184 = tpu.memref_slice %arg6[%dma_start3A_182, %dma_start3A_183] : memref<104x128xi32, #tpu.memory_space<vmem>> -> memref<48x128xi32, #tpu.memory_space<vmem>>
        %dma_start3A_185 = arith.constant 0 : i32
        %dma_start3A_186 = tpu.memref_slice %arg3[%add3A_176, %dma_start3A_185] : memref<2560x128xi32, #tpu.memory_space<hbm>> -> memref<48x128xi32, #tpu.memory_space<hbm>>
        tpu.enqueue_dma source(%dma_start3A_186 : memref<48x128xi32, #tpu.memory_space<hbm>>) target(%dma_start3A_184 : memref<48x128xi32, #tpu.memory_space<vmem>>) target_semaphore(%run_scoped3A : memref<!tpu.dma_semaphore, #tpu.memory_space<semaphore_mem>>)
        %dma_wait3A = arith.constant 56 : i32
        %dma_wait3A_187 = arith.constant 0 : i32
        %dma_wait3A_188 = tpu.memref_slice %arg6[%dma_wait3A, %dma_wait3A_187] : memref<104x128xi32, #tpu.memory_space<vmem>> -> memref<48x128xi32, #tpu.memory_space<vmem>>
        %dma_wait3A_189 = arith.constant 0 : i32
        %dma_wait3A_190 = tpu.memref_slice %arg3[%add3A_176, %dma_wait3A_189] : memref<2560x128xi32, #tpu.memory_space<hbm>> -> memref<48x128xi32, #tpu.memory_space<hbm>>
        %dma_wait3A_191 = arith.constant 56 : i32
        %dma_wait3A_192 = arith.constant 0 : i32
        %dma_wait3A_193 = tpu.memref_slice %arg6[%dma_wait3A_191, %dma_wait3A_192] : memref<104x128xi32, #tpu.memory_space<vmem>> -> memref<48x128xi32, #tpu.memory_space<vmem>>
        %dma_wait3A_194 = arith.constant 0 : i32
        %dma_wait3A_195 = tpu.memref_slice %arg3[%add3A_176, %dma_wait3A_194] : memref<2560x128xi32, #tpu.memory_space<hbm>> -> memref<48x128xi32, #tpu.memory_space<hbm>>
        tpu.wait_dma2 semaphore(%run_scoped3A : memref<!tpu.dma_semaphore, #tpu.memory_space<semaphore_mem>>) src(%dma_wait3A_195 : memref<48x128xi32, #tpu.memory_space<hbm>>) dst(%dma_wait3A_193 : memref<48x128xi32, #tpu.memory_space<vmem>>)
        tpu.yield
      }) : () -> ()
    } else {
    }
    %barrier3A = arith.constant 0 : index
    tpu.barrier barrier_id(%barrier3A)
    %dma_start3A = arith.constant 0 : i32
    %dma_start3A_118 = arith.constant 0 : i32
    %dma_start3A_119 = tpu.memref_slice %arg5[%dma_start3A, %dma_start3A_118] : memref<104x128xi32, #tpu.memory_space<vmem>> -> memref<1x128xi32, #tpu.memory_space<vmem>>
    %dma_start3A_120 = tpu.memref_squeeze %dma_start3A_119 : memref<1x128xi32, #tpu.memory_space<vmem>> -> memref<128xi32, #tpu.memory_space<vmem>>
    %dma_start3A_121 = arith.constant 0 : i32
    %dma_start3A_122 = tpu.memref_slice %arg10[%dma_start3A_121] : memref<10240xf32, #tpu.memory_space<vmem_shared>> -> memref<10240xf32, #tpu.memory_space<vmem_shared>>
    tpu.enqueue_indirect_dma source(%arg7 : memref<128xf32, #tpu.memory_space<vmem>>) target(%dma_start3A_122 : memref<10240xf32, #tpu.memory_space<vmem_shared>>) offsets(%dma_start3A_120 : memref<128xi32, #tpu.memory_space<vmem>>) semaphore(%arg9 : memref<!tpu.dma_semaphore, #tpu.memory_space<semaphore_mem>>) {add = true}
    %dma_start3A_123 = arith.constant 0 : i32
    %dma_start3A_124 = arith.constant 0 : i32
    %dma_start3A_125 = tpu.memref_slice %arg6[%dma_start3A_123, %dma_start3A_124] : memref<104x128xi32, #tpu.memory_space<vmem>> -> memref<1x128xi32, #tpu.memory_space<vmem>>
    %dma_start3A_126 = tpu.memref_squeeze %dma_start3A_125 : memref<1x128xi32, #tpu.memory_space<vmem>> -> memref<128xi32, #tpu.memory_space<vmem>>
    %dma_start3A_127 = arith.constant 0 : i32
    %dma_start3A_128 = tpu.memref_slice %arg11[%dma_start3A_127] : memref<10240xf32, #tpu.memory_space<vmem_shared>> -> memref<10240xf32, #tpu.memory_space<vmem_shared>>
    tpu.enqueue_indirect_dma source(%arg7 : memref<128xf32, #tpu.memory_space<vmem>>) target(%dma_start3A_128 : memref<10240xf32, #tpu.memory_space<vmem_shared>>) offsets(%dma_start3A_126 : memref<128xi32, #tpu.memory_space<vmem>>) semaphore(%arg9 : memref<!tpu.dma_semaphore, #tpu.memory_space<semaphore_mem>>) {add = true}
    %dma_start3A_129 = arith.constant 1 : i32
    %dma_start3A_130 = arith.constant 0 : i32
    %dma_start3A_131 = tpu.memref_slice %arg5[%dma_start3A_129, %dma_start3A_130] : memref<104x128xi32, #tpu.memory_space<vmem>> -> memref<1x128xi32, #tpu.memory_space<vmem>>
    %dma_start3A_132 = tpu.memref_squeeze %dma_start3A_131 : memref<1x128xi32, #tpu.memory_space<vmem>> -> memref<128xi32, #tpu.memory_space<vmem>>
    %dma_start3A_133 = arith.constant 0 : i32
    %dma_start3A_134 = tpu.memref_slice %arg10[%dma_start3A_133] : memref<10240xf32, #tpu.memory_space<vmem_shared>> -> memref<10240xf32, #tpu.memory_space<vmem_shared>>
    tpu.enqueue_indirect_dma source(%arg7 : memref<128xf32, #tpu.memory_space<vmem>>) target(%dma_start3A_134 : memref<10240xf32, #tpu.memory_space<vmem_shared>>) offsets(%dma_start3A_132 : memref<128xi32, #tpu.memory_space<vmem>>) semaphore(%arg9 : memref<!tpu.dma_semaphore, #tpu.memory_space<semaphore_mem>>) {add = true}
    %dma_start3A_135 = arith.constant 1 : i32
    %dma_start3A_136 = arith.constant 0 : i32
    %dma_start3A_137 = tpu.memref_slice %arg6[%dma_start3A_135, %dma_start3A_136] : memref<104x128xi32, #tpu.memory_space<vmem>> -> memref<1x128xi32, #tpu.memory_space<vmem>>
    %dma_start3A_138 = tpu.memref_squeeze %dma_start3A_137 : memref<1x128xi32, #tpu.memory_space<vmem>> -> memref<128xi32, #tpu.memory_space<vmem>>
    %dma_start3A_139 = arith.constant 0 : i32
    %dma_start3A_140 = tpu.memref_slice %arg11[%dma_start3A_139] : memref<10240xf32, #tpu.memory_space<vmem_shared>> -> memref<10240xf32, #tpu.memory_space<vmem_shared>>
    tpu.enqueue_indirect_dma source(%arg7 : memref<128xf32, #tpu.memory_space<vmem>>) target(%dma_start3A_140 : memref<10240xf32, #tpu.memory_space<vmem_shared>>) offsets(%dma_start3A_138 : memref<128xi32, #tpu.memory_space<vmem>>) semaphore(%arg9 : memref<!tpu.dma_semaphore, #tpu.memory_space<semaphore_mem>>) {add = true}
    %while3A = arith.constant 0 : i32
    %while3A_141 = arith.constant 0 : i32
    %while3A_142 = arith.subi %select_n3A_114, %while3A_141 : i32
    %while3A_143 = arith.addi %while3A_141, %while3A_142 : i32
    %while3A_144 = arith.constant 1 : i32
    %while3A_145 = arith.divsi %while3A_142, %while3A_144 : i32
    %while3A_146 = arith.muli %while3A_145, %while3A_144 : i32
    %while3A_147 = arith.addi %while3A_141, %while3A_146 : i32
    %while3A_148 = arith.constant 1 : i32
    scf.for %while3A_173 = %while3A_141 to %while3A_147 step %while3A_148  : i32 {
      %dma_wait3A = arith.constant 0 : i32
      %dma_wait3A_174 = tpu.memref_slice %arg4[%dma_wait3A] : memref<40960xf32, #tpu.memory_space<hbm>> -> memref<128xf32, #tpu.memory_space<hbm>>
      %dma_wait3A_175 = arith.constant 0 : i32
      %dma_wait3A_176 = tpu.memref_slice %arg4[%dma_wait3A_175] : memref<40960xf32, #tpu.memory_space<hbm>> -> memref<128xf32, #tpu.memory_space<hbm>>
      tpu.wait_dma2 semaphore(%arg9 : memref<!tpu.dma_semaphore, #tpu.memory_space<semaphore_mem>>) src(%dma_wait3A_176 : memref<128xf32, #tpu.memory_space<hbm>>) dst(%arg7 : memref<128xf32, #tpu.memory_space<vmem>>)
      %dma_wait3A_177 = arith.constant 0 : i32
      %dma_wait3A_178 = tpu.memref_slice %arg4[%dma_wait3A_177] : memref<40960xf32, #tpu.memory_space<hbm>> -> memref<128xf32, #tpu.memory_space<hbm>>
      %dma_wait3A_179 = arith.constant 0 : i32
      %dma_wait3A_180 = tpu.memref_slice %arg4[%dma_wait3A_179] : memref<40960xf32, #tpu.memory_space<hbm>> -> memref<128xf32, #tpu.memory_space<hbm>>
      tpu.wait_dma2 semaphore(%arg9 : memref<!tpu.dma_semaphore, #tpu.memory_space<semaphore_mem>>) src(%dma_wait3A_180 : memref<128xf32, #tpu.memory_space<hbm>>) dst(%arg7 : memref<128xf32, #tpu.memory_space<vmem>>)
      %add3A_181 = arith.constant 2 : i32
      %add3A_182 = arith.addi %while3A_173, %add3A_181 : i32
      %lt3A = arith.cmpi slt, %add3A_182, %select_n3A_114 : i32
      %convert_element_type3A_183 = arith.extui %lt3A : i1 to i32
      %cond3A_184 = arith.constant 0 : i32
      %cond3A_185 = arith.cmpi ne, %convert_element_type3A_183, %cond3A_184 : i32
      scf.if %cond3A_185 {
        %add3A_186 = arith.constant 2 : i32
        %add3A_187 = arith.addi %while3A_173, %add3A_186 : i32
        %dma_start3A_188 = arith.constant 0 : i32
        %dma_start3A_189 = tpu.memref_slice %arg5[%add3A_187, %dma_start3A_188] : memref<104x128xi32, #tpu.memory_space<vmem>> -> memref<1x128xi32, #tpu.memory_space<vmem>>
        %dma_start3A_190 = tpu.memref_squeeze %dma_start3A_189 : memref<1x128xi32, #tpu.memory_space<vmem>> -> memref<128xi32, #tpu.memory_space<vmem>>
        %dma_start3A_191 = arith.constant 0 : i32
        %dma_start3A_192 = tpu.memref_slice %arg10[%dma_start3A_191] : memref<10240xf32, #tpu.memory_space<vmem_shared>> -> memref<10240xf32, #tpu.memory_space<vmem_shared>>
        tpu.enqueue_indirect_dma source(%arg7 : memref<128xf32, #tpu.memory_space<vmem>>) target(%dma_start3A_192 : memref<10240xf32, #tpu.memory_space<vmem_shared>>) offsets(%dma_start3A_190 : memref<128xi32, #tpu.memory_space<vmem>>) semaphore(%arg9 : memref<!tpu.dma_semaphore, #tpu.memory_space<semaphore_mem>>) {add = true}
        %dma_start3A_193 = arith.constant 0 : i32
        %dma_start3A_194 = tpu.memref_slice %arg6[%add3A_187, %dma_start3A_193] : memref<104x128xi32, #tpu.memory_space<vmem>> -> memref<1x128xi32, #tpu.memory_space<vmem>>
        %dma_start3A_195 = tpu.memref_squeeze %dma_start3A_194 : memref<1x128xi32, #tpu.memory_space<vmem>> -> memref<128xi32, #tpu.memory_space<vmem>>
        %dma_start3A_196 = arith.constant 0 : i32
        %dma_start3A_197 = tpu.memref_slice %arg11[%dma_start3A_196] : memref<10240xf32, #tpu.memory_space<vmem_shared>> -> memref<10240xf32, #tpu.memory_space<vmem_shared>>
        tpu.enqueue_indirect_dma source(%arg7 : memref<128xf32, #tpu.memory_space<vmem>>) target(%dma_start3A_197 : memref<10240xf32, #tpu.memory_space<vmem_shared>>) offsets(%dma_start3A_195 : memref<128xi32, #tpu.memory_space<vmem>>) semaphore(%arg9 : memref<!tpu.dma_semaphore, #tpu.memory_space<semaphore_mem>>) {add = true}
      } else {
      }
    }
    %while3A_149 = arith.constant 1 : i32
    scf.for %while3A_173 = %while3A_147 to %while3A_143 step %while3A_149  : i32 {
      %dma_wait3A = arith.constant 0 : i32
      %dma_wait3A_174 = tpu.memref_slice %arg4[%dma_wait3A] : memref<40960xf32, #tpu.memory_space<hbm>> -> memref<128xf32, #tpu.memory_space<hbm>>
      %dma_wait3A_175 = arith.constant 0 : i32
      %dma_wait3A_176 = tpu.memref_slice %arg4[%dma_wait3A_175] : memref<40960xf32, #tpu.memory_space<hbm>> -> memref<128xf32, #tpu.memory_space<hbm>>
      tpu.wait_dma2 semaphore(%arg9 : memref<!tpu.dma_semaphore, #tpu.memory_space<semaphore_mem>>) src(%dma_wait3A_176 : memref<128xf32, #tpu.memory_space<hbm>>) dst(%arg7 : memref<128xf32, #tpu.memory_space<vmem>>)
      %dma_wait3A_177 = arith.constant 0 : i32
      %dma_wait3A_178 = tpu.memref_slice %arg4[%dma_wait3A_177] : memref<40960xf32, #tpu.memory_space<hbm>> -> memref<128xf32, #tpu.memory_space<hbm>>
      %dma_wait3A_179 = arith.constant 0 : i32
      %dma_wait3A_180 = tpu.memref_slice %arg4[%dma_wait3A_179] : memref<40960xf32, #tpu.memory_space<hbm>> -> memref<128xf32, #tpu.memory_space<hbm>>
      tpu.wait_dma2 semaphore(%arg9 : memref<!tpu.dma_semaphore, #tpu.memory_space<semaphore_mem>>) src(%dma_wait3A_180 : memref<128xf32, #tpu.memory_space<hbm>>) dst(%arg7 : memref<128xf32, #tpu.memory_space<vmem>>)
      %add3A_181 = arith.constant 2 : i32
      %add3A_182 = arith.addi %while3A_173, %add3A_181 : i32
      %lt3A = arith.cmpi slt, %add3A_182, %select_n3A_114 : i32
      %convert_element_type3A_183 = arith.extui %lt3A : i1 to i32
      %cond3A_184 = arith.constant 0 : i32
      %cond3A_185 = arith.cmpi ne, %convert_element_type3A_183, %cond3A_184 : i32
      scf.if %cond3A_185 {
        %add3A_186 = arith.constant 2 : i32
        %add3A_187 = arith.addi %while3A_173, %add3A_186 : i32
        %dma_start3A_188 = arith.constant 0 : i32
        %dma_start3A_189 = tpu.memref_slice %arg5[%add3A_187, %dma_start3A_188] : memref<104x128xi32, #tpu.memory_space<vmem>> -> memref<1x128xi32, #tpu.memory_space<vmem>>
        %dma_start3A_190 = tpu.memref_squeeze %dma_start3A_189 : memref<1x128xi32, #tpu.memory_space<vmem>> -> memref<128xi32, #tpu.memory_space<vmem>>
        %dma_start3A_191 = arith.constant 0 : i32
        %dma_start3A_192 = tpu.memref_slice %arg10[%dma_start3A_191] : memref<10240xf32, #tpu.memory_space<vmem_shared>> -> memref<10240xf32, #tpu.memory_space<vmem_shared>>
        tpu.enqueue_indirect_dma source(%arg7 : memref<128xf32, #tpu.memory_space<vmem>>) target(%dma_start3A_192 : memref<10240xf32, #tpu.memory_space<vmem_shared>>) offsets(%dma_start3A_190 : memref<128xi32, #tpu.memory_space<vmem>>) semaphore(%arg9 : memref<!tpu.dma_semaphore, #tpu.memory_space<semaphore_mem>>) {add = true}
        %dma_start3A_193 = arith.constant 0 : i32
        %dma_start3A_194 = tpu.memref_slice %arg6[%add3A_187, %dma_start3A_193] : memref<104x128xi32, #tpu.memory_space<vmem>> -> memref<1x128xi32, #tpu.memory_space<vmem>>
        %dma_start3A_195 = tpu.memref_squeeze %dma_start3A_194 : memref<1x128xi32, #tpu.memory_space<vmem>> -> memref<128xi32, #tpu.memory_space<vmem>>
        %dma_start3A_196 = arith.constant 0 : i32
        %dma_start3A_197 = tpu.memref_slice %arg11[%dma_start3A_196] : memref<10240xf32, #tpu.memory_space<vmem_shared>> -> memref<10240xf32, #tpu.memory_space<vmem_shared>>
        tpu.enqueue_indirect_dma source(%arg7 : memref<128xf32, #tpu.memory_space<vmem>>) target(%dma_start3A_197 : memref<10240xf32, #tpu.memory_space<vmem_shared>>) offsets(%dma_start3A_195 : memref<128xi32, #tpu.memory_space<vmem>>) semaphore(%arg9 : memref<!tpu.dma_semaphore, #tpu.memory_space<semaphore_mem>>) {add = true}
      } else {
      }
    }
    %barrier3A_150 = arith.constant 0 : index
    tpu.barrier barrier_id(%barrier3A_150)
    %mul3A_151 = arith.constant 640 : i32
    %mul3A_152 = arith.muli %arg1, %mul3A_151 : i32
    %mul3A_153 = arith.constant 2 : i32
    %mul3A_154 = arith.muli %arg0, %mul3A_153 : i32
    %add3A_155 = arith.constant 0 : i32
    %add3A_156 = arith.addi %mul3A_154, %add3A_155 : i32
    %mul3A_157 = arith.constant 10240 : i32
    %mul3A_158 = arith.muli %add3A_156, %mul3A_157 : i32
    %mul3A_159 = arith.constant 640 : i32
    %mul3A_160 = arith.muli %arg1, %mul3A_159 : i32
    %add3A_161 = arith.addi %mul3A_158, %mul3A_160 : i32
    "tpu.region"() ({
      %run_scoped3A = tpu.sem_alloc : memref<!tpu.dma_semaphore, #tpu.memory_space<semaphore_mem>>
      %dma_start3A_173 = tpu.memref_slice %arg4[%add3A_161] : memref<40960xf32, #tpu.memory_space<hbm>> -> memref<640xf32, #tpu.memory_space<hbm>>
      %dma_start3A_174 = tpu.memref_slice %arg10[%mul3A_152] : memref<10240xf32, #tpu.memory_space<vmem_shared>> -> memref<640xf32, #tpu.memory_space<vmem_shared>>
      tpu.enqueue_dma source(%dma_start3A_174 : memref<640xf32, #tpu.memory_space<vmem_shared>>) target(%dma_start3A_173 : memref<640xf32, #tpu.memory_space<hbm>>) target_semaphore(%run_scoped3A : memref<!tpu.dma_semaphore, #tpu.memory_space<semaphore_mem>>)
      %dma_wait3A = tpu.memref_slice %arg4[%add3A_161] : memref<40960xf32, #tpu.memory_space<hbm>> -> memref<640xf32, #tpu.memory_space<hbm>>
      %dma_wait3A_175 = tpu.memref_slice %arg10[%mul3A_152] : memref<10240xf32, #tpu.memory_space<vmem_shared>> -> memref<640xf32, #tpu.memory_space<vmem_shared>>
      tpu.wait_dma2 semaphore(%run_scoped3A : memref<!tpu.dma_semaphore, #tpu.memory_space<semaphore_mem>>) src(%dma_wait3A_175 : memref<640xf32, #tpu.memory_space<vmem_shared>>) dst(%dma_wait3A : memref<640xf32, #tpu.memory_space<hbm>>)
      tpu.yield
    }) : () -> ()
    %mul3A_162 = arith.constant 640 : i32
    %mul3A_163 = arith.muli %arg1, %mul3A_162 : i32
    %mul3A_164 = arith.constant 2 : i32
    %mul3A_165 = arith.muli %arg0, %mul3A_164 : i32
    %add3A_166 = arith.constant 1 : i32
    %add3A_167 = arith.addi %mul3A_165, %add3A_166 : i32
    %mul3A_168 = arith.constant 10240 : i32
    %mul3A_169 = arith.muli %add3A_167, %mul3A_168 : i32
    %mul3A_170 = arith.constant 640 : i32
    %mul3A_171 = arith.muli %arg1, %mul3A_170 : i32
    %add3A_172 = arith.addi %mul3A_169, %mul3A_171 : i32
    "tpu.region"() ({
      %run_scoped3A = tpu.sem_alloc : memref<!tpu.dma_semaphore, #tpu.memory_space<semaphore_mem>>
      %dma_start3A_173 = tpu.memref_slice %arg4[%add3A_172] : memref<40960xf32, #tpu.memory_space<hbm>> -> memref<640xf32, #tpu.memory_space<hbm>>
      %dma_start3A_174 = tpu.memref_slice %arg11[%mul3A_163] : memref<10240xf32, #tpu.memory_space<vmem_shared>> -> memref<640xf32, #tpu.memory_space<vmem_shared>>
      tpu.enqueue_dma source(%dma_start3A_174 : memref<640xf32, #tpu.memory_space<vmem_shared>>) target(%dma_start3A_173 : memref<640xf32, #tpu.memory_space<hbm>>) target_semaphore(%run_scoped3A : memref<!tpu.dma_semaphore, #tpu.memory_space<semaphore_mem>>)
      %dma_wait3A = tpu.memref_slice %arg4[%add3A_172] : memref<40960xf32, #tpu.memory_space<hbm>> -> memref<640xf32, #tpu.memory_space<hbm>>
      %dma_wait3A_175 = tpu.memref_slice %arg11[%mul3A_163] : memref<10240xf32, #tpu.memory_space<vmem_shared>> -> memref<640xf32, #tpu.memory_space<vmem_shared>>
      tpu.wait_dma2 semaphore(%run_scoped3A : memref<!tpu.dma_semaphore, #tpu.memory_space<semaphore_mem>>) src(%dma_wait3A_175 : memref<640xf32, #tpu.memory_space<vmem_shared>>) dst(%dma_wait3A : memref<640xf32, #tpu.memory_space<hbm>>)
      tpu.yield
    }) : () -> ()
    return
  }
}

#map = affine_map<(d0, d1) -> (0, 0)>
#map1 = affine_map<(d0, d1) -> (0)>
module attributes {stable_mosaic.version = 14 : i64} {
  func.func @_main_body(%arg0: i32, %arg1: i32, %arg2: memref<10240x128xf32, #tpu.memory_space<hbm>>, %arg3: memref<2560x128xi32, #tpu.memory_space<hbm>>, %arg4: memref<2560x128xi32, #tpu.memory_space<hbm>>, %arg5: memref<10240xf32, #tpu.memory_space<hbm>>, %arg6: memref<20480x128xf32, #tpu.memory_space<hbm>>, %arg7: memref<20480xf32, #tpu.memory_space<hbm>>, %arg8: memref<8x128xi32, #tpu.memory_space<vmem>>, %arg9: memref<8x128xi32, #tpu.memory_space<vmem>>, %arg10: memref<256x128xf32, #tpu.memory_space<vmem>>, %arg11: memref<8x128xf32, #tpu.memory_space<vmem>>, %arg12: memref<!tpu.dma_semaphore, #tpu.memory_space<semaphore_mem>>, %arg13: memref<!tpu.dma_semaphore, #tpu.memory_space<semaphore_mem>>, %arg14: memref<!tpu.dma_semaphore, #tpu.memory_space<semaphore_mem>>, %arg15: memref<!tpu.dma_semaphore, #tpu.memory_space<semaphore_mem>>, %arg16: memref<10240x128xf32, #tpu.memory_space<vmem_shared>>, %arg17: memref<10240xf32, #tpu.memory_space<vmem_shared>>) attributes {dimension_semantics = [#tpu.dimension_semantics<core_parallel>, #tpu.dimension_semantics<subcore_parallel>], iteration_bounds = array<i64: 2, 16>, scalar_prefetch = 0 : i64, scratch_operands = 10 : i64, tpu.core_type = #tpu.core_type<sc_vector_subcore>, window_params = [{transform_indices = #map}, {transform_indices = #map}, {transform_indices = #map}, {transform_indices = #map1}, {transform_indices = #map}, {transform_indices = #map1}]} {
    %mul3A = arith.constant 2 : i32
    %mul3A_0 = arith.muli %arg1, %mul3A : i32
    %add3A = arith.addi %mul3A_0, %arg0 : i32
    %broadcast_in_dim3A = arith.constant 0.000000e+00 : f32
    %broadcast_in_dim3A_1 = vector.broadcast %broadcast_in_dim3A : f32 to vector<16xf32>
    %scan3A = arith.constant 0 : i32
    %scan3A_2 = arith.constant 0 : i32
    %scan3A_3 = arith.constant 128 : i32
    %scan3A_4 = arith.addi %scan3A_2, %scan3A_3 : i32
    %scan3A_5 = arith.constant 1 : i32
    scf.for %scan3A_220 = %scan3A_2 to %scan3A_4 step %scan3A_5  : i32 {
      %swap3A_221 = arith.index_cast %scan3A_220 : i32 to index
      %swap3A_222 = arith.constant 0 : index
      %swap3A_223 = tpu.vector_load %arg10[%swap3A_221, %swap3A_222] {strides = array<i32>} : memref<256x128xf32, #tpu.memory_space<vmem>>, vector<1x16xf32>,
      %swap3A_224 = vector.shape_cast %swap3A_223 : vector<1x16xf32> to vector<16xf32>
      %swap3A_225 = vector.shape_cast %broadcast_in_dim3A_1 : vector<16xf32> to vector<1x16xf32>
      tpu.vector_store %arg10[%swap3A_221, %swap3A_222], %swap3A_225 {strides = array<i32>} : memref<256x128xf32, #tpu.memory_space<vmem>>, vector<1x16xf32>,
      %swap3A_226 = arith.index_cast %scan3A_220 : i32 to index
      %swap3A_227 = arith.constant 16 : index
      %swap3A_228 = tpu.vector_load %arg10[%swap3A_226, %swap3A_227] {strides = array<i32>} : memref<256x128xf32, #tpu.memory_space<vmem>>, vector<1x16xf32>,
      %swap3A_229 = vector.shape_cast %swap3A_228 : vector<1x16xf32> to vector<16xf32>
      %swap3A_230 = vector.shape_cast %broadcast_in_dim3A_1 : vector<16xf32> to vector<1x16xf32>
      tpu.vector_store %arg10[%swap3A_226, %swap3A_227], %swap3A_230 {strides = array<i32>} : memref<256x128xf32, #tpu.memory_space<vmem>>, vector<1x16xf32>,
      %swap3A_231 = arith.index_cast %scan3A_220 : i32 to index
      %swap3A_232 = arith.constant 32 : index
      %swap3A_233 = tpu.vector_load %arg10[%swap3A_231, %swap3A_232] {strides = array<i32>} : memref<256x128xf32, #tpu.memory_space<vmem>>, vector<1x16xf32>,
      %swap3A_234 = vector.shape_cast %swap3A_233 : vector<1x16xf32> to vector<16xf32>
      %swap3A_235 = vector.shape_cast %broadcast_in_dim3A_1 : vector<16xf32> to vector<1x16xf32>
      tpu.vector_store %arg10[%swap3A_231, %swap3A_232], %swap3A_235 {strides = array<i32>} : memref<256x128xf32, #tpu.memory_space<vmem>>, vector<1x16xf32>,
      %swap3A_236 = arith.index_cast %scan3A_220 : i32 to index
      %swap3A_237 = arith.constant 48 : index
      %swap3A_238 = tpu.vector_load %arg10[%swap3A_236, %swap3A_237] {strides = array<i32>} : memref<256x128xf32, #tpu.memory_space<vmem>>, vector<1x16xf32>,
      %swap3A_239 = vector.shape_cast %swap3A_238 : vector<1x16xf32> to vector<16xf32>
      %swap3A_240 = vector.shape_cast %broadcast_in_dim3A_1 : vector<16xf32> to vector<1x16xf32>
      tpu.vector_store %arg10[%swap3A_236, %swap3A_237], %swap3A_240 {strides = array<i32>} : memref<256x128xf32, #tpu.memory_space<vmem>>, vector<1x16xf32>,
      %swap3A_241 = arith.index_cast %scan3A_220 : i32 to index
      %swap3A_242 = arith.constant 64 : index
      %swap3A_243 = tpu.vector_load %arg10[%swap3A_241, %swap3A_242] {strides = array<i32>} : memref<256x128xf32, #tpu.memory_space<vmem>>, vector<1x16xf32>,
      %swap3A_244 = vector.shape_cast %swap3A_243 : vector<1x16xf32> to vector<16xf32>
      %swap3A_245 = vector.shape_cast %broadcast_in_dim3A_1 : vector<16xf32> to vector<1x16xf32>
      tpu.vector_store %arg10[%swap3A_241, %swap3A_242], %swap3A_245 {strides = array<i32>} : memref<256x128xf32, #tpu.memory_space<vmem>>, vector<1x16xf32>,
      %swap3A_246 = arith.index_cast %scan3A_220 : i32 to index
      %swap3A_247 = arith.constant 80 : index
      %swap3A_248 = tpu.vector_load %arg10[%swap3A_246, %swap3A_247] {strides = array<i32>} : memref<256x128xf32, #tpu.memory_space<vmem>>, vector<1x16xf32>,
      %swap3A_249 = vector.shape_cast %swap3A_248 : vector<1x16xf32> to vector<16xf32>
      %swap3A_250 = vector.shape_cast %broadcast_in_dim3A_1 : vector<16xf32> to vector<1x16xf32>
      tpu.vector_store %arg10[%swap3A_246, %swap3A_247], %swap3A_250 {strides = array<i32>} : memref<256x128xf32, #tpu.memory_space<vmem>>, vector<1x16xf32>,
      %swap3A_251 = arith.index_cast %scan3A_220 : i32 to index
      %swap3A_252 = arith.constant 96 : index
      %swap3A_253 = tpu.vector_load %arg10[%swap3A_251, %swap3A_252] {strides = array<i32>} : memref<256x128xf32, #tpu.memory_space<vmem>>, vector<1x16xf32>,
      %swap3A_254 = vector.shape_cast %swap3A_253 : vector<1x16xf32> to vector<16xf32>
      %swap3A_255 = vector.shape_cast %broadcast_in_dim3A_1 : vector<16xf32> to vector<1x16xf32>
      tpu.vector_store %arg10[%swap3A_251, %swap3A_252], %swap3A_255 {strides = array<i32>} : memref<256x128xf32, #tpu.memory_space<vmem>>, vector<1x16xf32>,
      %swap3A_256 = arith.index_cast %scan3A_220 : i32 to index
      %swap3A_257 = arith.constant 112 : index
      %swap3A_258 = tpu.vector_load %arg10[%swap3A_256, %swap3A_257] {strides = array<i32>} : memref<256x128xf32, #tpu.memory_space<vmem>>, vector<1x16xf32>,
      %swap3A_259 = vector.shape_cast %swap3A_258 : vector<1x16xf32> to vector<16xf32>
      %swap3A_260 = vector.shape_cast %broadcast_in_dim3A_1 : vector<16xf32> to vector<1x16xf32>
      tpu.vector_store %arg10[%swap3A_256, %swap3A_257], %swap3A_260 {strides = array<i32>} : memref<256x128xf32, #tpu.memory_space<vmem>>, vector<1x16xf32>,
    }
    %scan3A_6 = arith.constant 128 : i32
    %swap3A = arith.constant 0 : i32
    %swap3A_7 = arith.index_cast %swap3A : i32 to index
    %swap3A_8 = arith.constant 0 : index
    %swap3A_9 = tpu.vector_load %arg11[%swap3A_7, %swap3A_8] {strides = array<i32>} : memref<8x128xf32, #tpu.memory_space<vmem>>, vector<1x16xf32>,
    %swap3A_10 = vector.shape_cast %swap3A_9 : vector<1x16xf32> to vector<16xf32>
    %swap3A_11 = vector.shape_cast %broadcast_in_dim3A_1 : vector<16xf32> to vector<1x16xf32>
    tpu.vector_store %arg11[%swap3A_7, %swap3A_8], %swap3A_11 {strides = array<i32>} : memref<8x128xf32, #tpu.memory_space<vmem>>, vector<1x16xf32>,
    %swap3A_12 = arith.constant 0 : i32
    %swap3A_13 = arith.index_cast %swap3A_12 : i32 to index
    %swap3A_14 = arith.constant 16 : index
    %swap3A_15 = tpu.vector_load %arg11[%swap3A_13, %swap3A_14] {strides = array<i32>} : memref<8x128xf32, #tpu.memory_space<vmem>>, vector<1x16xf32>,
    %swap3A_16 = vector.shape_cast %swap3A_15 : vector<1x16xf32> to vector<16xf32>
    %swap3A_17 = vector.shape_cast %broadcast_in_dim3A_1 : vector<16xf32> to vector<1x16xf32>
    tpu.vector_store %arg11[%swap3A_13, %swap3A_14], %swap3A_17 {strides = array<i32>} : memref<8x128xf32, #tpu.memory_space<vmem>>, vector<1x16xf32>,
    %swap3A_18 = arith.constant 0 : i32
    %swap3A_19 = arith.index_cast %swap3A_18 : i32 to index
    %swap3A_20 = arith.constant 32 : index
    %swap3A_21 = tpu.vector_load %arg11[%swap3A_19, %swap3A_20] {strides = array<i32>} : memref<8x128xf32, #tpu.memory_space<vmem>>, vector<1x16xf32>,
    %swap3A_22 = vector.shape_cast %swap3A_21 : vector<1x16xf32> to vector<16xf32>
    %swap3A_23 = vector.shape_cast %broadcast_in_dim3A_1 : vector<16xf32> to vector<1x16xf32>
    tpu.vector_store %arg11[%swap3A_19, %swap3A_20], %swap3A_23 {strides = array<i32>} : memref<8x128xf32, #tpu.memory_space<vmem>>, vector<1x16xf32>,
    %swap3A_24 = arith.constant 0 : i32
    %swap3A_25 = arith.index_cast %swap3A_24 : i32 to index
    %swap3A_26 = arith.constant 48 : index
    %swap3A_27 = tpu.vector_load %arg11[%swap3A_25, %swap3A_26] {strides = array<i32>} : memref<8x128xf32, #tpu.memory_space<vmem>>, vector<1x16xf32>,
    %swap3A_28 = vector.shape_cast %swap3A_27 : vector<1x16xf32> to vector<16xf32>
    %swap3A_29 = vector.shape_cast %broadcast_in_dim3A_1 : vector<16xf32> to vector<1x16xf32>
    tpu.vector_store %arg11[%swap3A_25, %swap3A_26], %swap3A_29 {strides = array<i32>} : memref<8x128xf32, #tpu.memory_space<vmem>>, vector<1x16xf32>,
    %swap3A_30 = arith.constant 0 : i32
    %swap3A_31 = arith.index_cast %swap3A_30 : i32 to index
    %swap3A_32 = arith.constant 64 : index
    %swap3A_33 = tpu.vector_load %arg11[%swap3A_31, %swap3A_32] {strides = array<i32>} : memref<8x128xf32, #tpu.memory_space<vmem>>, vector<1x16xf32>,
    %swap3A_34 = vector.shape_cast %swap3A_33 : vector<1x16xf32> to vector<16xf32>
    %swap3A_35 = vector.shape_cast %broadcast_in_dim3A_1 : vector<16xf32> to vector<1x16xf32>
    tpu.vector_store %arg11[%swap3A_31, %swap3A_32], %swap3A_35 {strides = array<i32>} : memref<8x128xf32, #tpu.memory_space<vmem>>, vector<1x16xf32>,
    %swap3A_36 = arith.constant 0 : i32
    %swap3A_37 = arith.index_cast %swap3A_36 : i32 to index
    %swap3A_38 = arith.constant 80 : index
    %swap3A_39 = tpu.vector_load %arg11[%swap3A_37, %swap3A_38] {strides = array<i32>} : memref<8x128xf32, #tpu.memory_space<vmem>>, vector<1x16xf32>,
    %swap3A_40 = vector.shape_cast %swap3A_39 : vector<1x16xf32> to vector<16xf32>
    %swap3A_41 = vector.shape_cast %broadcast_in_dim3A_1 : vector<16xf32> to vector<1x16xf32>
    tpu.vector_store %arg11[%swap3A_37, %swap3A_38], %swap3A_41 {strides = array<i32>} : memref<8x128xf32, #tpu.memory_space<vmem>>, vector<1x16xf32>,
    %swap3A_42 = arith.constant 0 : i32
    %swap3A_43 = arith.index_cast %swap3A_42 : i32 to index
    %swap3A_44 = arith.constant 96 : index
    %swap3A_45 = tpu.vector_load %arg11[%swap3A_43, %swap3A_44] {strides = array<i32>} : memref<8x128xf32, #tpu.memory_space<vmem>>, vector<1x16xf32>,
    %swap3A_46 = vector.shape_cast %swap3A_45 : vector<1x16xf32> to vector<16xf32>
    %swap3A_47 = vector.shape_cast %broadcast_in_dim3A_1 : vector<16xf32> to vector<1x16xf32>
    tpu.vector_store %arg11[%swap3A_43, %swap3A_44], %swap3A_47 {strides = array<i32>} : memref<8x128xf32, #tpu.memory_space<vmem>>, vector<1x16xf32>,
    %swap3A_48 = arith.constant 0 : i32
    %swap3A_49 = arith.index_cast %swap3A_48 : i32 to index
    %swap3A_50 = arith.constant 112 : index
    %swap3A_51 = tpu.vector_load %arg11[%swap3A_49, %swap3A_50] {strides = array<i32>} : memref<8x128xf32, #tpu.memory_space<vmem>>, vector<1x16xf32>,
    %swap3A_52 = vector.shape_cast %swap3A_51 : vector<1x16xf32> to vector<16xf32>
    %swap3A_53 = vector.shape_cast %broadcast_in_dim3A_1 : vector<16xf32> to vector<1x16xf32>
    tpu.vector_store %arg11[%swap3A_49, %swap3A_50], %swap3A_53 {strides = array<i32>} : memref<8x128xf32, #tpu.memory_space<vmem>>, vector<1x16xf32>,
    %mul3A_54 = arith.constant 640 : i32
    %mul3A_55 = arith.muli %arg1, %mul3A_54 : i32
    %add3A_56 = arith.constant 0 : i32
    %add3A_57 = arith.addi %mul3A_55, %add3A_56 : i32
    "tpu.region"() ({
      %run_scoped3A_220 = tpu.sem_alloc : memref<!tpu.dma_semaphore, #tpu.memory_space<semaphore_mem>>
      %dma_start3A = arith.constant 0 : i32
      %dma_start3A_221 = arith.constant 0 : i32
      %dma_start3A_222 = tpu.memref_slice %arg10[%dma_start3A, %dma_start3A_221] : memref<256x128xf32, #tpu.memory_space<vmem>> -> memref<128x128xf32, #tpu.memory_space<vmem>>
      %dma_start3A_223 = arith.constant 0 : i32
      %dma_start3A_224 = tpu.memref_slice %arg16[%add3A_57, %dma_start3A_223] : memref<10240x128xf32, #tpu.memory_space<vmem_shared>> -> memref<128x128xf32, #tpu.memory_space<vmem_shared>>
      %dma_start3A_225 = arith.constant 0 : i32
      %dma_start3A_226 = tpu.memref_slice %arg16[%add3A_57, %dma_start3A_225] : memref<10240x128xf32, #tpu.memory_space<vmem_shared>> -> memref<128x128xf32, #tpu.memory_space<vmem_shared>>
      %dma_start3A_227 = arith.constant 0 : i32
      %dma_start3A_228 = arith.constant 0 : i32
      %dma_start3A_229 = tpu.memref_slice %arg10[%dma_start3A_227, %dma_start3A_228] : memref<256x128xf32, #tpu.memory_space<vmem>> -> memref<128x128xf32, #tpu.memory_space<vmem>>
      tpu.enqueue_dma source(%dma_start3A_229 : memref<128x128xf32, #tpu.memory_space<vmem>>) target(%dma_start3A_226 : memref<128x128xf32, #tpu.memory_space<vmem_shared>>) target_semaphore(%run_scoped3A_220 : memref<!tpu.dma_semaphore, #tpu.memory_space<semaphore_mem>>)
      %dma_wait3A_230 = arith.constant 0 : i32
      %dma_wait3A_231 = arith.constant 0 : i32
      %dma_wait3A_232 = tpu.memref_slice %arg10[%dma_wait3A_230, %dma_wait3A_231] : memref<256x128xf32, #tpu.memory_space<vmem>> -> memref<128x128xf32, #tpu.memory_space<vmem>>
      %dma_wait3A_233 = arith.constant 0 : i32
      %dma_wait3A_234 = tpu.memref_slice %arg16[%add3A_57, %dma_wait3A_233] : memref<10240x128xf32, #tpu.memory_space<vmem_shared>> -> memref<128x128xf32, #tpu.memory_space<vmem_shared>>
      %dma_wait3A_235 = arith.constant 0 : i32
      %dma_wait3A_236 = tpu.memref_slice %arg16[%add3A_57, %dma_wait3A_235] : memref<10240x128xf32, #tpu.memory_space<vmem_shared>> -> memref<128x128xf32, #tpu.memory_space<vmem_shared>>
      %dma_wait3A_237 = arith.constant 0 : i32
      %dma_wait3A_238 = arith.constant 0 : i32
      %dma_wait3A_239 = tpu.memref_slice %arg10[%dma_wait3A_237, %dma_wait3A_238] : memref<256x128xf32, #tpu.memory_space<vmem>> -> memref<128x128xf32, #tpu.memory_space<vmem>>
      tpu.wait_dma2 semaphore(%run_scoped3A_220 : memref<!tpu.dma_semaphore, #tpu.memory_space<semaphore_mem>>) src(%dma_wait3A_239 : memref<128x128xf32, #tpu.memory_space<vmem>>) dst(%dma_wait3A_236 : memref<128x128xf32, #tpu.memory_space<vmem_shared>>)
      tpu.yield
    }) : () -> ()
    %mul3A_58 = arith.constant 640 : i32
    %mul3A_59 = arith.muli %arg1, %mul3A_58 : i32
    %add3A_60 = arith.constant 0 : i32
    %add3A_61 = arith.addi %mul3A_59, %add3A_60 : i32
    %run_scoped3A = arith.constant 0 : i32
    "tpu.region"() ({
      %run_scoped3A_220 = tpu.sem_alloc : memref<!tpu.dma_semaphore, #tpu.memory_space<semaphore_mem>>
      %dma_start3A = arith.constant 0 : i32
      %dma_start3A_221 = tpu.memref_slice %arg11[%run_scoped3A, %dma_start3A] : memref<8x128xf32, #tpu.memory_space<vmem>> -> memref<1x128xf32, #tpu.memory_space<vmem>>
      %dma_start3A_222 = tpu.memref_squeeze %dma_start3A_221 : memref<1x128xf32, #tpu.memory_space<vmem>> -> memref<128xf32, #tpu.memory_space<vmem>>
      %dma_start3A_223 = tpu.memref_slice %arg17[%add3A_61] : memref<10240xf32, #tpu.memory_space<vmem_shared>> -> memref<128xf32, #tpu.memory_space<vmem_shared>>
      %dma_start3A_224 = tpu.memref_slice %arg17[%add3A_61] : memref<10240xf32, #tpu.memory_space<vmem_shared>> -> memref<128xf32, #tpu.memory_space<vmem_shared>>
      %dma_start3A_225 = arith.constant 0 : i32
      %dma_start3A_226 = tpu.memref_slice %arg11[%run_scoped3A, %dma_start3A_225] : memref<8x128xf32, #tpu.memory_space<vmem>> -> memref<1x128xf32, #tpu.memory_space<vmem>>
      %dma_start3A_227 = tpu.memref_squeeze %dma_start3A_226 : memref<1x128xf32, #tpu.memory_space<vmem>> -> memref<128xf32, #tpu.memory_space<vmem>>
      tpu.enqueue_dma source(%dma_start3A_227 : memref<128xf32, #tpu.memory_space<vmem>>) target(%dma_start3A_224 : memref<128xf32, #tpu.memory_space<vmem_shared>>) target_semaphore(%run_scoped3A_220 : memref<!tpu.dma_semaphore, #tpu.memory_space<semaphore_mem>>)
      %dma_wait3A_228 = arith.constant 0 : i32
      %dma_wait3A_229 = tpu.memref_slice %arg11[%run_scoped3A, %dma_wait3A_228] : memref<8x128xf32, #tpu.memory_space<vmem>> -> memref<1x128xf32, #tpu.memory_space<vmem>>
      %dma_wait3A_230 = tpu.memref_squeeze %dma_wait3A_229 : memref<1x128xf32, #tpu.memory_space<vmem>> -> memref<128xf32, #tpu.memory_space<vmem>>
      %dma_wait3A_231 = tpu.memref_slice %arg17[%add3A_61] : memref<10240xf32, #tpu.memory_space<vmem_shared>> -> memref<128xf32, #tpu.memory_space<vmem_shared>>
      %dma_wait3A_232 = tpu.memref_slice %arg17[%add3A_61] : memref<10240xf32, #tpu.memory_space<vmem_shared>> -> memref<128xf32, #tpu.memory_space<vmem_shared>>
      %dma_wait3A_233 = arith.constant 0 : i32
      %dma_wait3A_234 = tpu.memref_slice %arg11[%run_scoped3A, %dma_wait3A_233] : memref<8x128xf32, #tpu.memory_space<vmem>> -> memref<1x128xf32, #tpu.memory_space<vmem>>
      %dma_wait3A_235 = tpu.memref_squeeze %dma_wait3A_234 : memref<1x128xf32, #tpu.memory_space<vmem>> -> memref<128xf32, #tpu.memory_space<vmem>>
      tpu.wait_dma2 semaphore(%run_scoped3A_220 : memref<!tpu.dma_semaphore, #tpu.memory_space<semaphore_mem>>) src(%dma_wait3A_235 : memref<128xf32, #tpu.memory_space<vmem>>) dst(%dma_wait3A_232 : memref<128xf32, #tpu.memory_space<vmem_shared>>)
      tpu.yield
    }) : () -> ()
    %mul3A_62 = arith.constant 640 : i32
    %mul3A_63 = arith.muli %arg1, %mul3A_62 : i32
    %add3A_64 = arith.constant 128 : i32
    %add3A_65 = arith.addi %mul3A_63, %add3A_64 : i32
    "tpu.region"() ({
      %run_scoped3A_220 = tpu.sem_alloc : memref<!tpu.dma_semaphore, #tpu.memory_space<semaphore_mem>>
      %dma_start3A = arith.constant 0 : i32
      %dma_start3A_221 = arith.constant 0 : i32
      %dma_start3A_222 = tpu.memref_slice %arg10[%dma_start3A, %dma_start3A_221] : memref<256x128xf32, #tpu.memory_space<vmem>> -> memref<128x128xf32, #tpu.memory_space<vmem>>
      %dma_start3A_223 = arith.constant 0 : i32
      %dma_start3A_224 = tpu.memref_slice %arg16[%add3A_65, %dma_start3A_223] : memref<10240x128xf32, #tpu.memory_space<vmem_shared>> -> memref<128x128xf32, #tpu.memory_space<vmem_shared>>
      %dma_start3A_225 = arith.constant 0 : i32
      %dma_start3A_226 = tpu.memref_slice %arg16[%add3A_65, %dma_start3A_225] : memref<10240x128xf32, #tpu.memory_space<vmem_shared>> -> memref<128x128xf32, #tpu.memory_space<vmem_shared>>
      %dma_start3A_227 = arith.constant 0 : i32
      %dma_start3A_228 = arith.constant 0 : i32
      %dma_start3A_229 = tpu.memref_slice %arg10[%dma_start3A_227, %dma_start3A_228] : memref<256x128xf32, #tpu.memory_space<vmem>> -> memref<128x128xf32, #tpu.memory_space<vmem>>
      tpu.enqueue_dma source(%dma_start3A_229 : memref<128x128xf32, #tpu.memory_space<vmem>>) target(%dma_start3A_226 : memref<128x128xf32, #tpu.memory_space<vmem_shared>>) target_semaphore(%run_scoped3A_220 : memref<!tpu.dma_semaphore, #tpu.memory_space<semaphore_mem>>)
      %dma_wait3A_230 = arith.constant 0 : i32
      %dma_wait3A_231 = arith.constant 0 : i32
      %dma_wait3A_232 = tpu.memref_slice %arg10[%dma_wait3A_230, %dma_wait3A_231] : memref<256x128xf32, #tpu.memory_space<vmem>> -> memref<128x128xf32, #tpu.memory_space<vmem>>
      %dma_wait3A_233 = arith.constant 0 : i32
      %dma_wait3A_234 = tpu.memref_slice %arg16[%add3A_65, %dma_wait3A_233] : memref<10240x128xf32, #tpu.memory_space<vmem_shared>> -> memref<128x128xf32, #tpu.memory_space<vmem_shared>>
      %dma_wait3A_235 = arith.constant 0 : i32
      %dma_wait3A_236 = tpu.memref_slice %arg16[%add3A_65, %dma_wait3A_235] : memref<10240x128xf32, #tpu.memory_space<vmem_shared>> -> memref<128x128xf32, #tpu.memory_space<vmem_shared>>
      %dma_wait3A_237 = arith.constant 0 : i32
      %dma_wait3A_238 = arith.constant 0 : i32
      %dma_wait3A_239 = tpu.memref_slice %arg10[%dma_wait3A_237, %dma_wait3A_238] : memref<256x128xf32, #tpu.memory_space<vmem>> -> memref<128x128xf32, #tpu.memory_space<vmem>>
      tpu.wait_dma2 semaphore(%run_scoped3A_220 : memref<!tpu.dma_semaphore, #tpu.memory_space<semaphore_mem>>) src(%dma_wait3A_239 : memref<128x128xf32, #tpu.memory_space<vmem>>) dst(%dma_wait3A_236 : memref<128x128xf32, #tpu.memory_space<vmem_shared>>)
      tpu.yield
    }) : () -> ()
    %mul3A_66 = arith.constant 640 : i32
    %mul3A_67 = arith.muli %arg1, %mul3A_66 : i32
    %add3A_68 = arith.constant 128 : i32
    %add3A_69 = arith.addi %mul3A_67, %add3A_68 : i32
    %run_scoped3A_70 = arith.constant 0 : i32
    "tpu.region"() ({
      %run_scoped3A_220 = tpu.sem_alloc : memref<!tpu.dma_semaphore, #tpu.memory_space<semaphore_mem>>
      %dma_start3A = arith.constant 0 : i32
      %dma_start3A_221 = tpu.memref_slice %arg11[%run_scoped3A_70, %dma_start3A] : memref<8x128xf32, #tpu.memory_space<vmem>> -> memref<1x128xf32, #tpu.memory_space<vmem>>
      %dma_start3A_222 = tpu.memref_squeeze %dma_start3A_221 : memref<1x128xf32, #tpu.memory_space<vmem>> -> memref<128xf32, #tpu.memory_space<vmem>>
      %dma_start3A_223 = tpu.memref_slice %arg17[%add3A_69] : memref<10240xf32, #tpu.memory_space<vmem_shared>> -> memref<128xf32, #tpu.memory_space<vmem_shared>>
      %dma_start3A_224 = tpu.memref_slice %arg17[%add3A_69] : memref<10240xf32, #tpu.memory_space<vmem_shared>> -> memref<128xf32, #tpu.memory_space<vmem_shared>>
      %dma_start3A_225 = arith.constant 0 : i32
      %dma_start3A_226 = tpu.memref_slice %arg11[%run_scoped3A_70, %dma_start3A_225] : memref<8x128xf32, #tpu.memory_space<vmem>> -> memref<1x128xf32, #tpu.memory_space<vmem>>
      %dma_start3A_227 = tpu.memref_squeeze %dma_start3A_226 : memref<1x128xf32, #tpu.memory_space<vmem>> -> memref<128xf32, #tpu.memory_space<vmem>>
      tpu.enqueue_dma source(%dma_start3A_227 : memref<128xf32, #tpu.memory_space<vmem>>) target(%dma_start3A_224 : memref<128xf32, #tpu.memory_space<vmem_shared>>) target_semaphore(%run_scoped3A_220 : memref<!tpu.dma_semaphore, #tpu.memory_space<semaphore_mem>>)
      %dma_wait3A_228 = arith.constant 0 : i32
      %dma_wait3A_229 = tpu.memref_slice %arg11[%run_scoped3A_70, %dma_wait3A_228] : memref<8x128xf32, #tpu.memory_space<vmem>> -> memref<1x128xf32, #tpu.memory_space<vmem>>
      %dma_wait3A_230 = tpu.memref_squeeze %dma_wait3A_229 : memref<1x128xf32, #tpu.memory_space<vmem>> -> memref<128xf32, #tpu.memory_space<vmem>>
      %dma_wait3A_231 = tpu.memref_slice %arg17[%add3A_69] : memref<10240xf32, #tpu.memory_space<vmem_shared>> -> memref<128xf32, #tpu.memory_space<vmem_shared>>
      %dma_wait3A_232 = tpu.memref_slice %arg17[%add3A_69] : memref<10240xf32, #tpu.memory_space<vmem_shared>> -> memref<128xf32, #tpu.memory_space<vmem_shared>>
      %dma_wait3A_233 = arith.constant 0 : i32
      %dma_wait3A_234 = tpu.memref_slice %arg11[%run_scoped3A_70, %dma_wait3A_233] : memref<8x128xf32, #tpu.memory_space<vmem>> -> memref<1x128xf32, #tpu.memory_space<vmem>>
      %dma_wait3A_235 = tpu.memref_squeeze %dma_wait3A_234 : memref<1x128xf32, #tpu.memory_space<vmem>> -> memref<128xf32, #tpu.memory_space<vmem>>
      tpu.wait_dma2 semaphore(%run_scoped3A_220 : memref<!tpu.dma_semaphore, #tpu.memory_space<semaphore_mem>>) src(%dma_wait3A_235 : memref<128xf32, #tpu.memory_space<vmem>>) dst(%dma_wait3A_232 : memref<128xf32, #tpu.memory_space<vmem_shared>>)
      tpu.yield
    }) : () -> ()
    %mul3A_71 = arith.constant 640 : i32
    %mul3A_72 = arith.muli %arg1, %mul3A_71 : i32
    %add3A_73 = arith.constant 256 : i32
    %add3A_74 = arith.addi %mul3A_72, %add3A_73 : i32
    "tpu.region"() ({
      %run_scoped3A_220 = tpu.sem_alloc : memref<!tpu.dma_semaphore, #tpu.memory_space<semaphore_mem>>
      %dma_start3A = arith.constant 0 : i32
      %dma_start3A_221 = arith.constant 0 : i32
      %dma_start3A_222 = tpu.memref_slice %arg10[%dma_start3A, %dma_start3A_221] : memref<256x128xf32, #tpu.memory_space<vmem>> -> memref<128x128xf32, #tpu.memory_space<vmem>>
      %dma_start3A_223 = arith.constant 0 : i32
      %dma_start3A_224 = tpu.memref_slice %arg16[%add3A_74, %dma_start3A_223] : memref<10240x128xf32, #tpu.memory_space<vmem_shared>> -> memref<128x128xf32, #tpu.memory_space<vmem_shared>>
      %dma_start3A_225 = arith.constant 0 : i32
      %dma_start3A_226 = tpu.memref_slice %arg16[%add3A_74, %dma_start3A_225] : memref<10240x128xf32, #tpu.memory_space<vmem_shared>> -> memref<128x128xf32, #tpu.memory_space<vmem_shared>>
      %dma_start3A_227 = arith.constant 0 : i32
      %dma_start3A_228 = arith.constant 0 : i32
      %dma_start3A_229 = tpu.memref_slice %arg10[%dma_start3A_227, %dma_start3A_228] : memref<256x128xf32, #tpu.memory_space<vmem>> -> memref<128x128xf32, #tpu.memory_space<vmem>>
      tpu.enqueue_dma source(%dma_start3A_229 : memref<128x128xf32, #tpu.memory_space<vmem>>) target(%dma_start3A_226 : memref<128x128xf32, #tpu.memory_space<vmem_shared>>) target_semaphore(%run_scoped3A_220 : memref<!tpu.dma_semaphore, #tpu.memory_space<semaphore_mem>>)
      %dma_wait3A_230 = arith.constant 0 : i32
      %dma_wait3A_231 = arith.constant 0 : i32
      %dma_wait3A_232 = tpu.memref_slice %arg10[%dma_wait3A_230, %dma_wait3A_231] : memref<256x128xf32, #tpu.memory_space<vmem>> -> memref<128x128xf32, #tpu.memory_space<vmem>>
      %dma_wait3A_233 = arith.constant 0 : i32
      %dma_wait3A_234 = tpu.memref_slice %arg16[%add3A_74, %dma_wait3A_233] : memref<10240x128xf32, #tpu.memory_space<vmem_shared>> -> memref<128x128xf32, #tpu.memory_space<vmem_shared>>
      %dma_wait3A_235 = arith.constant 0 : i32
      %dma_wait3A_236 = tpu.memref_slice %arg16[%add3A_74, %dma_wait3A_235] : memref<10240x128xf32, #tpu.memory_space<vmem_shared>> -> memref<128x128xf32, #tpu.memory_space<vmem_shared>>
      %dma_wait3A_237 = arith.constant 0 : i32
      %dma_wait3A_238 = arith.constant 0 : i32
      %dma_wait3A_239 = tpu.memref_slice %arg10[%dma_wait3A_237, %dma_wait3A_238] : memref<256x128xf32, #tpu.memory_space<vmem>> -> memref<128x128xf32, #tpu.memory_space<vmem>>
      tpu.wait_dma2 semaphore(%run_scoped3A_220 : memref<!tpu.dma_semaphore, #tpu.memory_space<semaphore_mem>>) src(%dma_wait3A_239 : memref<128x128xf32, #tpu.memory_space<vmem>>) dst(%dma_wait3A_236 : memref<128x128xf32, #tpu.memory_space<vmem_shared>>)
      tpu.yield
    }) : () -> ()
    %mul3A_75 = arith.constant 640 : i32
    %mul3A_76 = arith.muli %arg1, %mul3A_75 : i32
    %add3A_77 = arith.constant 256 : i32
    %add3A_78 = arith.addi %mul3A_76, %add3A_77 : i32
    %run_scoped3A_79 = arith.constant 0 : i32
    "tpu.region"() ({
      %run_scoped3A_220 = tpu.sem_alloc : memref<!tpu.dma_semaphore, #tpu.memory_space<semaphore_mem>>
      %dma_start3A = arith.constant 0 : i32
      %dma_start3A_221 = tpu.memref_slice %arg11[%run_scoped3A_79, %dma_start3A] : memref<8x128xf32, #tpu.memory_space<vmem>> -> memref<1x128xf32, #tpu.memory_space<vmem>>
      %dma_start3A_222 = tpu.memref_squeeze %dma_start3A_221 : memref<1x128xf32, #tpu.memory_space<vmem>> -> memref<128xf32, #tpu.memory_space<vmem>>
      %dma_start3A_223 = tpu.memref_slice %arg17[%add3A_78] : memref<10240xf32, #tpu.memory_space<vmem_shared>> -> memref<128xf32, #tpu.memory_space<vmem_shared>>
      %dma_start3A_224 = tpu.memref_slice %arg17[%add3A_78] : memref<10240xf32, #tpu.memory_space<vmem_shared>> -> memref<128xf32, #tpu.memory_space<vmem_shared>>
      %dma_start3A_225 = arith.constant 0 : i32
      %dma_start3A_226 = tpu.memref_slice %arg11[%run_scoped3A_79, %dma_start3A_225] : memref<8x128xf32, #tpu.memory_space<vmem>> -> memref<1x128xf32, #tpu.memory_space<vmem>>
      %dma_start3A_227 = tpu.memref_squeeze %dma_start3A_226 : memref<1x128xf32, #tpu.memory_space<vmem>> -> memref<128xf32, #tpu.memory_space<vmem>>
      tpu.enqueue_dma source(%dma_start3A_227 : memref<128xf32, #tpu.memory_space<vmem>>) target(%dma_start3A_224 : memref<128xf32, #tpu.memory_space<vmem_shared>>) target_semaphore(%run_scoped3A_220 : memref<!tpu.dma_semaphore, #tpu.memory_space<semaphore_mem>>)
      %dma_wait3A_228 = arith.constant 0 : i32
      %dma_wait3A_229 = tpu.memref_slice %arg11[%run_scoped3A_79, %dma_wait3A_228] : memref<8x128xf32, #tpu.memory_space<vmem>> -> memref<1x128xf32, #tpu.memory_space<vmem>>
      %dma_wait3A_230 = tpu.memref_squeeze %dma_wait3A_229 : memref<1x128xf32, #tpu.memory_space<vmem>> -> memref<128xf32, #tpu.memory_space<vmem>>
      %dma_wait3A_231 = tpu.memref_slice %arg17[%add3A_78] : memref<10240xf32, #tpu.memory_space<vmem_shared>> -> memref<128xf32, #tpu.memory_space<vmem_shared>>
      %dma_wait3A_232 = tpu.memref_slice %arg17[%add3A_78] : memref<10240xf32, #tpu.memory_space<vmem_shared>> -> memref<128xf32, #tpu.memory_space<vmem_shared>>
      %dma_wait3A_233 = arith.constant 0 : i32
      %dma_wait3A_234 = tpu.memref_slice %arg11[%run_scoped3A_79, %dma_wait3A_233] : memref<8x128xf32, #tpu.memory_space<vmem>> -> memref<1x128xf32, #tpu.memory_space<vmem>>
      %dma_wait3A_235 = tpu.memref_squeeze %dma_wait3A_234 : memref<1x128xf32, #tpu.memory_space<vmem>> -> memref<128xf32, #tpu.memory_space<vmem>>
      tpu.wait_dma2 semaphore(%run_scoped3A_220 : memref<!tpu.dma_semaphore, #tpu.memory_space<semaphore_mem>>) src(%dma_wait3A_235 : memref<128xf32, #tpu.memory_space<vmem>>) dst(%dma_wait3A_232 : memref<128xf32, #tpu.memory_space<vmem_shared>>)
      tpu.yield
    }) : () -> ()
    %mul3A_80 = arith.constant 640 : i32
    %mul3A_81 = arith.muli %arg1, %mul3A_80 : i32
    %add3A_82 = arith.constant 384 : i32
    %add3A_83 = arith.addi %mul3A_81, %add3A_82 : i32
    "tpu.region"() ({
      %run_scoped3A_220 = tpu.sem_alloc : memref<!tpu.dma_semaphore, #tpu.memory_space<semaphore_mem>>
      %dma_start3A = arith.constant 0 : i32
      %dma_start3A_221 = arith.constant 0 : i32
      %dma_start3A_222 = tpu.memref_slice %arg10[%dma_start3A, %dma_start3A_221] : memref<256x128xf32, #tpu.memory_space<vmem>> -> memref<128x128xf32, #tpu.memory_space<vmem>>
      %dma_start3A_223 = arith.constant 0 : i32
      %dma_start3A_224 = tpu.memref_slice %arg16[%add3A_83, %dma_start3A_223] : memref<10240x128xf32, #tpu.memory_space<vmem_shared>> -> memref<128x128xf32, #tpu.memory_space<vmem_shared>>
      %dma_start3A_225 = arith.constant 0 : i32
      %dma_start3A_226 = tpu.memref_slice %arg16[%add3A_83, %dma_start3A_225] : memref<10240x128xf32, #tpu.memory_space<vmem_shared>> -> memref<128x128xf32, #tpu.memory_space<vmem_shared>>
      %dma_start3A_227 = arith.constant 0 : i32
      %dma_start3A_228 = arith.constant 0 : i32
      %dma_start3A_229 = tpu.memref_slice %arg10[%dma_start3A_227, %dma_start3A_228] : memref<256x128xf32, #tpu.memory_space<vmem>> -> memref<128x128xf32, #tpu.memory_space<vmem>>
      tpu.enqueue_dma source(%dma_start3A_229 : memref<128x128xf32, #tpu.memory_space<vmem>>) target(%dma_start3A_226 : memref<128x128xf32, #tpu.memory_space<vmem_shared>>) target_semaphore(%run_scoped3A_220 : memref<!tpu.dma_semaphore, #tpu.memory_space<semaphore_mem>>)
      %dma_wait3A_230 = arith.constant 0 : i32
      %dma_wait3A_231 = arith.constant 0 : i32
      %dma_wait3A_232 = tpu.memref_slice %arg10[%dma_wait3A_230, %dma_wait3A_231] : memref<256x128xf32, #tpu.memory_space<vmem>> -> memref<128x128xf32, #tpu.memory_space<vmem>>
      %dma_wait3A_233 = arith.constant 0 : i32
      %dma_wait3A_234 = tpu.memref_slice %arg16[%add3A_83, %dma_wait3A_233] : memref<10240x128xf32, #tpu.memory_space<vmem_shared>> -> memref<128x128xf32, #tpu.memory_space<vmem_shared>>
      %dma_wait3A_235 = arith.constant 0 : i32
      %dma_wait3A_236 = tpu.memref_slice %arg16[%add3A_83, %dma_wait3A_235] : memref<10240x128xf32, #tpu.memory_space<vmem_shared>> -> memref<128x128xf32, #tpu.memory_space<vmem_shared>>
      %dma_wait3A_237 = arith.constant 0 : i32
      %dma_wait3A_238 = arith.constant 0 : i32
      %dma_wait3A_239 = tpu.memref_slice %arg10[%dma_wait3A_237, %dma_wait3A_238] : memref<256x128xf32, #tpu.memory_space<vmem>> -> memref<128x128xf32, #tpu.memory_space<vmem>>
      tpu.wait_dma2 semaphore(%run_scoped3A_220 : memref<!tpu.dma_semaphore, #tpu.memory_space<semaphore_mem>>) src(%dma_wait3A_239 : memref<128x128xf32, #tpu.memory_space<vmem>>) dst(%dma_wait3A_236 : memref<128x128xf32, #tpu.memory_space<vmem_shared>>)
      tpu.yield
    }) : () -> ()
    %mul3A_84 = arith.constant 640 : i32
    %mul3A_85 = arith.muli %arg1, %mul3A_84 : i32
    %add3A_86 = arith.constant 384 : i32
    %add3A_87 = arith.addi %mul3A_85, %add3A_86 : i32
    %run_scoped3A_88 = arith.constant 0 : i32
    "tpu.region"() ({
      %run_scoped3A_220 = tpu.sem_alloc : memref<!tpu.dma_semaphore, #tpu.memory_space<semaphore_mem>>
      %dma_start3A = arith.constant 0 : i32
      %dma_start3A_221 = tpu.memref_slice %arg11[%run_scoped3A_88, %dma_start3A] : memref<8x128xf32, #tpu.memory_space<vmem>> -> memref<1x128xf32, #tpu.memory_space<vmem>>
      %dma_start3A_222 = tpu.memref_squeeze %dma_start3A_221 : memref<1x128xf32, #tpu.memory_space<vmem>> -> memref<128xf32, #tpu.memory_space<vmem>>
      %dma_start3A_223 = tpu.memref_slice %arg17[%add3A_87] : memref<10240xf32, #tpu.memory_space<vmem_shared>> -> memref<128xf32, #tpu.memory_space<vmem_shared>>
      %dma_start3A_224 = tpu.memref_slice %arg17[%add3A_87] : memref<10240xf32, #tpu.memory_space<vmem_shared>> -> memref<128xf32, #tpu.memory_space<vmem_shared>>
      %dma_start3A_225 = arith.constant 0 : i32
      %dma_start3A_226 = tpu.memref_slice %arg11[%run_scoped3A_88, %dma_start3A_225] : memref<8x128xf32, #tpu.memory_space<vmem>> -> memref<1x128xf32, #tpu.memory_space<vmem>>
      %dma_start3A_227 = tpu.memref_squeeze %dma_start3A_226 : memref<1x128xf32, #tpu.memory_space<vmem>> -> memref<128xf32, #tpu.memory_space<vmem>>
      tpu.enqueue_dma source(%dma_start3A_227 : memref<128xf32, #tpu.memory_space<vmem>>) target(%dma_start3A_224 : memref<128xf32, #tpu.memory_space<vmem_shared>>) target_semaphore(%run_scoped3A_220 : memref<!tpu.dma_semaphore, #tpu.memory_space<semaphore_mem>>)
      %dma_wait3A_228 = arith.constant 0 : i32
      %dma_wait3A_229 = tpu.memref_slice %arg11[%run_scoped3A_88, %dma_wait3A_228] : memref<8x128xf32, #tpu.memory_space<vmem>> -> memref<1x128xf32, #tpu.memory_space<vmem>>
      %dma_wait3A_230 = tpu.memref_squeeze %dma_wait3A_229 : memref<1x128xf32, #tpu.memory_space<vmem>> -> memref<128xf32, #tpu.memory_space<vmem>>
      %dma_wait3A_231 = tpu.memref_slice %arg17[%add3A_87] : memref<10240xf32, #tpu.memory_space<vmem_shared>> -> memref<128xf32, #tpu.memory_space<vmem_shared>>
      %dma_wait3A_232 = tpu.memref_slice %arg17[%add3A_87] : memref<10240xf32, #tpu.memory_space<vmem_shared>> -> memref<128xf32, #tpu.memory_space<vmem_shared>>
      %dma_wait3A_233 = arith.constant 0 : i32
      %dma_wait3A_234 = tpu.memref_slice %arg11[%run_scoped3A_88, %dma_wait3A_233] : memref<8x128xf32, #tpu.memory_space<vmem>> -> memref<1x128xf32, #tpu.memory_space<vmem>>
      %dma_wait3A_235 = tpu.memref_squeeze %dma_wait3A_234 : memref<1x128xf32, #tpu.memory_space<vmem>> -> memref<128xf32, #tpu.memory_space<vmem>>
      tpu.wait_dma2 semaphore(%run_scoped3A_220 : memref<!tpu.dma_semaphore, #tpu.memory_space<semaphore_mem>>) src(%dma_wait3A_235 : memref<128xf32, #tpu.memory_space<vmem>>) dst(%dma_wait3A_232 : memref<128xf32, #tpu.memory_space<vmem_shared>>)
      tpu.yield
    }) : () -> ()
    %mul3A_89 = arith.constant 640 : i32
    %mul3A_90 = arith.muli %arg1, %mul3A_89 : i32
    %add3A_91 = arith.constant 512 : i32
    %add3A_92 = arith.addi %mul3A_90, %add3A_91 : i32
    "tpu.region"() ({
      %run_scoped3A_220 = tpu.sem_alloc : memref<!tpu.dma_semaphore, #tpu.memory_space<semaphore_mem>>
      %dma_start3A = arith.constant 0 : i32
      %dma_start3A_221 = arith.constant 0 : i32
      %dma_start3A_222 = tpu.memref_slice %arg10[%dma_start3A, %dma_start3A_221] : memref<256x128xf32, #tpu.memory_space<vmem>> -> memref<128x128xf32, #tpu.memory_space<vmem>>
      %dma_start3A_223 = arith.constant 0 : i32
      %dma_start3A_224 = tpu.memref_slice %arg16[%add3A_92, %dma_start3A_223] : memref<10240x128xf32, #tpu.memory_space<vmem_shared>> -> memref<128x128xf32, #tpu.memory_space<vmem_shared>>
      %dma_start3A_225 = arith.constant 0 : i32
      %dma_start3A_226 = tpu.memref_slice %arg16[%add3A_92, %dma_start3A_225] : memref<10240x128xf32, #tpu.memory_space<vmem_shared>> -> memref<128x128xf32, #tpu.memory_space<vmem_shared>>
      %dma_start3A_227 = arith.constant 0 : i32
      %dma_start3A_228 = arith.constant 0 : i32
      %dma_start3A_229 = tpu.memref_slice %arg10[%dma_start3A_227, %dma_start3A_228] : memref<256x128xf32, #tpu.memory_space<vmem>> -> memref<128x128xf32, #tpu.memory_space<vmem>>
      tpu.enqueue_dma source(%dma_start3A_229 : memref<128x128xf32, #tpu.memory_space<vmem>>) target(%dma_start3A_226 : memref<128x128xf32, #tpu.memory_space<vmem_shared>>) target_semaphore(%run_scoped3A_220 : memref<!tpu.dma_semaphore, #tpu.memory_space<semaphore_mem>>)
      %dma_wait3A_230 = arith.constant 0 : i32
      %dma_wait3A_231 = arith.constant 0 : i32
      %dma_wait3A_232 = tpu.memref_slice %arg10[%dma_wait3A_230, %dma_wait3A_231] : memref<256x128xf32, #tpu.memory_space<vmem>> -> memref<128x128xf32, #tpu.memory_space<vmem>>
      %dma_wait3A_233 = arith.constant 0 : i32
      %dma_wait3A_234 = tpu.memref_slice %arg16[%add3A_92, %dma_wait3A_233] : memref<10240x128xf32, #tpu.memory_space<vmem_shared>> -> memref<128x128xf32, #tpu.memory_space<vmem_shared>>
      %dma_wait3A_235 = arith.constant 0 : i32
      %dma_wait3A_236 = tpu.memref_slice %arg16[%add3A_92, %dma_wait3A_235] : memref<10240x128xf32, #tpu.memory_space<vmem_shared>> -> memref<128x128xf32, #tpu.memory_space<vmem_shared>>
      %dma_wait3A_237 = arith.constant 0 : i32
      %dma_wait3A_238 = arith.constant 0 : i32
      %dma_wait3A_239 = tpu.memref_slice %arg10[%dma_wait3A_237, %dma_wait3A_238] : memref<256x128xf32, #tpu.memory_space<vmem>> -> memref<128x128xf32, #tpu.memory_space<vmem>>
      tpu.wait_dma2 semaphore(%run_scoped3A_220 : memref<!tpu.dma_semaphore, #tpu.memory_space<semaphore_mem>>) src(%dma_wait3A_239 : memref<128x128xf32, #tpu.memory_space<vmem>>) dst(%dma_wait3A_236 : memref<128x128xf32, #tpu.memory_space<vmem_shared>>)
      tpu.yield
    }) : () -> ()
    %mul3A_93 = arith.constant 640 : i32
    %mul3A_94 = arith.muli %arg1, %mul3A_93 : i32
    %add3A_95 = arith.constant 512 : i32
    %add3A_96 = arith.addi %mul3A_94, %add3A_95 : i32
    %run_scoped3A_97 = arith.constant 0 : i32
    "tpu.region"() ({
      %run_scoped3A_220 = tpu.sem_alloc : memref<!tpu.dma_semaphore, #tpu.memory_space<semaphore_mem>>
      %dma_start3A = arith.constant 0 : i32
      %dma_start3A_221 = tpu.memref_slice %arg11[%run_scoped3A_97, %dma_start3A] : memref<8x128xf32, #tpu.memory_space<vmem>> -> memref<1x128xf32, #tpu.memory_space<vmem>>
      %dma_start3A_222 = tpu.memref_squeeze %dma_start3A_221 : memref<1x128xf32, #tpu.memory_space<vmem>> -> memref<128xf32, #tpu.memory_space<vmem>>
      %dma_start3A_223 = tpu.memref_slice %arg17[%add3A_96] : memref<10240xf32, #tpu.memory_space<vmem_shared>> -> memref<128xf32, #tpu.memory_space<vmem_shared>>
      %dma_start3A_224 = tpu.memref_slice %arg17[%add3A_96] : memref<10240xf32, #tpu.memory_space<vmem_shared>> -> memref<128xf32, #tpu.memory_space<vmem_shared>>
      %dma_start3A_225 = arith.constant 0 : i32
      %dma_start3A_226 = tpu.memref_slice %arg11[%run_scoped3A_97, %dma_start3A_225] : memref<8x128xf32, #tpu.memory_space<vmem>> -> memref<1x128xf32, #tpu.memory_space<vmem>>
      %dma_start3A_227 = tpu.memref_squeeze %dma_start3A_226 : memref<1x128xf32, #tpu.memory_space<vmem>> -> memref<128xf32, #tpu.memory_space<vmem>>
      tpu.enqueue_dma source(%dma_start3A_227 : memref<128xf32, #tpu.memory_space<vmem>>) target(%dma_start3A_224 : memref<128xf32, #tpu.memory_space<vmem_shared>>) target_semaphore(%run_scoped3A_220 : memref<!tpu.dma_semaphore, #tpu.memory_space<semaphore_mem>>)
      %dma_wait3A_228 = arith.constant 0 : i32
      %dma_wait3A_229 = tpu.memref_slice %arg11[%run_scoped3A_97, %dma_wait3A_228] : memref<8x128xf32, #tpu.memory_space<vmem>> -> memref<1x128xf32, #tpu.memory_space<vmem>>
      %dma_wait3A_230 = tpu.memref_squeeze %dma_wait3A_229 : memref<1x128xf32, #tpu.memory_space<vmem>> -> memref<128xf32, #tpu.memory_space<vmem>>
      %dma_wait3A_231 = tpu.memref_slice %arg17[%add3A_96] : memref<10240xf32, #tpu.memory_space<vmem_shared>> -> memref<128xf32, #tpu.memory_space<vmem_shared>>
      %dma_wait3A_232 = tpu.memref_slice %arg17[%add3A_96] : memref<10240xf32, #tpu.memory_space<vmem_shared>> -> memref<128xf32, #tpu.memory_space<vmem_shared>>
      %dma_wait3A_233 = arith.constant 0 : i32
      %dma_wait3A_234 = tpu.memref_slice %arg11[%run_scoped3A_97, %dma_wait3A_233] : memref<8x128xf32, #tpu.memory_space<vmem>> -> memref<1x128xf32, #tpu.memory_space<vmem>>
      %dma_wait3A_235 = tpu.memref_squeeze %dma_wait3A_234 : memref<1x128xf32, #tpu.memory_space<vmem>> -> memref<128xf32, #tpu.memory_space<vmem>>
      tpu.wait_dma2 semaphore(%run_scoped3A_220 : memref<!tpu.dma_semaphore, #tpu.memory_space<semaphore_mem>>) src(%dma_wait3A_235 : memref<128xf32, #tpu.memory_space<vmem>>) dst(%dma_wait3A_232 : memref<128xf32, #tpu.memory_space<vmem_shared>>)
      tpu.yield
    }) : () -> ()
    %barrier3A = arith.constant 0 : index
    tpu.barrier barrier_id(%barrier3A)
    %eq3A = arith.constant 0 : i32
    %eq3A_98 = arith.cmpi eq, %arg0, %eq3A : i32
    %mul3A_99 = arith.constant 144 : i32
    %mul3A_100 = arith.muli %arg1, %mul3A_99 : i32
    %mul3A_101 = arith.constant 16 : i32
    %mul3A_102 = arith.muli %arg1, %mul3A_101 : i32
    %add3A_103 = arith.constant 2304 : i32
    %add3A_104 = arith.addi %add3A_103, %mul3A_102 : i32
    %select_n3A = arith.select %eq3A_98, %mul3A_100, %add3A_104 : i32
    %eq3A_105 = arith.constant 0 : i32
    %eq3A_106 = arith.cmpi eq, %arg0, %eq3A_105 : i32
    %jit3A = arith.constant 18 : i32
    %jit3A_107 = arith.constant 2 : i32
    %select_n3A_108 = arith.select %eq3A_106, %jit3A, %jit3A_107 : i32
    %while3A = arith.constant 0 : i32
    %while3A_109 = arith.constant 0 : i32
    %while3A_110 = arith.subi %select_n3A_108, %while3A_109 : i32
    %while3A_111 = arith.addi %while3A_109, %while3A_110 : i32
    %while3A_112 = arith.constant 1 : i32
    %while3A_113 = arith.divsi %while3A_110, %while3A_112 : i32
    %while3A_114 = arith.muli %while3A_113, %while3A_112 : i32
    %while3A_115 = arith.addi %while3A_109, %while3A_114 : i32
    %while3A_116 = arith.constant 1 : i32
    scf.for %while3A_220 = %while3A_109 to %while3A_115 step %while3A_116  : i32 {
      %mul3A_221 = arith.constant 8 : i32
      %mul3A_222 = arith.muli %while3A_220, %mul3A_221 : i32
      %add3A_223 = arith.addi %select_n3A, %mul3A_222 : i32
      "tpu.region"() ({
        %run_scoped3A_649 = tpu.sem_alloc : memref<!tpu.dma_semaphore, #tpu.memory_space<semaphore_mem>>
        %dma_start3A_650 = arith.constant 0 : i32
        %dma_start3A_651 = tpu.memref_slice %arg3[%add3A_223, %dma_start3A_650] : memref<2560x128xi32, #tpu.memory_space<hbm>> -> memref<8x128xi32, #tpu.memory_space<hbm>>
        %dma_start3A_652 = arith.constant 0 : i32
        %dma_start3A_653 = tpu.memref_slice %arg3[%add3A_223, %dma_start3A_652] : memref<2560x128xi32, #tpu.memory_space<hbm>> -> memref<8x128xi32, #tpu.memory_space<hbm>>
        tpu.enqueue_dma source(%dma_start3A_653 : memref<8x128xi32, #tpu.memory_space<hbm>>) target(%arg8 : memref<8x128xi32, #tpu.memory_space<vmem>>) target_semaphore(%run_scoped3A_649 : memref<!tpu.dma_semaphore, #tpu.memory_space<semaphore_mem>>)
        %dma_wait3A_654 = arith.constant 0 : i32
        %dma_wait3A_655 = tpu.memref_slice %arg3[%add3A_223, %dma_wait3A_654] : memref<2560x128xi32, #tpu.memory_space<hbm>> -> memref<8x128xi32, #tpu.memory_space<hbm>>
        %dma_wait3A_656 = arith.constant 0 : i32
        %dma_wait3A_657 = tpu.memref_slice %arg3[%add3A_223, %dma_wait3A_656] : memref<2560x128xi32, #tpu.memory_space<hbm>> -> memref<8x128xi32, #tpu.memory_space<hbm>>
        tpu.wait_dma2 semaphore(%run_scoped3A_649 : memref<!tpu.dma_semaphore, #tpu.memory_space<semaphore_mem>>) src(%dma_wait3A_657 : memref<8x128xi32, #tpu.memory_space<hbm>>) dst(%arg8 : memref<8x128xi32, #tpu.memory_space<vmem>>)
        tpu.yield
      }) : () -> ()
      "tpu.region"() ({
        %run_scoped3A_649 = tpu.sem_alloc : memref<!tpu.dma_semaphore, #tpu.memory_space<semaphore_mem>>
        %dma_start3A_650 = arith.constant 0 : i32
        %dma_start3A_651 = tpu.memref_slice %arg4[%add3A_223, %dma_start3A_650] : memref<2560x128xi32, #tpu.memory_space<hbm>> -> memref<8x128xi32, #tpu.memory_space<hbm>>
        %dma_start3A_652 = arith.constant 0 : i32
        %dma_start3A_653 = tpu.memref_slice %arg4[%add3A_223, %dma_start3A_652] : memref<2560x128xi32, #tpu.memory_space<hbm>> -> memref<8x128xi32, #tpu.memory_space<hbm>>
        tpu.enqueue_dma source(%dma_start3A_653 : memref<8x128xi32, #tpu.memory_space<hbm>>) target(%arg9 : memref<8x128xi32, #tpu.memory_space<vmem>>) target_semaphore(%run_scoped3A_649 : memref<!tpu.dma_semaphore, #tpu.memory_space<semaphore_mem>>)
        %dma_wait3A_654 = arith.constant 0 : i32
        %dma_wait3A_655 = tpu.memref_slice %arg4[%add3A_223, %dma_wait3A_654] : memref<2560x128xi32, #tpu.memory_space<hbm>> -> memref<8x128xi32, #tpu.memory_space<hbm>>
        %dma_wait3A_656 = arith.constant 0 : i32
        %dma_wait3A_657 = tpu.memref_slice %arg4[%add3A_223, %dma_wait3A_656] : memref<2560x128xi32, #tpu.memory_space<hbm>> -> memref<8x128xi32, #tpu.memory_space<hbm>>
        tpu.wait_dma2 semaphore(%run_scoped3A_649 : memref<!tpu.dma_semaphore, #tpu.memory_space<semaphore_mem>>) src(%dma_wait3A_657 : memref<8x128xi32, #tpu.memory_space<hbm>>) dst(%arg9 : memref<8x128xi32, #tpu.memory_space<vmem>>)
        tpu.yield
      }) : () -> ()
      %dma_start3A = arith.constant 0 : i32
      %dma_start3A_224 = arith.constant 0 : i32
      %dma_start3A_225 = arith.constant 0 : i32
      %dma_start3A_226 = tpu.memref_slice %arg10[%dma_start3A_224, %dma_start3A_225] : memref<256x128xf32, #tpu.memory_space<vmem>> -> memref<128x128xf32, #tpu.memory_space<vmem>>
      %dma_start3A_227 = arith.constant 0 : i32
      %dma_start3A_228 = tpu.memref_slice %arg8[%dma_start3A, %dma_start3A_227] : memref<8x128xi32, #tpu.memory_space<vmem>> -> memref<1x128xi32, #tpu.memory_space<vmem>>
      %dma_start3A_229 = tpu.memref_squeeze %dma_start3A_228 : memref<1x128xi32, #tpu.memory_space<vmem>> -> memref<128xi32, #tpu.memory_space<vmem>>
      %dma_start3A_230 = arith.constant 0 : i32
      %dma_start3A_231 = arith.constant 0 : i32
      %dma_start3A_232 = tpu.memref_slice %arg2[%dma_start3A_230, %dma_start3A_231] : memref<10240x128xf32, #tpu.memory_space<hbm>> -> memref<10240x128xf32, #tpu.memory_space<hbm>>
      tpu.enqueue_indirect_dma source(%dma_start3A_232 : memref<10240x128xf32, #tpu.memory_space<hbm>>) target(%dma_start3A_226 : memref<128x128xf32, #tpu.memory_space<vmem>>) offsets(%dma_start3A_229 : memref<128xi32, #tpu.memory_space<vmem>>) semaphore(%arg12 : memref<!tpu.dma_semaphore, #tpu.memory_space<semaphore_mem>>)
      %dma_start3A_233 = arith.constant 1 : i32
      %dma_start3A_234 = arith.constant 128 : i32
      %dma_start3A_235 = arith.constant 0 : i32
      %dma_start3A_236 = tpu.memref_slice %arg10[%dma_start3A_234, %dma_start3A_235] : memref<256x128xf32, #tpu.memory_space<vmem>> -> memref<128x128xf32, #tpu.memory_space<vmem>>
      %dma_start3A_237 = arith.constant 0 : i32
      %dma_start3A_238 = tpu.memref_slice %arg8[%dma_start3A_233, %dma_start3A_237] : memref<8x128xi32, #tpu.memory_space<vmem>> -> memref<1x128xi32, #tpu.memory_space<vmem>>
      %dma_start3A_239 = tpu.memref_squeeze %dma_start3A_238 : memref<1x128xi32, #tpu.memory_space<vmem>> -> memref<128xi32, #tpu.memory_space<vmem>>
      %dma_start3A_240 = arith.constant 0 : i32
      %dma_start3A_241 = arith.constant 0 : i32
      %dma_start3A_242 = tpu.memref_slice %arg2[%dma_start3A_240, %dma_start3A_241] : memref<10240x128xf32, #tpu.memory_space<hbm>> -> memref<10240x128xf32, #tpu.memory_space<hbm>>
      tpu.enqueue_indirect_dma source(%dma_start3A_242 : memref<10240x128xf32, #tpu.memory_space<hbm>>) target(%dma_start3A_236 : memref<128x128xf32, #tpu.memory_space<vmem>>) offsets(%dma_start3A_239 : memref<128xi32, #tpu.memory_space<vmem>>) semaphore(%arg13 : memref<!tpu.dma_semaphore, #tpu.memory_space<semaphore_mem>>)
      %gt3A = arith.constant 0 : i32
      %gt3A_243 = arith.cmpi sgt, %while3A_220, %gt3A : i32
      %convert_element_type3A = arith.extui %gt3A_243 : i1 to i32
      %cond3A = arith.constant 0 : i32
      %cond3A_244 = arith.cmpi ne, %convert_element_type3A, %cond3A : i32
      scf.if %cond3A_244 {
        %dma_wait3A_649 = arith.constant 0 : i32
        %dma_wait3A_650 = arith.constant 0 : i32
        %dma_wait3A_651 = tpu.memref_slice %arg11[%dma_wait3A_649, %dma_wait3A_650] : memref<8x128xf32, #tpu.memory_space<vmem>> -> memref<1x128xf32, #tpu.memory_space<vmem>>
        %dma_wait3A_652 = tpu.memref_squeeze %dma_wait3A_651 : memref<1x128xf32, #tpu.memory_space<vmem>> -> memref<128xf32, #tpu.memory_space<vmem>>
        %dma_wait3A_653 = arith.constant 0 : i32
        %dma_wait3A_654 = tpu.memref_slice %arg5[%dma_wait3A_653] : memref<10240xf32, #tpu.memory_space<hbm>> -> memref<128xf32, #tpu.memory_space<hbm>>
        %dma_wait3A_655 = arith.constant 0 : i32
        %dma_wait3A_656 = tpu.memref_slice %arg11[%dma_wait3A_649, %dma_wait3A_655] : memref<8x128xf32, #tpu.memory_space<vmem>> -> memref<1x128xf32, #tpu.memory_space<vmem>>
        %dma_wait3A_657 = tpu.memref_squeeze %dma_wait3A_656 : memref<1x128xf32, #tpu.memory_space<vmem>> -> memref<128xf32, #tpu.memory_space<vmem>>
        %dma_wait3A_658 = arith.constant 0 : i32
        %dma_wait3A_659 = tpu.memref_slice %arg5[%dma_wait3A_658] : memref<10240xf32, #tpu.memory_space<hbm>> -> memref<128xf32, #tpu.memory_space<hbm>>
        tpu.wait_dma2 semaphore(%arg15 : memref<!tpu.dma_semaphore, #tpu.memory_space<semaphore_mem>>) src(%dma_wait3A_659 : memref<128xf32, #tpu.memory_space<hbm>>) dst(%dma_wait3A_657 : memref<128xf32, #tpu.memory_space<vmem>>)
        %dma_wait3A_660 = arith.constant 0 : i32
        %dma_wait3A_661 = arith.constant 0 : i32
        %dma_wait3A_662 = tpu.memref_slice %arg11[%dma_wait3A_660, %dma_wait3A_661] : memref<8x128xf32, #tpu.memory_space<vmem>> -> memref<1x128xf32, #tpu.memory_space<vmem>>
        %dma_wait3A_663 = tpu.memref_squeeze %dma_wait3A_662 : memref<1x128xf32, #tpu.memory_space<vmem>> -> memref<128xf32, #tpu.memory_space<vmem>>
        %dma_wait3A_664 = arith.constant 0 : i32
        %dma_wait3A_665 = tpu.memref_slice %arg5[%dma_wait3A_664] : memref<10240xf32, #tpu.memory_space<hbm>> -> memref<128xf32, #tpu.memory_space<hbm>>
        %dma_wait3A_666 = arith.constant 0 : i32
        %dma_wait3A_667 = tpu.memref_slice %arg11[%dma_wait3A_660, %dma_wait3A_666] : memref<8x128xf32, #tpu.memory_space<vmem>> -> memref<1x128xf32, #tpu.memory_space<vmem>>
        %dma_wait3A_668 = tpu.memref_squeeze %dma_wait3A_667 : memref<1x128xf32, #tpu.memory_space<vmem>> -> memref<128xf32, #tpu.memory_space<vmem>>
        %dma_wait3A_669 = arith.constant 0 : i32
        %dma_wait3A_670 = tpu.memref_slice %arg5[%dma_wait3A_669] : memref<10240xf32, #tpu.memory_space<hbm>> -> memref<128xf32, #tpu.memory_space<hbm>>
        tpu.wait_dma2 semaphore(%arg15 : memref<!tpu.dma_semaphore, #tpu.memory_space<semaphore_mem>>) src(%dma_wait3A_670 : memref<128xf32, #tpu.memory_space<hbm>>) dst(%dma_wait3A_668 : memref<128xf32, #tpu.memory_space<vmem>>)
        %dma_wait3A_671 = arith.constant 0 : i32
        %dma_wait3A_672 = arith.constant 0 : i32
        %dma_wait3A_673 = tpu.memref_slice %arg11[%dma_wait3A_671, %dma_wait3A_672] : memref<8x128xf32, #tpu.memory_space<vmem>> -> memref<1x128xf32, #tpu.memory_space<vmem>>
        %dma_wait3A_674 = tpu.memref_squeeze %dma_wait3A_673 : memref<1x128xf32, #tpu.memory_space<vmem>> -> memref<128xf32, #tpu.memory_space<vmem>>
        %dma_wait3A_675 = arith.constant 0 : i32
        %dma_wait3A_676 = tpu.memref_slice %arg5[%dma_wait3A_675] : memref<10240xf32, #tpu.memory_space<hbm>> -> memref<128xf32, #tpu.memory_space<hbm>>
        %dma_wait3A_677 = arith.constant 0 : i32
        %dma_wait3A_678 = tpu.memref_slice %arg11[%dma_wait3A_671, %dma_wait3A_677] : memref<8x128xf32, #tpu.memory_space<vmem>> -> memref<1x128xf32, #tpu.memory_space<vmem>>
        %dma_wait3A_679 = tpu.memref_squeeze %dma_wait3A_678 : memref<1x128xf32, #tpu.memory_space<vmem>> -> memref<128xf32, #tpu.memory_space<vmem>>
        %dma_wait3A_680 = arith.constant 0 : i32
        %dma_wait3A_681 = tpu.memref_slice %arg5[%dma_wait3A_680] : memref<10240xf32, #tpu.memory_space<hbm>> -> memref<128xf32, #tpu.memory_space<hbm>>
        tpu.wait_dma2 semaphore(%arg15 : memref<!tpu.dma_semaphore, #tpu.memory_space<semaphore_mem>>) src(%dma_wait3A_681 : memref<128xf32, #tpu.memory_space<hbm>>) dst(%dma_wait3A_679 : memref<128xf32, #tpu.memory_space<vmem>>)
        %dma_wait3A_682 = arith.constant 0 : i32
        %dma_wait3A_683 = arith.constant 0 : i32
        %dma_wait3A_684 = tpu.memref_slice %arg11[%dma_wait3A_682, %dma_wait3A_683] : memref<8x128xf32, #tpu.memory_space<vmem>> -> memref<1x128xf32, #tpu.memory_space<vmem>>
        %dma_wait3A_685 = tpu.memref_squeeze %dma_wait3A_684 : memref<1x128xf32, #tpu.memory_space<vmem>> -> memref<128xf32, #tpu.memory_space<vmem>>
        %dma_wait3A_686 = arith.constant 0 : i32
        %dma_wait3A_687 = tpu.memref_slice %arg5[%dma_wait3A_686] : memref<10240xf32, #tpu.memory_space<hbm>> -> memref<128xf32, #tpu.memory_space<hbm>>
        %dma_wait3A_688 = arith.constant 0 : i32
        %dma_wait3A_689 = tpu.memref_slice %arg11[%dma_wait3A_682, %dma_wait3A_688] : memref<8x128xf32, #tpu.memory_space<vmem>> -> memref<1x128xf32, #tpu.memory_space<vmem>>
        %dma_wait3A_690 = tpu.memref_squeeze %dma_wait3A_689 : memref<1x128xf32, #tpu.memory_space<vmem>> -> memref<128xf32, #tpu.memory_space<vmem>>
        %dma_wait3A_691 = arith.constant 0 : i32
        %dma_wait3A_692 = tpu.memref_slice %arg5[%dma_wait3A_691] : memref<10240xf32, #tpu.memory_space<hbm>> -> memref<128xf32, #tpu.memory_space<hbm>>
        tpu.wait_dma2 semaphore(%arg15 : memref<!tpu.dma_semaphore, #tpu.memory_space<semaphore_mem>>) src(%dma_wait3A_692 : memref<128xf32, #tpu.memory_space<hbm>>) dst(%dma_wait3A_690 : memref<128xf32, #tpu.memory_space<vmem>>)
        %dma_wait3A_693 = arith.constant 0 : i32
        %dma_wait3A_694 = arith.constant 0 : i32
        %dma_wait3A_695 = tpu.memref_slice %arg11[%dma_wait3A_693, %dma_wait3A_694] : memref<8x128xf32, #tpu.memory_space<vmem>> -> memref<1x128xf32, #tpu.memory_space<vmem>>
        %dma_wait3A_696 = tpu.memref_squeeze %dma_wait3A_695 : memref<1x128xf32, #tpu.memory_space<vmem>> -> memref<128xf32, #tpu.memory_space<vmem>>
        %dma_wait3A_697 = arith.constant 0 : i32
        %dma_wait3A_698 = tpu.memref_slice %arg5[%dma_wait3A_697] : memref<10240xf32, #tpu.memory_space<hbm>> -> memref<128xf32, #tpu.memory_space<hbm>>
        %dma_wait3A_699 = arith.constant 0 : i32
        %dma_wait3A_700 = tpu.memref_slice %arg11[%dma_wait3A_693, %dma_wait3A_699] : memref<8x128xf32, #tpu.memory_space<vmem>> -> memref<1x128xf32, #tpu.memory_space<vmem>>
        %dma_wait3A_701 = tpu.memref_squeeze %dma_wait3A_700 : memref<1x128xf32, #tpu.memory_space<vmem>> -> memref<128xf32, #tpu.memory_space<vmem>>
        %dma_wait3A_702 = arith.constant 0 : i32
        %dma_wait3A_703 = tpu.memref_slice %arg5[%dma_wait3A_702] : memref<10240xf32, #tpu.memory_space<hbm>> -> memref<128xf32, #tpu.memory_space<hbm>>
        tpu.wait_dma2 semaphore(%arg15 : memref<!tpu.dma_semaphore, #tpu.memory_space<semaphore_mem>>) src(%dma_wait3A_703 : memref<128xf32, #tpu.memory_space<hbm>>) dst(%dma_wait3A_701 : memref<128xf32, #tpu.memory_space<vmem>>)
        %dma_wait3A_704 = arith.constant 0 : i32
        %dma_wait3A_705 = arith.constant 0 : i32
        %dma_wait3A_706 = tpu.memref_slice %arg11[%dma_wait3A_704, %dma_wait3A_705] : memref<8x128xf32, #tpu.memory_space<vmem>> -> memref<1x128xf32, #tpu.memory_space<vmem>>
        %dma_wait3A_707 = tpu.memref_squeeze %dma_wait3A_706 : memref<1x128xf32, #tpu.memory_space<vmem>> -> memref<128xf32, #tpu.memory_space<vmem>>
        %dma_wait3A_708 = arith.constant 0 : i32
        %dma_wait3A_709 = tpu.memref_slice %arg5[%dma_wait3A_708] : memref<10240xf32, #tpu.memory_space<hbm>> -> memref<128xf32, #tpu.memory_space<hbm>>
        %dma_wait3A_710 = arith.constant 0 : i32
        %dma_wait3A_711 = tpu.memref_slice %arg11[%dma_wait3A_704, %dma_wait3A_710] : memref<8x128xf32, #tpu.memory_space<vmem>> -> memref<1x128xf32, #tpu.memory_space<vmem>>
        %dma_wait3A_712 = tpu.memref_squeeze %dma_wait3A_711 : memref<1x128xf32, #tpu.memory_space<vmem>> -> memref<128xf32, #tpu.memory_space<vmem>>
        %dma_wait3A_713 = arith.constant 0 : i32
        %dma_wait3A_714 = tpu.memref_slice %arg5[%dma_wait3A_713] : memref<10240xf32, #tpu.memory_space<hbm>> -> memref<128xf32, #tpu.memory_space<hbm>>
        tpu.wait_dma2 semaphore(%arg15 : memref<!tpu.dma_semaphore, #tpu.memory_space<semaphore_mem>>) src(%dma_wait3A_714 : memref<128xf32, #tpu.memory_space<hbm>>) dst(%dma_wait3A_712 : memref<128xf32, #tpu.memory_space<vmem>>)
        %dma_wait3A_715 = arith.constant 0 : i32
        %dma_wait3A_716 = arith.constant 0 : i32
        %dma_wait3A_717 = tpu.memref_slice %arg11[%dma_wait3A_715, %dma_wait3A_716] : memref<8x128xf32, #tpu.memory_space<vmem>> -> memref<1x128xf32, #tpu.memory_space<vmem>>
        %dma_wait3A_718 = tpu.memref_squeeze %dma_wait3A_717 : memref<1x128xf32, #tpu.memory_space<vmem>> -> memref<128xf32, #tpu.memory_space<vmem>>
        %dma_wait3A_719 = arith.constant 0 : i32
        %dma_wait3A_720 = tpu.memref_slice %arg5[%dma_wait3A_719] : memref<10240xf32, #tpu.memory_space<hbm>> -> memref<128xf32, #tpu.memory_space<hbm>>
        %dma_wait3A_721 = arith.constant 0 : i32
        %dma_wait3A_722 = tpu.memref_slice %arg11[%dma_wait3A_715, %dma_wait3A_721] : memref<8x128xf32, #tpu.memory_space<vmem>> -> memref<1x128xf32, #tpu.memory_space<vmem>>
        %dma_wait3A_723 = tpu.memref_squeeze %dma_wait3A_722 : memref<1x128xf32, #tpu.memory_space<vmem>> -> memref<128xf32, #tpu.memory_space<vmem>>
        %dma_wait3A_724 = arith.constant 0 : i32
        %dma_wait3A_725 = tpu.memref_slice %arg5[%dma_wait3A_724] : memref<10240xf32, #tpu.memory_space<hbm>> -> memref<128xf32, #tpu.memory_space<hbm>>
        tpu.wait_dma2 semaphore(%arg15 : memref<!tpu.dma_semaphore, #tpu.memory_space<semaphore_mem>>) src(%dma_wait3A_725 : memref<128xf32, #tpu.memory_space<hbm>>) dst(%dma_wait3A_723 : memref<128xf32, #tpu.memory_space<vmem>>)
        %dma_wait3A_726 = arith.constant 0 : i32
        %dma_wait3A_727 = arith.constant 0 : i32
        %dma_wait3A_728 = tpu.memref_slice %arg11[%dma_wait3A_726, %dma_wait3A_727] : memref<8x128xf32, #tpu.memory_space<vmem>> -> memref<1x128xf32, #tpu.memory_space<vmem>>
        %dma_wait3A_729 = tpu.memref_squeeze %dma_wait3A_728 : memref<1x128xf32, #tpu.memory_space<vmem>> -> memref<128xf32, #tpu.memory_space<vmem>>
        %dma_wait3A_730 = arith.constant 0 : i32
        %dma_wait3A_731 = tpu.memref_slice %arg5[%dma_wait3A_730] : memref<10240xf32, #tpu.memory_space<hbm>> -> memref<128xf32, #tpu.memory_space<hbm>>
        %dma_wait3A_732 = arith.constant 0 : i32
        %dma_wait3A_733 = tpu.memref_slice %arg11[%dma_wait3A_726, %dma_wait3A_732] : memref<8x128xf32, #tpu.memory_space<vmem>> -> memref<1x128xf32, #tpu.memory_space<vmem>>
        %dma_wait3A_734 = tpu.memref_squeeze %dma_wait3A_733 : memref<1x128xf32, #tpu.memory_space<vmem>> -> memref<128xf32, #tpu.memory_space<vmem>>
        %dma_wait3A_735 = arith.constant 0 : i32
        %dma_wait3A_736 = tpu.memref_slice %arg5[%dma_wait3A_735] : memref<10240xf32, #tpu.memory_space<hbm>> -> memref<128xf32, #tpu.memory_space<hbm>>
        tpu.wait_dma2 semaphore(%arg15 : memref<!tpu.dma_semaphore, #tpu.memory_space<semaphore_mem>>) src(%dma_wait3A_736 : memref<128xf32, #tpu.memory_space<hbm>>) dst(%dma_wait3A_734 : memref<128xf32, #tpu.memory_space<vmem>>)
      } else {
      }
      %dma_start3A_245 = arith.constant 0 : i32
      %dma_start3A_246 = arith.constant 0 : i32
      %dma_start3A_247 = arith.constant 0 : i32
      %dma_start3A_248 = tpu.memref_slice %arg11[%dma_start3A_246, %dma_start3A_247] : memref<8x128xf32, #tpu.memory_space<vmem>> -> memref<1x128xf32, #tpu.memory_space<vmem>>
      %dma_start3A_249 = tpu.memref_squeeze %dma_start3A_248 : memref<1x128xf32, #tpu.memory_space<vmem>> -> memref<128xf32, #tpu.memory_space<vmem>>
      %dma_start3A_250 = arith.constant 0 : i32
      %dma_start3A_251 = tpu.memref_slice %arg9[%dma_start3A_245, %dma_start3A_250] : memref<8x128xi32, #tpu.memory_space<vmem>> -> memref<1x128xi32, #tpu.memory_space<vmem>>
      %dma_start3A_252 = tpu.memref_squeeze %dma_start3A_251 : memref<1x128xi32, #tpu.memory_space<vmem>> -> memref<128xi32, #tpu.memory_space<vmem>>
      %dma_start3A_253 = arith.constant 0 : i32
      %dma_start3A_254 = tpu.memref_slice %arg5[%dma_start3A_253] : memref<10240xf32, #tpu.memory_space<hbm>> -> memref<10240xf32, #tpu.memory_space<hbm>>
      tpu.enqueue_indirect_dma source(%dma_start3A_254 : memref<10240xf32, #tpu.memory_space<hbm>>) target(%dma_start3A_249 : memref<128xf32, #tpu.memory_space<vmem>>) offsets(%dma_start3A_252 : memref<128xi32, #tpu.memory_space<vmem>>) semaphore(%arg14 : memref<!tpu.dma_semaphore, #tpu.memory_space<semaphore_mem>>)
      %dma_start3A_255 = arith.constant 1 : i32
      %dma_start3A_256 = arith.constant 1 : i32
      %dma_start3A_257 = arith.constant 0 : i32
      %dma_start3A_258 = tpu.memref_slice %arg11[%dma_start3A_256, %dma_start3A_257] : memref<8x128xf32, #tpu.memory_space<vmem>> -> memref<1x128xf32, #tpu.memory_space<vmem>>
      %dma_start3A_259 = tpu.memref_squeeze %dma_start3A_258 : memref<1x128xf32, #tpu.memory_space<vmem>> -> memref<128xf32, #tpu.memory_space<vmem>>
      %dma_start3A_260 = arith.constant 0 : i32
      %dma_start3A_261 = tpu.memref_slice %arg9[%dma_start3A_255, %dma_start3A_260] : memref<8x128xi32, #tpu.memory_space<vmem>> -> memref<1x128xi32, #tpu.memory_space<vmem>>
      %dma_start3A_262 = tpu.memref_squeeze %dma_start3A_261 : memref<1x128xi32, #tpu.memory_space<vmem>> -> memref<128xi32, #tpu.memory_space<vmem>>
      %dma_start3A_263 = arith.constant 0 : i32
      %dma_start3A_264 = tpu.memref_slice %arg5[%dma_start3A_263] : memref<10240xf32, #tpu.memory_space<hbm>> -> memref<10240xf32, #tpu.memory_space<hbm>>
      tpu.enqueue_indirect_dma source(%dma_start3A_264 : memref<10240xf32, #tpu.memory_space<hbm>>) target(%dma_start3A_259 : memref<128xf32, #tpu.memory_space<vmem>>) offsets(%dma_start3A_262 : memref<128xi32, #tpu.memory_space<vmem>>) semaphore(%arg14 : memref<!tpu.dma_semaphore, #tpu.memory_space<semaphore_mem>>)
      %dma_start3A_265 = arith.constant 2 : i32
      %dma_start3A_266 = arith.constant 2 : i32
      %dma_start3A_267 = arith.constant 0 : i32
      %dma_start3A_268 = tpu.memref_slice %arg11[%dma_start3A_266, %dma_start3A_267] : memref<8x128xf32, #tpu.memory_space<vmem>> -> memref<1x128xf32, #tpu.memory_space<vmem>>
      %dma_start3A_269 = tpu.memref_squeeze %dma_start3A_268 : memref<1x128xf32, #tpu.memory_space<vmem>> -> memref<128xf32, #tpu.memory_space<vmem>>
      %dma_start3A_270 = arith.constant 0 : i32
      %dma_start3A_271 = tpu.memref_slice %arg9[%dma_start3A_265, %dma_start3A_270] : memref<8x128xi32, #tpu.memory_space<vmem>> -> memref<1x128xi32, #tpu.memory_space<vmem>>
      %dma_start3A_272 = tpu.memref_squeeze %dma_start3A_271 : memref<1x128xi32, #tpu.memory_space<vmem>> -> memref<128xi32, #tpu.memory_space<vmem>>
      %dma_start3A_273 = arith.constant 0 : i32
      %dma_start3A_274 = tpu.memref_slice %arg5[%dma_start3A_273] : memref<10240xf32, #tpu.memory_space<hbm>> -> memref<10240xf32, #tpu.memory_space<hbm>>
      tpu.enqueue_indirect_dma source(%dma_start3A_274 : memref<10240xf32, #tpu.memory_space<hbm>>) target(%dma_start3A_269 : memref<128xf32, #tpu.memory_space<vmem>>) offsets(%dma_start3A_272 : memref<128xi32, #tpu.memory_space<vmem>>) semaphore(%arg14 : memref<!tpu.dma_semaphore, #tpu.memory_space<semaphore_mem>>)
      %dma_start3A_275 = arith.constant 3 : i32
      %dma_start3A_276 = arith.constant 3 : i32
      %dma_start3A_277 = arith.constant 0 : i32
      %dma_start3A_278 = tpu.memref_slice %arg11[%dma_start3A_276, %dma_start3A_277] : memref<8x128xf32, #tpu.memory_space<vmem>> -> memref<1x128xf32, #tpu.memory_space<vmem>>
      %dma_start3A_279 = tpu.memref_squeeze %dma_start3A_278 : memref<1x128xf32, #tpu.memory_space<vmem>> -> memref<128xf32, #tpu.memory_space<vmem>>
      %dma_start3A_280 = arith.constant 0 : i32
      %dma_start3A_281 = tpu.memref_slice %arg9[%dma_start3A_275, %dma_start3A_280] : memref<8x128xi32, #tpu.memory_space<vmem>> -> memref<1x128xi32, #tpu.memory_space<vmem>>
      %dma_start3A_282 = tpu.memref_squeeze %dma_start3A_281 : memref<1x128xi32, #tpu.memory_space<vmem>> -> memref<128xi32, #tpu.memory_space<vmem>>
      %dma_start3A_283 = arith.constant 0 : i32
      %dma_start3A_284 = tpu.memref_slice %arg5[%dma_start3A_283] : memref<10240xf32, #tpu.memory_space<hbm>> -> memref<10240xf32, #tpu.memory_space<hbm>>
      tpu.enqueue_indirect_dma source(%dma_start3A_284 : memref<10240xf32, #tpu.memory_space<hbm>>) target(%dma_start3A_279 : memref<128xf32, #tpu.memory_space<vmem>>) offsets(%dma_start3A_282 : memref<128xi32, #tpu.memory_space<vmem>>) semaphore(%arg14 : memref<!tpu.dma_semaphore, #tpu.memory_space<semaphore_mem>>)
      %dma_start3A_285 = arith.constant 4 : i32
      %dma_start3A_286 = arith.constant 4 : i32
      %dma_start3A_287 = arith.constant 0 : i32
      %dma_start3A_288 = tpu.memref_slice %arg11[%dma_start3A_286, %dma_start3A_287] : memref<8x128xf32, #tpu.memory_space<vmem>> -> memref<1x128xf32, #tpu.memory_space<vmem>>
      %dma_start3A_289 = tpu.memref_squeeze %dma_start3A_288 : memref<1x128xf32, #tpu.memory_space<vmem>> -> memref<128xf32, #tpu.memory_space<vmem>>
      %dma_start3A_290 = arith.constant 0 : i32
      %dma_start3A_291 = tpu.memref_slice %arg9[%dma_start3A_285, %dma_start3A_290] : memref<8x128xi32, #tpu.memory_space<vmem>> -> memref<1x128xi32, #tpu.memory_space<vmem>>
      %dma_start3A_292 = tpu.memref_squeeze %dma_start3A_291 : memref<1x128xi32, #tpu.memory_space<vmem>> -> memref<128xi32, #tpu.memory_space<vmem>>
      %dma_start3A_293 = arith.constant 0 : i32
      %dma_start3A_294 = tpu.memref_slice %arg5[%dma_start3A_293] : memref<10240xf32, #tpu.memory_space<hbm>> -> memref<10240xf32, #tpu.memory_space<hbm>>
      tpu.enqueue_indirect_dma source(%dma_start3A_294 : memref<10240xf32, #tpu.memory_space<hbm>>) target(%dma_start3A_289 : memref<128xf32, #tpu.memory_space<vmem>>) offsets(%dma_start3A_292 : memref<128xi32, #tpu.memory_space<vmem>>) semaphore(%arg14 : memref<!tpu.dma_semaphore, #tpu.memory_space<semaphore_mem>>)
      %dma_start3A_295 = arith.constant 5 : i32
      %dma_start3A_296 = arith.constant 5 : i32
      %dma_start3A_297 = arith.constant 0 : i32
      %dma_start3A_298 = tpu.memref_slice %arg11[%dma_start3A_296, %dma_start3A_297] : memref<8x128xf32, #tpu.memory_space<vmem>> -> memref<1x128xf32, #tpu.memory_space<vmem>>
      %dma_start3A_299 = tpu.memref_squeeze %dma_start3A_298 : memref<1x128xf32, #tpu.memory_space<vmem>> -> memref<128xf32, #tpu.memory_space<vmem>>
      %dma_start3A_300 = arith.constant 0 : i32
      %dma_start3A_301 = tpu.memref_slice %arg9[%dma_start3A_295, %dma_start3A_300] : memref<8x128xi32, #tpu.memory_space<vmem>> -> memref<1x128xi32, #tpu.memory_space<vmem>>
      %dma_start3A_302 = tpu.memref_squeeze %dma_start3A_301 : memref<1x128xi32, #tpu.memory_space<vmem>> -> memref<128xi32, #tpu.memory_space<vmem>>
      %dma_start3A_303 = arith.constant 0 : i32
      %dma_start3A_304 = tpu.memref_slice %arg5[%dma_start3A_303] : memref<10240xf32, #tpu.memory_space<hbm>> -> memref<10240xf32, #tpu.memory_space<hbm>>
      tpu.enqueue_indirect_dma source(%dma_start3A_304 : memref<10240xf32, #tpu.memory_space<hbm>>) target(%dma_start3A_299 : memref<128xf32, #tpu.memory_space<vmem>>) offsets(%dma_start3A_302 : memref<128xi32, #tpu.memory_space<vmem>>) semaphore(%arg14 : memref<!tpu.dma_semaphore, #tpu.memory_space<semaphore_mem>>)
      %dma_start3A_305 = arith.constant 6 : i32
      %dma_start3A_306 = arith.constant 6 : i32
      %dma_start3A_307 = arith.constant 0 : i32
      %dma_start3A_308 = tpu.memref_slice %arg11[%dma_start3A_306, %dma_start3A_307] : memref<8x128xf32, #tpu.memory_space<vmem>> -> memref<1x128xf32, #tpu.memory_space<vmem>>
      %dma_start3A_309 = tpu.memref_squeeze %dma_start3A_308 : memref<1x128xf32, #tpu.memory_space<vmem>> -> memref<128xf32, #tpu.memory_space<vmem>>
      %dma_start3A_310 = arith.constant 0 : i32
      %dma_start3A_311 = tpu.memref_slice %arg9[%dma_start3A_305, %dma_start3A_310] : memref<8x128xi32, #tpu.memory_space<vmem>> -> memref<1x128xi32, #tpu.memory_space<vmem>>
      %dma_start3A_312 = tpu.memref_squeeze %dma_start3A_311 : memref<1x128xi32, #tpu.memory_space<vmem>> -> memref<128xi32, #tpu.memory_space<vmem>>
      %dma_start3A_313 = arith.constant 0 : i32
      %dma_start3A_314 = tpu.memref_slice %arg5[%dma_start3A_313] : memref<10240xf32, #tpu.memory_space<hbm>> -> memref<10240xf32, #tpu.memory_space<hbm>>
      tpu.enqueue_indirect_dma source(%dma_start3A_314 : memref<10240xf32, #tpu.memory_space<hbm>>) target(%dma_start3A_309 : memref<128xf32, #tpu.memory_space<vmem>>) offsets(%dma_start3A_312 : memref<128xi32, #tpu.memory_space<vmem>>) semaphore(%arg14 : memref<!tpu.dma_semaphore, #tpu.memory_space<semaphore_mem>>)
      %dma_start3A_315 = arith.constant 7 : i32
      %dma_start3A_316 = arith.constant 7 : i32
      %dma_start3A_317 = arith.constant 0 : i32
      %dma_start3A_318 = tpu.memref_slice %arg11[%dma_start3A_316, %dma_start3A_317] : memref<8x128xf32, #tpu.memory_space<vmem>> -> memref<1x128xf32, #tpu.memory_space<vmem>>
      %dma_start3A_319 = tpu.memref_squeeze %dma_start3A_318 : memref<1x128xf32, #tpu.memory_space<vmem>> -> memref<128xf32, #tpu.memory_space<vmem>>
      %dma_start3A_320 = arith.constant 0 : i32
      %dma_start3A_321 = tpu.memref_slice %arg9[%dma_start3A_315, %dma_start3A_320] : memref<8x128xi32, #tpu.memory_space<vmem>> -> memref<1x128xi32, #tpu.memory_space<vmem>>
      %dma_start3A_322 = tpu.memref_squeeze %dma_start3A_321 : memref<1x128xi32, #tpu.memory_space<vmem>> -> memref<128xi32, #tpu.memory_space<vmem>>
      %dma_start3A_323 = arith.constant 0 : i32
      %dma_start3A_324 = tpu.memref_slice %arg5[%dma_start3A_323] : memref<10240xf32, #tpu.memory_space<hbm>> -> memref<10240xf32, #tpu.memory_space<hbm>>
      tpu.enqueue_indirect_dma source(%dma_start3A_324 : memref<10240xf32, #tpu.memory_space<hbm>>) target(%dma_start3A_319 : memref<128xf32, #tpu.memory_space<vmem>>) offsets(%dma_start3A_322 : memref<128xi32, #tpu.memory_space<vmem>>) semaphore(%arg14 : memref<!tpu.dma_semaphore, #tpu.memory_space<semaphore_mem>>)
      %dma_wait3A_325 = arith.constant 0 : i32
      %dma_wait3A_326 = arith.constant 0 : i32
      %dma_wait3A_327 = tpu.memref_slice %arg10[%dma_wait3A_325, %dma_wait3A_326] : memref<256x128xf32, #tpu.memory_space<vmem>> -> memref<128x128xf32, #tpu.memory_space<vmem>>
      %dma_wait3A_328 = arith.constant 0 : i32
      %dma_wait3A_329 = arith.constant 0 : i32
      %dma_wait3A_330 = tpu.memref_slice %arg2[%dma_wait3A_328, %dma_wait3A_329] : memref<10240x128xf32, #tpu.memory_space<hbm>> -> memref<128x128xf32, #tpu.memory_space<hbm>>
      %dma_wait3A_331 = arith.constant 0 : i32
      %dma_wait3A_332 = arith.constant 0 : i32
      %dma_wait3A_333 = tpu.memref_slice %arg10[%dma_wait3A_331, %dma_wait3A_332] : memref<256x128xf32, #tpu.memory_space<vmem>> -> memref<128x128xf32, #tpu.memory_space<vmem>>
      %dma_wait3A_334 = arith.constant 0 : i32
      %dma_wait3A_335 = arith.constant 0 : i32
      %dma_wait3A_336 = tpu.memref_slice %arg2[%dma_wait3A_334, %dma_wait3A_335] : memref<10240x128xf32, #tpu.memory_space<hbm>> -> memref<128x128xf32, #tpu.memory_space<hbm>>
      tpu.wait_dma2 semaphore(%arg12 : memref<!tpu.dma_semaphore, #tpu.memory_space<semaphore_mem>>) src(%dma_wait3A_336 : memref<128x128xf32, #tpu.memory_space<hbm>>) dst(%dma_wait3A_333 : memref<128x128xf32, #tpu.memory_space<vmem>>)
      %run_scoped3A_337 = arith.constant 0 : i32
      "tpu.region"() ({
        %run_scoped3A_649 = tpu.sem_alloc : memref<!tpu.dma_semaphore, #tpu.memory_space<semaphore_mem>>
        %dma_start3A_650 = arith.constant 0 : i32
        %dma_start3A_651 = arith.constant 0 : i32
        %dma_start3A_652 = tpu.memref_slice %arg10[%dma_start3A_650, %dma_start3A_651] : memref<256x128xf32, #tpu.memory_space<vmem>> -> memref<128x128xf32, #tpu.memory_space<vmem>>
        %dma_start3A_653 = arith.constant 0 : i32
        %dma_start3A_654 = tpu.memref_slice %arg9[%run_scoped3A_337, %dma_start3A_653] : memref<8x128xi32, #tpu.memory_space<vmem>> -> memref<1x128xi32, #tpu.memory_space<vmem>>
        %dma_start3A_655 = tpu.memref_squeeze %dma_start3A_654 : memref<1x128xi32, #tpu.memory_space<vmem>> -> memref<128xi32, #tpu.memory_space<vmem>>
        %dma_start3A_656 = arith.constant 0 : i32
        %dma_start3A_657 = arith.constant 0 : i32
        %dma_start3A_658 = tpu.memref_slice %arg16[%dma_start3A_656, %dma_start3A_657] : memref<10240x128xf32, #tpu.memory_space<vmem_shared>> -> memref<10240x128xf32, #tpu.memory_space<vmem_shared>>
        tpu.enqueue_indirect_dma source(%dma_start3A_652 : memref<128x128xf32, #tpu.memory_space<vmem>>) target(%dma_start3A_658 : memref<10240x128xf32, #tpu.memory_space<vmem_shared>>) offsets(%dma_start3A_655 : memref<128xi32, #tpu.memory_space<vmem>>) semaphore(%run_scoped3A_649 : memref<!tpu.dma_semaphore, #tpu.memory_space<semaphore_mem>>) {add = true}
        %dma_wait3A_659 = arith.constant 0 : i32
        %dma_wait3A_660 = arith.constant 0 : i32
        %dma_wait3A_661 = tpu.memref_slice %arg10[%dma_wait3A_659, %dma_wait3A_660] : memref<256x128xf32, #tpu.memory_space<vmem>> -> memref<128x128xf32, #tpu.memory_space<vmem>>
        %dma_wait3A_662 = arith.constant 0 : i32
        %dma_wait3A_663 = tpu.memref_slice %arg9[%run_scoped3A_337, %dma_wait3A_662] : memref<8x128xi32, #tpu.memory_space<vmem>> -> memref<1x128xi32, #tpu.memory_space<vmem>>
        %dma_wait3A_664 = tpu.memref_squeeze %dma_wait3A_663 : memref<1x128xi32, #tpu.memory_space<vmem>> -> memref<128xi32, #tpu.memory_space<vmem>>
        %dma_wait3A_665 = arith.constant 0 : i32
        %dma_wait3A_666 = arith.constant 0 : i32
        %dma_wait3A_667 = tpu.memref_slice %arg16[%dma_wait3A_665, %dma_wait3A_666] : memref<10240x128xf32, #tpu.memory_space<vmem_shared>> -> memref<10240x128xf32, #tpu.memory_space<vmem_shared>>
        tpu.wait_indirect_dma semaphore(%run_scoped3A_649 : memref<!tpu.dma_semaphore, #tpu.memory_space<semaphore_mem>>) src(%dma_wait3A_661 : memref<128x128xf32, #tpu.memory_space<vmem>>) dst(%dma_wait3A_667 : memref<10240x128xf32, #tpu.memory_space<vmem_shared>>)
        tpu.yield
      }) : () -> ()
      %dma_start3A_338 = arith.constant 2 : i32
      %dma_start3A_339 = arith.constant 0 : i32
      %dma_start3A_340 = arith.constant 0 : i32
      %dma_start3A_341 = tpu.memref_slice %arg10[%dma_start3A_339, %dma_start3A_340] : memref<256x128xf32, #tpu.memory_space<vmem>> -> memref<128x128xf32, #tpu.memory_space<vmem>>
      %dma_start3A_342 = arith.constant 0 : i32
      %dma_start3A_343 = tpu.memref_slice %arg8[%dma_start3A_338, %dma_start3A_342] : memref<8x128xi32, #tpu.memory_space<vmem>> -> memref<1x128xi32, #tpu.memory_space<vmem>>
      %dma_start3A_344 = tpu.memref_squeeze %dma_start3A_343 : memref<1x128xi32, #tpu.memory_space<vmem>> -> memref<128xi32, #tpu.memory_space<vmem>>
      %dma_start3A_345 = arith.constant 0 : i32
      %dma_start3A_346 = arith.constant 0 : i32
      %dma_start3A_347 = tpu.memref_slice %arg2[%dma_start3A_345, %dma_start3A_346] : memref<10240x128xf32, #tpu.memory_space<hbm>> -> memref<10240x128xf32, #tpu.memory_space<hbm>>
      tpu.enqueue_indirect_dma source(%dma_start3A_347 : memref<10240x128xf32, #tpu.memory_space<hbm>>) target(%dma_start3A_341 : memref<128x128xf32, #tpu.memory_space<vmem>>) offsets(%dma_start3A_344 : memref<128xi32, #tpu.memory_space<vmem>>) semaphore(%arg12 : memref<!tpu.dma_semaphore, #tpu.memory_space<semaphore_mem>>)
      %dma_wait3A_348 = arith.constant 128 : i32
      %dma_wait3A_349 = arith.constant 0 : i32
      %dma_wait3A_350 = tpu.memref_slice %arg10[%dma_wait3A_348, %dma_wait3A_349] : memref<256x128xf32, #tpu.memory_space<vmem>> -> memref<128x128xf32, #tpu.memory_space<vmem>>
      %dma_wait3A_351 = arith.constant 0 : i32
      %dma_wait3A_352 = arith.constant 0 : i32
      %dma_wait3A_353 = tpu.memref_slice %arg2[%dma_wait3A_351, %dma_wait3A_352] : memref<10240x128xf32, #tpu.memory_space<hbm>> -> memref<128x128xf32, #tpu.memory_space<hbm>>
      %dma_wait3A_354 = arith.constant 128 : i32
      %dma_wait3A_355 = arith.constant 0 : i32
      %dma_wait3A_356 = tpu.memref_slice %arg10[%dma_wait3A_354, %dma_wait3A_355] : memref<256x128xf32, #tpu.memory_space<vmem>> -> memref<128x128xf32, #tpu.memory_space<vmem>>
      %dma_wait3A_357 = arith.constant 0 : i32
      %dma_wait3A_358 = arith.constant 0 : i32
      %dma_wait3A_359 = tpu.memref_slice %arg2[%dma_wait3A_357, %dma_wait3A_358] : memref<10240x128xf32, #tpu.memory_space<hbm>> -> memref<128x128xf32, #tpu.memory_space<hbm>>
      tpu.wait_dma2 semaphore(%arg13 : memref<!tpu.dma_semaphore, #tpu.memory_space<semaphore_mem>>) src(%dma_wait3A_359 : memref<128x128xf32, #tpu.memory_space<hbm>>) dst(%dma_wait3A_356 : memref<128x128xf32, #tpu.memory_space<vmem>>)
      %run_scoped3A_360 = arith.constant 1 : i32
      "tpu.region"() ({
        %run_scoped3A_649 = tpu.sem_alloc : memref<!tpu.dma_semaphore, #tpu.memory_space<semaphore_mem>>
        %dma_start3A_650 = arith.constant 128 : i32
        %dma_start3A_651 = arith.constant 0 : i32
        %dma_start3A_652 = tpu.memref_slice %arg10[%dma_start3A_650, %dma_start3A_651] : memref<256x128xf32, #tpu.memory_space<vmem>> -> memref<128x128xf32, #tpu.memory_space<vmem>>
        %dma_start3A_653 = arith.constant 0 : i32
        %dma_start3A_654 = tpu.memref_slice %arg9[%run_scoped3A_360, %dma_start3A_653] : memref<8x128xi32, #tpu.memory_space<vmem>> -> memref<1x128xi32, #tpu.memory_space<vmem>>
        %dma_start3A_655 = tpu.memref_squeeze %dma_start3A_654 : memref<1x128xi32, #tpu.memory_space<vmem>> -> memref<128xi32, #tpu.memory_space<vmem>>
        %dma_start3A_656 = arith.constant 0 : i32
        %dma_start3A_657 = arith.constant 0 : i32
        %dma_start3A_658 = tpu.memref_slice %arg16[%dma_start3A_656, %dma_start3A_657] : memref<10240x128xf32, #tpu.memory_space<vmem_shared>> -> memref<10240x128xf32, #tpu.memory_space<vmem_shared>>
        tpu.enqueue_indirect_dma source(%dma_start3A_652 : memref<128x128xf32, #tpu.memory_space<vmem>>) target(%dma_start3A_658 : memref<10240x128xf32, #tpu.memory_space<vmem_shared>>) offsets(%dma_start3A_655 : memref<128xi32, #tpu.memory_space<vmem>>) semaphore(%run_scoped3A_649 : memref<!tpu.dma_semaphore, #tpu.memory_space<semaphore_mem>>) {add = true}
        %dma_wait3A_659 = arith.constant 128 : i32
        %dma_wait3A_660 = arith.constant 0 : i32
        %dma_wait3A_661 = tpu.memref_slice %arg10[%dma_wait3A_659, %dma_wait3A_660] : memref<256x128xf32, #tpu.memory_space<vmem>> -> memref<128x128xf32, #tpu.memory_space<vmem>>
        %dma_wait3A_662 = arith.constant 0 : i32
        %dma_wait3A_663 = tpu.memref_slice %arg9[%run_scoped3A_360, %dma_wait3A_662] : memref<8x128xi32, #tpu.memory_space<vmem>> -> memref<1x128xi32, #tpu.memory_space<vmem>>
        %dma_wait3A_664 = tpu.memref_squeeze %dma_wait3A_663 : memref<1x128xi32, #tpu.memory_space<vmem>> -> memref<128xi32, #tpu.memory_space<vmem>>
        %dma_wait3A_665 = arith.constant 0 : i32
        %dma_wait3A_666 = arith.constant 0 : i32
        %dma_wait3A_667 = tpu.memref_slice %arg16[%dma_wait3A_665, %dma_wait3A_666] : memref<10240x128xf32, #tpu.memory_space<vmem_shared>> -> memref<10240x128xf32, #tpu.memory_space<vmem_shared>>
        tpu.wait_indirect_dma semaphore(%run_scoped3A_649 : memref<!tpu.dma_semaphore, #tpu.memory_space<semaphore_mem>>) src(%dma_wait3A_661 : memref<128x128xf32, #tpu.memory_space<vmem>>) dst(%dma_wait3A_667 : memref<10240x128xf32, #tpu.memory_space<vmem_shared>>)
        tpu.yield
      }) : () -> ()
      %dma_start3A_361 = arith.constant 3 : i32
      %dma_start3A_362 = arith.constant 128 : i32
      %dma_start3A_363 = arith.constant 0 : i32
      %dma_start3A_364 = tpu.memref_slice %arg10[%dma_start3A_362, %dma_start3A_363] : memref<256x128xf32, #tpu.memory_space<vmem>> -> memref<128x128xf32, #tpu.memory_space<vmem>>
      %dma_start3A_365 = arith.constant 0 : i32
      %dma_start3A_366 = tpu.memref_slice %arg8[%dma_start3A_361, %dma_start3A_365] : memref<8x128xi32, #tpu.memory_space<vmem>> -> memref<1x128xi32, #tpu.memory_space<vmem>>
      %dma_start3A_367 = tpu.memref_squeeze %dma_start3A_366 : memref<1x128xi32, #tpu.memory_space<vmem>> -> memref<128xi32, #tpu.memory_space<vmem>>
      %dma_start3A_368 = arith.constant 0 : i32
      %dma_start3A_369 = arith.constant 0 : i32
      %dma_start3A_370 = tpu.memref_slice %arg2[%dma_start3A_368, %dma_start3A_369] : memref<10240x128xf32, #tpu.memory_space<hbm>> -> memref<10240x128xf32, #tpu.memory_space<hbm>>
      tpu.enqueue_indirect_dma source(%dma_start3A_370 : memref<10240x128xf32, #tpu.memory_space<hbm>>) target(%dma_start3A_364 : memref<128x128xf32, #tpu.memory_space<vmem>>) offsets(%dma_start3A_367 : memref<128xi32, #tpu.memory_space<vmem>>) semaphore(%arg13 : memref<!tpu.dma_semaphore, #tpu.memory_space<semaphore_mem>>)
      %dma_wait3A_371 = arith.constant 0 : i32
      %dma_wait3A_372 = arith.constant 0 : i32
      %dma_wait3A_373 = tpu.memref_slice %arg10[%dma_wait3A_371, %dma_wait3A_372] : memref<256x128xf32, #tpu.memory_space<vmem>> -> memref<128x128xf32, #tpu.memory_space<vmem>>
      %dma_wait3A_374 = arith.constant 0 : i32
      %dma_wait3A_375 = arith.constant 0 : i32
      %dma_wait3A_376 = tpu.memref_slice %arg2[%dma_wait3A_374, %dma_wait3A_375] : memref<10240x128xf32, #tpu.memory_space<hbm>> -> memref<128x128xf32, #tpu.memory_space<hbm>>
      %dma_wait3A_377 = arith.constant 0 : i32
      %dma_wait3A_378 = arith.constant 0 : i32
      %dma_wait3A_379 = tpu.memref_slice %arg10[%dma_wait3A_377, %dma_wait3A_378] : memref<256x128xf32, #tpu.memory_space<vmem>> -> memref<128x128xf32, #tpu.memory_space<vmem>>
      %dma_wait3A_380 = arith.constant 0 : i32
      %dma_wait3A_381 = arith.constant 0 : i32
      %dma_wait3A_382 = tpu.memref_slice %arg2[%dma_wait3A_380, %dma_wait3A_381] : memref<10240x128xf32, #tpu.memory_space<hbm>> -> memref<128x128xf32, #tpu.memory_space<hbm>>
      tpu.wait_dma2 semaphore(%arg12 : memref<!tpu.dma_semaphore, #tpu.memory_space<semaphore_mem>>) src(%dma_wait3A_382 : memref<128x128xf32, #tpu.memory_space<hbm>>) dst(%dma_wait3A_379 : memref<128x128xf32, #tpu.memory_space<vmem>>)
      %run_scoped3A_383 = arith.constant 2 : i32
      "tpu.region"() ({
        %run_scoped3A_649 = tpu.sem_alloc : memref<!tpu.dma_semaphore, #tpu.memory_space<semaphore_mem>>
        %dma_start3A_650 = arith.constant 0 : i32
        %dma_start3A_651 = arith.constant 0 : i32
        %dma_start3A_652 = tpu.memref_slice %arg10[%dma_start3A_650, %dma_start3A_651] : memref<256x128xf32, #tpu.memory_space<vmem>> -> memref<128x128xf32, #tpu.memory_space<vmem>>
        %dma_start3A_653 = arith.constant 0 : i32
        %dma_start3A_654 = tpu.memref_slice %arg9[%run_scoped3A_383, %dma_start3A_653] : memref<8x128xi32, #tpu.memory_space<vmem>> -> memref<1x128xi32, #tpu.memory_space<vmem>>
        %dma_start3A_655 = tpu.memref_squeeze %dma_start3A_654 : memref<1x128xi32, #tpu.memory_space<vmem>> -> memref<128xi32, #tpu.memory_space<vmem>>
        %dma_start3A_656 = arith.constant 0 : i32
        %dma_start3A_657 = arith.constant 0 : i32
        %dma_start3A_658 = tpu.memref_slice %arg16[%dma_start3A_656, %dma_start3A_657] : memref<10240x128xf32, #tpu.memory_space<vmem_shared>> -> memref<10240x128xf32, #tpu.memory_space<vmem_shared>>
        tpu.enqueue_indirect_dma source(%dma_start3A_652 : memref<128x128xf32, #tpu.memory_space<vmem>>) target(%dma_start3A_658 : memref<10240x128xf32, #tpu.memory_space<vmem_shared>>) offsets(%dma_start3A_655 : memref<128xi32, #tpu.memory_space<vmem>>) semaphore(%run_scoped3A_649 : memref<!tpu.dma_semaphore, #tpu.memory_space<semaphore_mem>>) {add = true}
        %dma_wait3A_659 = arith.constant 0 : i32
        %dma_wait3A_660 = arith.constant 0 : i32
        %dma_wait3A_661 = tpu.memref_slice %arg10[%dma_wait3A_659, %dma_wait3A_660] : memref<256x128xf32, #tpu.memory_space<vmem>> -> memref<128x128xf32, #tpu.memory_space<vmem>>
        %dma_wait3A_662 = arith.constant 0 : i32
        %dma_wait3A_663 = tpu.memref_slice %arg9[%run_scoped3A_383, %dma_wait3A_662] : memref<8x128xi32, #tpu.memory_space<vmem>> -> memref<1x128xi32, #tpu.memory_space<vmem>>
        %dma_wait3A_664 = tpu.memref_squeeze %dma_wait3A_663 : memref<1x128xi32, #tpu.memory_space<vmem>> -> memref<128xi32, #tpu.memory_space<vmem>>
        %dma_wait3A_665 = arith.constant 0 : i32
        %dma_wait3A_666 = arith.constant 0 : i32
        %dma_wait3A_667 = tpu.memref_slice %arg16[%dma_wait3A_665, %dma_wait3A_666] : memref<10240x128xf32, #tpu.memory_space<vmem_shared>> -> memref<10240x128xf32, #tpu.memory_space<vmem_shared>>
        tpu.wait_indirect_dma semaphore(%run_scoped3A_649 : memref<!tpu.dma_semaphore, #tpu.memory_space<semaphore_mem>>) src(%dma_wait3A_661 : memref<128x128xf32, #tpu.memory_space<vmem>>) dst(%dma_wait3A_667 : memref<10240x128xf32, #tpu.memory_space<vmem_shared>>)
        tpu.yield
      }) : () -> ()
      %dma_start3A_384 = arith.constant 4 : i32
      %dma_start3A_385 = arith.constant 0 : i32
      %dma_start3A_386 = arith.constant 0 : i32
      %dma_start3A_387 = tpu.memref_slice %arg10[%dma_start3A_385, %dma_start3A_386] : memref<256x128xf32, #tpu.memory_space<vmem>> -> memref<128x128xf32, #tpu.memory_space<vmem>>
      %dma_start3A_388 = arith.constant 0 : i32
      %dma_start3A_389 = tpu.memref_slice %arg8[%dma_start3A_384, %dma_start3A_388] : memref<8x128xi32, #tpu.memory_space<vmem>> -> memref<1x128xi32, #tpu.memory_space<vmem>>
      %dma_start3A_390 = tpu.memref_squeeze %dma_start3A_389 : memref<1x128xi32, #tpu.memory_space<vmem>> -> memref<128xi32, #tpu.memory_space<vmem>>
      %dma_start3A_391 = arith.constant 0 : i32
      %dma_start3A_392 = arith.constant 0 : i32
      %dma_start3A_393 = tpu.memref_slice %arg2[%dma_start3A_391, %dma_start3A_392] : memref<10240x128xf32, #tpu.memory_space<hbm>> -> memref<10240x128xf32, #tpu.memory_space<hbm>>
      tpu.enqueue_indirect_dma source(%dma_start3A_393 : memref<10240x128xf32, #tpu.memory_space<hbm>>) target(%dma_start3A_387 : memref<128x128xf32, #tpu.memory_space<vmem>>) offsets(%dma_start3A_390 : memref<128xi32, #tpu.memory_space<vmem>>) semaphore(%arg12 : memref<!tpu.dma_semaphore, #tpu.memory_space<semaphore_mem>>)
      %dma_wait3A_394 = arith.constant 128 : i32
      %dma_wait3A_395 = arith.constant 0 : i32
      %dma_wait3A_396 = tpu.memref_slice %arg10[%dma_wait3A_394, %dma_wait3A_395] : memref<256x128xf32, #tpu.memory_space<vmem>> -> memref<128x128xf32, #tpu.memory_space<vmem>>
      %dma_wait3A_397 = arith.constant 0 : i32
      %dma_wait3A_398 = arith.constant 0 : i32
      %dma_wait3A_399 = tpu.memref_slice %arg2[%dma_wait3A_397, %dma_wait3A_398] : memref<10240x128xf32, #tpu.memory_space<hbm>> -> memref<128x128xf32, #tpu.memory_space<hbm>>
      %dma_wait3A_400 = arith.constant 128 : i32
      %dma_wait3A_401 = arith.constant 0 : i32
      %dma_wait3A_402 = tpu.memref_slice %arg10[%dma_wait3A_400, %dma_wait3A_401] : memref<256x128xf32, #tpu.memory_space<vmem>> -> memref<128x128xf32, #tpu.memory_space<vmem>>
      %dma_wait3A_403 = arith.constant 0 : i32
      %dma_wait3A_404 = arith.constant 0 : i32
      %dma_wait3A_405 = tpu.memref_slice %arg2[%dma_wait3A_403, %dma_wait3A_404] : memref<10240x128xf32, #tpu.memory_space<hbm>> -> memref<128x128xf32, #tpu.memory_space<hbm>>
      tpu.wait_dma2 semaphore(%arg13 : memref<!tpu.dma_semaphore, #tpu.memory_space<semaphore_mem>>) src(%dma_wait3A_405 : memref<128x128xf32, #tpu.memory_space<hbm>>) dst(%dma_wait3A_402 : memref<128x128xf32, #tpu.memory_space<vmem>>)
      %run_scoped3A_406 = arith.constant 3 : i32
      "tpu.region"() ({
        %run_scoped3A_649 = tpu.sem_alloc : memref<!tpu.dma_semaphore, #tpu.memory_space<semaphore_mem>>
        %dma_start3A_650 = arith.constant 128 : i32
        %dma_start3A_651 = arith.constant 0 : i32
        %dma_start3A_652 = tpu.memref_slice %arg10[%dma_start3A_650, %dma_start3A_651] : memref<256x128xf32, #tpu.memory_space<vmem>> -> memref<128x128xf32, #tpu.memory_space<vmem>>
        %dma_start3A_653 = arith.constant 0 : i32
        %dma_start3A_654 = tpu.memref_slice %arg9[%run_scoped3A_406, %dma_start3A_653] : memref<8x128xi32, #tpu.memory_space<vmem>> -> memref<1x128xi32, #tpu.memory_space<vmem>>
        %dma_start3A_655 = tpu.memref_squeeze %dma_start3A_654 : memref<1x128xi32, #tpu.memory_space<vmem>> -> memref<128xi32, #tpu.memory_space<vmem>>
        %dma_start3A_656 = arith.constant 0 : i32
        %dma_start3A_657 = arith.constant 0 : i32
        %dma_start3A_658 = tpu.memref_slice %arg16[%dma_start3A_656, %dma_start3A_657] : memref<10240x128xf32, #tpu.memory_space<vmem_shared>> -> memref<10240x128xf32, #tpu.memory_space<vmem_shared>>
        tpu.enqueue_indirect_dma source(%dma_start3A_652 : memref<128x128xf32, #tpu.memory_space<vmem>>) target(%dma_start3A_658 : memref<10240x128xf32, #tpu.memory_space<vmem_shared>>) offsets(%dma_start3A_655 : memref<128xi32, #tpu.memory_space<vmem>>) semaphore(%run_scoped3A_649 : memref<!tpu.dma_semaphore, #tpu.memory_space<semaphore_mem>>) {add = true}
        %dma_wait3A_659 = arith.constant 128 : i32
        %dma_wait3A_660 = arith.constant 0 : i32
        %dma_wait3A_661 = tpu.memref_slice %arg10[%dma_wait3A_659, %dma_wait3A_660] : memref<256x128xf32, #tpu.memory_space<vmem>> -> memref<128x128xf32, #tpu.memory_space<vmem>>
        %dma_wait3A_662 = arith.constant 0 : i32
        %dma_wait3A_663 = tpu.memref_slice %arg9[%run_scoped3A_406, %dma_wait3A_662] : memref<8x128xi32, #tpu.memory_space<vmem>> -> memref<1x128xi32, #tpu.memory_space<vmem>>
        %dma_wait3A_664 = tpu.memref_squeeze %dma_wait3A_663 : memref<1x128xi32, #tpu.memory_space<vmem>> -> memref<128xi32, #tpu.memory_space<vmem>>
        %dma_wait3A_665 = arith.constant 0 : i32
        %dma_wait3A_666 = arith.constant 0 : i32
        %dma_wait3A_667 = tpu.memref_slice %arg16[%dma_wait3A_665, %dma_wait3A_666] : memref<10240x128xf32, #tpu.memory_space<vmem_shared>> -> memref<10240x128xf32, #tpu.memory_space<vmem_shared>>
        tpu.wait_indirect_dma semaphore(%run_scoped3A_649 : memref<!tpu.dma_semaphore, #tpu.memory_space<semaphore_mem>>) src(%dma_wait3A_661 : memref<128x128xf32, #tpu.memory_space<vmem>>) dst(%dma_wait3A_667 : memref<10240x128xf32, #tpu.memory_space<vmem_shared>>)
        tpu.yield
      }) : () -> ()
      %dma_start3A_407 = arith.constant 5 : i32
      %dma_start3A_408 = arith.constant 128 : i32
      %dma_start3A_409 = arith.constant 0 : i32
      %dma_start3A_410 = tpu.memref_slice %arg10[%dma_start3A_408, %dma_start3A_409] : memref<256x128xf32, #tpu.memory_space<vmem>> -> memref<128x128xf32, #tpu.memory_space<vmem>>
      %dma_start3A_411 = arith.constant 0 : i32
      %dma_start3A_412 = tpu.memref_slice %arg8[%dma_start3A_407, %dma_start3A_411] : memref<8x128xi32, #tpu.memory_space<vmem>> -> memref<1x128xi32, #tpu.memory_space<vmem>>
      %dma_start3A_413 = tpu.memref_squeeze %dma_start3A_412 : memref<1x128xi32, #tpu.memory_space<vmem>> -> memref<128xi32, #tpu.memory_space<vmem>>
      %dma_start3A_414 = arith.constant 0 : i32
      %dma_start3A_415 = arith.constant 0 : i32
      %dma_start3A_416 = tpu.memref_slice %arg2[%dma_start3A_414, %dma_start3A_415] : memref<10240x128xf32, #tpu.memory_space<hbm>> -> memref<10240x128xf32, #tpu.memory_space<hbm>>
      tpu.enqueue_indirect_dma source(%dma_start3A_416 : memref<10240x128xf32, #tpu.memory_space<hbm>>) target(%dma_start3A_410 : memref<128x128xf32, #tpu.memory_space<vmem>>) offsets(%dma_start3A_413 : memref<128xi32, #tpu.memory_space<vmem>>) semaphore(%arg13 : memref<!tpu.dma_semaphore, #tpu.memory_space<semaphore_mem>>)
      %dma_wait3A_417 = arith.constant 0 : i32
      %dma_wait3A_418 = arith.constant 0 : i32
      %dma_wait3A_419 = tpu.memref_slice %arg10[%dma_wait3A_417, %dma_wait3A_418] : memref<256x128xf32, #tpu.memory_space<vmem>> -> memref<128x128xf32, #tpu.memory_space<vmem>>
      %dma_wait3A_420 = arith.constant 0 : i32
      %dma_wait3A_421 = arith.constant 0 : i32
      %dma_wait3A_422 = tpu.memref_slice %arg2[%dma_wait3A_420, %dma_wait3A_421] : memref<10240x128xf32, #tpu.memory_space<hbm>> -> memref<128x128xf32, #tpu.memory_space<hbm>>
      %dma_wait3A_423 = arith.constant 0 : i32
      %dma_wait3A_424 = arith.constant 0 : i32
      %dma_wait3A_425 = tpu.memref_slice %arg10[%dma_wait3A_423, %dma_wait3A_424] : memref<256x128xf32, #tpu.memory_space<vmem>> -> memref<128x128xf32, #tpu.memory_space<vmem>>
      %dma_wait3A_426 = arith.constant 0 : i32
      %dma_wait3A_427 = arith.constant 0 : i32
      %dma_wait3A_428 = tpu.memref_slice %arg2[%dma_wait3A_426, %dma_wait3A_427] : memref<10240x128xf32, #tpu.memory_space<hbm>> -> memref<128x128xf32, #tpu.memory_space<hbm>>
      tpu.wait_dma2 semaphore(%arg12 : memref<!tpu.dma_semaphore, #tpu.memory_space<semaphore_mem>>) src(%dma_wait3A_428 : memref<128x128xf32, #tpu.memory_space<hbm>>) dst(%dma_wait3A_425 : memref<128x128xf32, #tpu.memory_space<vmem>>)
      %run_scoped3A_429 = arith.constant 4 : i32
      "tpu.region"() ({
        %run_scoped3A_649 = tpu.sem_alloc : memref<!tpu.dma_semaphore, #tpu.memory_space<semaphore_mem>>
        %dma_start3A_650 = arith.constant 0 : i32
        %dma_start3A_651 = arith.constant 0 : i32
        %dma_start3A_652 = tpu.memref_slice %arg10[%dma_start3A_650, %dma_start3A_651] : memref<256x128xf32, #tpu.memory_space<vmem>> -> memref<128x128xf32, #tpu.memory_space<vmem>>
        %dma_start3A_653 = arith.constant 0 : i32
        %dma_start3A_654 = tpu.memref_slice %arg9[%run_scoped3A_429, %dma_start3A_653] : memref<8x128xi32, #tpu.memory_space<vmem>> -> memref<1x128xi32, #tpu.memory_space<vmem>>
        %dma_start3A_655 = tpu.memref_squeeze %dma_start3A_654 : memref<1x128xi32, #tpu.memory_space<vmem>> -> memref<128xi32, #tpu.memory_space<vmem>>
        %dma_start3A_656 = arith.constant 0 : i32
        %dma_start3A_657 = arith.constant 0 : i32
        %dma_start3A_658 = tpu.memref_slice %arg16[%dma_start3A_656, %dma_start3A_657] : memref<10240x128xf32, #tpu.memory_space<vmem_shared>> -> memref<10240x128xf32, #tpu.memory_space<vmem_shared>>
        tpu.enqueue_indirect_dma source(%dma_start3A_652 : memref<128x128xf32, #tpu.memory_space<vmem>>) target(%dma_start3A_658 : memref<10240x128xf32, #tpu.memory_space<vmem_shared>>) offsets(%dma_start3A_655 : memref<128xi32, #tpu.memory_space<vmem>>) semaphore(%run_scoped3A_649 : memref<!tpu.dma_semaphore, #tpu.memory_space<semaphore_mem>>) {add = true}
        %dma_wait3A_659 = arith.constant 0 : i32
        %dma_wait3A_660 = arith.constant 0 : i32
        %dma_wait3A_661 = tpu.memref_slice %arg10[%dma_wait3A_659, %dma_wait3A_660] : memref<256x128xf32, #tpu.memory_space<vmem>> -> memref<128x128xf32, #tpu.memory_space<vmem>>
        %dma_wait3A_662 = arith.constant 0 : i32
        %dma_wait3A_663 = tpu.memref_slice %arg9[%run_scoped3A_429, %dma_wait3A_662] : memref<8x128xi32, #tpu.memory_space<vmem>> -> memref<1x128xi32, #tpu.memory_space<vmem>>
        %dma_wait3A_664 = tpu.memref_squeeze %dma_wait3A_663 : memref<1x128xi32, #tpu.memory_space<vmem>> -> memref<128xi32, #tpu.memory_space<vmem>>
        %dma_wait3A_665 = arith.constant 0 : i32
        %dma_wait3A_666 = arith.constant 0 : i32
        %dma_wait3A_667 = tpu.memref_slice %arg16[%dma_wait3A_665, %dma_wait3A_666] : memref<10240x128xf32, #tpu.memory_space<vmem_shared>> -> memref<10240x128xf32, #tpu.memory_space<vmem_shared>>
        tpu.wait_indirect_dma semaphore(%run_scoped3A_649 : memref<!tpu.dma_semaphore, #tpu.memory_space<semaphore_mem>>) src(%dma_wait3A_661 : memref<128x128xf32, #tpu.memory_space<vmem>>) dst(%dma_wait3A_667 : memref<10240x128xf32, #tpu.memory_space<vmem_shared>>)
        tpu.yield
      }) : () -> ()
      %dma_start3A_430 = arith.constant 6 : i32
      %dma_start3A_431 = arith.constant 0 : i32
      %dma_start3A_432 = arith.constant 0 : i32
      %dma_start3A_433 = tpu.memref_slice %arg10[%dma_start3A_431, %dma_start3A_432] : memref<256x128xf32, #tpu.memory_space<vmem>> -> memref<128x128xf32, #tpu.memory_space<vmem>>
      %dma_start3A_434 = arith.constant 0 : i32
      %dma_start3A_435 = tpu.memref_slice %arg8[%dma_start3A_430, %dma_start3A_434] : memref<8x128xi32, #tpu.memory_space<vmem>> -> memref<1x128xi32, #tpu.memory_space<vmem>>
      %dma_start3A_436 = tpu.memref_squeeze %dma_start3A_435 : memref<1x128xi32, #tpu.memory_space<vmem>> -> memref<128xi32, #tpu.memory_space<vmem>>
      %dma_start3A_437 = arith.constant 0 : i32
      %dma_start3A_438 = arith.constant 0 : i32
      %dma_start3A_439 = tpu.memref_slice %arg2[%dma_start3A_437, %dma_start3A_438] : memref<10240x128xf32, #tpu.memory_space<hbm>> -> memref<10240x128xf32, #tpu.memory_space<hbm>>
      tpu.enqueue_indirect_dma source(%dma_start3A_439 : memref<10240x128xf32, #tpu.memory_space<hbm>>) target(%dma_start3A_433 : memref<128x128xf32, #tpu.memory_space<vmem>>) offsets(%dma_start3A_436 : memref<128xi32, #tpu.memory_space<vmem>>) semaphore(%arg12 : memref<!tpu.dma_semaphore, #tpu.memory_space<semaphore_mem>>)
      %dma_wait3A_440 = arith.constant 128 : i32
      %dma_wait3A_441 = arith.constant 0 : i32
      %dma_wait3A_442 = tpu.memref_slice %arg10[%dma_wait3A_440, %dma_wait3A_441] : memref<256x128xf32, #tpu.memory_space<vmem>> -> memref<128x128xf32, #tpu.memory_space<vmem>>
      %dma_wait3A_443 = arith.constant 0 : i32
      %dma_wait3A_444 = arith.constant 0 : i32
      %dma_wait3A_445 = tpu.memref_slice %arg2[%dma_wait3A_443, %dma_wait3A_444] : memref<10240x128xf32, #tpu.memory_space<hbm>> -> memref<128x128xf32, #tpu.memory_space<hbm>>
      %dma_wait3A_446 = arith.constant 128 : i32
      %dma_wait3A_447 = arith.constant 0 : i32
      %dma_wait3A_448 = tpu.memref_slice %arg10[%dma_wait3A_446, %dma_wait3A_447] : memref<256x128xf32, #tpu.memory_space<vmem>> -> memref<128x128xf32, #tpu.memory_space<vmem>>
      %dma_wait3A_449 = arith.constant 0 : i32
      %dma_wait3A_450 = arith.constant 0 : i32
      %dma_wait3A_451 = tpu.memref_slice %arg2[%dma_wait3A_449, %dma_wait3A_450] : memref<10240x128xf32, #tpu.memory_space<hbm>> -> memref<128x128xf32, #tpu.memory_space<hbm>>
      tpu.wait_dma2 semaphore(%arg13 : memref<!tpu.dma_semaphore, #tpu.memory_space<semaphore_mem>>) src(%dma_wait3A_451 : memref<128x128xf32, #tpu.memory_space<hbm>>) dst(%dma_wait3A_448 : memref<128x128xf32, #tpu.memory_space<vmem>>)
      %run_scoped3A_452 = arith.constant 5 : i32
      "tpu.region"() ({
        %run_scoped3A_649 = tpu.sem_alloc : memref<!tpu.dma_semaphore, #tpu.memory_space<semaphore_mem>>
        %dma_start3A_650 = arith.constant 128 : i32
        %dma_start3A_651 = arith.constant 0 : i32
        %dma_start3A_652 = tpu.memref_slice %arg10[%dma_start3A_650, %dma_start3A_651] : memref<256x128xf32, #tpu.memory_space<vmem>> -> memref<128x128xf32, #tpu.memory_space<vmem>>
        %dma_start3A_653 = arith.constant 0 : i32
        %dma_start3A_654 = tpu.memref_slice %arg9[%run_scoped3A_452, %dma_start3A_653] : memref<8x128xi32, #tpu.memory_space<vmem>> -> memref<1x128xi32, #tpu.memory_space<vmem>>
        %dma_start3A_655 = tpu.memref_squeeze %dma_start3A_654 : memref<1x128xi32, #tpu.memory_space<vmem>> -> memref<128xi32, #tpu.memory_space<vmem>>
        %dma_start3A_656 = arith.constant 0 : i32
        %dma_start3A_657 = arith.constant 0 : i32
        %dma_start3A_658 = tpu.memref_slice %arg16[%dma_start3A_656, %dma_start3A_657] : memref<10240x128xf32, #tpu.memory_space<vmem_shared>> -> memref<10240x128xf32, #tpu.memory_space<vmem_shared>>
        tpu.enqueue_indirect_dma source(%dma_start3A_652 : memref<128x128xf32, #tpu.memory_space<vmem>>) target(%dma_start3A_658 : memref<10240x128xf32, #tpu.memory_space<vmem_shared>>) offsets(%dma_start3A_655 : memref<128xi32, #tpu.memory_space<vmem>>) semaphore(%run_scoped3A_649 : memref<!tpu.dma_semaphore, #tpu.memory_space<semaphore_mem>>) {add = true}
        %dma_wait3A_659 = arith.constant 128 : i32
        %dma_wait3A_660 = arith.constant 0 : i32
        %dma_wait3A_661 = tpu.memref_slice %arg10[%dma_wait3A_659, %dma_wait3A_660] : memref<256x128xf32, #tpu.memory_space<vmem>> -> memref<128x128xf32, #tpu.memory_space<vmem>>
        %dma_wait3A_662 = arith.constant 0 : i32
        %dma_wait3A_663 = tpu.memref_slice %arg9[%run_scoped3A_452, %dma_wait3A_662] : memref<8x128xi32, #tpu.memory_space<vmem>> -> memref<1x128xi32, #tpu.memory_space<vmem>>
        %dma_wait3A_664 = tpu.memref_squeeze %dma_wait3A_663 : memref<1x128xi32, #tpu.memory_space<vmem>> -> memref<128xi32, #tpu.memory_space<vmem>>
        %dma_wait3A_665 = arith.constant 0 : i32
        %dma_wait3A_666 = arith.constant 0 : i32
        %dma_wait3A_667 = tpu.memref_slice %arg16[%dma_wait3A_665, %dma_wait3A_666] : memref<10240x128xf32, #tpu.memory_space<vmem_shared>> -> memref<10240x128xf32, #tpu.memory_space<vmem_shared>>
        tpu.wait_indirect_dma semaphore(%run_scoped3A_649 : memref<!tpu.dma_semaphore, #tpu.memory_space<semaphore_mem>>) src(%dma_wait3A_661 : memref<128x128xf32, #tpu.memory_space<vmem>>) dst(%dma_wait3A_667 : memref<10240x128xf32, #tpu.memory_space<vmem_shared>>)
        tpu.yield
      }) : () -> ()
      %dma_start3A_453 = arith.constant 7 : i32
      %dma_start3A_454 = arith.constant 128 : i32
      %dma_start3A_455 = arith.constant 0 : i32
      %dma_start3A_456 = tpu.memref_slice %arg10[%dma_start3A_454, %dma_start3A_455] : memref<256x128xf32, #tpu.memory_space<vmem>> -> memref<128x128xf32, #tpu.memory_space<vmem>>
      %dma_start3A_457 = arith.constant 0 : i32
      %dma_start3A_458 = tpu.memref_slice %arg8[%dma_start3A_453, %dma_start3A_457] : memref<8x128xi32, #tpu.memory_space<vmem>> -> memref<1x128xi32, #tpu.memory_space<vmem>>
      %dma_start3A_459 = tpu.memref_squeeze %dma_start3A_458 : memref<1x128xi32, #tpu.memory_space<vmem>> -> memref<128xi32, #tpu.memory_space<vmem>>
      %dma_start3A_460 = arith.constant 0 : i32
      %dma_start3A_461 = arith.constant 0 : i32
      %dma_start3A_462 = tpu.memref_slice %arg2[%dma_start3A_460, %dma_start3A_461] : memref<10240x128xf32, #tpu.memory_space<hbm>> -> memref<10240x128xf32, #tpu.memory_space<hbm>>
      tpu.enqueue_indirect_dma source(%dma_start3A_462 : memref<10240x128xf32, #tpu.memory_space<hbm>>) target(%dma_start3A_456 : memref<128x128xf32, #tpu.memory_space<vmem>>) offsets(%dma_start3A_459 : memref<128xi32, #tpu.memory_space<vmem>>) semaphore(%arg13 : memref<!tpu.dma_semaphore, #tpu.memory_space<semaphore_mem>>)
      %dma_wait3A_463 = arith.constant 0 : i32
      %dma_wait3A_464 = arith.constant 0 : i32
      %dma_wait3A_465 = tpu.memref_slice %arg10[%dma_wait3A_463, %dma_wait3A_464] : memref<256x128xf32, #tpu.memory_space<vmem>> -> memref<128x128xf32, #tpu.memory_space<vmem>>
      %dma_wait3A_466 = arith.constant 0 : i32
      %dma_wait3A_467 = arith.constant 0 : i32
      %dma_wait3A_468 = tpu.memref_slice %arg2[%dma_wait3A_466, %dma_wait3A_467] : memref<10240x128xf32, #tpu.memory_space<hbm>> -> memref<128x128xf32, #tpu.memory_space<hbm>>
      %dma_wait3A_469 = arith.constant 0 : i32
      %dma_wait3A_470 = arith.constant 0 : i32
      %dma_wait3A_471 = tpu.memref_slice %arg10[%dma_wait3A_469, %dma_wait3A_470] : memref<256x128xf32, #tpu.memory_space<vmem>> -> memref<128x128xf32, #tpu.memory_space<vmem>>
      %dma_wait3A_472 = arith.constant 0 : i32
      %dma_wait3A_473 = arith.constant 0 : i32
      %dma_wait3A_474 = tpu.memref_slice %arg2[%dma_wait3A_472, %dma_wait3A_473] : memref<10240x128xf32, #tpu.memory_space<hbm>> -> memref<128x128xf32, #tpu.memory_space<hbm>>
      tpu.wait_dma2 semaphore(%arg12 : memref<!tpu.dma_semaphore, #tpu.memory_space<semaphore_mem>>) src(%dma_wait3A_474 : memref<128x128xf32, #tpu.memory_space<hbm>>) dst(%dma_wait3A_471 : memref<128x128xf32, #tpu.memory_space<vmem>>)
      %run_scoped3A_475 = arith.constant 6 : i32
      "tpu.region"() ({
        %run_scoped3A_649 = tpu.sem_alloc : memref<!tpu.dma_semaphore, #tpu.memory_space<semaphore_mem>>
        %dma_start3A_650 = arith.constant 0 : i32
        %dma_start3A_651 = arith.constant 0 : i32
        %dma_start3A_652 = tpu.memref_slice %arg10[%dma_start3A_650, %dma_start3A_651] : memref<256x128xf32, #tpu.memory_space<vmem>> -> memref<128x128xf32, #tpu.memory_space<vmem>>
        %dma_start3A_653 = arith.constant 0 : i32
        %dma_start3A_654 = tpu.memref_slice %arg9[%run_scoped3A_475, %dma_start3A_653] : memref<8x128xi32, #tpu.memory_space<vmem>> -> memref<1x128xi32, #tpu.memory_space<vmem>>
        %dma_start3A_655 = tpu.memref_squeeze %dma_start3A_654 : memref<1x128xi32, #tpu.memory_space<vmem>> -> memref<128xi32, #tpu.memory_space<vmem>>
        %dma_start3A_656 = arith.constant 0 : i32
        %dma_start3A_657 = arith.constant 0 : i32
        %dma_start3A_658 = tpu.memref_slice %arg16[%dma_start3A_656, %dma_start3A_657] : memref<10240x128xf32, #tpu.memory_space<vmem_shared>> -> memref<10240x128xf32, #tpu.memory_space<vmem_shared>>
        tpu.enqueue_indirect_dma source(%dma_start3A_652 : memref<128x128xf32, #tpu.memory_space<vmem>>) target(%dma_start3A_658 : memref<10240x128xf32, #tpu.memory_space<vmem_shared>>) offsets(%dma_start3A_655 : memref<128xi32, #tpu.memory_space<vmem>>) semaphore(%run_scoped3A_649 : memref<!tpu.dma_semaphore, #tpu.memory_space<semaphore_mem>>) {add = true}
        %dma_wait3A_659 = arith.constant 0 : i32
        %dma_wait3A_660 = arith.constant 0 : i32
        %dma_wait3A_661 = tpu.memref_slice %arg10[%dma_wait3A_659, %dma_wait3A_660] : memref<256x128xf32, #tpu.memory_space<vmem>> -> memref<128x128xf32, #tpu.memory_space<vmem>>
        %dma_wait3A_662 = arith.constant 0 : i32
        %dma_wait3A_663 = tpu.memref_slice %arg9[%run_scoped3A_475, %dma_wait3A_662] : memref<8x128xi32, #tpu.memory_space<vmem>> -> memref<1x128xi32, #tpu.memory_space<vmem>>
        %dma_wait3A_664 = tpu.memref_squeeze %dma_wait3A_663 : memref<1x128xi32, #tpu.memory_space<vmem>> -> memref<128xi32, #tpu.memory_space<vmem>>
        %dma_wait3A_665 = arith.constant 0 : i32
        %dma_wait3A_666 = arith.constant 0 : i32
        %dma_wait3A_667 = tpu.memref_slice %arg16[%dma_wait3A_665, %dma_wait3A_666] : memref<10240x128xf32, #tpu.memory_space<vmem_shared>> -> memref<10240x128xf32, #tpu.memory_space<vmem_shared>>
        tpu.wait_indirect_dma semaphore(%run_scoped3A_649 : memref<!tpu.dma_semaphore, #tpu.memory_space<semaphore_mem>>) src(%dma_wait3A_661 : memref<128x128xf32, #tpu.memory_space<vmem>>) dst(%dma_wait3A_667 : memref<10240x128xf32, #tpu.memory_space<vmem_shared>>)
        tpu.yield
      }) : () -> ()
      %dma_wait3A_476 = arith.constant 128 : i32
      %dma_wait3A_477 = arith.constant 0 : i32
      %dma_wait3A_478 = tpu.memref_slice %arg10[%dma_wait3A_476, %dma_wait3A_477] : memref<256x128xf32, #tpu.memory_space<vmem>> -> memref<128x128xf32, #tpu.memory_space<vmem>>
      %dma_wait3A_479 = arith.constant 0 : i32
      %dma_wait3A_480 = arith.constant 0 : i32
      %dma_wait3A_481 = tpu.memref_slice %arg2[%dma_wait3A_479, %dma_wait3A_480] : memref<10240x128xf32, #tpu.memory_space<hbm>> -> memref<128x128xf32, #tpu.memory_space<hbm>>
      %dma_wait3A_482 = arith.constant 128 : i32
      %dma_wait3A_483 = arith.constant 0 : i32
      %dma_wait3A_484 = tpu.memref_slice %arg10[%dma_wait3A_482, %dma_wait3A_483] : memref<256x128xf32, #tpu.memory_space<vmem>> -> memref<128x128xf32, #tpu.memory_space<vmem>>
      %dma_wait3A_485 = arith.constant 0 : i32
      %dma_wait3A_486 = arith.constant 0 : i32
      %dma_wait3A_487 = tpu.memref_slice %arg2[%dma_wait3A_485, %dma_wait3A_486] : memref<10240x128xf32, #tpu.memory_space<hbm>> -> memref<128x128xf32, #tpu.memory_space<hbm>>
      tpu.wait_dma2 semaphore(%arg13 : memref<!tpu.dma_semaphore, #tpu.memory_space<semaphore_mem>>) src(%dma_wait3A_487 : memref<128x128xf32, #tpu.memory_space<hbm>>) dst(%dma_wait3A_484 : memref<128x128xf32, #tpu.memory_space<vmem>>)
      %run_scoped3A_488 = arith.constant 7 : i32
      "tpu.region"() ({
        %run_scoped3A_649 = tpu.sem_alloc : memref<!tpu.dma_semaphore, #tpu.memory_space<semaphore_mem>>
        %dma_start3A_650 = arith.constant 128 : i32
        %dma_start3A_651 = arith.constant 0 : i32
        %dma_start3A_652 = tpu.memref_slice %arg10[%dma_start3A_650, %dma_start3A_651] : memref<256x128xf32, #tpu.memory_space<vmem>> -> memref<128x128xf32, #tpu.memory_space<vmem>>
        %dma_start3A_653 = arith.constant 0 : i32
        %dma_start3A_654 = tpu.memref_slice %arg9[%run_scoped3A_488, %dma_start3A_653] : memref<8x128xi32, #tpu.memory_space<vmem>> -> memref<1x128xi32, #tpu.memory_space<vmem>>
        %dma_start3A_655 = tpu.memref_squeeze %dma_start3A_654 : memref<1x128xi32, #tpu.memory_space<vmem>> -> memref<128xi32, #tpu.memory_space<vmem>>
        %dma_start3A_656 = arith.constant 0 : i32
        %dma_start3A_657 = arith.constant 0 : i32
        %dma_start3A_658 = tpu.memref_slice %arg16[%dma_start3A_656, %dma_start3A_657] : memref<10240x128xf32, #tpu.memory_space<vmem_shared>> -> memref<10240x128xf32, #tpu.memory_space<vmem_shared>>
        tpu.enqueue_indirect_dma source(%dma_start3A_652 : memref<128x128xf32, #tpu.memory_space<vmem>>) target(%dma_start3A_658 : memref<10240x128xf32, #tpu.memory_space<vmem_shared>>) offsets(%dma_start3A_655 : memref<128xi32, #tpu.memory_space<vmem>>) semaphore(%run_scoped3A_649 : memref<!tpu.dma_semaphore, #tpu.memory_space<semaphore_mem>>) {add = true}
        %dma_wait3A_659 = arith.constant 128 : i32
        %dma_wait3A_660 = arith.constant 0 : i32
        %dma_wait3A_661 = tpu.memref_slice %arg10[%dma_wait3A_659, %dma_wait3A_660] : memref<256x128xf32, #tpu.memory_space<vmem>> -> memref<128x128xf32, #tpu.memory_space<vmem>>
        %dma_wait3A_662 = arith.constant 0 : i32
        %dma_wait3A_663 = tpu.memref_slice %arg9[%run_scoped3A_488, %dma_wait3A_662] : memref<8x128xi32, #tpu.memory_space<vmem>> -> memref<1x128xi32, #tpu.memory_space<vmem>>
        %dma_wait3A_664 = tpu.memref_squeeze %dma_wait3A_663 : memref<1x128xi32, #tpu.memory_space<vmem>> -> memref<128xi32, #tpu.memory_space<vmem>>
        %dma_wait3A_665 = arith.constant 0 : i32
        %dma_wait3A_666 = arith.constant 0 : i32
        %dma_wait3A_667 = tpu.memref_slice %arg16[%dma_wait3A_665, %dma_wait3A_666] : memref<10240x128xf32, #tpu.memory_space<vmem_shared>> -> memref<10240x128xf32, #tpu.memory_space<vmem_shared>>
        tpu.wait_indirect_dma semaphore(%run_scoped3A_649 : memref<!tpu.dma_semaphore, #tpu.memory_space<semaphore_mem>>) src(%dma_wait3A_661 : memref<128x128xf32, #tpu.memory_space<vmem>>) dst(%dma_wait3A_667 : memref<10240x128xf32, #tpu.memory_space<vmem_shared>>)
        tpu.yield
      }) : () -> ()
      %dma_wait3A_489 = arith.constant 0 : i32
      %dma_wait3A_490 = arith.constant 0 : i32
      %dma_wait3A_491 = arith.constant 0 : i32
      %dma_wait3A_492 = tpu.memref_slice %arg11[%dma_wait3A_490, %dma_wait3A_491] : memref<8x128xf32, #tpu.memory_space<vmem>> -> memref<1x128xf32, #tpu.memory_space<vmem>>
      %dma_wait3A_493 = tpu.memref_squeeze %dma_wait3A_492 : memref<1x128xf32, #tpu.memory_space<vmem>> -> memref<128xf32, #tpu.memory_space<vmem>>
      %dma_wait3A_494 = arith.constant 0 : i32
      %dma_wait3A_495 = tpu.memref_slice %arg9[%dma_wait3A_489, %dma_wait3A_494] : memref<8x128xi32, #tpu.memory_space<vmem>> -> memref<1x128xi32, #tpu.memory_space<vmem>>
      %dma_wait3A_496 = tpu.memref_squeeze %dma_wait3A_495 : memref<1x128xi32, #tpu.memory_space<vmem>> -> memref<128xi32, #tpu.memory_space<vmem>>
      %dma_wait3A_497 = arith.constant 0 : i32
      %dma_wait3A_498 = tpu.memref_slice %arg5[%dma_wait3A_497] : memref<10240xf32, #tpu.memory_space<hbm>> -> memref<10240xf32, #tpu.memory_space<hbm>>
      tpu.wait_indirect_dma semaphore(%arg14 : memref<!tpu.dma_semaphore, #tpu.memory_space<semaphore_mem>>) src(%dma_wait3A_498 : memref<10240xf32, #tpu.memory_space<hbm>>) dst(%dma_wait3A_493 : memref<128xf32, #tpu.memory_space<vmem>>)
      %dma_wait3A_499 = arith.constant 1 : i32
      %dma_wait3A_500 = arith.constant 1 : i32
      %dma_wait3A_501 = arith.constant 0 : i32
      %dma_wait3A_502 = tpu.memref_slice %arg11[%dma_wait3A_500, %dma_wait3A_501] : memref<8x128xf32, #tpu.memory_space<vmem>> -> memref<1x128xf32, #tpu.memory_space<vmem>>
      %dma_wait3A_503 = tpu.memref_squeeze %dma_wait3A_502 : memref<1x128xf32, #tpu.memory_space<vmem>> -> memref<128xf32, #tpu.memory_space<vmem>>
      %dma_wait3A_504 = arith.constant 0 : i32
      %dma_wait3A_505 = tpu.memref_slice %arg9[%dma_wait3A_499, %dma_wait3A_504] : memref<8x128xi32, #tpu.memory_space<vmem>> -> memref<1x128xi32, #tpu.memory_space<vmem>>
      %dma_wait3A_506 = tpu.memref_squeeze %dma_wait3A_505 : memref<1x128xi32, #tpu.memory_space<vmem>> -> memref<128xi32, #tpu.memory_space<vmem>>
      %dma_wait3A_507 = arith.constant 0 : i32
      %dma_wait3A_508 = tpu.memref_slice %arg5[%dma_wait3A_507] : memref<10240xf32, #tpu.memory_space<hbm>> -> memref<10240xf32, #tpu.memory_space<hbm>>
      tpu.wait_indirect_dma semaphore(%arg14 : memref<!tpu.dma_semaphore, #tpu.memory_space<semaphore_mem>>) src(%dma_wait3A_508 : memref<10240xf32, #tpu.memory_space<hbm>>) dst(%dma_wait3A_503 : memref<128xf32, #tpu.memory_space<vmem>>)
      %dma_wait3A_509 = arith.constant 2 : i32
      %dma_wait3A_510 = arith.constant 2 : i32
      %dma_wait3A_511 = arith.constant 0 : i32
      %dma_wait3A_512 = tpu.memref_slice %arg11[%dma_wait3A_510, %dma_wait3A_511] : memref<8x128xf32, #tpu.memory_space<vmem>> -> memref<1x128xf32, #tpu.memory_space<vmem>>
      %dma_wait3A_513 = tpu.memref_squeeze %dma_wait3A_512 : memref<1x128xf32, #tpu.memory_space<vmem>> -> memref<128xf32, #tpu.memory_space<vmem>>
      %dma_wait3A_514 = arith.constant 0 : i32
      %dma_wait3A_515 = tpu.memref_slice %arg9[%dma_wait3A_509, %dma_wait3A_514] : memref<8x128xi32, #tpu.memory_space<vmem>> -> memref<1x128xi32, #tpu.memory_space<vmem>>
      %dma_wait3A_516 = tpu.memref_squeeze %dma_wait3A_515 : memref<1x128xi32, #tpu.memory_space<vmem>> -> memref<128xi32, #tpu.memory_space<vmem>>
      %dma_wait3A_517 = arith.constant 0 : i32
      %dma_wait3A_518 = tpu.memref_slice %arg5[%dma_wait3A_517] : memref<10240xf32, #tpu.memory_space<hbm>> -> memref<10240xf32, #tpu.memory_space<hbm>>
      tpu.wait_indirect_dma semaphore(%arg14 : memref<!tpu.dma_semaphore, #tpu.memory_space<semaphore_mem>>) src(%dma_wait3A_518 : memref<10240xf32, #tpu.memory_space<hbm>>) dst(%dma_wait3A_513 : memref<128xf32, #tpu.memory_space<vmem>>)
      %dma_wait3A_519 = arith.constant 3 : i32
      %dma_wait3A_520 = arith.constant 3 : i32
      %dma_wait3A_521 = arith.constant 0 : i32
      %dma_wait3A_522 = tpu.memref_slice %arg11[%dma_wait3A_520, %dma_wait3A_521] : memref<8x128xf32, #tpu.memory_space<vmem>> -> memref<1x128xf32, #tpu.memory_space<vmem>>
      %dma_wait3A_523 = tpu.memref_squeeze %dma_wait3A_522 : memref<1x128xf32, #tpu.memory_space<vmem>> -> memref<128xf32, #tpu.memory_space<vmem>>
      %dma_wait3A_524 = arith.constant 0 : i32
      %dma_wait3A_525 = tpu.memref_slice %arg9[%dma_wait3A_519, %dma_wait3A_524] : memref<8x128xi32, #tpu.memory_space<vmem>> -> memref<1x128xi32, #tpu.memory_space<vmem>>
      %dma_wait3A_526 = tpu.memref_squeeze %dma_wait3A_525 : memref<1x128xi32, #tpu.memory_space<vmem>> -> memref<128xi32, #tpu.memory_space<vmem>>
      %dma_wait3A_527 = arith.constant 0 : i32
      %dma_wait3A_528 = tpu.memref_slice %arg5[%dma_wait3A_527] : memref<10240xf32, #tpu.memory_space<hbm>> -> memref<10240xf32, #tpu.memory_space<hbm>>
      tpu.wait_indirect_dma semaphore(%arg14 : memref<!tpu.dma_semaphore, #tpu.memory_space<semaphore_mem>>) src(%dma_wait3A_528 : memref<10240xf32, #tpu.memory_space<hbm>>) dst(%dma_wait3A_523 : memref<128xf32, #tpu.memory_space<vmem>>)
      %dma_wait3A_529 = arith.constant 4 : i32
      %dma_wait3A_530 = arith.constant 4 : i32
      %dma_wait3A_531 = arith.constant 0 : i32
      %dma_wait3A_532 = tpu.memref_slice %arg11[%dma_wait3A_530, %dma_wait3A_531] : memref<8x128xf32, #tpu.memory_space<vmem>> -> memref<1x128xf32, #tpu.memory_space<vmem>>
      %dma_wait3A_533 = tpu.memref_squeeze %dma_wait3A_532 : memref<1x128xf32, #tpu.memory_space<vmem>> -> memref<128xf32, #tpu.memory_space<vmem>>
      %dma_wait3A_534 = arith.constant 0 : i32
      %dma_wait3A_535 = tpu.memref_slice %arg9[%dma_wait3A_529, %dma_wait3A_534] : memref<8x128xi32, #tpu.memory_space<vmem>> -> memref<1x128xi32, #tpu.memory_space<vmem>>
      %dma_wait3A_536 = tpu.memref_squeeze %dma_wait3A_535 : memref<1x128xi32, #tpu.memory_space<vmem>> -> memref<128xi32, #tpu.memory_space<vmem>>
      %dma_wait3A_537 = arith.constant 0 : i32
      %dma_wait3A_538 = tpu.memref_slice %arg5[%dma_wait3A_537] : memref<10240xf32, #tpu.memory_space<hbm>> -> memref<10240xf32, #tpu.memory_space<hbm>>
      tpu.wait_indirect_dma semaphore(%arg14 : memref<!tpu.dma_semaphore, #tpu.memory_space<semaphore_mem>>) src(%dma_wait3A_538 : memref<10240xf32, #tpu.memory_space<hbm>>) dst(%dma_wait3A_533 : memref<128xf32, #tpu.memory_space<vmem>>)
      %dma_wait3A_539 = arith.constant 5 : i32
      %dma_wait3A_540 = arith.constant 5 : i32
      %dma_wait3A_541 = arith.constant 0 : i32
      %dma_wait3A_542 = tpu.memref_slice %arg11[%dma_wait3A_540, %dma_wait3A_541] : memref<8x128xf32, #tpu.memory_space<vmem>> -> memref<1x128xf32, #tpu.memory_space<vmem>>
      %dma_wait3A_543 = tpu.memref_squeeze %dma_wait3A_542 : memref<1x128xf32, #tpu.memory_space<vmem>> -> memref<128xf32, #tpu.memory_space<vmem>>
      %dma_wait3A_544 = arith.constant 0 : i32
      %dma_wait3A_545 = tpu.memref_slice %arg9[%dma_wait3A_539, %dma_wait3A_544] : memref<8x128xi32, #tpu.memory_space<vmem>> -> memref<1x128xi32, #tpu.memory_space<vmem>>
      %dma_wait3A_546 = tpu.memref_squeeze %dma_wait3A_545 : memref<1x128xi32, #tpu.memory_space<vmem>> -> memref<128xi32, #tpu.memory_space<vmem>>
      %dma_wait3A_547 = arith.constant 0 : i32
      %dma_wait3A_548 = tpu.memref_slice %arg5[%dma_wait3A_547] : memref<10240xf32, #tpu.memory_space<hbm>> -> memref<10240xf32, #tpu.memory_space<hbm>>
      tpu.wait_indirect_dma semaphore(%arg14 : memref<!tpu.dma_semaphore, #tpu.memory_space<semaphore_mem>>) src(%dma_wait3A_548 : memref<10240xf32, #tpu.memory_space<hbm>>) dst(%dma_wait3A_543 : memref<128xf32, #tpu.memory_space<vmem>>)
      %dma_wait3A_549 = arith.constant 6 : i32
      %dma_wait3A_550 = arith.constant 6 : i32
      %dma_wait3A_551 = arith.constant 0 : i32
      %dma_wait3A_552 = tpu.memref_slice %arg11[%dma_wait3A_550, %dma_wait3A_551] : memref<8x128xf32, #tpu.memory_space<vmem>> -> memref<1x128xf32, #tpu.memory_space<vmem>>
      %dma_wait3A_553 = tpu.memref_squeeze %dma_wait3A_552 : memref<1x128xf32, #tpu.memory_space<vmem>> -> memref<128xf32, #tpu.memory_space<vmem>>
      %dma_wait3A_554 = arith.constant 0 : i32
      %dma_wait3A_555 = tpu.memref_slice %arg9[%dma_wait3A_549, %dma_wait3A_554] : memref<8x128xi32, #tpu.memory_space<vmem>> -> memref<1x128xi32, #tpu.memory_space<vmem>>
      %dma_wait3A_556 = tpu.memref_squeeze %dma_wait3A_555 : memref<1x128xi32, #tpu.memory_space<vmem>> -> memref<128xi32, #tpu.memory_space<vmem>>
      %dma_wait3A_557 = arith.constant 0 : i32
      %dma_wait3A_558 = tpu.memref_slice %arg5[%dma_wait3A_557] : memref<10240xf32, #tpu.memory_space<hbm>> -> memref<10240xf32, #tpu.memory_space<hbm>>
      tpu.wait_indirect_dma semaphore(%arg14 : memref<!tpu.dma_semaphore, #tpu.memory_space<semaphore_mem>>) src(%dma_wait3A_558 : memref<10240xf32, #tpu.memory_space<hbm>>) dst(%dma_wait3A_553 : memref<128xf32, #tpu.memory_space<vmem>>)
      %dma_wait3A_559 = arith.constant 7 : i32
      %dma_wait3A_560 = arith.constant 7 : i32
      %dma_wait3A_561 = arith.constant 0 : i32
      %dma_wait3A_562 = tpu.memref_slice %arg11[%dma_wait3A_560, %dma_wait3A_561] : memref<8x128xf32, #tpu.memory_space<vmem>> -> memref<1x128xf32, #tpu.memory_space<vmem>>
      %dma_wait3A_563 = tpu.memref_squeeze %dma_wait3A_562 : memref<1x128xf32, #tpu.memory_space<vmem>> -> memref<128xf32, #tpu.memory_space<vmem>>
      %dma_wait3A_564 = arith.constant 0 : i32
      %dma_wait3A_565 = tpu.memref_slice %arg9[%dma_wait3A_559, %dma_wait3A_564] : memref<8x128xi32, #tpu.memory_space<vmem>> -> memref<1x128xi32, #tpu.memory_space<vmem>>
      %dma_wait3A_566 = tpu.memref_squeeze %dma_wait3A_565 : memref<1x128xi32, #tpu.memory_space<vmem>> -> memref<128xi32, #tpu.memory_space<vmem>>
      %dma_wait3A_567 = arith.constant 0 : i32
      %dma_wait3A_568 = tpu.memref_slice %arg5[%dma_wait3A_567] : memref<10240xf32, #tpu.memory_space<hbm>> -> memref<10240xf32, #tpu.memory_space<hbm>>
      tpu.wait_indirect_dma semaphore(%arg14 : memref<!tpu.dma_semaphore, #tpu.memory_space<semaphore_mem>>) src(%dma_wait3A_568 : memref<10240xf32, #tpu.memory_space<hbm>>) dst(%dma_wait3A_563 : memref<128xf32, #tpu.memory_space<vmem>>)
      %dma_start3A_569 = arith.constant 0 : i32
      %dma_start3A_570 = arith.constant 0 : i32
      %dma_start3A_571 = arith.constant 0 : i32
      %dma_start3A_572 = tpu.memref_slice %arg11[%dma_start3A_569, %dma_start3A_571] : memref<8x128xf32, #tpu.memory_space<vmem>> -> memref<1x128xf32, #tpu.memory_space<vmem>>
      %dma_start3A_573 = tpu.memref_squeeze %dma_start3A_572 : memref<1x128xf32, #tpu.memory_space<vmem>> -> memref<128xf32, #tpu.memory_space<vmem>>
      %dma_start3A_574 = arith.constant 0 : i32
      %dma_start3A_575 = tpu.memref_slice %arg8[%dma_start3A_570, %dma_start3A_574] : memref<8x128xi32, #tpu.memory_space<vmem>> -> memref<1x128xi32, #tpu.memory_space<vmem>>
      %dma_start3A_576 = tpu.memref_squeeze %dma_start3A_575 : memref<1x128xi32, #tpu.memory_space<vmem>> -> memref<128xi32, #tpu.memory_space<vmem>>
      %dma_start3A_577 = arith.constant 0 : i32
      %dma_start3A_578 = tpu.memref_slice %arg17[%dma_start3A_577] : memref<10240xf32, #tpu.memory_space<vmem_shared>> -> memref<10240xf32, #tpu.memory_space<vmem_shared>>
      tpu.enqueue_indirect_dma source(%dma_start3A_573 : memref<128xf32, #tpu.memory_space<vmem>>) target(%dma_start3A_578 : memref<10240xf32, #tpu.memory_space<vmem_shared>>) offsets(%dma_start3A_576 : memref<128xi32, #tpu.memory_space<vmem>>) semaphore(%arg15 : memref<!tpu.dma_semaphore, #tpu.memory_space<semaphore_mem>>) {add = true}
      %dma_start3A_579 = arith.constant 1 : i32
      %dma_start3A_580 = arith.constant 1 : i32
      %dma_start3A_581 = arith.constant 0 : i32
      %dma_start3A_582 = tpu.memref_slice %arg11[%dma_start3A_579, %dma_start3A_581] : memref<8x128xf32, #tpu.memory_space<vmem>> -> memref<1x128xf32, #tpu.memory_space<vmem>>
      %dma_start3A_583 = tpu.memref_squeeze %dma_start3A_582 : memref<1x128xf32, #tpu.memory_space<vmem>> -> memref<128xf32, #tpu.memory_space<vmem>>
      %dma_start3A_584 = arith.constant 0 : i32
      %dma_start3A_585 = tpu.memref_slice %arg8[%dma_start3A_580, %dma_start3A_584] : memref<8x128xi32, #tpu.memory_space<vmem>> -> memref<1x128xi32, #tpu.memory_space<vmem>>
      %dma_start3A_586 = tpu.memref_squeeze %dma_start3A_585 : memref<1x128xi32, #tpu.memory_space<vmem>> -> memref<128xi32, #tpu.memory_space<vmem>>
      %dma_start3A_587 = arith.constant 0 : i32
      %dma_start3A_588 = tpu.memref_slice %arg17[%dma_start3A_587] : memref<10240xf32, #tpu.memory_space<vmem_shared>> -> memref<10240xf32, #tpu.memory_space<vmem_shared>>
      tpu.enqueue_indirect_dma source(%dma_start3A_583 : memref<128xf32, #tpu.memory_space<vmem>>) target(%dma_start3A_588 : memref<10240xf32, #tpu.memory_space<vmem_shared>>) offsets(%dma_start3A_586 : memref<128xi32, #tpu.memory_space<vmem>>) semaphore(%arg15 : memref<!tpu.dma_semaphore, #tpu.memory_space<semaphore_mem>>) {add = true}
      %dma_start3A_589 = arith.constant 2 : i32
      %dma_start3A_590 = arith.constant 2 : i32
      %dma_start3A_591 = arith.constant 0 : i32
      %dma_start3A_592 = tpu.memref_slice %arg11[%dma_start3A_589, %dma_start3A_591] : memref<8x128xf32, #tpu.memory_space<vmem>> -> memref<1x128xf32, #tpu.memory_space<vmem>>
      %dma_start3A_593 = tpu.memref_squeeze %dma_start3A_592 : memref<1x128xf32, #tpu.memory_space<vmem>> -> memref<128xf32, #tpu.memory_space<vmem>>
      %dma_start3A_594 = arith.constant 0 : i32
      %dma_start3A_595 = tpu.memref_slice %arg8[%dma_start3A_590, %dma_start3A_594] : memref<8x128xi32, #tpu.memory_space<vmem>> -> memref<1x128xi32, #tpu.memory_space<vmem>>
      %dma_start3A_596 = tpu.memref_squeeze %dma_start3A_595 : memref<1x128xi32, #tpu.memory_space<vmem>> -> memref<128xi32, #tpu.memory_space<vmem>>
      %dma_start3A_597 = arith.constant 0 : i32
      %dma_start3A_598 = tpu.memref_slice %arg17[%dma_start3A_597] : memref<10240xf32, #tpu.memory_space<vmem_shared>> -> memref<10240xf32, #tpu.memory_space<vmem_shared>>
      tpu.enqueue_indirect_dma source(%dma_start3A_593 : memref<128xf32, #tpu.memory_space<vmem>>) target(%dma_start3A_598 : memref<10240xf32, #tpu.memory_space<vmem_shared>>) offsets(%dma_start3A_596 : memref<128xi32, #tpu.memory_space<vmem>>) semaphore(%arg15 : memref<!tpu.dma_semaphore, #tpu.memory_space<semaphore_mem>>) {add = true}
      %dma_start3A_599 = arith.constant 3 : i32
      %dma_start3A_600 = arith.constant 3 : i32
      %dma_start3A_601 = arith.constant 0 : i32
      %dma_start3A_602 = tpu.memref_slice %arg11[%dma_start3A_599, %dma_start3A_601] : memref<8x128xf32, #tpu.memory_space<vmem>> -> memref<1x128xf32, #tpu.memory_space<vmem>>
      %dma_start3A_603 = tpu.memref_squeeze %dma_start3A_602 : memref<1x128xf32, #tpu.memory_space<vmem>> -> memref<128xf32, #tpu.memory_space<vmem>>
      %dma_start3A_604 = arith.constant 0 : i32
      %dma_start3A_605 = tpu.memref_slice %arg8[%dma_start3A_600, %dma_start3A_604] : memref<8x128xi32, #tpu.memory_space<vmem>> -> memref<1x128xi32, #tpu.memory_space<vmem>>
      %dma_start3A_606 = tpu.memref_squeeze %dma_start3A_605 : memref<1x128xi32, #tpu.memory_space<vmem>> -> memref<128xi32, #tpu.memory_space<vmem>>
      %dma_start3A_607 = arith.constant 0 : i32
      %dma_start3A_608 = tpu.memref_slice %arg17[%dma_start3A_607] : memref<10240xf32, #tpu.memory_space<vmem_shared>> -> memref<10240xf32, #tpu.memory_space<vmem_shared>>
      tpu.enqueue_indirect_dma source(%dma_start3A_603 : memref<128xf32, #tpu.memory_space<vmem>>) target(%dma_start3A_608 : memref<10240xf32, #tpu.memory_space<vmem_shared>>) offsets(%dma_start3A_606 : memref<128xi32, #tpu.memory_space<vmem>>) semaphore(%arg15 : memref<!tpu.dma_semaphore, #tpu.memory_space<semaphore_mem>>) {add = true}
      %dma_start3A_609 = arith.constant 4 : i32
      %dma_start3A_610 = arith.constant 4 : i32
      %dma_start3A_611 = arith.constant 0 : i32
      %dma_start3A_612 = tpu.memref_slice %arg11[%dma_start3A_609, %dma_start3A_611] : memref<8x128xf32, #tpu.memory_space<vmem>> -> memref<1x128xf32, #tpu.memory_space<vmem>>
      %dma_start3A_613 = tpu.memref_squeeze %dma_start3A_612 : memref<1x128xf32, #tpu.memory_space<vmem>> -> memref<128xf32, #tpu.memory_space<vmem>>
      %dma_start3A_614 = arith.constant 0 : i32
      %dma_start3A_615 = tpu.memref_slice %arg8[%dma_start3A_610, %dma_start3A_614] : memref<8x128xi32, #tpu.memory_space<vmem>> -> memref<1x128xi32, #tpu.memory_space<vmem>>
      %dma_start3A_616 = tpu.memref_squeeze %dma_start3A_615 : memref<1x128xi32, #tpu.memory_space<vmem>> -> memref<128xi32, #tpu.memory_space<vmem>>
      %dma_start3A_617 = arith.constant 0 : i32
      %dma_start3A_618 = tpu.memref_slice %arg17[%dma_start3A_617] : memref<10240xf32, #tpu.memory_space<vmem_shared>> -> memref<10240xf32, #tpu.memory_space<vmem_shared>>
      tpu.enqueue_indirect_dma source(%dma_start3A_613 : memref<128xf32, #tpu.memory_space<vmem>>) target(%dma_start3A_618 : memref<10240xf32, #tpu.memory_space<vmem_shared>>) offsets(%dma_start3A_616 : memref<128xi32, #tpu.memory_space<vmem>>) semaphore(%arg15 : memref<!tpu.dma_semaphore, #tpu.memory_space<semaphore_mem>>) {add = true}
      %dma_start3A_619 = arith.constant 5 : i32
      %dma_start3A_620 = arith.constant 5 : i32
      %dma_start3A_621 = arith.constant 0 : i32
      %dma_start3A_622 = tpu.memref_slice %arg11[%dma_start3A_619, %dma_start3A_621] : memref<8x128xf32, #tpu.memory_space<vmem>> -> memref<1x128xf32, #tpu.memory_space<vmem>>
      %dma_start3A_623 = tpu.memref_squeeze %dma_start3A_622 : memref<1x128xf32, #tpu.memory_space<vmem>> -> memref<128xf32, #tpu.memory_space<vmem>>
      %dma_start3A_624 = arith.constant 0 : i32
      %dma_start3A_625 = tpu.memref_slice %arg8[%dma_start3A_620, %dma_start3A_624] : memref<8x128xi32, #tpu.memory_space<vmem>> -> memref<1x128xi32, #tpu.memory_space<vmem>>
      %dma_start3A_626 = tpu.memref_squeeze %dma_start3A_625 : memref<1x128xi32, #tpu.memory_space<vmem>> -> memref<128xi32, #tpu.memory_space<vmem>>
      %dma_start3A_627 = arith.constant 0 : i32
      %dma_start3A_628 = tpu.memref_slice %arg17[%dma_start3A_627] : memref<10240xf32, #tpu.memory_space<vmem_shared>> -> memref<10240xf32, #tpu.memory_space<vmem_shared>>
      tpu.enqueue_indirect_dma source(%dma_start3A_623 : memref<128xf32, #tpu.memory_space<vmem>>) target(%dma_start3A_628 : memref<10240xf32, #tpu.memory_space<vmem_shared>>) offsets(%dma_start3A_626 : memref<128xi32, #tpu.memory_space<vmem>>) semaphore(%arg15 : memref<!tpu.dma_semaphore, #tpu.memory_space<semaphore_mem>>) {add = true}
      %dma_start3A_629 = arith.constant 6 : i32
      %dma_start3A_630 = arith.constant 6 : i32
      %dma_start3A_631 = arith.constant 0 : i32
      %dma_start3A_632 = tpu.memref_slice %arg11[%dma_start3A_629, %dma_start3A_631] : memref<8x128xf32, #tpu.memory_space<vmem>> -> memref<1x128xf32, #tpu.memory_space<vmem>>
      %dma_start3A_633 = tpu.memref_squeeze %dma_start3A_632 : memref<1x128xf32, #tpu.memory_space<vmem>> -> memref<128xf32, #tpu.memory_space<vmem>>
      %dma_start3A_634 = arith.constant 0 : i32
      %dma_start3A_635 = tpu.memref_slice %arg8[%dma_start3A_630, %dma_start3A_634] : memref<8x128xi32, #tpu.memory_space<vmem>> -> memref<1x128xi32, #tpu.memory_space<vmem>>
      %dma_start3A_636 = tpu.memref_squeeze %dma_start3A_635 : memref<1x128xi32, #tpu.memory_space<vmem>> -> memref<128xi32, #tpu.memory_space<vmem>>
      %dma_start3A_637 = arith.constant 0 : i32
      %dma_start3A_638 = tpu.memref_slice %arg17[%dma_start3A_637] : memref<10240xf32, #tpu.memory_space<vmem_shared>> -> memref<10240xf32, #tpu.memory_space<vmem_shared>>
      tpu.enqueue_indirect_dma source(%dma_start3A_633 : memref<128xf32, #tpu.memory_space<vmem>>) target(%dma_start3A_638 : memref<10240xf32, #tpu.memory_space<vmem_shared>>) offsets(%dma_start3A_636 : memref<128xi32, #tpu.memory_space<vmem>>) semaphore(%arg15 : memref<!tpu.dma_semaphore, #tpu.memory_space<semaphore_mem>>) {add = true}
      %dma_start3A_639 = arith.constant 7 : i32
      %dma_start3A_640 = arith.constant 7 : i32
      %dma_start3A_641 = arith.constant 0 : i32
      %dma_start3A_642 = tpu.memref_slice %arg11[%dma_start3A_639, %dma_start3A_641] : memref<8x128xf32, #tpu.memory_space<vmem>> -> memref<1x128xf32, #tpu.memory_space<vmem>>
      %dma_start3A_643 = tpu.memref_squeeze %dma_start3A_642 : memref<1x128xf32, #tpu.memory_space<vmem>> -> memref<128xf32, #tpu.memory_space<vmem>>
      %dma_start3A_644 = arith.constant 0 : i32
      %dma_start3A_645 = tpu.memref_slice %arg8[%dma_start3A_640, %dma_start3A_644] : memref<8x128xi32, #tpu.memory_space<vmem>> -> memref<1x128xi32, #tpu.memory_space<vmem>>
      %dma_start3A_646 = tpu.memref_squeeze %dma_start3A_645 : memref<1x128xi32, #tpu.memory_space<vmem>> -> memref<128xi32, #tpu.memory_space<vmem>>
      %dma_start3A_647 = arith.constant 0 : i32
      %dma_start3A_648 = tpu.memref_slice %arg17[%dma_start3A_647] : memref<10240xf32, #tpu.memory_space<vmem_shared>> -> memref<10240xf32, #tpu.memory_space<vmem_shared>>
      tpu.enqueue_indirect_dma source(%dma_start3A_643 : memref<128xf32, #tpu.memory_space<vmem>>) target(%dma_start3A_648 : memref<10240xf32, #tpu.memory_space<vmem_shared>>) offsets(%dma_start3A_646 : memref<128xi32, #tpu.memory_space<vmem>>) semaphore(%arg15 : memref<!tpu.dma_semaphore, #tpu.memory_space<semaphore_mem>>) {add = true}
    }
    %while3A_117 = arith.constant 1 : i32
    scf.for %while3A_220 = %while3A_115 to %while3A_111 step %while3A_117  : i32 {
      %mul3A_221 = arith.constant 8 : i32
      %mul3A_222 = arith.muli %while3A_220, %mul3A_221 : i32
      %add3A_223 = arith.addi %select_n3A, %mul3A_222 : i32
      "tpu.region"() ({
        %run_scoped3A_649 = tpu.sem_alloc : memref<!tpu.dma_semaphore, #tpu.memory_space<semaphore_mem>>
        %dma_start3A_650 = arith.constant 0 : i32
        %dma_start3A_651 = tpu.memref_slice %arg3[%add3A_223, %dma_start3A_650] : memref<2560x128xi32, #tpu.memory_space<hbm>> -> memref<8x128xi32, #tpu.memory_space<hbm>>
        %dma_start3A_652 = arith.constant 0 : i32
        %dma_start3A_653 = tpu.memref_slice %arg3[%add3A_223, %dma_start3A_652] : memref<2560x128xi32, #tpu.memory_space<hbm>> -> memref<8x128xi32, #tpu.memory_space<hbm>>
        tpu.enqueue_dma source(%dma_start3A_653 : memref<8x128xi32, #tpu.memory_space<hbm>>) target(%arg8 : memref<8x128xi32, #tpu.memory_space<vmem>>) target_semaphore(%run_scoped3A_649 : memref<!tpu.dma_semaphore, #tpu.memory_space<semaphore_mem>>)
        %dma_wait3A_654 = arith.constant 0 : i32
        %dma_wait3A_655 = tpu.memref_slice %arg3[%add3A_223, %dma_wait3A_654] : memref<2560x128xi32, #tpu.memory_space<hbm>> -> memref<8x128xi32, #tpu.memory_space<hbm>>
        %dma_wait3A_656 = arith.constant 0 : i32
        %dma_wait3A_657 = tpu.memref_slice %arg3[%add3A_223, %dma_wait3A_656] : memref<2560x128xi32, #tpu.memory_space<hbm>> -> memref<8x128xi32, #tpu.memory_space<hbm>>
        tpu.wait_dma2 semaphore(%run_scoped3A_649 : memref<!tpu.dma_semaphore, #tpu.memory_space<semaphore_mem>>) src(%dma_wait3A_657 : memref<8x128xi32, #tpu.memory_space<hbm>>) dst(%arg8 : memref<8x128xi32, #tpu.memory_space<vmem>>)
        tpu.yield
      }) : () -> ()
      "tpu.region"() ({
        %run_scoped3A_649 = tpu.sem_alloc : memref<!tpu.dma_semaphore, #tpu.memory_space<semaphore_mem>>
        %dma_start3A_650 = arith.constant 0 : i32
        %dma_start3A_651 = tpu.memref_slice %arg4[%add3A_223, %dma_start3A_650] : memref<2560x128xi32, #tpu.memory_space<hbm>> -> memref<8x128xi32, #tpu.memory_space<hbm>>
        %dma_start3A_652 = arith.constant 0 : i32
        %dma_start3A_653 = tpu.memref_slice %arg4[%add3A_223, %dma_start3A_652] : memref<2560x128xi32, #tpu.memory_space<hbm>> -> memref<8x128xi32, #tpu.memory_space<hbm>>
        tpu.enqueue_dma source(%dma_start3A_653 : memref<8x128xi32, #tpu.memory_space<hbm>>) target(%arg9 : memref<8x128xi32, #tpu.memory_space<vmem>>) target_semaphore(%run_scoped3A_649 : memref<!tpu.dma_semaphore, #tpu.memory_space<semaphore_mem>>)
        %dma_wait3A_654 = arith.constant 0 : i32
        %dma_wait3A_655 = tpu.memref_slice %arg4[%add3A_223, %dma_wait3A_654] : memref<2560x128xi32, #tpu.memory_space<hbm>> -> memref<8x128xi32, #tpu.memory_space<hbm>>
        %dma_wait3A_656 = arith.constant 0 : i32
        %dma_wait3A_657 = tpu.memref_slice %arg4[%add3A_223, %dma_wait3A_656] : memref<2560x128xi32, #tpu.memory_space<hbm>> -> memref<8x128xi32, #tpu.memory_space<hbm>>
        tpu.wait_dma2 semaphore(%run_scoped3A_649 : memref<!tpu.dma_semaphore, #tpu.memory_space<semaphore_mem>>) src(%dma_wait3A_657 : memref<8x128xi32, #tpu.memory_space<hbm>>) dst(%arg9 : memref<8x128xi32, #tpu.memory_space<vmem>>)
        tpu.yield
      }) : () -> ()
      %dma_start3A = arith.constant 0 : i32
      %dma_start3A_224 = arith.constant 0 : i32
      %dma_start3A_225 = arith.constant 0 : i32
      %dma_start3A_226 = tpu.memref_slice %arg10[%dma_start3A_224, %dma_start3A_225] : memref<256x128xf32, #tpu.memory_space<vmem>> -> memref<128x128xf32, #tpu.memory_space<vmem>>
      %dma_start3A_227 = arith.constant 0 : i32
      %dma_start3A_228 = tpu.memref_slice %arg8[%dma_start3A, %dma_start3A_227] : memref<8x128xi32, #tpu.memory_space<vmem>> -> memref<1x128xi32, #tpu.memory_space<vmem>>
      %dma_start3A_229 = tpu.memref_squeeze %dma_start3A_228 : memref<1x128xi32, #tpu.memory_space<vmem>> -> memref<128xi32, #tpu.memory_space<vmem>>
      %dma_start3A_230 = arith.constant 0 : i32
      %dma_start3A_231 = arith.constant 0 : i32
      %dma_start3A_232 = tpu.memref_slice %arg2[%dma_start3A_230, %dma_start3A_231] : memref<10240x128xf32, #tpu.memory_space<hbm>> -> memref<10240x128xf32, #tpu.memory_space<hbm>>
      tpu.enqueue_indirect_dma source(%dma_start3A_232 : memref<10240x128xf32, #tpu.memory_space<hbm>>) target(%dma_start3A_226 : memref<128x128xf32, #tpu.memory_space<vmem>>) offsets(%dma_start3A_229 : memref<128xi32, #tpu.memory_space<vmem>>) semaphore(%arg12 : memref<!tpu.dma_semaphore, #tpu.memory_space<semaphore_mem>>)
      %dma_start3A_233 = arith.constant 1 : i32
      %dma_start3A_234 = arith.constant 128 : i32
      %dma_start3A_235 = arith.constant 0 : i32
      %dma_start3A_236 = tpu.memref_slice %arg10[%dma_start3A_234, %dma_start3A_235] : memref<256x128xf32, #tpu.memory_space<vmem>> -> memref<128x128xf32, #tpu.memory_space<vmem>>
      %dma_start3A_237 = arith.constant 0 : i32
      %dma_start3A_238 = tpu.memref_slice %arg8[%dma_start3A_233, %dma_start3A_237] : memref<8x128xi32, #tpu.memory_space<vmem>> -> memref<1x128xi32, #tpu.memory_space<vmem>>
      %dma_start3A_239 = tpu.memref_squeeze %dma_start3A_238 : memref<1x128xi32, #tpu.memory_space<vmem>> -> memref<128xi32, #tpu.memory_space<vmem>>
      %dma_start3A_240 = arith.constant 0 : i32
      %dma_start3A_241 = arith.constant 0 : i32
      %dma_start3A_242 = tpu.memref_slice %arg2[%dma_start3A_240, %dma_start3A_241] : memref<10240x128xf32, #tpu.memory_space<hbm>> -> memref<10240x128xf32, #tpu.memory_space<hbm>>
      tpu.enqueue_indirect_dma source(%dma_start3A_242 : memref<10240x128xf32, #tpu.memory_space<hbm>>) target(%dma_start3A_236 : memref<128x128xf32, #tpu.memory_space<vmem>>) offsets(%dma_start3A_239 : memref<128xi32, #tpu.memory_space<vmem>>) semaphore(%arg13 : memref<!tpu.dma_semaphore, #tpu.memory_space<semaphore_mem>>)
      %gt3A = arith.constant 0 : i32
      %gt3A_243 = arith.cmpi sgt, %while3A_220, %gt3A : i32
      %convert_element_type3A = arith.extui %gt3A_243 : i1 to i32
      %cond3A = arith.constant 0 : i32
      %cond3A_244 = arith.cmpi ne, %convert_element_type3A, %cond3A : i32
      scf.if %cond3A_244 {
        %dma_wait3A_649 = arith.constant 0 : i32
        %dma_wait3A_650 = arith.constant 0 : i32
        %dma_wait3A_651 = tpu.memref_slice %arg11[%dma_wait3A_649, %dma_wait3A_650] : memref<8x128xf32, #tpu.memory_space<vmem>> -> memref<1x128xf32, #tpu.memory_space<vmem>>
        %dma_wait3A_652 = tpu.memref_squeeze %dma_wait3A_651 : memref<1x128xf32, #tpu.memory_space<vmem>> -> memref<128xf32, #tpu.memory_space<vmem>>
        %dma_wait3A_653 = arith.constant 0 : i32
        %dma_wait3A_654 = tpu.memref_slice %arg5[%dma_wait3A_653] : memref<10240xf32, #tpu.memory_space<hbm>> -> memref<128xf32, #tpu.memory_space<hbm>>
        %dma_wait3A_655 = arith.constant 0 : i32
        %dma_wait3A_656 = tpu.memref_slice %arg11[%dma_wait3A_649, %dma_wait3A_655] : memref<8x128xf32, #tpu.memory_space<vmem>> -> memref<1x128xf32, #tpu.memory_space<vmem>>
        %dma_wait3A_657 = tpu.memref_squeeze %dma_wait3A_656 : memref<1x128xf32, #tpu.memory_space<vmem>> -> memref<128xf32, #tpu.memory_space<vmem>>
        %dma_wait3A_658 = arith.constant 0 : i32
        %dma_wait3A_659 = tpu.memref_slice %arg5[%dma_wait3A_658] : memref<10240xf32, #tpu.memory_space<hbm>> -> memref<128xf32, #tpu.memory_space<hbm>>
        tpu.wait_dma2 semaphore(%arg15 : memref<!tpu.dma_semaphore, #tpu.memory_space<semaphore_mem>>) src(%dma_wait3A_659 : memref<128xf32, #tpu.memory_space<hbm>>) dst(%dma_wait3A_657 : memref<128xf32, #tpu.memory_space<vmem>>)
        %dma_wait3A_660 = arith.constant 0 : i32
        %dma_wait3A_661 = arith.constant 0 : i32
        %dma_wait3A_662 = tpu.memref_slice %arg11[%dma_wait3A_660, %dma_wait3A_661] : memref<8x128xf32, #tpu.memory_space<vmem>> -> memref<1x128xf32, #tpu.memory_space<vmem>>
        %dma_wait3A_663 = tpu.memref_squeeze %dma_wait3A_662 : memref<1x128xf32, #tpu.memory_space<vmem>> -> memref<128xf32, #tpu.memory_space<vmem>>
        %dma_wait3A_664 = arith.constant 0 : i32
        %dma_wait3A_665 = tpu.memref_slice %arg5[%dma_wait3A_664] : memref<10240xf32, #tpu.memory_space<hbm>> -> memref<128xf32, #tpu.memory_space<hbm>>
        %dma_wait3A_666 = arith.constant 0 : i32
        %dma_wait3A_667 = tpu.memref_slice %arg11[%dma_wait3A_660, %dma_wait3A_666] : memref<8x128xf32, #tpu.memory_space<vmem>> -> memref<1x128xf32, #tpu.memory_space<vmem>>
        %dma_wait3A_668 = tpu.memref_squeeze %dma_wait3A_667 : memref<1x128xf32, #tpu.memory_space<vmem>> -> memref<128xf32, #tpu.memory_space<vmem>>
        %dma_wait3A_669 = arith.constant 0 : i32
        %dma_wait3A_670 = tpu.memref_slice %arg5[%dma_wait3A_669] : memref<10240xf32, #tpu.memory_space<hbm>> -> memref<128xf32, #tpu.memory_space<hbm>>
        tpu.wait_dma2 semaphore(%arg15 : memref<!tpu.dma_semaphore, #tpu.memory_space<semaphore_mem>>) src(%dma_wait3A_670 : memref<128xf32, #tpu.memory_space<hbm>>) dst(%dma_wait3A_668 : memref<128xf32, #tpu.memory_space<vmem>>)
        %dma_wait3A_671 = arith.constant 0 : i32
        %dma_wait3A_672 = arith.constant 0 : i32
        %dma_wait3A_673 = tpu.memref_slice %arg11[%dma_wait3A_671, %dma_wait3A_672] : memref<8x128xf32, #tpu.memory_space<vmem>> -> memref<1x128xf32, #tpu.memory_space<vmem>>
        %dma_wait3A_674 = tpu.memref_squeeze %dma_wait3A_673 : memref<1x128xf32, #tpu.memory_space<vmem>> -> memref<128xf32, #tpu.memory_space<vmem>>
        %dma_wait3A_675 = arith.constant 0 : i32
        %dma_wait3A_676 = tpu.memref_slice %arg5[%dma_wait3A_675] : memref<10240xf32, #tpu.memory_space<hbm>> -> memref<128xf32, #tpu.memory_space<hbm>>
        %dma_wait3A_677 = arith.constant 0 : i32
        %dma_wait3A_678 = tpu.memref_slice %arg11[%dma_wait3A_671, %dma_wait3A_677] : memref<8x128xf32, #tpu.memory_space<vmem>> -> memref<1x128xf32, #tpu.memory_space<vmem>>
        %dma_wait3A_679 = tpu.memref_squeeze %dma_wait3A_678 : memref<1x128xf32, #tpu.memory_space<vmem>> -> memref<128xf32, #tpu.memory_space<vmem>>
        %dma_wait3A_680 = arith.constant 0 : i32
        %dma_wait3A_681 = tpu.memref_slice %arg5[%dma_wait3A_680] : memref<10240xf32, #tpu.memory_space<hbm>> -> memref<128xf32, #tpu.memory_space<hbm>>
        tpu.wait_dma2 semaphore(%arg15 : memref<!tpu.dma_semaphore, #tpu.memory_space<semaphore_mem>>) src(%dma_wait3A_681 : memref<128xf32, #tpu.memory_space<hbm>>) dst(%dma_wait3A_679 : memref<128xf32, #tpu.memory_space<vmem>>)
        %dma_wait3A_682 = arith.constant 0 : i32
        %dma_wait3A_683 = arith.constant 0 : i32
        %dma_wait3A_684 = tpu.memref_slice %arg11[%dma_wait3A_682, %dma_wait3A_683] : memref<8x128xf32, #tpu.memory_space<vmem>> -> memref<1x128xf32, #tpu.memory_space<vmem>>
        %dma_wait3A_685 = tpu.memref_squeeze %dma_wait3A_684 : memref<1x128xf32, #tpu.memory_space<vmem>> -> memref<128xf32, #tpu.memory_space<vmem>>
        %dma_wait3A_686 = arith.constant 0 : i32
        %dma_wait3A_687 = tpu.memref_slice %arg5[%dma_wait3A_686] : memref<10240xf32, #tpu.memory_space<hbm>> -> memref<128xf32, #tpu.memory_space<hbm>>
        %dma_wait3A_688 = arith.constant 0 : i32
        %dma_wait3A_689 = tpu.memref_slice %arg11[%dma_wait3A_682, %dma_wait3A_688] : memref<8x128xf32, #tpu.memory_space<vmem>> -> memref<1x128xf32, #tpu.memory_space<vmem>>
        %dma_wait3A_690 = tpu.memref_squeeze %dma_wait3A_689 : memref<1x128xf32, #tpu.memory_space<vmem>> -> memref<128xf32, #tpu.memory_space<vmem>>
        %dma_wait3A_691 = arith.constant 0 : i32
        %dma_wait3A_692 = tpu.memref_slice %arg5[%dma_wait3A_691] : memref<10240xf32, #tpu.memory_space<hbm>> -> memref<128xf32, #tpu.memory_space<hbm>>
        tpu.wait_dma2 semaphore(%arg15 : memref<!tpu.dma_semaphore, #tpu.memory_space<semaphore_mem>>) src(%dma_wait3A_692 : memref<128xf32, #tpu.memory_space<hbm>>) dst(%dma_wait3A_690 : memref<128xf32, #tpu.memory_space<vmem>>)
        %dma_wait3A_693 = arith.constant 0 : i32
        %dma_wait3A_694 = arith.constant 0 : i32
        %dma_wait3A_695 = tpu.memref_slice %arg11[%dma_wait3A_693, %dma_wait3A_694] : memref<8x128xf32, #tpu.memory_space<vmem>> -> memref<1x128xf32, #tpu.memory_space<vmem>>
        %dma_wait3A_696 = tpu.memref_squeeze %dma_wait3A_695 : memref<1x128xf32, #tpu.memory_space<vmem>> -> memref<128xf32, #tpu.memory_space<vmem>>
        %dma_wait3A_697 = arith.constant 0 : i32
        %dma_wait3A_698 = tpu.memref_slice %arg5[%dma_wait3A_697] : memref<10240xf32, #tpu.memory_space<hbm>> -> memref<128xf32, #tpu.memory_space<hbm>>
        %dma_wait3A_699 = arith.constant 0 : i32
        %dma_wait3A_700 = tpu.memref_slice %arg11[%dma_wait3A_693, %dma_wait3A_699] : memref<8x128xf32, #tpu.memory_space<vmem>> -> memref<1x128xf32, #tpu.memory_space<vmem>>
        %dma_wait3A_701 = tpu.memref_squeeze %dma_wait3A_700 : memref<1x128xf32, #tpu.memory_space<vmem>> -> memref<128xf32, #tpu.memory_space<vmem>>
        %dma_wait3A_702 = arith.constant 0 : i32
        %dma_wait3A_703 = tpu.memref_slice %arg5[%dma_wait3A_702] : memref<10240xf32, #tpu.memory_space<hbm>> -> memref<128xf32, #tpu.memory_space<hbm>>
        tpu.wait_dma2 semaphore(%arg15 : memref<!tpu.dma_semaphore, #tpu.memory_space<semaphore_mem>>) src(%dma_wait3A_703 : memref<128xf32, #tpu.memory_space<hbm>>) dst(%dma_wait3A_701 : memref<128xf32, #tpu.memory_space<vmem>>)
        %dma_wait3A_704 = arith.constant 0 : i32
        %dma_wait3A_705 = arith.constant 0 : i32
        %dma_wait3A_706 = tpu.memref_slice %arg11[%dma_wait3A_704, %dma_wait3A_705] : memref<8x128xf32, #tpu.memory_space<vmem>> -> memref<1x128xf32, #tpu.memory_space<vmem>>
        %dma_wait3A_707 = tpu.memref_squeeze %dma_wait3A_706 : memref<1x128xf32, #tpu.memory_space<vmem>> -> memref<128xf32, #tpu.memory_space<vmem>>
        %dma_wait3A_708 = arith.constant 0 : i32
        %dma_wait3A_709 = tpu.memref_slice %arg5[%dma_wait3A_708] : memref<10240xf32, #tpu.memory_space<hbm>> -> memref<128xf32, #tpu.memory_space<hbm>>
        %dma_wait3A_710 = arith.constant 0 : i32
        %dma_wait3A_711 = tpu.memref_slice %arg11[%dma_wait3A_704, %dma_wait3A_710] : memref<8x128xf32, #tpu.memory_space<vmem>> -> memref<1x128xf32, #tpu.memory_space<vmem>>
        %dma_wait3A_712 = tpu.memref_squeeze %dma_wait3A_711 : memref<1x128xf32, #tpu.memory_space<vmem>> -> memref<128xf32, #tpu.memory_space<vmem>>
        %dma_wait3A_713 = arith.constant 0 : i32
        %dma_wait3A_714 = tpu.memref_slice %arg5[%dma_wait3A_713] : memref<10240xf32, #tpu.memory_space<hbm>> -> memref<128xf32, #tpu.memory_space<hbm>>
        tpu.wait_dma2 semaphore(%arg15 : memref<!tpu.dma_semaphore, #tpu.memory_space<semaphore_mem>>) src(%dma_wait3A_714 : memref<128xf32, #tpu.memory_space<hbm>>) dst(%dma_wait3A_712 : memref<128xf32, #tpu.memory_space<vmem>>)
        %dma_wait3A_715 = arith.constant 0 : i32
        %dma_wait3A_716 = arith.constant 0 : i32
        %dma_wait3A_717 = tpu.memref_slice %arg11[%dma_wait3A_715, %dma_wait3A_716] : memref<8x128xf32, #tpu.memory_space<vmem>> -> memref<1x128xf32, #tpu.memory_space<vmem>>
        %dma_wait3A_718 = tpu.memref_squeeze %dma_wait3A_717 : memref<1x128xf32, #tpu.memory_space<vmem>> -> memref<128xf32, #tpu.memory_space<vmem>>
        %dma_wait3A_719 = arith.constant 0 : i32
        %dma_wait3A_720 = tpu.memref_slice %arg5[%dma_wait3A_719] : memref<10240xf32, #tpu.memory_space<hbm>> -> memref<128xf32, #tpu.memory_space<hbm>>
        %dma_wait3A_721 = arith.constant 0 : i32
        %dma_wait3A_722 = tpu.memref_slice %arg11[%dma_wait3A_715, %dma_wait3A_721] : memref<8x128xf32, #tpu.memory_space<vmem>> -> memref<1x128xf32, #tpu.memory_space<vmem>>
        %dma_wait3A_723 = tpu.memref_squeeze %dma_wait3A_722 : memref<1x128xf32, #tpu.memory_space<vmem>> -> memref<128xf32, #tpu.memory_space<vmem>>
        %dma_wait3A_724 = arith.constant 0 : i32
        %dma_wait3A_725 = tpu.memref_slice %arg5[%dma_wait3A_724] : memref<10240xf32, #tpu.memory_space<hbm>> -> memref<128xf32, #tpu.memory_space<hbm>>
        tpu.wait_dma2 semaphore(%arg15 : memref<!tpu.dma_semaphore, #tpu.memory_space<semaphore_mem>>) src(%dma_wait3A_725 : memref<128xf32, #tpu.memory_space<hbm>>) dst(%dma_wait3A_723 : memref<128xf32, #tpu.memory_space<vmem>>)
        %dma_wait3A_726 = arith.constant 0 : i32
        %dma_wait3A_727 = arith.constant 0 : i32
        %dma_wait3A_728 = tpu.memref_slice %arg11[%dma_wait3A_726, %dma_wait3A_727] : memref<8x128xf32, #tpu.memory_space<vmem>> -> memref<1x128xf32, #tpu.memory_space<vmem>>
        %dma_wait3A_729 = tpu.memref_squeeze %dma_wait3A_728 : memref<1x128xf32, #tpu.memory_space<vmem>> -> memref<128xf32, #tpu.memory_space<vmem>>
        %dma_wait3A_730 = arith.constant 0 : i32
        %dma_wait3A_731 = tpu.memref_slice %arg5[%dma_wait3A_730] : memref<10240xf32, #tpu.memory_space<hbm>> -> memref<128xf32, #tpu.memory_space<hbm>>
        %dma_wait3A_732 = arith.constant 0 : i32
        %dma_wait3A_733 = tpu.memref_slice %arg11[%dma_wait3A_726, %dma_wait3A_732] : memref<8x128xf32, #tpu.memory_space<vmem>> -> memref<1x128xf32, #tpu.memory_space<vmem>>
        %dma_wait3A_734 = tpu.memref_squeeze %dma_wait3A_733 : memref<1x128xf32, #tpu.memory_space<vmem>> -> memref<128xf32, #tpu.memory_space<vmem>>
        %dma_wait3A_735 = arith.constant 0 : i32
        %dma_wait3A_736 = tpu.memref_slice %arg5[%dma_wait3A_735] : memref<10240xf32, #tpu.memory_space<hbm>> -> memref<128xf32, #tpu.memory_space<hbm>>
        tpu.wait_dma2 semaphore(%arg15 : memref<!tpu.dma_semaphore, #tpu.memory_space<semaphore_mem>>) src(%dma_wait3A_736 : memref<128xf32, #tpu.memory_space<hbm>>) dst(%dma_wait3A_734 : memref<128xf32, #tpu.memory_space<vmem>>)
      } else {
      }
      %dma_start3A_245 = arith.constant 0 : i32
      %dma_start3A_246 = arith.constant 0 : i32
      %dma_start3A_247 = arith.constant 0 : i32
      %dma_start3A_248 = tpu.memref_slice %arg11[%dma_start3A_246, %dma_start3A_247] : memref<8x128xf32, #tpu.memory_space<vmem>> -> memref<1x128xf32, #tpu.memory_space<vmem>>
      %dma_start3A_249 = tpu.memref_squeeze %dma_start3A_248 : memref<1x128xf32, #tpu.memory_space<vmem>> -> memref<128xf32, #tpu.memory_space<vmem>>
      %dma_start3A_250 = arith.constant 0 : i32
      %dma_start3A_251 = tpu.memref_slice %arg9[%dma_start3A_245, %dma_start3A_250] : memref<8x128xi32, #tpu.memory_space<vmem>> -> memref<1x128xi32, #tpu.memory_space<vmem>>
      %dma_start3A_252 = tpu.memref_squeeze %dma_start3A_251 : memref<1x128xi32, #tpu.memory_space<vmem>> -> memref<128xi32, #tpu.memory_space<vmem>>
      %dma_start3A_253 = arith.constant 0 : i32
      %dma_start3A_254 = tpu.memref_slice %arg5[%dma_start3A_253] : memref<10240xf32, #tpu.memory_space<hbm>> -> memref<10240xf32, #tpu.memory_space<hbm>>
      tpu.enqueue_indirect_dma source(%dma_start3A_254 : memref<10240xf32, #tpu.memory_space<hbm>>) target(%dma_start3A_249 : memref<128xf32, #tpu.memory_space<vmem>>) offsets(%dma_start3A_252 : memref<128xi32, #tpu.memory_space<vmem>>) semaphore(%arg14 : memref<!tpu.dma_semaphore, #tpu.memory_space<semaphore_mem>>)
      %dma_start3A_255 = arith.constant 1 : i32
      %dma_start3A_256 = arith.constant 1 : i32
      %dma_start3A_257 = arith.constant 0 : i32
      %dma_start3A_258 = tpu.memref_slice %arg11[%dma_start3A_256, %dma_start3A_257] : memref<8x128xf32, #tpu.memory_space<vmem>> -> memref<1x128xf32, #tpu.memory_space<vmem>>
      %dma_start3A_259 = tpu.memref_squeeze %dma_start3A_258 : memref<1x128xf32, #tpu.memory_space<vmem>> -> memref<128xf32, #tpu.memory_space<vmem>>
      %dma_start3A_260 = arith.constant 0 : i32
      %dma_start3A_261 = tpu.memref_slice %arg9[%dma_start3A_255, %dma_start3A_260] : memref<8x128xi32, #tpu.memory_space<vmem>> -> memref<1x128xi32, #tpu.memory_space<vmem>>
      %dma_start3A_262 = tpu.memref_squeeze %dma_start3A_261 : memref<1x128xi32, #tpu.memory_space<vmem>> -> memref<128xi32, #tpu.memory_space<vmem>>
      %dma_start3A_263 = arith.constant 0 : i32
      %dma_start3A_264 = tpu.memref_slice %arg5[%dma_start3A_263] : memref<10240xf32, #tpu.memory_space<hbm>> -> memref<10240xf32, #tpu.memory_space<hbm>>
      tpu.enqueue_indirect_dma source(%dma_start3A_264 : memref<10240xf32, #tpu.memory_space<hbm>>) target(%dma_start3A_259 : memref<128xf32, #tpu.memory_space<vmem>>) offsets(%dma_start3A_262 : memref<128xi32, #tpu.memory_space<vmem>>) semaphore(%arg14 : memref<!tpu.dma_semaphore, #tpu.memory_space<semaphore_mem>>)
      %dma_start3A_265 = arith.constant 2 : i32
      %dma_start3A_266 = arith.constant 2 : i32
      %dma_start3A_267 = arith.constant 0 : i32
      %dma_start3A_268 = tpu.memref_slice %arg11[%dma_start3A_266, %dma_start3A_267] : memref<8x128xf32, #tpu.memory_space<vmem>> -> memref<1x128xf32, #tpu.memory_space<vmem>>
      %dma_start3A_269 = tpu.memref_squeeze %dma_start3A_268 : memref<1x128xf32, #tpu.memory_space<vmem>> -> memref<128xf32, #tpu.memory_space<vmem>>
      %dma_start3A_270 = arith.constant 0 : i32
      %dma_start3A_271 = tpu.memref_slice %arg9[%dma_start3A_265, %dma_start3A_270] : memref<8x128xi32, #tpu.memory_space<vmem>> -> memref<1x128xi32, #tpu.memory_space<vmem>>
      %dma_start3A_272 = tpu.memref_squeeze %dma_start3A_271 : memref<1x128xi32, #tpu.memory_space<vmem>> -> memref<128xi32, #tpu.memory_space<vmem>>
      %dma_start3A_273 = arith.constant 0 : i32
      %dma_start3A_274 = tpu.memref_slice %arg5[%dma_start3A_273] : memref<10240xf32, #tpu.memory_space<hbm>> -> memref<10240xf32, #tpu.memory_space<hbm>>
      tpu.enqueue_indirect_dma source(%dma_start3A_274 : memref<10240xf32, #tpu.memory_space<hbm>>) target(%dma_start3A_269 : memref<128xf32, #tpu.memory_space<vmem>>) offsets(%dma_start3A_272 : memref<128xi32, #tpu.memory_space<vmem>>) semaphore(%arg14 : memref<!tpu.dma_semaphore, #tpu.memory_space<semaphore_mem>>)
      %dma_start3A_275 = arith.constant 3 : i32
      %dma_start3A_276 = arith.constant 3 : i32
      %dma_start3A_277 = arith.constant 0 : i32
      %dma_start3A_278 = tpu.memref_slice %arg11[%dma_start3A_276, %dma_start3A_277] : memref<8x128xf32, #tpu.memory_space<vmem>> -> memref<1x128xf32, #tpu.memory_space<vmem>>
      %dma_start3A_279 = tpu.memref_squeeze %dma_start3A_278 : memref<1x128xf32, #tpu.memory_space<vmem>> -> memref<128xf32, #tpu.memory_space<vmem>>
      %dma_start3A_280 = arith.constant 0 : i32
      %dma_start3A_281 = tpu.memref_slice %arg9[%dma_start3A_275, %dma_start3A_280] : memref<8x128xi32, #tpu.memory_space<vmem>> -> memref<1x128xi32, #tpu.memory_space<vmem>>
      %dma_start3A_282 = tpu.memref_squeeze %dma_start3A_281 : memref<1x128xi32, #tpu.memory_space<vmem>> -> memref<128xi32, #tpu.memory_space<vmem>>
      %dma_start3A_283 = arith.constant 0 : i32
      %dma_start3A_284 = tpu.memref_slice %arg5[%dma_start3A_283] : memref<10240xf32, #tpu.memory_space<hbm>> -> memref<10240xf32, #tpu.memory_space<hbm>>
      tpu.enqueue_indirect_dma source(%dma_start3A_284 : memref<10240xf32, #tpu.memory_space<hbm>>) target(%dma_start3A_279 : memref<128xf32, #tpu.memory_space<vmem>>) offsets(%dma_start3A_282 : memref<128xi32, #tpu.memory_space<vmem>>) semaphore(%arg14 : memref<!tpu.dma_semaphore, #tpu.memory_space<semaphore_mem>>)
      %dma_start3A_285 = arith.constant 4 : i32
      %dma_start3A_286 = arith.constant 4 : i32
      %dma_start3A_287 = arith.constant 0 : i32
      %dma_start3A_288 = tpu.memref_slice %arg11[%dma_start3A_286, %dma_start3A_287] : memref<8x128xf32, #tpu.memory_space<vmem>> -> memref<1x128xf32, #tpu.memory_space<vmem>>
      %dma_start3A_289 = tpu.memref_squeeze %dma_start3A_288 : memref<1x128xf32, #tpu.memory_space<vmem>> -> memref<128xf32, #tpu.memory_space<vmem>>
      %dma_start3A_290 = arith.constant 0 : i32
      %dma_start3A_291 = tpu.memref_slice %arg9[%dma_start3A_285, %dma_start3A_290] : memref<8x128xi32, #tpu.memory_space<vmem>> -> memref<1x128xi32, #tpu.memory_space<vmem>>
      %dma_start3A_292 = tpu.memref_squeeze %dma_start3A_291 : memref<1x128xi32, #tpu.memory_space<vmem>> -> memref<128xi32, #tpu.memory_space<vmem>>
      %dma_start3A_293 = arith.constant 0 : i32
      %dma_start3A_294 = tpu.memref_slice %arg5[%dma_start3A_293] : memref<10240xf32, #tpu.memory_space<hbm>> -> memref<10240xf32, #tpu.memory_space<hbm>>
      tpu.enqueue_indirect_dma source(%dma_start3A_294 : memref<10240xf32, #tpu.memory_space<hbm>>) target(%dma_start3A_289 : memref<128xf32, #tpu.memory_space<vmem>>) offsets(%dma_start3A_292 : memref<128xi32, #tpu.memory_space<vmem>>) semaphore(%arg14 : memref<!tpu.dma_semaphore, #tpu.memory_space<semaphore_mem>>)
      %dma_start3A_295 = arith.constant 5 : i32
      %dma_start3A_296 = arith.constant 5 : i32
      %dma_start3A_297 = arith.constant 0 : i32
      %dma_start3A_298 = tpu.memref_slice %arg11[%dma_start3A_296, %dma_start3A_297] : memref<8x128xf32, #tpu.memory_space<vmem>> -> memref<1x128xf32, #tpu.memory_space<vmem>>
      %dma_start3A_299 = tpu.memref_squeeze %dma_start3A_298 : memref<1x128xf32, #tpu.memory_space<vmem>> -> memref<128xf32, #tpu.memory_space<vmem>>
      %dma_start3A_300 = arith.constant 0 : i32
      %dma_start3A_301 = tpu.memref_slice %arg9[%dma_start3A_295, %dma_start3A_300] : memref<8x128xi32, #tpu.memory_space<vmem>> -> memref<1x128xi32, #tpu.memory_space<vmem>>
      %dma_start3A_302 = tpu.memref_squeeze %dma_start3A_301 : memref<1x128xi32, #tpu.memory_space<vmem>> -> memref<128xi32, #tpu.memory_space<vmem>>
      %dma_start3A_303 = arith.constant 0 : i32
      %dma_start3A_304 = tpu.memref_slice %arg5[%dma_start3A_303] : memref<10240xf32, #tpu.memory_space<hbm>> -> memref<10240xf32, #tpu.memory_space<hbm>>
      tpu.enqueue_indirect_dma source(%dma_start3A_304 : memref<10240xf32, #tpu.memory_space<hbm>>) target(%dma_start3A_299 : memref<128xf32, #tpu.memory_space<vmem>>) offsets(%dma_start3A_302 : memref<128xi32, #tpu.memory_space<vmem>>) semaphore(%arg14 : memref<!tpu.dma_semaphore, #tpu.memory_space<semaphore_mem>>)
      %dma_start3A_305 = arith.constant 6 : i32
      %dma_start3A_306 = arith.constant 6 : i32
      %dma_start3A_307 = arith.constant 0 : i32
      %dma_start3A_308 = tpu.memref_slice %arg11[%dma_start3A_306, %dma_start3A_307] : memref<8x128xf32, #tpu.memory_space<vmem>> -> memref<1x128xf32, #tpu.memory_space<vmem>>
      %dma_start3A_309 = tpu.memref_squeeze %dma_start3A_308 : memref<1x128xf32, #tpu.memory_space<vmem>> -> memref<128xf32, #tpu.memory_space<vmem>>
      %dma_start3A_310 = arith.constant 0 : i32
      %dma_start3A_311 = tpu.memref_slice %arg9[%dma_start3A_305, %dma_start3A_310] : memref<8x128xi32, #tpu.memory_space<vmem>> -> memref<1x128xi32, #tpu.memory_space<vmem>>
      %dma_start3A_312 = tpu.memref_squeeze %dma_start3A_311 : memref<1x128xi32, #tpu.memory_space<vmem>> -> memref<128xi32, #tpu.memory_space<vmem>>
      %dma_start3A_313 = arith.constant 0 : i32
      %dma_start3A_314 = tpu.memref_slice %arg5[%dma_start3A_313] : memref<10240xf32, #tpu.memory_space<hbm>> -> memref<10240xf32, #tpu.memory_space<hbm>>
      tpu.enqueue_indirect_dma source(%dma_start3A_314 : memref<10240xf32, #tpu.memory_space<hbm>>) target(%dma_start3A_309 : memref<128xf32, #tpu.memory_space<vmem>>) offsets(%dma_start3A_312 : memref<128xi32, #tpu.memory_space<vmem>>) semaphore(%arg14 : memref<!tpu.dma_semaphore, #tpu.memory_space<semaphore_mem>>)
      %dma_start3A_315 = arith.constant 7 : i32
      %dma_start3A_316 = arith.constant 7 : i32
      %dma_start3A_317 = arith.constant 0 : i32
      %dma_start3A_318 = tpu.memref_slice %arg11[%dma_start3A_316, %dma_start3A_317] : memref<8x128xf32, #tpu.memory_space<vmem>> -> memref<1x128xf32, #tpu.memory_space<vmem>>
      %dma_start3A_319 = tpu.memref_squeeze %dma_start3A_318 : memref<1x128xf32, #tpu.memory_space<vmem>> -> memref<128xf32, #tpu.memory_space<vmem>>
      %dma_start3A_320 = arith.constant 0 : i32
      %dma_start3A_321 = tpu.memref_slice %arg9[%dma_start3A_315, %dma_start3A_320] : memref<8x128xi32, #tpu.memory_space<vmem>> -> memref<1x128xi32, #tpu.memory_space<vmem>>
      %dma_start3A_322 = tpu.memref_squeeze %dma_start3A_321 : memref<1x128xi32, #tpu.memory_space<vmem>> -> memref<128xi32, #tpu.memory_space<vmem>>
      %dma_start3A_323 = arith.constant 0 : i32
      %dma_start3A_324 = tpu.memref_slice %arg5[%dma_start3A_323] : memref<10240xf32, #tpu.memory_space<hbm>> -> memref<10240xf32, #tpu.memory_space<hbm>>
      tpu.enqueue_indirect_dma source(%dma_start3A_324 : memref<10240xf32, #tpu.memory_space<hbm>>) target(%dma_start3A_319 : memref<128xf32, #tpu.memory_space<vmem>>) offsets(%dma_start3A_322 : memref<128xi32, #tpu.memory_space<vmem>>) semaphore(%arg14 : memref<!tpu.dma_semaphore, #tpu.memory_space<semaphore_mem>>)
      %dma_wait3A_325 = arith.constant 0 : i32
      %dma_wait3A_326 = arith.constant 0 : i32
      %dma_wait3A_327 = tpu.memref_slice %arg10[%dma_wait3A_325, %dma_wait3A_326] : memref<256x128xf32, #tpu.memory_space<vmem>> -> memref<128x128xf32, #tpu.memory_space<vmem>>
      %dma_wait3A_328 = arith.constant 0 : i32
      %dma_wait3A_329 = arith.constant 0 : i32
      %dma_wait3A_330 = tpu.memref_slice %arg2[%dma_wait3A_328, %dma_wait3A_329] : memref<10240x128xf32, #tpu.memory_space<hbm>> -> memref<128x128xf32, #tpu.memory_space<hbm>>
      %dma_wait3A_331 = arith.constant 0 : i32
      %dma_wait3A_332 = arith.constant 0 : i32
      %dma_wait3A_333 = tpu.memref_slice %arg10[%dma_wait3A_331, %dma_wait3A_332] : memref<256x128xf32, #tpu.memory_space<vmem>> -> memref<128x128xf32, #tpu.memory_space<vmem>>
      %dma_wait3A_334 = arith.constant 0 : i32
      %dma_wait3A_335 = arith.constant 0 : i32
      %dma_wait3A_336 = tpu.memref_slice %arg2[%dma_wait3A_334, %dma_wait3A_335] : memref<10240x128xf32, #tpu.memory_space<hbm>> -> memref<128x128xf32, #tpu.memory_space<hbm>>
      tpu.wait_dma2 semaphore(%arg12 : memref<!tpu.dma_semaphore, #tpu.memory_space<semaphore_mem>>) src(%dma_wait3A_336 : memref<128x128xf32, #tpu.memory_space<hbm>>) dst(%dma_wait3A_333 : memref<128x128xf32, #tpu.memory_space<vmem>>)
      %run_scoped3A_337 = arith.constant 0 : i32
      "tpu.region"() ({
        %run_scoped3A_649 = tpu.sem_alloc : memref<!tpu.dma_semaphore, #tpu.memory_space<semaphore_mem>>
        %dma_start3A_650 = arith.constant 0 : i32
        %dma_start3A_651 = arith.constant 0 : i32
        %dma_start3A_652 = tpu.memref_slice %arg10[%dma_start3A_650, %dma_start3A_651] : memref<256x128xf32, #tpu.memory_space<vmem>> -> memref<128x128xf32, #tpu.memory_space<vmem>>
        %dma_start3A_653 = arith.constant 0 : i32
        %dma_start3A_654 = tpu.memref_slice %arg9[%run_scoped3A_337, %dma_start3A_653] : memref<8x128xi32, #tpu.memory_space<vmem>> -> memref<1x128xi32, #tpu.memory_space<vmem>>
        %dma_start3A_655 = tpu.memref_squeeze %dma_start3A_654 : memref<1x128xi32, #tpu.memory_space<vmem>> -> memref<128xi32, #tpu.memory_space<vmem>>
        %dma_start3A_656 = arith.constant 0 : i32
        %dma_start3A_657 = arith.constant 0 : i32
        %dma_start3A_658 = tpu.memref_slice %arg16[%dma_start3A_656, %dma_start3A_657] : memref<10240x128xf32, #tpu.memory_space<vmem_shared>> -> memref<10240x128xf32, #tpu.memory_space<vmem_shared>>
        tpu.enqueue_indirect_dma source(%dma_start3A_652 : memref<128x128xf32, #tpu.memory_space<vmem>>) target(%dma_start3A_658 : memref<10240x128xf32, #tpu.memory_space<vmem_shared>>) offsets(%dma_start3A_655 : memref<128xi32, #tpu.memory_space<vmem>>) semaphore(%run_scoped3A_649 : memref<!tpu.dma_semaphore, #tpu.memory_space<semaphore_mem>>) {add = true}
        %dma_wait3A_659 = arith.constant 0 : i32
        %dma_wait3A_660 = arith.constant 0 : i32
        %dma_wait3A_661 = tpu.memref_slice %arg10[%dma_wait3A_659, %dma_wait3A_660] : memref<256x128xf32, #tpu.memory_space<vmem>> -> memref<128x128xf32, #tpu.memory_space<vmem>>
        %dma_wait3A_662 = arith.constant 0 : i32
        %dma_wait3A_663 = tpu.memref_slice %arg9[%run_scoped3A_337, %dma_wait3A_662] : memref<8x128xi32, #tpu.memory_space<vmem>> -> memref<1x128xi32, #tpu.memory_space<vmem>>
        %dma_wait3A_664 = tpu.memref_squeeze %dma_wait3A_663 : memref<1x128xi32, #tpu.memory_space<vmem>> -> memref<128xi32, #tpu.memory_space<vmem>>
        %dma_wait3A_665 = arith.constant 0 : i32
        %dma_wait3A_666 = arith.constant 0 : i32
        %dma_wait3A_667 = tpu.memref_slice %arg16[%dma_wait3A_665, %dma_wait3A_666] : memref<10240x128xf32, #tpu.memory_space<vmem_shared>> -> memref<10240x128xf32, #tpu.memory_space<vmem_shared>>
        tpu.wait_indirect_dma semaphore(%run_scoped3A_649 : memref<!tpu.dma_semaphore, #tpu.memory_space<semaphore_mem>>) src(%dma_wait3A_661 : memref<128x128xf32, #tpu.memory_space<vmem>>) dst(%dma_wait3A_667 : memref<10240x128xf32, #tpu.memory_space<vmem_shared>>)
        tpu.yield
      }) : () -> ()
      %dma_start3A_338 = arith.constant 2 : i32
      %dma_start3A_339 = arith.constant 0 : i32
      %dma_start3A_340 = arith.constant 0 : i32
      %dma_start3A_341 = tpu.memref_slice %arg10[%dma_start3A_339, %dma_start3A_340] : memref<256x128xf32, #tpu.memory_space<vmem>> -> memref<128x128xf32, #tpu.memory_space<vmem>>
      %dma_start3A_342 = arith.constant 0 : i32
      %dma_start3A_343 = tpu.memref_slice %arg8[%dma_start3A_338, %dma_start3A_342] : memref<8x128xi32, #tpu.memory_space<vmem>> -> memref<1x128xi32, #tpu.memory_space<vmem>>
      %dma_start3A_344 = tpu.memref_squeeze %dma_start3A_343 : memref<1x128xi32, #tpu.memory_space<vmem>> -> memref<128xi32, #tpu.memory_space<vmem>>
      %dma_start3A_345 = arith.constant 0 : i32
      %dma_start3A_346 = arith.constant 0 : i32
      %dma_start3A_347 = tpu.memref_slice %arg2[%dma_start3A_345, %dma_start3A_346] : memref<10240x128xf32, #tpu.memory_space<hbm>> -> memref<10240x128xf32, #tpu.memory_space<hbm>>
      tpu.enqueue_indirect_dma source(%dma_start3A_347 : memref<10240x128xf32, #tpu.memory_space<hbm>>) target(%dma_start3A_341 : memref<128x128xf32, #tpu.memory_space<vmem>>) offsets(%dma_start3A_344 : memref<128xi32, #tpu.memory_space<vmem>>) semaphore(%arg12 : memref<!tpu.dma_semaphore, #tpu.memory_space<semaphore_mem>>)
      %dma_wait3A_348 = arith.constant 128 : i32
      %dma_wait3A_349 = arith.constant 0 : i32
      %dma_wait3A_350 = tpu.memref_slice %arg10[%dma_wait3A_348, %dma_wait3A_349] : memref<256x128xf32, #tpu.memory_space<vmem>> -> memref<128x128xf32, #tpu.memory_space<vmem>>
      %dma_wait3A_351 = arith.constant 0 : i32
      %dma_wait3A_352 = arith.constant 0 : i32
      %dma_wait3A_353 = tpu.memref_slice %arg2[%dma_wait3A_351, %dma_wait3A_352] : memref<10240x128xf32, #tpu.memory_space<hbm>> -> memref<128x128xf32, #tpu.memory_space<hbm>>
      %dma_wait3A_354 = arith.constant 128 : i32
      %dma_wait3A_355 = arith.constant 0 : i32
      %dma_wait3A_356 = tpu.memref_slice %arg10[%dma_wait3A_354, %dma_wait3A_355] : memref<256x128xf32, #tpu.memory_space<vmem>> -> memref<128x128xf32, #tpu.memory_space<vmem>>
      %dma_wait3A_357 = arith.constant 0 : i32
      %dma_wait3A_358 = arith.constant 0 : i32
      %dma_wait3A_359 = tpu.memref_slice %arg2[%dma_wait3A_357, %dma_wait3A_358] : memref<10240x128xf32, #tpu.memory_space<hbm>> -> memref<128x128xf32, #tpu.memory_space<hbm>>
      tpu.wait_dma2 semaphore(%arg13 : memref<!tpu.dma_semaphore, #tpu.memory_space<semaphore_mem>>) src(%dma_wait3A_359 : memref<128x128xf32, #tpu.memory_space<hbm>>) dst(%dma_wait3A_356 : memref<128x128xf32, #tpu.memory_space<vmem>>)
      %run_scoped3A_360 = arith.constant 1 : i32
      "tpu.region"() ({
        %run_scoped3A_649 = tpu.sem_alloc : memref<!tpu.dma_semaphore, #tpu.memory_space<semaphore_mem>>
        %dma_start3A_650 = arith.constant 128 : i32
        %dma_start3A_651 = arith.constant 0 : i32
        %dma_start3A_652 = tpu.memref_slice %arg10[%dma_start3A_650, %dma_start3A_651] : memref<256x128xf32, #tpu.memory_space<vmem>> -> memref<128x128xf32, #tpu.memory_space<vmem>>
        %dma_start3A_653 = arith.constant 0 : i32
        %dma_start3A_654 = tpu.memref_slice %arg9[%run_scoped3A_360, %dma_start3A_653] : memref<8x128xi32, #tpu.memory_space<vmem>> -> memref<1x128xi32, #tpu.memory_space<vmem>>
        %dma_start3A_655 = tpu.memref_squeeze %dma_start3A_654 : memref<1x128xi32, #tpu.memory_space<vmem>> -> memref<128xi32, #tpu.memory_space<vmem>>
        %dma_start3A_656 = arith.constant 0 : i32
        %dma_start3A_657 = arith.constant 0 : i32
        %dma_start3A_658 = tpu.memref_slice %arg16[%dma_start3A_656, %dma_start3A_657] : memref<10240x128xf32, #tpu.memory_space<vmem_shared>> -> memref<10240x128xf32, #tpu.memory_space<vmem_shared>>
        tpu.enqueue_indirect_dma source(%dma_start3A_652 : memref<128x128xf32, #tpu.memory_space<vmem>>) target(%dma_start3A_658 : memref<10240x128xf32, #tpu.memory_space<vmem_shared>>) offsets(%dma_start3A_655 : memref<128xi32, #tpu.memory_space<vmem>>) semaphore(%run_scoped3A_649 : memref<!tpu.dma_semaphore, #tpu.memory_space<semaphore_mem>>) {add = true}
        %dma_wait3A_659 = arith.constant 128 : i32
        %dma_wait3A_660 = arith.constant 0 : i32
        %dma_wait3A_661 = tpu.memref_slice %arg10[%dma_wait3A_659, %dma_wait3A_660] : memref<256x128xf32, #tpu.memory_space<vmem>> -> memref<128x128xf32, #tpu.memory_space<vmem>>
        %dma_wait3A_662 = arith.constant 0 : i32
        %dma_wait3A_663 = tpu.memref_slice %arg9[%run_scoped3A_360, %dma_wait3A_662] : memref<8x128xi32, #tpu.memory_space<vmem>> -> memref<1x128xi32, #tpu.memory_space<vmem>>
        %dma_wait3A_664 = tpu.memref_squeeze %dma_wait3A_663 : memref<1x128xi32, #tpu.memory_space<vmem>> -> memref<128xi32, #tpu.memory_space<vmem>>
        %dma_wait3A_665 = arith.constant 0 : i32
        %dma_wait3A_666 = arith.constant 0 : i32
        %dma_wait3A_667 = tpu.memref_slice %arg16[%dma_wait3A_665, %dma_wait3A_666] : memref<10240x128xf32, #tpu.memory_space<vmem_shared>> -> memref<10240x128xf32, #tpu.memory_space<vmem_shared>>
        tpu.wait_indirect_dma semaphore(%run_scoped3A_649 : memref<!tpu.dma_semaphore, #tpu.memory_space<semaphore_mem>>) src(%dma_wait3A_661 : memref<128x128xf32, #tpu.memory_space<vmem>>) dst(%dma_wait3A_667 : memref<10240x128xf32, #tpu.memory_space<vmem_shared>>)
        tpu.yield
      }) : () -> ()
      %dma_start3A_361 = arith.constant 3 : i32
      %dma_start3A_362 = arith.constant 128 : i32
      %dma_start3A_363 = arith.constant 0 : i32
      %dma_start3A_364 = tpu.memref_slice %arg10[%dma_start3A_362, %dma_start3A_363] : memref<256x128xf32, #tpu.memory_space<vmem>> -> memref<128x128xf32, #tpu.memory_space<vmem>>
      %dma_start3A_365 = arith.constant 0 : i32
      %dma_start3A_366 = tpu.memref_slice %arg8[%dma_start3A_361, %dma_start3A_365] : memref<8x128xi32, #tpu.memory_space<vmem>> -> memref<1x128xi32, #tpu.memory_space<vmem>>
      %dma_start3A_367 = tpu.memref_squeeze %dma_start3A_366 : memref<1x128xi32, #tpu.memory_space<vmem>> -> memref<128xi32, #tpu.memory_space<vmem>>
      %dma_start3A_368 = arith.constant 0 : i32
      %dma_start3A_369 = arith.constant 0 : i32
      %dma_start3A_370 = tpu.memref_slice %arg2[%dma_start3A_368, %dma_start3A_369] : memref<10240x128xf32, #tpu.memory_space<hbm>> -> memref<10240x128xf32, #tpu.memory_space<hbm>>
      tpu.enqueue_indirect_dma source(%dma_start3A_370 : memref<10240x128xf32, #tpu.memory_space<hbm>>) target(%dma_start3A_364 : memref<128x128xf32, #tpu.memory_space<vmem>>) offsets(%dma_start3A_367 : memref<128xi32, #tpu.memory_space<vmem>>) semaphore(%arg13 : memref<!tpu.dma_semaphore, #tpu.memory_space<semaphore_mem>>)
      %dma_wait3A_371 = arith.constant 0 : i32
      %dma_wait3A_372 = arith.constant 0 : i32
      %dma_wait3A_373 = tpu.memref_slice %arg10[%dma_wait3A_371, %dma_wait3A_372] : memref<256x128xf32, #tpu.memory_space<vmem>> -> memref<128x128xf32, #tpu.memory_space<vmem>>
      %dma_wait3A_374 = arith.constant 0 : i32
      %dma_wait3A_375 = arith.constant 0 : i32
      %dma_wait3A_376 = tpu.memref_slice %arg2[%dma_wait3A_374, %dma_wait3A_375] : memref<10240x128xf32, #tpu.memory_space<hbm>> -> memref<128x128xf32, #tpu.memory_space<hbm>>
      %dma_wait3A_377 = arith.constant 0 : i32
      %dma_wait3A_378 = arith.constant 0 : i32
      %dma_wait3A_379 = tpu.memref_slice %arg10[%dma_wait3A_377, %dma_wait3A_378] : memref<256x128xf32, #tpu.memory_space<vmem>> -> memref<128x128xf32, #tpu.memory_space<vmem>>
      %dma_wait3A_380 = arith.constant 0 : i32
      %dma_wait3A_381 = arith.constant 0 : i32
      %dma_wait3A_382 = tpu.memref_slice %arg2[%dma_wait3A_380, %dma_wait3A_381] : memref<10240x128xf32, #tpu.memory_space<hbm>> -> memref<128x128xf32, #tpu.memory_space<hbm>>
      tpu.wait_dma2 semaphore(%arg12 : memref<!tpu.dma_semaphore, #tpu.memory_space<semaphore_mem>>) src(%dma_wait3A_382 : memref<128x128xf32, #tpu.memory_space<hbm>>) dst(%dma_wait3A_379 : memref<128x128xf32, #tpu.memory_space<vmem>>)
      %run_scoped3A_383 = arith.constant 2 : i32
      "tpu.region"() ({
        %run_scoped3A_649 = tpu.sem_alloc : memref<!tpu.dma_semaphore, #tpu.memory_space<semaphore_mem>>
        %dma_start3A_650 = arith.constant 0 : i32
        %dma_start3A_651 = arith.constant 0 : i32
        %dma_start3A_652 = tpu.memref_slice %arg10[%dma_start3A_650, %dma_start3A_651] : memref<256x128xf32, #tpu.memory_space<vmem>> -> memref<128x128xf32, #tpu.memory_space<vmem>>
        %dma_start3A_653 = arith.constant 0 : i32
        %dma_start3A_654 = tpu.memref_slice %arg9[%run_scoped3A_383, %dma_start3A_653] : memref<8x128xi32, #tpu.memory_space<vmem>> -> memref<1x128xi32, #tpu.memory_space<vmem>>
        %dma_start3A_655 = tpu.memref_squeeze %dma_start3A_654 : memref<1x128xi32, #tpu.memory_space<vmem>> -> memref<128xi32, #tpu.memory_space<vmem>>
        %dma_start3A_656 = arith.constant 0 : i32
        %dma_start3A_657 = arith.constant 0 : i32
        %dma_start3A_658 = tpu.memref_slice %arg16[%dma_start3A_656, %dma_start3A_657] : memref<10240x128xf32, #tpu.memory_space<vmem_shared>> -> memref<10240x128xf32, #tpu.memory_space<vmem_shared>>
        tpu.enqueue_indirect_dma source(%dma_start3A_652 : memref<128x128xf32, #tpu.memory_space<vmem>>) target(%dma_start3A_658 : memref<10240x128xf32, #tpu.memory_space<vmem_shared>>) offsets(%dma_start3A_655 : memref<128xi32, #tpu.memory_space<vmem>>) semaphore(%run_scoped3A_649 : memref<!tpu.dma_semaphore, #tpu.memory_space<semaphore_mem>>) {add = true}
        %dma_wait3A_659 = arith.constant 0 : i32
        %dma_wait3A_660 = arith.constant 0 : i32
        %dma_wait3A_661 = tpu.memref_slice %arg10[%dma_wait3A_659, %dma_wait3A_660] : memref<256x128xf32, #tpu.memory_space<vmem>> -> memref<128x128xf32, #tpu.memory_space<vmem>>
        %dma_wait3A_662 = arith.constant 0 : i32
        %dma_wait3A_663 = tpu.memref_slice %arg9[%run_scoped3A_383, %dma_wait3A_662] : memref<8x128xi32, #tpu.memory_space<vmem>> -> memref<1x128xi32, #tpu.memory_space<vmem>>
        %dma_wait3A_664 = tpu.memref_squeeze %dma_wait3A_663 : memref<1x128xi32, #tpu.memory_space<vmem>> -> memref<128xi32, #tpu.memory_space<vmem>>
        %dma_wait3A_665 = arith.constant 0 : i32
        %dma_wait3A_666 = arith.constant 0 : i32
        %dma_wait3A_667 = tpu.memref_slice %arg16[%dma_wait3A_665, %dma_wait3A_666] : memref<10240x128xf32, #tpu.memory_space<vmem_shared>> -> memref<10240x128xf32, #tpu.memory_space<vmem_shared>>
        tpu.wait_indirect_dma semaphore(%run_scoped3A_649 : memref<!tpu.dma_semaphore, #tpu.memory_space<semaphore_mem>>) src(%dma_wait3A_661 : memref<128x128xf32, #tpu.memory_space<vmem>>) dst(%dma_wait3A_667 : memref<10240x128xf32, #tpu.memory_space<vmem_shared>>)
        tpu.yield
      }) : () -> ()
      %dma_start3A_384 = arith.constant 4 : i32
      %dma_start3A_385 = arith.constant 0 : i32
      %dma_start3A_386 = arith.constant 0 : i32
      %dma_start3A_387 = tpu.memref_slice %arg10[%dma_start3A_385, %dma_start3A_386] : memref<256x128xf32, #tpu.memory_space<vmem>> -> memref<128x128xf32, #tpu.memory_space<vmem>>
      %dma_start3A_388 = arith.constant 0 : i32
      %dma_start3A_389 = tpu.memref_slice %arg8[%dma_start3A_384, %dma_start3A_388] : memref<8x128xi32, #tpu.memory_space<vmem>> -> memref<1x128xi32, #tpu.memory_space<vmem>>
      %dma_start3A_390 = tpu.memref_squeeze %dma_start3A_389 : memref<1x128xi32, #tpu.memory_space<vmem>> -> memref<128xi32, #tpu.memory_space<vmem>>
      %dma_start3A_391 = arith.constant 0 : i32
      %dma_start3A_392 = arith.constant 0 : i32
      %dma_start3A_393 = tpu.memref_slice %arg2[%dma_start3A_391, %dma_start3A_392] : memref<10240x128xf32, #tpu.memory_space<hbm>> -> memref<10240x128xf32, #tpu.memory_space<hbm>>
      tpu.enqueue_indirect_dma source(%dma_start3A_393 : memref<10240x128xf32, #tpu.memory_space<hbm>>) target(%dma_start3A_387 : memref<128x128xf32, #tpu.memory_space<vmem>>) offsets(%dma_start3A_390 : memref<128xi32, #tpu.memory_space<vmem>>) semaphore(%arg12 : memref<!tpu.dma_semaphore, #tpu.memory_space<semaphore_mem>>)
      %dma_wait3A_394 = arith.constant 128 : i32
      %dma_wait3A_395 = arith.constant 0 : i32
      %dma_wait3A_396 = tpu.memref_slice %arg10[%dma_wait3A_394, %dma_wait3A_395] : memref<256x128xf32, #tpu.memory_space<vmem>> -> memref<128x128xf32, #tpu.memory_space<vmem>>
      %dma_wait3A_397 = arith.constant 0 : i32
      %dma_wait3A_398 = arith.constant 0 : i32
      %dma_wait3A_399 = tpu.memref_slice %arg2[%dma_wait3A_397, %dma_wait3A_398] : memref<10240x128xf32, #tpu.memory_space<hbm>> -> memref<128x128xf32, #tpu.memory_space<hbm>>
      %dma_wait3A_400 = arith.constant 128 : i32
      %dma_wait3A_401 = arith.constant 0 : i32
      %dma_wait3A_402 = tpu.memref_slice %arg10[%dma_wait3A_400, %dma_wait3A_401] : memref<256x128xf32, #tpu.memory_space<vmem>> -> memref<128x128xf32, #tpu.memory_space<vmem>>
      %dma_wait3A_403 = arith.constant 0 : i32
      %dma_wait3A_404 = arith.constant 0 : i32
      %dma_wait3A_405 = tpu.memref_slice %arg2[%dma_wait3A_403, %dma_wait3A_404] : memref<10240x128xf32, #tpu.memory_space<hbm>> -> memref<128x128xf32, #tpu.memory_space<hbm>>
      tpu.wait_dma2 semaphore(%arg13 : memref<!tpu.dma_semaphore, #tpu.memory_space<semaphore_mem>>) src(%dma_wait3A_405 : memref<128x128xf32, #tpu.memory_space<hbm>>) dst(%dma_wait3A_402 : memref<128x128xf32, #tpu.memory_space<vmem>>)
      %run_scoped3A_406 = arith.constant 3 : i32
      "tpu.region"() ({
        %run_scoped3A_649 = tpu.sem_alloc : memref<!tpu.dma_semaphore, #tpu.memory_space<semaphore_mem>>
        %dma_start3A_650 = arith.constant 128 : i32
        %dma_start3A_651 = arith.constant 0 : i32
        %dma_start3A_652 = tpu.memref_slice %arg10[%dma_start3A_650, %dma_start3A_651] : memref<256x128xf32, #tpu.memory_space<vmem>> -> memref<128x128xf32, #tpu.memory_space<vmem>>
        %dma_start3A_653 = arith.constant 0 : i32
        %dma_start3A_654 = tpu.memref_slice %arg9[%run_scoped3A_406, %dma_start3A_653] : memref<8x128xi32, #tpu.memory_space<vmem>> -> memref<1x128xi32, #tpu.memory_space<vmem>>
        %dma_start3A_655 = tpu.memref_squeeze %dma_start3A_654 : memref<1x128xi32, #tpu.memory_space<vmem>> -> memref<128xi32, #tpu.memory_space<vmem>>
        %dma_start3A_656 = arith.constant 0 : i32
        %dma_start3A_657 = arith.constant 0 : i32
        %dma_start3A_658 = tpu.memref_slice %arg16[%dma_start3A_656, %dma_start3A_657] : memref<10240x128xf32, #tpu.memory_space<vmem_shared>> -> memref<10240x128xf32, #tpu.memory_space<vmem_shared>>
        tpu.enqueue_indirect_dma source(%dma_start3A_652 : memref<128x128xf32, #tpu.memory_space<vmem>>) target(%dma_start3A_658 : memref<10240x128xf32, #tpu.memory_space<vmem_shared>>) offsets(%dma_start3A_655 : memref<128xi32, #tpu.memory_space<vmem>>) semaphore(%run_scoped3A_649 : memref<!tpu.dma_semaphore, #tpu.memory_space<semaphore_mem>>) {add = true}
        %dma_wait3A_659 = arith.constant 128 : i32
        %dma_wait3A_660 = arith.constant 0 : i32
        %dma_wait3A_661 = tpu.memref_slice %arg10[%dma_wait3A_659, %dma_wait3A_660] : memref<256x128xf32, #tpu.memory_space<vmem>> -> memref<128x128xf32, #tpu.memory_space<vmem>>
        %dma_wait3A_662 = arith.constant 0 : i32
        %dma_wait3A_663 = tpu.memref_slice %arg9[%run_scoped3A_406, %dma_wait3A_662] : memref<8x128xi32, #tpu.memory_space<vmem>> -> memref<1x128xi32, #tpu.memory_space<vmem>>
        %dma_wait3A_664 = tpu.memref_squeeze %dma_wait3A_663 : memref<1x128xi32, #tpu.memory_space<vmem>> -> memref<128xi32, #tpu.memory_space<vmem>>
        %dma_wait3A_665 = arith.constant 0 : i32
        %dma_wait3A_666 = arith.constant 0 : i32
        %dma_wait3A_667 = tpu.memref_slice %arg16[%dma_wait3A_665, %dma_wait3A_666] : memref<10240x128xf32, #tpu.memory_space<vmem_shared>> -> memref<10240x128xf32, #tpu.memory_space<vmem_shared>>
        tpu.wait_indirect_dma semaphore(%run_scoped3A_649 : memref<!tpu.dma_semaphore, #tpu.memory_space<semaphore_mem>>) src(%dma_wait3A_661 : memref<128x128xf32, #tpu.memory_space<vmem>>) dst(%dma_wait3A_667 : memref<10240x128xf32, #tpu.memory_space<vmem_shared>>)
        tpu.yield
      }) : () -> ()
      %dma_start3A_407 = arith.constant 5 : i32
      %dma_start3A_408 = arith.constant 128 : i32
      %dma_start3A_409 = arith.constant 0 : i32
      %dma_start3A_410 = tpu.memref_slice %arg10[%dma_start3A_408, %dma_start3A_409] : memref<256x128xf32, #tpu.memory_space<vmem>> -> memref<128x128xf32, #tpu.memory_space<vmem>>
      %dma_start3A_411 = arith.constant 0 : i32
      %dma_start3A_412 = tpu.memref_slice %arg8[%dma_start3A_407, %dma_start3A_411] : memref<8x128xi32, #tpu.memory_space<vmem>> -> memref<1x128xi32, #tpu.memory_space<vmem>>
      %dma_start3A_413 = tpu.memref_squeeze %dma_start3A_412 : memref<1x128xi32, #tpu.memory_space<vmem>> -> memref<128xi32, #tpu.memory_space<vmem>>
      %dma_start3A_414 = arith.constant 0 : i32
      %dma_start3A_415 = arith.constant 0 : i32
      %dma_start3A_416 = tpu.memref_slice %arg2[%dma_start3A_414, %dma_start3A_415] : memref<10240x128xf32, #tpu.memory_space<hbm>> -> memref<10240x128xf32, #tpu.memory_space<hbm>>
      tpu.enqueue_indirect_dma source(%dma_start3A_416 : memref<10240x128xf32, #tpu.memory_space<hbm>>) target(%dma_start3A_410 : memref<128x128xf32, #tpu.memory_space<vmem>>) offsets(%dma_start3A_413 : memref<128xi32, #tpu.memory_space<vmem>>) semaphore(%arg13 : memref<!tpu.dma_semaphore, #tpu.memory_space<semaphore_mem>>)
      %dma_wait3A_417 = arith.constant 0 : i32
      %dma_wait3A_418 = arith.constant 0 : i32
      %dma_wait3A_419 = tpu.memref_slice %arg10[%dma_wait3A_417, %dma_wait3A_418] : memref<256x128xf32, #tpu.memory_space<vmem>> -> memref<128x128xf32, #tpu.memory_space<vmem>>
      %dma_wait3A_420 = arith.constant 0 : i32
      %dma_wait3A_421 = arith.constant 0 : i32
      %dma_wait3A_422 = tpu.memref_slice %arg2[%dma_wait3A_420, %dma_wait3A_421] : memref<10240x128xf32, #tpu.memory_space<hbm>> -> memref<128x128xf32, #tpu.memory_space<hbm>>
      %dma_wait3A_423 = arith.constant 0 : i32
      %dma_wait3A_424 = arith.constant 0 : i32
      %dma_wait3A_425 = tpu.memref_slice %arg10[%dma_wait3A_423, %dma_wait3A_424] : memref<256x128xf32, #tpu.memory_space<vmem>> -> memref<128x128xf32, #tpu.memory_space<vmem>>
      %dma_wait3A_426 = arith.constant 0 : i32
      %dma_wait3A_427 = arith.constant 0 : i32
      %dma_wait3A_428 = tpu.memref_slice %arg2[%dma_wait3A_426, %dma_wait3A_427] : memref<10240x128xf32, #tpu.memory_space<hbm>> -> memref<128x128xf32, #tpu.memory_space<hbm>>
      tpu.wait_dma2 semaphore(%arg12 : memref<!tpu.dma_semaphore, #tpu.memory_space<semaphore_mem>>) src(%dma_wait3A_428 : memref<128x128xf32, #tpu.memory_space<hbm>>) dst(%dma_wait3A_425 : memref<128x128xf32, #tpu.memory_space<vmem>>)
      %run_scoped3A_429 = arith.constant 4 : i32
      "tpu.region"() ({
        %run_scoped3A_649 = tpu.sem_alloc : memref<!tpu.dma_semaphore, #tpu.memory_space<semaphore_mem>>
        %dma_start3A_650 = arith.constant 0 : i32
        %dma_start3A_651 = arith.constant 0 : i32
        %dma_start3A_652 = tpu.memref_slice %arg10[%dma_start3A_650, %dma_start3A_651] : memref<256x128xf32, #tpu.memory_space<vmem>> -> memref<128x128xf32, #tpu.memory_space<vmem>>
        %dma_start3A_653 = arith.constant 0 : i32
        %dma_start3A_654 = tpu.memref_slice %arg9[%run_scoped3A_429, %dma_start3A_653] : memref<8x128xi32, #tpu.memory_space<vmem>> -> memref<1x128xi32, #tpu.memory_space<vmem>>
        %dma_start3A_655 = tpu.memref_squeeze %dma_start3A_654 : memref<1x128xi32, #tpu.memory_space<vmem>> -> memref<128xi32, #tpu.memory_space<vmem>>
        %dma_start3A_656 = arith.constant 0 : i32
        %dma_start3A_657 = arith.constant 0 : i32
        %dma_start3A_658 = tpu.memref_slice %arg16[%dma_start3A_656, %dma_start3A_657] : memref<10240x128xf32, #tpu.memory_space<vmem_shared>> -> memref<10240x128xf32, #tpu.memory_space<vmem_shared>>
        tpu.enqueue_indirect_dma source(%dma_start3A_652 : memref<128x128xf32, #tpu.memory_space<vmem>>) target(%dma_start3A_658 : memref<10240x128xf32, #tpu.memory_space<vmem_shared>>) offsets(%dma_start3A_655 : memref<128xi32, #tpu.memory_space<vmem>>) semaphore(%run_scoped3A_649 : memref<!tpu.dma_semaphore, #tpu.memory_space<semaphore_mem>>) {add = true}
        %dma_wait3A_659 = arith.constant 0 : i32
        %dma_wait3A_660 = arith.constant 0 : i32
        %dma_wait3A_661 = tpu.memref_slice %arg10[%dma_wait3A_659, %dma_wait3A_660] : memref<256x128xf32, #tpu.memory_space<vmem>> -> memref<128x128xf32, #tpu.memory_space<vmem>>
        %dma_wait3A_662 = arith.constant 0 : i32
        %dma_wait3A_663 = tpu.memref_slice %arg9[%run_scoped3A_429, %dma_wait3A_662] : memref<8x128xi32, #tpu.memory_space<vmem>> -> memref<1x128xi32, #tpu.memory_space<vmem>>
        %dma_wait3A_664 = tpu.memref_squeeze %dma_wait3A_663 : memref<1x128xi32, #tpu.memory_space<vmem>> -> memref<128xi32, #tpu.memory_space<vmem>>
        %dma_wait3A_665 = arith.constant 0 : i32
        %dma_wait3A_666 = arith.constant 0 : i32
        %dma_wait3A_667 = tpu.memref_slice %arg16[%dma_wait3A_665, %dma_wait3A_666] : memref<10240x128xf32, #tpu.memory_space<vmem_shared>> -> memref<10240x128xf32, #tpu.memory_space<vmem_shared>>
        tpu.wait_indirect_dma semaphore(%run_scoped3A_649 : memref<!tpu.dma_semaphore, #tpu.memory_space<semaphore_mem>>) src(%dma_wait3A_661 : memref<128x128xf32, #tpu.memory_space<vmem>>) dst(%dma_wait3A_667 : memref<10240x128xf32, #tpu.memory_space<vmem_shared>>)
        tpu.yield
      }) : () -> ()
      %dma_start3A_430 = arith.constant 6 : i32
      %dma_start3A_431 = arith.constant 0 : i32
      %dma_start3A_432 = arith.constant 0 : i32
      %dma_start3A_433 = tpu.memref_slice %arg10[%dma_start3A_431, %dma_start3A_432] : memref<256x128xf32, #tpu.memory_space<vmem>> -> memref<128x128xf32, #tpu.memory_space<vmem>>
      %dma_start3A_434 = arith.constant 0 : i32
      %dma_start3A_435 = tpu.memref_slice %arg8[%dma_start3A_430, %dma_start3A_434] : memref<8x128xi32, #tpu.memory_space<vmem>> -> memref<1x128xi32, #tpu.memory_space<vmem>>
      %dma_start3A_436 = tpu.memref_squeeze %dma_start3A_435 : memref<1x128xi32, #tpu.memory_space<vmem>> -> memref<128xi32, #tpu.memory_space<vmem>>
      %dma_start3A_437 = arith.constant 0 : i32
      %dma_start3A_438 = arith.constant 0 : i32
      %dma_start3A_439 = tpu.memref_slice %arg2[%dma_start3A_437, %dma_start3A_438] : memref<10240x128xf32, #tpu.memory_space<hbm>> -> memref<10240x128xf32, #tpu.memory_space<hbm>>
      tpu.enqueue_indirect_dma source(%dma_start3A_439 : memref<10240x128xf32, #tpu.memory_space<hbm>>) target(%dma_start3A_433 : memref<128x128xf32, #tpu.memory_space<vmem>>) offsets(%dma_start3A_436 : memref<128xi32, #tpu.memory_space<vmem>>) semaphore(%arg12 : memref<!tpu.dma_semaphore, #tpu.memory_space<semaphore_mem>>)
      %dma_wait3A_440 = arith.constant 128 : i32
      %dma_wait3A_441 = arith.constant 0 : i32
      %dma_wait3A_442 = tpu.memref_slice %arg10[%dma_wait3A_440, %dma_wait3A_441] : memref<256x128xf32, #tpu.memory_space<vmem>> -> memref<128x128xf32, #tpu.memory_space<vmem>>
      %dma_wait3A_443 = arith.constant 0 : i32
      %dma_wait3A_444 = arith.constant 0 : i32
      %dma_wait3A_445 = tpu.memref_slice %arg2[%dma_wait3A_443, %dma_wait3A_444] : memref<10240x128xf32, #tpu.memory_space<hbm>> -> memref<128x128xf32, #tpu.memory_space<hbm>>
      %dma_wait3A_446 = arith.constant 128 : i32
      %dma_wait3A_447 = arith.constant 0 : i32
      %dma_wait3A_448 = tpu.memref_slice %arg10[%dma_wait3A_446, %dma_wait3A_447] : memref<256x128xf32, #tpu.memory_space<vmem>> -> memref<128x128xf32, #tpu.memory_space<vmem>>
      %dma_wait3A_449 = arith.constant 0 : i32
      %dma_wait3A_450 = arith.constant 0 : i32
      %dma_wait3A_451 = tpu.memref_slice %arg2[%dma_wait3A_449, %dma_wait3A_450] : memref<10240x128xf32, #tpu.memory_space<hbm>> -> memref<128x128xf32, #tpu.memory_space<hbm>>
      tpu.wait_dma2 semaphore(%arg13 : memref<!tpu.dma_semaphore, #tpu.memory_space<semaphore_mem>>) src(%dma_wait3A_451 : memref<128x128xf32, #tpu.memory_space<hbm>>) dst(%dma_wait3A_448 : memref<128x128xf32, #tpu.memory_space<vmem>>)
      %run_scoped3A_452 = arith.constant 5 : i32
      "tpu.region"() ({
        %run_scoped3A_649 = tpu.sem_alloc : memref<!tpu.dma_semaphore, #tpu.memory_space<semaphore_mem>>
        %dma_start3A_650 = arith.constant 128 : i32
        %dma_start3A_651 = arith.constant 0 : i32
        %dma_start3A_652 = tpu.memref_slice %arg10[%dma_start3A_650, %dma_start3A_651] : memref<256x128xf32, #tpu.memory_space<vmem>> -> memref<128x128xf32, #tpu.memory_space<vmem>>
        %dma_start3A_653 = arith.constant 0 : i32
        %dma_start3A_654 = tpu.memref_slice %arg9[%run_scoped3A_452, %dma_start3A_653] : memref<8x128xi32, #tpu.memory_space<vmem>> -> memref<1x128xi32, #tpu.memory_space<vmem>>
        %dma_start3A_655 = tpu.memref_squeeze %dma_start3A_654 : memref<1x128xi32, #tpu.memory_space<vmem>> -> memref<128xi32, #tpu.memory_space<vmem>>
        %dma_start3A_656 = arith.constant 0 : i32
        %dma_start3A_657 = arith.constant 0 : i32
        %dma_start3A_658 = tpu.memref_slice %arg16[%dma_start3A_656, %dma_start3A_657] : memref<10240x128xf32, #tpu.memory_space<vmem_shared>> -> memref<10240x128xf32, #tpu.memory_space<vmem_shared>>
        tpu.enqueue_indirect_dma source(%dma_start3A_652 : memref<128x128xf32, #tpu.memory_space<vmem>>) target(%dma_start3A_658 : memref<10240x128xf32, #tpu.memory_space<vmem_shared>>) offsets(%dma_start3A_655 : memref<128xi32, #tpu.memory_space<vmem>>) semaphore(%run_scoped3A_649 : memref<!tpu.dma_semaphore, #tpu.memory_space<semaphore_mem>>) {add = true}
        %dma_wait3A_659 = arith.constant 128 : i32
        %dma_wait3A_660 = arith.constant 0 : i32
        %dma_wait3A_661 = tpu.memref_slice %arg10[%dma_wait3A_659, %dma_wait3A_660] : memref<256x128xf32, #tpu.memory_space<vmem>> -> memref<128x128xf32, #tpu.memory_space<vmem>>
        %dma_wait3A_662 = arith.constant 0 : i32
        %dma_wait3A_663 = tpu.memref_slice %arg9[%run_scoped3A_452, %dma_wait3A_662] : memref<8x128xi32, #tpu.memory_space<vmem>> -> memref<1x128xi32, #tpu.memory_space<vmem>>
        %dma_wait3A_664 = tpu.memref_squeeze %dma_wait3A_663 : memref<1x128xi32, #tpu.memory_space<vmem>> -> memref<128xi32, #tpu.memory_space<vmem>>
        %dma_wait3A_665 = arith.constant 0 : i32
        %dma_wait3A_666 = arith.constant 0 : i32
        %dma_wait3A_667 = tpu.memref_slice %arg16[%dma_wait3A_665, %dma_wait3A_666] : memref<10240x128xf32, #tpu.memory_space<vmem_shared>> -> memref<10240x128xf32, #tpu.memory_space<vmem_shared>>
        tpu.wait_indirect_dma semaphore(%run_scoped3A_649 : memref<!tpu.dma_semaphore, #tpu.memory_space<semaphore_mem>>) src(%dma_wait3A_661 : memref<128x128xf32, #tpu.memory_space<vmem>>) dst(%dma_wait3A_667 : memref<10240x128xf32, #tpu.memory_space<vmem_shared>>)
        tpu.yield
      }) : () -> ()
      %dma_start3A_453 = arith.constant 7 : i32
      %dma_start3A_454 = arith.constant 128 : i32
      %dma_start3A_455 = arith.constant 0 : i32
      %dma_start3A_456 = tpu.memref_slice %arg10[%dma_start3A_454, %dma_start3A_455] : memref<256x128xf32, #tpu.memory_space<vmem>> -> memref<128x128xf32, #tpu.memory_space<vmem>>
      %dma_start3A_457 = arith.constant 0 : i32
      %dma_start3A_458 = tpu.memref_slice %arg8[%dma_start3A_453, %dma_start3A_457] : memref<8x128xi32, #tpu.memory_space<vmem>> -> memref<1x128xi32, #tpu.memory_space<vmem>>
      %dma_start3A_459 = tpu.memref_squeeze %dma_start3A_458 : memref<1x128xi32, #tpu.memory_space<vmem>> -> memref<128xi32, #tpu.memory_space<vmem>>
      %dma_start3A_460 = arith.constant 0 : i32
      %dma_start3A_461 = arith.constant 0 : i32
      %dma_start3A_462 = tpu.memref_slice %arg2[%dma_start3A_460, %dma_start3A_461] : memref<10240x128xf32, #tpu.memory_space<hbm>> -> memref<10240x128xf32, #tpu.memory_space<hbm>>
      tpu.enqueue_indirect_dma source(%dma_start3A_462 : memref<10240x128xf32, #tpu.memory_space<hbm>>) target(%dma_start3A_456 : memref<128x128xf32, #tpu.memory_space<vmem>>) offsets(%dma_start3A_459 : memref<128xi32, #tpu.memory_space<vmem>>) semaphore(%arg13 : memref<!tpu.dma_semaphore, #tpu.memory_space<semaphore_mem>>)
      %dma_wait3A_463 = arith.constant 0 : i32
      %dma_wait3A_464 = arith.constant 0 : i32
      %dma_wait3A_465 = tpu.memref_slice %arg10[%dma_wait3A_463, %dma_wait3A_464] : memref<256x128xf32, #tpu.memory_space<vmem>> -> memref<128x128xf32, #tpu.memory_space<vmem>>
      %dma_wait3A_466 = arith.constant 0 : i32
      %dma_wait3A_467 = arith.constant 0 : i32
      %dma_wait3A_468 = tpu.memref_slice %arg2[%dma_wait3A_466, %dma_wait3A_467] : memref<10240x128xf32, #tpu.memory_space<hbm>> -> memref<128x128xf32, #tpu.memory_space<hbm>>
      %dma_wait3A_469 = arith.constant 0 : i32
      %dma_wait3A_470 = arith.constant 0 : i32
      %dma_wait3A_471 = tpu.memref_slice %arg10[%dma_wait3A_469, %dma_wait3A_470] : memref<256x128xf32, #tpu.memory_space<vmem>> -> memref<128x128xf32, #tpu.memory_space<vmem>>
      %dma_wait3A_472 = arith.constant 0 : i32
      %dma_wait3A_473 = arith.constant 0 : i32
      %dma_wait3A_474 = tpu.memref_slice %arg2[%dma_wait3A_472, %dma_wait3A_473] : memref<10240x128xf32, #tpu.memory_space<hbm>> -> memref<128x128xf32, #tpu.memory_space<hbm>>
      tpu.wait_dma2 semaphore(%arg12 : memref<!tpu.dma_semaphore, #tpu.memory_space<semaphore_mem>>) src(%dma_wait3A_474 : memref<128x128xf32, #tpu.memory_space<hbm>>) dst(%dma_wait3A_471 : memref<128x128xf32, #tpu.memory_space<vmem>>)
      %run_scoped3A_475 = arith.constant 6 : i32
      "tpu.region"() ({
        %run_scoped3A_649 = tpu.sem_alloc : memref<!tpu.dma_semaphore, #tpu.memory_space<semaphore_mem>>
        %dma_start3A_650 = arith.constant 0 : i32
        %dma_start3A_651 = arith.constant 0 : i32
        %dma_start3A_652 = tpu.memref_slice %arg10[%dma_start3A_650, %dma_start3A_651] : memref<256x128xf32, #tpu.memory_space<vmem>> -> memref<128x128xf32, #tpu.memory_space<vmem>>
        %dma_start3A_653 = arith.constant 0 : i32
        %dma_start3A_654 = tpu.memref_slice %arg9[%run_scoped3A_475, %dma_start3A_653] : memref<8x128xi32, #tpu.memory_space<vmem>> -> memref<1x128xi32, #tpu.memory_space<vmem>>
        %dma_start3A_655 = tpu.memref_squeeze %dma_start3A_654 : memref<1x128xi32, #tpu.memory_space<vmem>> -> memref<128xi32, #tpu.memory_space<vmem>>
        %dma_start3A_656 = arith.constant 0 : i32
        %dma_start3A_657 = arith.constant 0 : i32
        %dma_start3A_658 = tpu.memref_slice %arg16[%dma_start3A_656, %dma_start3A_657] : memref<10240x128xf32, #tpu.memory_space<vmem_shared>> -> memref<10240x128xf32, #tpu.memory_space<vmem_shared>>
        tpu.enqueue_indirect_dma source(%dma_start3A_652 : memref<128x128xf32, #tpu.memory_space<vmem>>) target(%dma_start3A_658 : memref<10240x128xf32, #tpu.memory_space<vmem_shared>>) offsets(%dma_start3A_655 : memref<128xi32, #tpu.memory_space<vmem>>) semaphore(%run_scoped3A_649 : memref<!tpu.dma_semaphore, #tpu.memory_space<semaphore_mem>>) {add = true}
        %dma_wait3A_659 = arith.constant 0 : i32
        %dma_wait3A_660 = arith.constant 0 : i32
        %dma_wait3A_661 = tpu.memref_slice %arg10[%dma_wait3A_659, %dma_wait3A_660] : memref<256x128xf32, #tpu.memory_space<vmem>> -> memref<128x128xf32, #tpu.memory_space<vmem>>
        %dma_wait3A_662 = arith.constant 0 : i32
        %dma_wait3A_663 = tpu.memref_slice %arg9[%run_scoped3A_475, %dma_wait3A_662] : memref<8x128xi32, #tpu.memory_space<vmem>> -> memref<1x128xi32, #tpu.memory_space<vmem>>
        %dma_wait3A_664 = tpu.memref_squeeze %dma_wait3A_663 : memref<1x128xi32, #tpu.memory_space<vmem>> -> memref<128xi32, #tpu.memory_space<vmem>>
        %dma_wait3A_665 = arith.constant 0 : i32
        %dma_wait3A_666 = arith.constant 0 : i32
        %dma_wait3A_667 = tpu.memref_slice %arg16[%dma_wait3A_665, %dma_wait3A_666] : memref<10240x128xf32, #tpu.memory_space<vmem_shared>> -> memref<10240x128xf32, #tpu.memory_space<vmem_shared>>
        tpu.wait_indirect_dma semaphore(%run_scoped3A_649 : memref<!tpu.dma_semaphore, #tpu.memory_space<semaphore_mem>>) src(%dma_wait3A_661 : memref<128x128xf32, #tpu.memory_space<vmem>>) dst(%dma_wait3A_667 : memref<10240x128xf32, #tpu.memory_space<vmem_shared>>)
        tpu.yield
      }) : () -> ()
      %dma_wait3A_476 = arith.constant 128 : i32
      %dma_wait3A_477 = arith.constant 0 : i32
      %dma_wait3A_478 = tpu.memref_slice %arg10[%dma_wait3A_476, %dma_wait3A_477] : memref<256x128xf32, #tpu.memory_space<vmem>> -> memref<128x128xf32, #tpu.memory_space<vmem>>
      %dma_wait3A_479 = arith.constant 0 : i32
      %dma_wait3A_480 = arith.constant 0 : i32
      %dma_wait3A_481 = tpu.memref_slice %arg2[%dma_wait3A_479, %dma_wait3A_480] : memref<10240x128xf32, #tpu.memory_space<hbm>> -> memref<128x128xf32, #tpu.memory_space<hbm>>
      %dma_wait3A_482 = arith.constant 128 : i32
      %dma_wait3A_483 = arith.constant 0 : i32
      %dma_wait3A_484 = tpu.memref_slice %arg10[%dma_wait3A_482, %dma_wait3A_483] : memref<256x128xf32, #tpu.memory_space<vmem>> -> memref<128x128xf32, #tpu.memory_space<vmem>>
      %dma_wait3A_485 = arith.constant 0 : i32
      %dma_wait3A_486 = arith.constant 0 : i32
      %dma_wait3A_487 = tpu.memref_slice %arg2[%dma_wait3A_485, %dma_wait3A_486] : memref<10240x128xf32, #tpu.memory_space<hbm>> -> memref<128x128xf32, #tpu.memory_space<hbm>>
      tpu.wait_dma2 semaphore(%arg13 : memref<!tpu.dma_semaphore, #tpu.memory_space<semaphore_mem>>) src(%dma_wait3A_487 : memref<128x128xf32, #tpu.memory_space<hbm>>) dst(%dma_wait3A_484 : memref<128x128xf32, #tpu.memory_space<vmem>>)
      %run_scoped3A_488 = arith.constant 7 : i32
      "tpu.region"() ({
        %run_scoped3A_649 = tpu.sem_alloc : memref<!tpu.dma_semaphore, #tpu.memory_space<semaphore_mem>>
        %dma_start3A_650 = arith.constant 128 : i32
        %dma_start3A_651 = arith.constant 0 : i32
        %dma_start3A_652 = tpu.memref_slice %arg10[%dma_start3A_650, %dma_start3A_651] : memref<256x128xf32, #tpu.memory_space<vmem>> -> memref<128x128xf32, #tpu.memory_space<vmem>>
        %dma_start3A_653 = arith.constant 0 : i32
        %dma_start3A_654 = tpu.memref_slice %arg9[%run_scoped3A_488, %dma_start3A_653] : memref<8x128xi32, #tpu.memory_space<vmem>> -> memref<1x128xi32, #tpu.memory_space<vmem>>
        %dma_start3A_655 = tpu.memref_squeeze %dma_start3A_654 : memref<1x128xi32, #tpu.memory_space<vmem>> -> memref<128xi32, #tpu.memory_space<vmem>>
        %dma_start3A_656 = arith.constant 0 : i32
        %dma_start3A_657 = arith.constant 0 : i32
        %dma_start3A_658 = tpu.memref_slice %arg16[%dma_start3A_656, %dma_start3A_657] : memref<10240x128xf32, #tpu.memory_space<vmem_shared>> -> memref<10240x128xf32, #tpu.memory_space<vmem_shared>>
        tpu.enqueue_indirect_dma source(%dma_start3A_652 : memref<128x128xf32, #tpu.memory_space<vmem>>) target(%dma_start3A_658 : memref<10240x128xf32, #tpu.memory_space<vmem_shared>>) offsets(%dma_start3A_655 : memref<128xi32, #tpu.memory_space<vmem>>) semaphore(%run_scoped3A_649 : memref<!tpu.dma_semaphore, #tpu.memory_space<semaphore_mem>>) {add = true}
        %dma_wait3A_659 = arith.constant 128 : i32
        %dma_wait3A_660 = arith.constant 0 : i32
        %dma_wait3A_661 = tpu.memref_slice %arg10[%dma_wait3A_659, %dma_wait3A_660] : memref<256x128xf32, #tpu.memory_space<vmem>> -> memref<128x128xf32, #tpu.memory_space<vmem>>
        %dma_wait3A_662 = arith.constant 0 : i32
        %dma_wait3A_663 = tpu.memref_slice %arg9[%run_scoped3A_488, %dma_wait3A_662] : memref<8x128xi32, #tpu.memory_space<vmem>> -> memref<1x128xi32, #tpu.memory_space<vmem>>
        %dma_wait3A_664 = tpu.memref_squeeze %dma_wait3A_663 : memref<1x128xi32, #tpu.memory_space<vmem>> -> memref<128xi32, #tpu.memory_space<vmem>>
        %dma_wait3A_665 = arith.constant 0 : i32
        %dma_wait3A_666 = arith.constant 0 : i32
        %dma_wait3A_667 = tpu.memref_slice %arg16[%dma_wait3A_665, %dma_wait3A_666] : memref<10240x128xf32, #tpu.memory_space<vmem_shared>> -> memref<10240x128xf32, #tpu.memory_space<vmem_shared>>
        tpu.wait_indirect_dma semaphore(%run_scoped3A_649 : memref<!tpu.dma_semaphore, #tpu.memory_space<semaphore_mem>>) src(%dma_wait3A_661 : memref<128x128xf32, #tpu.memory_space<vmem>>) dst(%dma_wait3A_667 : memref<10240x128xf32, #tpu.memory_space<vmem_shared>>)
        tpu.yield
      }) : () -> ()
      %dma_wait3A_489 = arith.constant 0 : i32
      %dma_wait3A_490 = arith.constant 0 : i32
      %dma_wait3A_491 = arith.constant 0 : i32
      %dma_wait3A_492 = tpu.memref_slice %arg11[%dma_wait3A_490, %dma_wait3A_491] : memref<8x128xf32, #tpu.memory_space<vmem>> -> memref<1x128xf32, #tpu.memory_space<vmem>>
      %dma_wait3A_493 = tpu.memref_squeeze %dma_wait3A_492 : memref<1x128xf32, #tpu.memory_space<vmem>> -> memref<128xf32, #tpu.memory_space<vmem>>
      %dma_wait3A_494 = arith.constant 0 : i32
      %dma_wait3A_495 = tpu.memref_slice %arg9[%dma_wait3A_489, %dma_wait3A_494] : memref<8x128xi32, #tpu.memory_space<vmem>> -> memref<1x128xi32, #tpu.memory_space<vmem>>
      %dma_wait3A_496 = tpu.memref_squeeze %dma_wait3A_495 : memref<1x128xi32, #tpu.memory_space<vmem>> -> memref<128xi32, #tpu.memory_space<vmem>>
      %dma_wait3A_497 = arith.constant 0 : i32
      %dma_wait3A_498 = tpu.memref_slice %arg5[%dma_wait3A_497] : memref<10240xf32, #tpu.memory_space<hbm>> -> memref<10240xf32, #tpu.memory_space<hbm>>
      tpu.wait_indirect_dma semaphore(%arg14 : memref<!tpu.dma_semaphore, #tpu.memory_space<semaphore_mem>>) src(%dma_wait3A_498 : memref<10240xf32, #tpu.memory_space<hbm>>) dst(%dma_wait3A_493 : memref<128xf32, #tpu.memory_space<vmem>>)
      %dma_wait3A_499 = arith.constant 1 : i32
      %dma_wait3A_500 = arith.constant 1 : i32
      %dma_wait3A_501 = arith.constant 0 : i32
      %dma_wait3A_502 = tpu.memref_slice %arg11[%dma_wait3A_500, %dma_wait3A_501] : memref<8x128xf32, #tpu.memory_space<vmem>> -> memref<1x128xf32, #tpu.memory_space<vmem>>
      %dma_wait3A_503 = tpu.memref_squeeze %dma_wait3A_502 : memref<1x128xf32, #tpu.memory_space<vmem>> -> memref<128xf32, #tpu.memory_space<vmem>>
      %dma_wait3A_504 = arith.constant 0 : i32
      %dma_wait3A_505 = tpu.memref_slice %arg9[%dma_wait3A_499, %dma_wait3A_504] : memref<8x128xi32, #tpu.memory_space<vmem>> -> memref<1x128xi32, #tpu.memory_space<vmem>>
      %dma_wait3A_506 = tpu.memref_squeeze %dma_wait3A_505 : memref<1x128xi32, #tpu.memory_space<vmem>> -> memref<128xi32, #tpu.memory_space<vmem>>
      %dma_wait3A_507 = arith.constant 0 : i32
      %dma_wait3A_508 = tpu.memref_slice %arg5[%dma_wait3A_507] : memref<10240xf32, #tpu.memory_space<hbm>> -> memref<10240xf32, #tpu.memory_space<hbm>>
      tpu.wait_indirect_dma semaphore(%arg14 : memref<!tpu.dma_semaphore, #tpu.memory_space<semaphore_mem>>) src(%dma_wait3A_508 : memref<10240xf32, #tpu.memory_space<hbm>>) dst(%dma_wait3A_503 : memref<128xf32, #tpu.memory_space<vmem>>)
      %dma_wait3A_509 = arith.constant 2 : i32
      %dma_wait3A_510 = arith.constant 2 : i32
      %dma_wait3A_511 = arith.constant 0 : i32
      %dma_wait3A_512 = tpu.memref_slice %arg11[%dma_wait3A_510, %dma_wait3A_511] : memref<8x128xf32, #tpu.memory_space<vmem>> -> memref<1x128xf32, #tpu.memory_space<vmem>>
      %dma_wait3A_513 = tpu.memref_squeeze %dma_wait3A_512 : memref<1x128xf32, #tpu.memory_space<vmem>> -> memref<128xf32, #tpu.memory_space<vmem>>
      %dma_wait3A_514 = arith.constant 0 : i32
      %dma_wait3A_515 = tpu.memref_slice %arg9[%dma_wait3A_509, %dma_wait3A_514] : memref<8x128xi32, #tpu.memory_space<vmem>> -> memref<1x128xi32, #tpu.memory_space<vmem>>
      %dma_wait3A_516 = tpu.memref_squeeze %dma_wait3A_515 : memref<1x128xi32, #tpu.memory_space<vmem>> -> memref<128xi32, #tpu.memory_space<vmem>>
      %dma_wait3A_517 = arith.constant 0 : i32
      %dma_wait3A_518 = tpu.memref_slice %arg5[%dma_wait3A_517] : memref<10240xf32, #tpu.memory_space<hbm>> -> memref<10240xf32, #tpu.memory_space<hbm>>
      tpu.wait_indirect_dma semaphore(%arg14 : memref<!tpu.dma_semaphore, #tpu.memory_space<semaphore_mem>>) src(%dma_wait3A_518 : memref<10240xf32, #tpu.memory_space<hbm>>) dst(%dma_wait3A_513 : memref<128xf32, #tpu.memory_space<vmem>>)
      %dma_wait3A_519 = arith.constant 3 : i32
      %dma_wait3A_520 = arith.constant 3 : i32
      %dma_wait3A_521 = arith.constant 0 : i32
      %dma_wait3A_522 = tpu.memref_slice %arg11[%dma_wait3A_520, %dma_wait3A_521] : memref<8x128xf32, #tpu.memory_space<vmem>> -> memref<1x128xf32, #tpu.memory_space<vmem>>
      %dma_wait3A_523 = tpu.memref_squeeze %dma_wait3A_522 : memref<1x128xf32, #tpu.memory_space<vmem>> -> memref<128xf32, #tpu.memory_space<vmem>>
      %dma_wait3A_524 = arith.constant 0 : i32
      %dma_wait3A_525 = tpu.memref_slice %arg9[%dma_wait3A_519, %dma_wait3A_524] : memref<8x128xi32, #tpu.memory_space<vmem>> -> memref<1x128xi32, #tpu.memory_space<vmem>>
      %dma_wait3A_526 = tpu.memref_squeeze %dma_wait3A_525 : memref<1x128xi32, #tpu.memory_space<vmem>> -> memref<128xi32, #tpu.memory_space<vmem>>
      %dma_wait3A_527 = arith.constant 0 : i32
      %dma_wait3A_528 = tpu.memref_slice %arg5[%dma_wait3A_527] : memref<10240xf32, #tpu.memory_space<hbm>> -> memref<10240xf32, #tpu.memory_space<hbm>>
      tpu.wait_indirect_dma semaphore(%arg14 : memref<!tpu.dma_semaphore, #tpu.memory_space<semaphore_mem>>) src(%dma_wait3A_528 : memref<10240xf32, #tpu.memory_space<hbm>>) dst(%dma_wait3A_523 : memref<128xf32, #tpu.memory_space<vmem>>)
      %dma_wait3A_529 = arith.constant 4 : i32
      %dma_wait3A_530 = arith.constant 4 : i32
      %dma_wait3A_531 = arith.constant 0 : i32
      %dma_wait3A_532 = tpu.memref_slice %arg11[%dma_wait3A_530, %dma_wait3A_531] : memref<8x128xf32, #tpu.memory_space<vmem>> -> memref<1x128xf32, #tpu.memory_space<vmem>>
      %dma_wait3A_533 = tpu.memref_squeeze %dma_wait3A_532 : memref<1x128xf32, #tpu.memory_space<vmem>> -> memref<128xf32, #tpu.memory_space<vmem>>
      %dma_wait3A_534 = arith.constant 0 : i32
      %dma_wait3A_535 = tpu.memref_slice %arg9[%dma_wait3A_529, %dma_wait3A_534] : memref<8x128xi32, #tpu.memory_space<vmem>> -> memref<1x128xi32, #tpu.memory_space<vmem>>
      %dma_wait3A_536 = tpu.memref_squeeze %dma_wait3A_535 : memref<1x128xi32, #tpu.memory_space<vmem>> -> memref<128xi32, #tpu.memory_space<vmem>>
      %dma_wait3A_537 = arith.constant 0 : i32
      %dma_wait3A_538 = tpu.memref_slice %arg5[%dma_wait3A_537] : memref<10240xf32, #tpu.memory_space<hbm>> -> memref<10240xf32, #tpu.memory_space<hbm>>
      tpu.wait_indirect_dma semaphore(%arg14 : memref<!tpu.dma_semaphore, #tpu.memory_space<semaphore_mem>>) src(%dma_wait3A_538 : memref<10240xf32, #tpu.memory_space<hbm>>) dst(%dma_wait3A_533 : memref<128xf32, #tpu.memory_space<vmem>>)
      %dma_wait3A_539 = arith.constant 5 : i32
      %dma_wait3A_540 = arith.constant 5 : i32
      %dma_wait3A_541 = arith.constant 0 : i32
      %dma_wait3A_542 = tpu.memref_slice %arg11[%dma_wait3A_540, %dma_wait3A_541] : memref<8x128xf32, #tpu.memory_space<vmem>> -> memref<1x128xf32, #tpu.memory_space<vmem>>
      %dma_wait3A_543 = tpu.memref_squeeze %dma_wait3A_542 : memref<1x128xf32, #tpu.memory_space<vmem>> -> memref<128xf32, #tpu.memory_space<vmem>>
      %dma_wait3A_544 = arith.constant 0 : i32
      %dma_wait3A_545 = tpu.memref_slice %arg9[%dma_wait3A_539, %dma_wait3A_544] : memref<8x128xi32, #tpu.memory_space<vmem>> -> memref<1x128xi32, #tpu.memory_space<vmem>>
      %dma_wait3A_546 = tpu.memref_squeeze %dma_wait3A_545 : memref<1x128xi32, #tpu.memory_space<vmem>> -> memref<128xi32, #tpu.memory_space<vmem>>
      %dma_wait3A_547 = arith.constant 0 : i32
      %dma_wait3A_548 = tpu.memref_slice %arg5[%dma_wait3A_547] : memref<10240xf32, #tpu.memory_space<hbm>> -> memref<10240xf32, #tpu.memory_space<hbm>>
      tpu.wait_indirect_dma semaphore(%arg14 : memref<!tpu.dma_semaphore, #tpu.memory_space<semaphore_mem>>) src(%dma_wait3A_548 : memref<10240xf32, #tpu.memory_space<hbm>>) dst(%dma_wait3A_543 : memref<128xf32, #tpu.memory_space<vmem>>)
      %dma_wait3A_549 = arith.constant 6 : i32
      %dma_wait3A_550 = arith.constant 6 : i32
      %dma_wait3A_551 = arith.constant 0 : i32
      %dma_wait3A_552 = tpu.memref_slice %arg11[%dma_wait3A_550, %dma_wait3A_551] : memref<8x128xf32, #tpu.memory_space<vmem>> -> memref<1x128xf32, #tpu.memory_space<vmem>>
      %dma_wait3A_553 = tpu.memref_squeeze %dma_wait3A_552 : memref<1x128xf32, #tpu.memory_space<vmem>> -> memref<128xf32, #tpu.memory_space<vmem>>
      %dma_wait3A_554 = arith.constant 0 : i32
      %dma_wait3A_555 = tpu.memref_slice %arg9[%dma_wait3A_549, %dma_wait3A_554] : memref<8x128xi32, #tpu.memory_space<vmem>> -> memref<1x128xi32, #tpu.memory_space<vmem>>
      %dma_wait3A_556 = tpu.memref_squeeze %dma_wait3A_555 : memref<1x128xi32, #tpu.memory_space<vmem>> -> memref<128xi32, #tpu.memory_space<vmem>>
      %dma_wait3A_557 = arith.constant 0 : i32
      %dma_wait3A_558 = tpu.memref_slice %arg5[%dma_wait3A_557] : memref<10240xf32, #tpu.memory_space<hbm>> -> memref<10240xf32, #tpu.memory_space<hbm>>
      tpu.wait_indirect_dma semaphore(%arg14 : memref<!tpu.dma_semaphore, #tpu.memory_space<semaphore_mem>>) src(%dma_wait3A_558 : memref<10240xf32, #tpu.memory_space<hbm>>) dst(%dma_wait3A_553 : memref<128xf32, #tpu.memory_space<vmem>>)
      %dma_wait3A_559 = arith.constant 7 : i32
      %dma_wait3A_560 = arith.constant 7 : i32
      %dma_wait3A_561 = arith.constant 0 : i32
      %dma_wait3A_562 = tpu.memref_slice %arg11[%dma_wait3A_560, %dma_wait3A_561] : memref<8x128xf32, #tpu.memory_space<vmem>> -> memref<1x128xf32, #tpu.memory_space<vmem>>
      %dma_wait3A_563 = tpu.memref_squeeze %dma_wait3A_562 : memref<1x128xf32, #tpu.memory_space<vmem>> -> memref<128xf32, #tpu.memory_space<vmem>>
      %dma_wait3A_564 = arith.constant 0 : i32
      %dma_wait3A_565 = tpu.memref_slice %arg9[%dma_wait3A_559, %dma_wait3A_564] : memref<8x128xi32, #tpu.memory_space<vmem>> -> memref<1x128xi32, #tpu.memory_space<vmem>>
      %dma_wait3A_566 = tpu.memref_squeeze %dma_wait3A_565 : memref<1x128xi32, #tpu.memory_space<vmem>> -> memref<128xi32, #tpu.memory_space<vmem>>
      %dma_wait3A_567 = arith.constant 0 : i32
      %dma_wait3A_568 = tpu.memref_slice %arg5[%dma_wait3A_567] : memref<10240xf32, #tpu.memory_space<hbm>> -> memref<10240xf32, #tpu.memory_space<hbm>>
      tpu.wait_indirect_dma semaphore(%arg14 : memref<!tpu.dma_semaphore, #tpu.memory_space<semaphore_mem>>) src(%dma_wait3A_568 : memref<10240xf32, #tpu.memory_space<hbm>>) dst(%dma_wait3A_563 : memref<128xf32, #tpu.memory_space<vmem>>)
      %dma_start3A_569 = arith.constant 0 : i32
      %dma_start3A_570 = arith.constant 0 : i32
      %dma_start3A_571 = arith.constant 0 : i32
      %dma_start3A_572 = tpu.memref_slice %arg11[%dma_start3A_569, %dma_start3A_571] : memref<8x128xf32, #tpu.memory_space<vmem>> -> memref<1x128xf32, #tpu.memory_space<vmem>>
      %dma_start3A_573 = tpu.memref_squeeze %dma_start3A_572 : memref<1x128xf32, #tpu.memory_space<vmem>> -> memref<128xf32, #tpu.memory_space<vmem>>
      %dma_start3A_574 = arith.constant 0 : i32
      %dma_start3A_575 = tpu.memref_slice %arg8[%dma_start3A_570, %dma_start3A_574] : memref<8x128xi32, #tpu.memory_space<vmem>> -> memref<1x128xi32, #tpu.memory_space<vmem>>
      %dma_start3A_576 = tpu.memref_squeeze %dma_start3A_575 : memref<1x128xi32, #tpu.memory_space<vmem>> -> memref<128xi32, #tpu.memory_space<vmem>>
      %dma_start3A_577 = arith.constant 0 : i32
      %dma_start3A_578 = tpu.memref_slice %arg17[%dma_start3A_577] : memref<10240xf32, #tpu.memory_space<vmem_shared>> -> memref<10240xf32, #tpu.memory_space<vmem_shared>>
      tpu.enqueue_indirect_dma source(%dma_start3A_573 : memref<128xf32, #tpu.memory_space<vmem>>) target(%dma_start3A_578 : memref<10240xf32, #tpu.memory_space<vmem_shared>>) offsets(%dma_start3A_576 : memref<128xi32, #tpu.memory_space<vmem>>) semaphore(%arg15 : memref<!tpu.dma_semaphore, #tpu.memory_space<semaphore_mem>>) {add = true}
      %dma_start3A_579 = arith.constant 1 : i32
      %dma_start3A_580 = arith.constant 1 : i32
      %dma_start3A_581 = arith.constant 0 : i32
      %dma_start3A_582 = tpu.memref_slice %arg11[%dma_start3A_579, %dma_start3A_581] : memref<8x128xf32, #tpu.memory_space<vmem>> -> memref<1x128xf32, #tpu.memory_space<vmem>>
      %dma_start3A_583 = tpu.memref_squeeze %dma_start3A_582 : memref<1x128xf32, #tpu.memory_space<vmem>> -> memref<128xf32, #tpu.memory_space<vmem>>
      %dma_start3A_584 = arith.constant 0 : i32
      %dma_start3A_585 = tpu.memref_slice %arg8[%dma_start3A_580, %dma_start3A_584] : memref<8x128xi32, #tpu.memory_space<vmem>> -> memref<1x128xi32, #tpu.memory_space<vmem>>
      %dma_start3A_586 = tpu.memref_squeeze %dma_start3A_585 : memref<1x128xi32, #tpu.memory_space<vmem>> -> memref<128xi32, #tpu.memory_space<vmem>>
      %dma_start3A_587 = arith.constant 0 : i32
      %dma_start3A_588 = tpu.memref_slice %arg17[%dma_start3A_587] : memref<10240xf32, #tpu.memory_space<vmem_shared>> -> memref<10240xf32, #tpu.memory_space<vmem_shared>>
      tpu.enqueue_indirect_dma source(%dma_start3A_583 : memref<128xf32, #tpu.memory_space<vmem>>) target(%dma_start3A_588 : memref<10240xf32, #tpu.memory_space<vmem_shared>>) offsets(%dma_start3A_586 : memref<128xi32, #tpu.memory_space<vmem>>) semaphore(%arg15 : memref<!tpu.dma_semaphore, #tpu.memory_space<semaphore_mem>>) {add = true}
      %dma_start3A_589 = arith.constant 2 : i32
      %dma_start3A_590 = arith.constant 2 : i32
      %dma_start3A_591 = arith.constant 0 : i32
      %dma_start3A_592 = tpu.memref_slice %arg11[%dma_start3A_589, %dma_start3A_591] : memref<8x128xf32, #tpu.memory_space<vmem>> -> memref<1x128xf32, #tpu.memory_space<vmem>>
      %dma_start3A_593 = tpu.memref_squeeze %dma_start3A_592 : memref<1x128xf32, #tpu.memory_space<vmem>> -> memref<128xf32, #tpu.memory_space<vmem>>
      %dma_start3A_594 = arith.constant 0 : i32
      %dma_start3A_595 = tpu.memref_slice %arg8[%dma_start3A_590, %dma_start3A_594] : memref<8x128xi32, #tpu.memory_space<vmem>> -> memref<1x128xi32, #tpu.memory_space<vmem>>
      %dma_start3A_596 = tpu.memref_squeeze %dma_start3A_595 : memref<1x128xi32, #tpu.memory_space<vmem>> -> memref<128xi32, #tpu.memory_space<vmem>>
      %dma_start3A_597 = arith.constant 0 : i32
      %dma_start3A_598 = tpu.memref_slice %arg17[%dma_start3A_597] : memref<10240xf32, #tpu.memory_space<vmem_shared>> -> memref<10240xf32, #tpu.memory_space<vmem_shared>>
      tpu.enqueue_indirect_dma source(%dma_start3A_593 : memref<128xf32, #tpu.memory_space<vmem>>) target(%dma_start3A_598 : memref<10240xf32, #tpu.memory_space<vmem_shared>>) offsets(%dma_start3A_596 : memref<128xi32, #tpu.memory_space<vmem>>) semaphore(%arg15 : memref<!tpu.dma_semaphore, #tpu.memory_space<semaphore_mem>>) {add = true}
      %dma_start3A_599 = arith.constant 3 : i32
      %dma_start3A_600 = arith.constant 3 : i32
      %dma_start3A_601 = arith.constant 0 : i32
      %dma_start3A_602 = tpu.memref_slice %arg11[%dma_start3A_599, %dma_start3A_601] : memref<8x128xf32, #tpu.memory_space<vmem>> -> memref<1x128xf32, #tpu.memory_space<vmem>>
      %dma_start3A_603 = tpu.memref_squeeze %dma_start3A_602 : memref<1x128xf32, #tpu.memory_space<vmem>> -> memref<128xf32, #tpu.memory_space<vmem>>
      %dma_start3A_604 = arith.constant 0 : i32
      %dma_start3A_605 = tpu.memref_slice %arg8[%dma_start3A_600, %dma_start3A_604] : memref<8x128xi32, #tpu.memory_space<vmem>> -> memref<1x128xi32, #tpu.memory_space<vmem>>
      %dma_start3A_606 = tpu.memref_squeeze %dma_start3A_605 : memref<1x128xi32, #tpu.memory_space<vmem>> -> memref<128xi32, #tpu.memory_space<vmem>>
      %dma_start3A_607 = arith.constant 0 : i32
      %dma_start3A_608 = tpu.memref_slice %arg17[%dma_start3A_607] : memref<10240xf32, #tpu.memory_space<vmem_shared>> -> memref<10240xf32, #tpu.memory_space<vmem_shared>>
      tpu.enqueue_indirect_dma source(%dma_start3A_603 : memref<128xf32, #tpu.memory_space<vmem>>) target(%dma_start3A_608 : memref<10240xf32, #tpu.memory_space<vmem_shared>>) offsets(%dma_start3A_606 : memref<128xi32, #tpu.memory_space<vmem>>) semaphore(%arg15 : memref<!tpu.dma_semaphore, #tpu.memory_space<semaphore_mem>>) {add = true}
      %dma_start3A_609 = arith.constant 4 : i32
      %dma_start3A_610 = arith.constant 4 : i32
      %dma_start3A_611 = arith.constant 0 : i32
      %dma_start3A_612 = tpu.memref_slice %arg11[%dma_start3A_609, %dma_start3A_611] : memref<8x128xf32, #tpu.memory_space<vmem>> -> memref<1x128xf32, #tpu.memory_space<vmem>>
      %dma_start3A_613 = tpu.memref_squeeze %dma_start3A_612 : memref<1x128xf32, #tpu.memory_space<vmem>> -> memref<128xf32, #tpu.memory_space<vmem>>
      %dma_start3A_614 = arith.constant 0 : i32
      %dma_start3A_615 = tpu.memref_slice %arg8[%dma_start3A_610, %dma_start3A_614] : memref<8x128xi32, #tpu.memory_space<vmem>> -> memref<1x128xi32, #tpu.memory_space<vmem>>
      %dma_start3A_616 = tpu.memref_squeeze %dma_start3A_615 : memref<1x128xi32, #tpu.memory_space<vmem>> -> memref<128xi32, #tpu.memory_space<vmem>>
      %dma_start3A_617 = arith.constant 0 : i32
      %dma_start3A_618 = tpu.memref_slice %arg17[%dma_start3A_617] : memref<10240xf32, #tpu.memory_space<vmem_shared>> -> memref<10240xf32, #tpu.memory_space<vmem_shared>>
      tpu.enqueue_indirect_dma source(%dma_start3A_613 : memref<128xf32, #tpu.memory_space<vmem>>) target(%dma_start3A_618 : memref<10240xf32, #tpu.memory_space<vmem_shared>>) offsets(%dma_start3A_616 : memref<128xi32, #tpu.memory_space<vmem>>) semaphore(%arg15 : memref<!tpu.dma_semaphore, #tpu.memory_space<semaphore_mem>>) {add = true}
      %dma_start3A_619 = arith.constant 5 : i32
      %dma_start3A_620 = arith.constant 5 : i32
      %dma_start3A_621 = arith.constant 0 : i32
      %dma_start3A_622 = tpu.memref_slice %arg11[%dma_start3A_619, %dma_start3A_621] : memref<8x128xf32, #tpu.memory_space<vmem>> -> memref<1x128xf32, #tpu.memory_space<vmem>>
      %dma_start3A_623 = tpu.memref_squeeze %dma_start3A_622 : memref<1x128xf32, #tpu.memory_space<vmem>> -> memref<128xf32, #tpu.memory_space<vmem>>
      %dma_start3A_624 = arith.constant 0 : i32
      %dma_start3A_625 = tpu.memref_slice %arg8[%dma_start3A_620, %dma_start3A_624] : memref<8x128xi32, #tpu.memory_space<vmem>> -> memref<1x128xi32, #tpu.memory_space<vmem>>
      %dma_start3A_626 = tpu.memref_squeeze %dma_start3A_625 : memref<1x128xi32, #tpu.memory_space<vmem>> -> memref<128xi32, #tpu.memory_space<vmem>>
      %dma_start3A_627 = arith.constant 0 : i32
      %dma_start3A_628 = tpu.memref_slice %arg17[%dma_start3A_627] : memref<10240xf32, #tpu.memory_space<vmem_shared>> -> memref<10240xf32, #tpu.memory_space<vmem_shared>>
      tpu.enqueue_indirect_dma source(%dma_start3A_623 : memref<128xf32, #tpu.memory_space<vmem>>) target(%dma_start3A_628 : memref<10240xf32, #tpu.memory_space<vmem_shared>>) offsets(%dma_start3A_626 : memref<128xi32, #tpu.memory_space<vmem>>) semaphore(%arg15 : memref<!tpu.dma_semaphore, #tpu.memory_space<semaphore_mem>>) {add = true}
      %dma_start3A_629 = arith.constant 6 : i32
      %dma_start3A_630 = arith.constant 6 : i32
      %dma_start3A_631 = arith.constant 0 : i32
      %dma_start3A_632 = tpu.memref_slice %arg11[%dma_start3A_629, %dma_start3A_631] : memref<8x128xf32, #tpu.memory_space<vmem>> -> memref<1x128xf32, #tpu.memory_space<vmem>>
      %dma_start3A_633 = tpu.memref_squeeze %dma_start3A_632 : memref<1x128xf32, #tpu.memory_space<vmem>> -> memref<128xf32, #tpu.memory_space<vmem>>
      %dma_start3A_634 = arith.constant 0 : i32
      %dma_start3A_635 = tpu.memref_slice %arg8[%dma_start3A_630, %dma_start3A_634] : memref<8x128xi32, #tpu.memory_space<vmem>> -> memref<1x128xi32, #tpu.memory_space<vmem>>
      %dma_start3A_636 = tpu.memref_squeeze %dma_start3A_635 : memref<1x128xi32, #tpu.memory_space<vmem>> -> memref<128xi32, #tpu.memory_space<vmem>>
      %dma_start3A_637 = arith.constant 0 : i32
      %dma_start3A_638 = tpu.memref_slice %arg17[%dma_start3A_637] : memref<10240xf32, #tpu.memory_space<vmem_shared>> -> memref<10240xf32, #tpu.memory_space<vmem_shared>>
      tpu.enqueue_indirect_dma source(%dma_start3A_633 : memref<128xf32, #tpu.memory_space<vmem>>) target(%dma_start3A_638 : memref<10240xf32, #tpu.memory_space<vmem_shared>>) offsets(%dma_start3A_636 : memref<128xi32, #tpu.memory_space<vmem>>) semaphore(%arg15 : memref<!tpu.dma_semaphore, #tpu.memory_space<semaphore_mem>>) {add = true}
      %dma_start3A_639 = arith.constant 7 : i32
      %dma_start3A_640 = arith.constant 7 : i32
      %dma_start3A_641 = arith.constant 0 : i32
      %dma_start3A_642 = tpu.memref_slice %arg11[%dma_start3A_639, %dma_start3A_641] : memref<8x128xf32, #tpu.memory_space<vmem>> -> memref<1x128xf32, #tpu.memory_space<vmem>>
      %dma_start3A_643 = tpu.memref_squeeze %dma_start3A_642 : memref<1x128xf32, #tpu.memory_space<vmem>> -> memref<128xf32, #tpu.memory_space<vmem>>
      %dma_start3A_644 = arith.constant 0 : i32
      %dma_start3A_645 = tpu.memref_slice %arg8[%dma_start3A_640, %dma_start3A_644] : memref<8x128xi32, #tpu.memory_space<vmem>> -> memref<1x128xi32, #tpu.memory_space<vmem>>
      %dma_start3A_646 = tpu.memref_squeeze %dma_start3A_645 : memref<1x128xi32, #tpu.memory_space<vmem>> -> memref<128xi32, #tpu.memory_space<vmem>>
      %dma_start3A_647 = arith.constant 0 : i32
      %dma_start3A_648 = tpu.memref_slice %arg17[%dma_start3A_647] : memref<10240xf32, #tpu.memory_space<vmem_shared>> -> memref<10240xf32, #tpu.memory_space<vmem_shared>>
      tpu.enqueue_indirect_dma source(%dma_start3A_643 : memref<128xf32, #tpu.memory_space<vmem>>) target(%dma_start3A_648 : memref<10240xf32, #tpu.memory_space<vmem_shared>>) offsets(%dma_start3A_646 : memref<128xi32, #tpu.memory_space<vmem>>) semaphore(%arg15 : memref<!tpu.dma_semaphore, #tpu.memory_space<semaphore_mem>>) {add = true}
    }
    %dma_wait3A = arith.constant 0 : i32
    %dma_wait3A_118 = arith.constant 0 : i32
    %dma_wait3A_119 = tpu.memref_slice %arg11[%dma_wait3A, %dma_wait3A_118] : memref<8x128xf32, #tpu.memory_space<vmem>> -> memref<1x128xf32, #tpu.memory_space<vmem>>
    %dma_wait3A_120 = tpu.memref_squeeze %dma_wait3A_119 : memref<1x128xf32, #tpu.memory_space<vmem>> -> memref<128xf32, #tpu.memory_space<vmem>>
    %dma_wait3A_121 = arith.constant 0 : i32
    %dma_wait3A_122 = tpu.memref_slice %arg5[%dma_wait3A_121] : memref<10240xf32, #tpu.memory_space<hbm>> -> memref<128xf32, #tpu.memory_space<hbm>>
    %dma_wait3A_123 = arith.constant 0 : i32
    %dma_wait3A_124 = tpu.memref_slice %arg11[%dma_wait3A, %dma_wait3A_123] : memref<8x128xf32, #tpu.memory_space<vmem>> -> memref<1x128xf32, #tpu.memory_space<vmem>>
    %dma_wait3A_125 = tpu.memref_squeeze %dma_wait3A_124 : memref<1x128xf32, #tpu.memory_space<vmem>> -> memref<128xf32, #tpu.memory_space<vmem>>
    %dma_wait3A_126 = arith.constant 0 : i32
    %dma_wait3A_127 = tpu.memref_slice %arg5[%dma_wait3A_126] : memref<10240xf32, #tpu.memory_space<hbm>> -> memref<128xf32, #tpu.memory_space<hbm>>
    tpu.wait_dma2 semaphore(%arg15 : memref<!tpu.dma_semaphore, #tpu.memory_space<semaphore_mem>>) src(%dma_wait3A_127 : memref<128xf32, #tpu.memory_space<hbm>>) dst(%dma_wait3A_125 : memref<128xf32, #tpu.memory_space<vmem>>)
    %dma_wait3A_128 = arith.constant 0 : i32
    %dma_wait3A_129 = arith.constant 0 : i32
    %dma_wait3A_130 = tpu.memref_slice %arg11[%dma_wait3A_128, %dma_wait3A_129] : memref<8x128xf32, #tpu.memory_space<vmem>> -> memref<1x128xf32, #tpu.memory_space<vmem>>
    %dma_wait3A_131 = tpu.memref_squeeze %dma_wait3A_130 : memref<1x128xf32, #tpu.memory_space<vmem>> -> memref<128xf32, #tpu.memory_space<vmem>>
    %dma_wait3A_132 = arith.constant 0 : i32
    %dma_wait3A_133 = tpu.memref_slice %arg5[%dma_wait3A_132] : memref<10240xf32, #tpu.memory_space<hbm>> -> memref<128xf32, #tpu.memory_space<hbm>>
    %dma_wait3A_134 = arith.constant 0 : i32
    %dma_wait3A_135 = tpu.memref_slice %arg11[%dma_wait3A_128, %dma_wait3A_134] : memref<8x128xf32, #tpu.memory_space<vmem>> -> memref<1x128xf32, #tpu.memory_space<vmem>>
    %dma_wait3A_136 = tpu.memref_squeeze %dma_wait3A_135 : memref<1x128xf32, #tpu.memory_space<vmem>> -> memref<128xf32, #tpu.memory_space<vmem>>
    %dma_wait3A_137 = arith.constant 0 : i32
    %dma_wait3A_138 = tpu.memref_slice %arg5[%dma_wait3A_137] : memref<10240xf32, #tpu.memory_space<hbm>> -> memref<128xf32, #tpu.memory_space<hbm>>
    tpu.wait_dma2 semaphore(%arg15 : memref<!tpu.dma_semaphore, #tpu.memory_space<semaphore_mem>>) src(%dma_wait3A_138 : memref<128xf32, #tpu.memory_space<hbm>>) dst(%dma_wait3A_136 : memref<128xf32, #tpu.memory_space<vmem>>)
    %dma_wait3A_139 = arith.constant 0 : i32
    %dma_wait3A_140 = arith.constant 0 : i32
    %dma_wait3A_141 = tpu.memref_slice %arg11[%dma_wait3A_139, %dma_wait3A_140] : memref<8x128xf32, #tpu.memory_space<vmem>> -> memref<1x128xf32, #tpu.memory_space<vmem>>
    %dma_wait3A_142 = tpu.memref_squeeze %dma_wait3A_141 : memref<1x128xf32, #tpu.memory_space<vmem>> -> memref<128xf32, #tpu.memory_space<vmem>>
    %dma_wait3A_143 = arith.constant 0 : i32
    %dma_wait3A_144 = tpu.memref_slice %arg5[%dma_wait3A_143] : memref<10240xf32, #tpu.memory_space<hbm>> -> memref<128xf32, #tpu.memory_space<hbm>>
    %dma_wait3A_145 = arith.constant 0 : i32
    %dma_wait3A_146 = tpu.memref_slice %arg11[%dma_wait3A_139, %dma_wait3A_145] : memref<8x128xf32, #tpu.memory_space<vmem>> -> memref<1x128xf32, #tpu.memory_space<vmem>>
    %dma_wait3A_147 = tpu.memref_squeeze %dma_wait3A_146 : memref<1x128xf32, #tpu.memory_space<vmem>> -> memref<128xf32, #tpu.memory_space<vmem>>
    %dma_wait3A_148 = arith.constant 0 : i32
    %dma_wait3A_149 = tpu.memref_slice %arg5[%dma_wait3A_148] : memref<10240xf32, #tpu.memory_space<hbm>> -> memref<128xf32, #tpu.memory_space<hbm>>
    tpu.wait_dma2 semaphore(%arg15 : memref<!tpu.dma_semaphore, #tpu.memory_space<semaphore_mem>>) src(%dma_wait3A_149 : memref<128xf32, #tpu.memory_space<hbm>>) dst(%dma_wait3A_147 : memref<128xf32, #tpu.memory_space<vmem>>)
    %dma_wait3A_150 = arith.constant 0 : i32
    %dma_wait3A_151 = arith.constant 0 : i32
    %dma_wait3A_152 = tpu.memref_slice %arg11[%dma_wait3A_150, %dma_wait3A_151] : memref<8x128xf32, #tpu.memory_space<vmem>> -> memref<1x128xf32, #tpu.memory_space<vmem>>
    %dma_wait3A_153 = tpu.memref_squeeze %dma_wait3A_152 : memref<1x128xf32, #tpu.memory_space<vmem>> -> memref<128xf32, #tpu.memory_space<vmem>>
    %dma_wait3A_154 = arith.constant 0 : i32
    %dma_wait3A_155 = tpu.memref_slice %arg5[%dma_wait3A_154] : memref<10240xf32, #tpu.memory_space<hbm>> -> memref<128xf32, #tpu.memory_space<hbm>>
    %dma_wait3A_156 = arith.constant 0 : i32
    %dma_wait3A_157 = tpu.memref_slice %arg11[%dma_wait3A_150, %dma_wait3A_156] : memref<8x128xf32, #tpu.memory_space<vmem>> -> memref<1x128xf32, #tpu.memory_space<vmem>>
    %dma_wait3A_158 = tpu.memref_squeeze %dma_wait3A_157 : memref<1x128xf32, #tpu.memory_space<vmem>> -> memref<128xf32, #tpu.memory_space<vmem>>
    %dma_wait3A_159 = arith.constant 0 : i32
    %dma_wait3A_160 = tpu.memref_slice %arg5[%dma_wait3A_159] : memref<10240xf32, #tpu.memory_space<hbm>> -> memref<128xf32, #tpu.memory_space<hbm>>
    tpu.wait_dma2 semaphore(%arg15 : memref<!tpu.dma_semaphore, #tpu.memory_space<semaphore_mem>>) src(%dma_wait3A_160 : memref<128xf32, #tpu.memory_space<hbm>>) dst(%dma_wait3A_158 : memref<128xf32, #tpu.memory_space<vmem>>)
    %dma_wait3A_161 = arith.constant 0 : i32
    %dma_wait3A_162 = arith.constant 0 : i32
    %dma_wait3A_163 = tpu.memref_slice %arg11[%dma_wait3A_161, %dma_wait3A_162] : memref<8x128xf32, #tpu.memory_space<vmem>> -> memref<1x128xf32, #tpu.memory_space<vmem>>
    %dma_wait3A_164 = tpu.memref_squeeze %dma_wait3A_163 : memref<1x128xf32, #tpu.memory_space<vmem>> -> memref<128xf32, #tpu.memory_space<vmem>>
    %dma_wait3A_165 = arith.constant 0 : i32
    %dma_wait3A_166 = tpu.memref_slice %arg5[%dma_wait3A_165] : memref<10240xf32, #tpu.memory_space<hbm>> -> memref<128xf32, #tpu.memory_space<hbm>>
    %dma_wait3A_167 = arith.constant 0 : i32
    %dma_wait3A_168 = tpu.memref_slice %arg11[%dma_wait3A_161, %dma_wait3A_167] : memref<8x128xf32, #tpu.memory_space<vmem>> -> memref<1x128xf32, #tpu.memory_space<vmem>>
    %dma_wait3A_169 = tpu.memref_squeeze %dma_wait3A_168 : memref<1x128xf32, #tpu.memory_space<vmem>> -> memref<128xf32, #tpu.memory_space<vmem>>
    %dma_wait3A_170 = arith.constant 0 : i32
    %dma_wait3A_171 = tpu.memref_slice %arg5[%dma_wait3A_170] : memref<10240xf32, #tpu.memory_space<hbm>> -> memref<128xf32, #tpu.memory_space<hbm>>
    tpu.wait_dma2 semaphore(%arg15 : memref<!tpu.dma_semaphore, #tpu.memory_space<semaphore_mem>>) src(%dma_wait3A_171 : memref<128xf32, #tpu.memory_space<hbm>>) dst(%dma_wait3A_169 : memref<128xf32, #tpu.memory_space<vmem>>)
    %dma_wait3A_172 = arith.constant 0 : i32
    %dma_wait3A_173 = arith.constant 0 : i32
    %dma_wait3A_174 = tpu.memref_slice %arg11[%dma_wait3A_172, %dma_wait3A_173] : memref<8x128xf32, #tpu.memory_space<vmem>> -> memref<1x128xf32, #tpu.memory_space<vmem>>
    %dma_wait3A_175 = tpu.memref_squeeze %dma_wait3A_174 : memref<1x128xf32, #tpu.memory_space<vmem>> -> memref<128xf32, #tpu.memory_space<vmem>>
    %dma_wait3A_176 = arith.constant 0 : i32
    %dma_wait3A_177 = tpu.memref_slice %arg5[%dma_wait3A_176] : memref<10240xf32, #tpu.memory_space<hbm>> -> memref<128xf32, #tpu.memory_space<hbm>>
    %dma_wait3A_178 = arith.constant 0 : i32
    %dma_wait3A_179 = tpu.memref_slice %arg11[%dma_wait3A_172, %dma_wait3A_178] : memref<8x128xf32, #tpu.memory_space<vmem>> -> memref<1x128xf32, #tpu.memory_space<vmem>>
    %dma_wait3A_180 = tpu.memref_squeeze %dma_wait3A_179 : memref<1x128xf32, #tpu.memory_space<vmem>> -> memref<128xf32, #tpu.memory_space<vmem>>
    %dma_wait3A_181 = arith.constant 0 : i32
    %dma_wait3A_182 = tpu.memref_slice %arg5[%dma_wait3A_181] : memref<10240xf32, #tpu.memory_space<hbm>> -> memref<128xf32, #tpu.memory_space<hbm>>
    tpu.wait_dma2 semaphore(%arg15 : memref<!tpu.dma_semaphore, #tpu.memory_space<semaphore_mem>>) src(%dma_wait3A_182 : memref<128xf32, #tpu.memory_space<hbm>>) dst(%dma_wait3A_180 : memref<128xf32, #tpu.memory_space<vmem>>)
    %dma_wait3A_183 = arith.constant 0 : i32
    %dma_wait3A_184 = arith.constant 0 : i32
    %dma_wait3A_185 = tpu.memref_slice %arg11[%dma_wait3A_183, %dma_wait3A_184] : memref<8x128xf32, #tpu.memory_space<vmem>> -> memref<1x128xf32, #tpu.memory_space<vmem>>
    %dma_wait3A_186 = tpu.memref_squeeze %dma_wait3A_185 : memref<1x128xf32, #tpu.memory_space<vmem>> -> memref<128xf32, #tpu.memory_space<vmem>>
    %dma_wait3A_187 = arith.constant 0 : i32
    %dma_wait3A_188 = tpu.memref_slice %arg5[%dma_wait3A_187] : memref<10240xf32, #tpu.memory_space<hbm>> -> memref<128xf32, #tpu.memory_space<hbm>>
    %dma_wait3A_189 = arith.constant 0 : i32
    %dma_wait3A_190 = tpu.memref_slice %arg11[%dma_wait3A_183, %dma_wait3A_189] : memref<8x128xf32, #tpu.memory_space<vmem>> -> memref<1x128xf32, #tpu.memory_space<vmem>>
    %dma_wait3A_191 = tpu.memref_squeeze %dma_wait3A_190 : memref<1x128xf32, #tpu.memory_space<vmem>> -> memref<128xf32, #tpu.memory_space<vmem>>
    %dma_wait3A_192 = arith.constant 0 : i32
    %dma_wait3A_193 = tpu.memref_slice %arg5[%dma_wait3A_192] : memref<10240xf32, #tpu.memory_space<hbm>> -> memref<128xf32, #tpu.memory_space<hbm>>
    tpu.wait_dma2 semaphore(%arg15 : memref<!tpu.dma_semaphore, #tpu.memory_space<semaphore_mem>>) src(%dma_wait3A_193 : memref<128xf32, #tpu.memory_space<hbm>>) dst(%dma_wait3A_191 : memref<128xf32, #tpu.memory_space<vmem>>)
    %dma_wait3A_194 = arith.constant 0 : i32
    %dma_wait3A_195 = arith.constant 0 : i32
    %dma_wait3A_196 = tpu.memref_slice %arg11[%dma_wait3A_194, %dma_wait3A_195] : memref<8x128xf32, #tpu.memory_space<vmem>> -> memref<1x128xf32, #tpu.memory_space<vmem>>
    %dma_wait3A_197 = tpu.memref_squeeze %dma_wait3A_196 : memref<1x128xf32, #tpu.memory_space<vmem>> -> memref<128xf32, #tpu.memory_space<vmem>>
    %dma_wait3A_198 = arith.constant 0 : i32
    %dma_wait3A_199 = tpu.memref_slice %arg5[%dma_wait3A_198] : memref<10240xf32, #tpu.memory_space<hbm>> -> memref<128xf32, #tpu.memory_space<hbm>>
    %dma_wait3A_200 = arith.constant 0 : i32
    %dma_wait3A_201 = tpu.memref_slice %arg11[%dma_wait3A_194, %dma_wait3A_200] : memref<8x128xf32, #tpu.memory_space<vmem>> -> memref<1x128xf32, #tpu.memory_space<vmem>>
    %dma_wait3A_202 = tpu.memref_squeeze %dma_wait3A_201 : memref<1x128xf32, #tpu.memory_space<vmem>> -> memref<128xf32, #tpu.memory_space<vmem>>
    %dma_wait3A_203 = arith.constant 0 : i32
    %dma_wait3A_204 = tpu.memref_slice %arg5[%dma_wait3A_203] : memref<10240xf32, #tpu.memory_space<hbm>> -> memref<128xf32, #tpu.memory_space<hbm>>
    tpu.wait_dma2 semaphore(%arg15 : memref<!tpu.dma_semaphore, #tpu.memory_space<semaphore_mem>>) src(%dma_wait3A_204 : memref<128xf32, #tpu.memory_space<hbm>>) dst(%dma_wait3A_202 : memref<128xf32, #tpu.memory_space<vmem>>)
    %barrier3A_205 = arith.constant 0 : index
    tpu.barrier barrier_id(%barrier3A_205)
    %mul3A_206 = arith.constant 640 : i32
    %mul3A_207 = arith.muli %arg1, %mul3A_206 : i32
    %mul3A_208 = arith.constant 10240 : i32
    %mul3A_209 = arith.muli %arg0, %mul3A_208 : i32
    %mul3A_210 = arith.constant 640 : i32
    %mul3A_211 = arith.muli %arg1, %mul3A_210 : i32
    %add3A_212 = arith.addi %mul3A_209, %mul3A_211 : i32
    "tpu.region"() ({
      %run_scoped3A_220 = tpu.sem_alloc : memref<!tpu.dma_semaphore, #tpu.memory_space<semaphore_mem>>
      %dma_start3A = arith.constant 0 : i32
      %dma_start3A_221 = tpu.memref_slice %arg6[%add3A_212, %dma_start3A] : memref<20480x128xf32, #tpu.memory_space<hbm>> -> memref<640x128xf32, #tpu.memory_space<hbm>>
      %dma_start3A_222 = arith.constant 0 : i32
      %dma_start3A_223 = tpu.memref_slice %arg16[%mul3A_207, %dma_start3A_222] : memref<10240x128xf32, #tpu.memory_space<vmem_shared>> -> memref<640x128xf32, #tpu.memory_space<vmem_shared>>
      tpu.enqueue_dma source(%dma_start3A_223 : memref<640x128xf32, #tpu.memory_space<vmem_shared>>) target(%dma_start3A_221 : memref<640x128xf32, #tpu.memory_space<hbm>>) target_semaphore(%run_scoped3A_220 : memref<!tpu.dma_semaphore, #tpu.memory_space<semaphore_mem>>)
      %dma_wait3A_224 = arith.constant 0 : i32
      %dma_wait3A_225 = tpu.memref_slice %arg6[%add3A_212, %dma_wait3A_224] : memref<20480x128xf32, #tpu.memory_space<hbm>> -> memref<640x128xf32, #tpu.memory_space<hbm>>
      %dma_wait3A_226 = arith.constant 0 : i32
      %dma_wait3A_227 = tpu.memref_slice %arg16[%mul3A_207, %dma_wait3A_226] : memref<10240x128xf32, #tpu.memory_space<vmem_shared>> -> memref<640x128xf32, #tpu.memory_space<vmem_shared>>
      tpu.wait_dma2 semaphore(%run_scoped3A_220 : memref<!tpu.dma_semaphore, #tpu.memory_space<semaphore_mem>>) src(%dma_wait3A_227 : memref<640x128xf32, #tpu.memory_space<vmem_shared>>) dst(%dma_wait3A_225 : memref<640x128xf32, #tpu.memory_space<hbm>>)
      tpu.yield
    }) : () -> ()
    %mul3A_213 = arith.constant 640 : i32
    %mul3A_214 = arith.muli %arg1, %mul3A_213 : i32
    %mul3A_215 = arith.constant 10240 : i32
    %mul3A_216 = arith.muli %arg0, %mul3A_215 : i32
    %mul3A_217 = arith.constant 640 : i32
    %mul3A_218 = arith.muli %arg1, %mul3A_217 : i32
    %add3A_219 = arith.addi %mul3A_216, %mul3A_218 : i32
    "tpu.region"() ({
      %run_scoped3A_220 = tpu.sem_alloc : memref<!tpu.dma_semaphore, #tpu.memory_space<semaphore_mem>>
      %dma_start3A = tpu.memref_slice %arg7[%add3A_219] : memref<20480xf32, #tpu.memory_space<hbm>> -> memref<640xf32, #tpu.memory_space<hbm>>
      %dma_start3A_221 = tpu.memref_slice %arg17[%mul3A_214] : memref<10240xf32, #tpu.memory_space<vmem_shared>> -> memref<640xf32, #tpu.memory_space<vmem_shared>>
      tpu.enqueue_dma source(%dma_start3A_221 : memref<640xf32, #tpu.memory_space<vmem_shared>>) target(%dma_start3A : memref<640xf32, #tpu.memory_space<hbm>>) target_semaphore(%run_scoped3A_220 : memref<!tpu.dma_semaphore, #tpu.memory_space<semaphore_mem>>)
      %dma_wait3A_222 = tpu.memref_slice %arg7[%add3A_219] : memref<20480xf32, #tpu.memory_space<hbm>> -> memref<640xf32, #tpu.memory_space<hbm>>
      %dma_wait3A_223 = tpu.memref_slice %arg17[%mul3A_214] : memref<10240xf32, #tpu.memory_space<vmem_shared>> -> memref<640xf32, #tpu.memory_space<vmem_shared>>
      tpu.wait_dma2 semaphore(%run_scoped3A_220 : memref<!tpu.dma_semaphore, #tpu.memory_space<semaphore_mem>>) src(%dma_wait3A_223 : memref<640xf32, #tpu.memory_space<vmem_shared>>) dst(%dma_wait3A_222 : memref<640xf32, #tpu.memory_space<hbm>>)
      tpu.yield
    }) : () -> ()
    return
  }
}

module attributes {stable_mosaic.version = 14 : i64} {
  func.func @_pre_body(%arg0: i32, %arg1: memref<256x128xf32, #tpu.memory_space<vmem>>, %arg2: memref<128x128xf32, #tpu.memory_space<vmem>>, %arg3: memref<2x2x256x1xf32, #tpu.memory_space<vmem>>, %arg4: memref<256x128xf32, #tpu.memory_space<vmem>>, %arg5: memref<256x1xf32, #tpu.memory_space<vmem>>, %arg6: memref<256x1xf32, #tpu.memory_space<vmem>>) attributes {dimension_semantics = [#tpu.dimension_semantics<arbitrary>], iteration_bounds = array<i64: 40>, scalar_prefetch = 0 : i64, scratch_operands = 0 : i64, tpu.core_type = #tpu.core_type<tc>, window_params = [{transform_indices = @transform_0, window_bounds = array<i64: 256, 128>}, {pipeline_mode = #tpu.pipeline_mode<synchronous>, transform_indices = @transform_1, window_bounds = array<i64: 128, 128>}, {transform_indices = @transform_2, window_bounds = array<i64: 2, 2, 256, 1>}, {transform_indices = @transform_3, window_bounds = array<i64: 256, 128>}, {transform_indices = @transform_4, window_bounds = array<i64: 256, 1>}, {transform_indices = @transform_5, window_bounds = array<i64: 256, 1>}]} {
    %get3A = arith.constant 0 : index
    %get3A_0 = arith.constant 0 : index
    %get3A_1 = arith.constant 0 : index
    %get3A_2 = arith.constant 0 : index
    %get3A_3 = vector.load %arg3[%get3A, %get3A_0, %get3A_1, %get3A_2] : memref<2x2x256x1xf32, #tpu.memory_space<vmem>>, vector<1x1x256x1xf32>
    %get3A_4 = vector.shape_cast %get3A_3 : vector<1x1x256x1xf32> to vector<256x1xf32>
    %get3A_5 = arith.constant 1 : index
    %get3A_6 = arith.constant 0 : index
    %get3A_7 = arith.constant 0 : index
    %get3A_8 = arith.constant 0 : index
    %get3A_9 = vector.load %arg3[%get3A_5, %get3A_6, %get3A_7, %get3A_8] : memref<2x2x256x1xf32, #tpu.memory_space<vmem>>, vector<1x1x256x1xf32>
    %get3A_10 = vector.shape_cast %get3A_9 : vector<1x1x256x1xf32> to vector<256x1xf32>
    %add3A = arith.addf %get3A_4, %get3A_10 : vector<256x1xf32>
    %get3A_11 = arith.constant 0 : index
    %get3A_12 = arith.constant 1 : index
    %get3A_13 = arith.constant 0 : index
    %get3A_14 = arith.constant 0 : index
    %get3A_15 = vector.load %arg3[%get3A_11, %get3A_12, %get3A_13, %get3A_14] : memref<2x2x256x1xf32, #tpu.memory_space<vmem>>, vector<1x1x256x1xf32>
    %get3A_16 = vector.shape_cast %get3A_15 : vector<1x1x256x1xf32> to vector<256x1xf32>
    %get3A_17 = arith.constant 1 : index
    %get3A_18 = arith.constant 1 : index
    %get3A_19 = arith.constant 0 : index
    %get3A_20 = arith.constant 0 : index
    %get3A_21 = vector.load %arg3[%get3A_17, %get3A_18, %get3A_19, %get3A_20] : memref<2x2x256x1xf32, #tpu.memory_space<vmem>>, vector<1x1x256x1xf32>
    %get3A_22 = vector.shape_cast %get3A_21 : vector<1x1x256x1xf32> to vector<256x1xf32>
    %add3A_23 = arith.addf %get3A_16, %get3A_22 : vector<256x1xf32>
    %max3A = arith.constant 1.000000e+00 : f32
    %max3A_24 = vector.broadcast %max3A : f32 to vector<256x1xf32>
    %max3A_25 = arith.maximumf %add3A, %max3A_24 : vector<256x1xf32>
    %rsqrt3A = math.rsqrt %max3A_25 : vector<256x1xf32>
    %max3A_26 = arith.constant 1.000000e+00 : f32
    %max3A_27 = vector.broadcast %max3A_26 : f32 to vector<256x1xf32>
    %max3A_28 = arith.maximumf %add3A_23, %max3A_27 : vector<256x1xf32>
    %rsqrt3A_29 = math.rsqrt %max3A_28 : vector<256x1xf32>
    %swap3A = arith.constant 0 : index
    %swap3A_30 = arith.constant 0 : index
    %swap3A_31 = vector.load %arg5[%swap3A, %swap3A_30] : memref<256x1xf32, #tpu.memory_space<vmem>>, vector<256x1xf32>
    tpu.vector_store %arg5[%swap3A, %swap3A_30], %rsqrt3A {strides = array<i32>} : memref<256x1xf32, #tpu.memory_space<vmem>>, vector<256x1xf32>,
    %swap3A_32 = arith.constant 0 : index
    %swap3A_33 = arith.constant 0 : index
    %swap3A_34 = vector.load %arg6[%swap3A_32, %swap3A_33] : memref<256x1xf32, #tpu.memory_space<vmem>>, vector<256x1xf32>
    tpu.vector_store %arg6[%swap3A_32, %swap3A_33], %rsqrt3A_29 {strides = array<i32>} : memref<256x1xf32, #tpu.memory_space<vmem>>, vector<256x1xf32>,
    %get3A_35 = arith.constant 0 : index
    %get3A_36 = arith.constant 0 : index
    %get3A_37 = vector.load %arg1[%get3A_35, %get3A_36] : memref<256x128xf32, #tpu.memory_space<vmem>>, vector<256x128xf32>
    %get3A_38 = arith.constant 0 : index
    %get3A_39 = arith.constant 0 : index
    %get3A_40 = vector.load %arg2[%get3A_38, %get3A_39] : memref<128x128xf32, #tpu.memory_space<vmem>>, vector<128x128xf32>
    %dot_general3A = arith.constant dense<0.000000e+00> : vector<256x128xf32>
    %dot_general3A_41 = tpu.matmul %get3A_37, %get3A_40, %dot_general3A {dimension_numbers = #tpu.dot_dimension_numbers<[1], [0], [0], [1], [0, 0, 1, 1], [], []>, transpose_lhs_hint = false} : vector<256x128xf32>, vector<128x128xf32>, vector<256x128xf32> -> vector<256x128xf32>
    %mul3A = vector.broadcast %rsqrt3A : vector<256x1xf32> to vector<256x128xf32>
    %mul3A_42 = arith.mulf %dot_general3A_41, %mul3A : vector<256x128xf32>
    %swap3A_43 = arith.constant 0 : index
    %swap3A_44 = arith.constant 0 : index
    %swap3A_45 = vector.load %arg4[%swap3A_43, %swap3A_44] : memref<256x128xf32, #tpu.memory_space<vmem>>, vector<256x128xf32>
    tpu.vector_store %arg4[%swap3A_43, %swap3A_44], %mul3A_42 {strides = array<i32>} : memref<256x128xf32, #tpu.memory_space<vmem>>, vector<256x128xf32>,
    return
  }
  func.func @transform_0(%arg0: i32) -> (i32, i32) {
    %c0_i32 = arith.constant 0 : i32
    %c0_i32_0 = arith.constant 0 : i32
    return %arg0, %c0_i32 : i32, i32
  }
  func.func @transform_1(%arg0: i32) -> (i32, i32) {
    %c0_i32 = arith.constant 0 : i32
    %c0_i32_0 = arith.constant 0 : i32
    %c0_i32_1 = arith.constant 0 : i32
    return %c0_i32, %c0_i32_0 : i32, i32
  }
  func.func @transform_2(%arg0: i32) -> (i32, i32, i32, i32) {
    %c0_i32 = arith.constant 0 : i32
    %c0_i32_0 = arith.constant 0 : i32
    %c0_i32_1 = arith.constant 0 : i32
    %c0_i32_2 = arith.constant 0 : i32
    return %c0_i32, %c0_i32_0, %arg0, %c0_i32_1 : i32, i32, i32, i32
  }
  func.func @transform_3(%arg0: i32) -> (i32, i32) {
    %c0_i32 = arith.constant 0 : i32
    %c0_i32_0 = arith.constant 0 : i32
    return %arg0, %c0_i32 : i32, i32
  }
  func.func @transform_4(%arg0: i32) -> (i32, i32) {
    %c0_i32 = arith.constant 0 : i32
    %c0_i32_0 = arith.constant 0 : i32
    return %arg0, %c0_i32 : i32, i32
  }
  func.func @transform_5(%arg0: i32) -> (i32, i32) {
    %c0_i32 = arith.constant 0 : i32
    %c0_i32_0 = arith.constant 0 : i32
    return %arg0, %c0_i32 : i32, i32
  }
}

module attributes {stable_mosaic.version = 14 : i64} {
  func.func @_post_body(%arg0: i32, %arg1: memref<2x256x128xf32, #tpu.memory_space<vmem>>, %arg2: memref<2x256x1xf32, #tpu.memory_space<vmem>>, %arg3: memref<256x1xf32, #tpu.memory_space<vmem>>, %arg4: memref<256x1xf32, #tpu.memory_space<vmem>>, %arg5: memref<1x128xf32, #tpu.memory_space<vmem>>, %arg6: memref<128x40xf32, #tpu.memory_space<vmem>>, %arg7: memref<1x40xf32, #tpu.memory_space<vmem>>, %arg8: memref<1x40xf32, #tpu.memory_space<vmem>>, %arg9: memref<1x128xf32, #tpu.memory_space<vmem>>) attributes {dimension_semantics = [#tpu.dimension_semantics<arbitrary>], iteration_bounds = array<i64: 40>, scalar_prefetch = 0 : i64, scratch_operands = 1 : i64, tpu.core_type = #tpu.core_type<tc>, window_params = [{transform_indices = @transform_0, window_bounds = array<i64: 2, 256, 128>}, {transform_indices = @transform_1, window_bounds = array<i64: 2, 256, 1>}, {transform_indices = @transform_2, window_bounds = array<i64: 256, 1>}, {transform_indices = @transform_3, window_bounds = array<i64: 256, 1>}, {pipeline_mode = #tpu.pipeline_mode<synchronous>, transform_indices = @transform_4, window_bounds = array<i64: 1, 128>}, {pipeline_mode = #tpu.pipeline_mode<synchronous>, transform_indices = @transform_5, window_bounds = array<i64: 128, 40>}, {pipeline_mode = #tpu.pipeline_mode<synchronous>, transform_indices = @transform_6, window_bounds = array<i64: 1, 40>}, {pipeline_mode = #tpu.pipeline_mode<synchronous>, transform_indices = @transform_7, window_bounds = array<i64: 1, 40>}]} {
    %eq3A = arith.constant 0 : i32
    %eq3A_0 = arith.cmpi eq, %arg0, %eq3A : i32
    %convert_element_type3A = arith.extui %eq3A_0 : i1 to i32
    %cond3A = arith.constant 0 : i32
    %cond3A_1 = arith.cmpi ne, %convert_element_type3A, %cond3A : i32
    scf.if %cond3A_1 {
      %broadcast_in_dim3A_58 = arith.constant 0.000000e+00 : f32
      %broadcast_in_dim3A_59 = vector.broadcast %broadcast_in_dim3A_58 : f32 to vector<1x128xf32>
      %swap3A_60 = arith.constant 0 : index
      %swap3A_61 = arith.constant 0 : index
      %swap3A_62 = vector.load %arg9[%swap3A_60, %swap3A_61] : memref<1x128xf32, #tpu.memory_space<vmem>>, vector<1x128xf32>
      tpu.vector_store %arg9[%swap3A_60, %swap3A_61], %broadcast_in_dim3A_59 {strides = array<i32>} : memref<1x128xf32, #tpu.memory_space<vmem>>, vector<1x128xf32>,
    } else {
    }
    %get3A = arith.constant 0 : index
    %get3A_2 = arith.constant 0 : index
    %get3A_3 = arith.constant 0 : index
    %get3A_4 = vector.load %arg1[%get3A, %get3A_2, %get3A_3] : memref<2x256x128xf32, #tpu.memory_space<vmem>>, vector<1x256x128xf32>
    %get3A_5 = vector.shape_cast %get3A_4 : vector<1x256x128xf32> to vector<256x128xf32>
    %get3A_6 = arith.constant 1 : index
    %get3A_7 = arith.constant 0 : index
    %get3A_8 = arith.constant 0 : index
    %get3A_9 = vector.load %arg1[%get3A_6, %get3A_7, %get3A_8] : memref<2x256x128xf32, #tpu.memory_space<vmem>>, vector<1x256x128xf32>
    %get3A_10 = vector.shape_cast %get3A_9 : vector<1x256x128xf32> to vector<256x128xf32>
    %add3A = arith.addf %get3A_5, %get3A_10 : vector<256x128xf32>
    %get3A_11 = arith.constant 0 : index
    %get3A_12 = arith.constant 0 : index
    %get3A_13 = vector.load %arg4[%get3A_11, %get3A_12] : memref<256x1xf32, #tpu.memory_space<vmem>>, vector<256x1xf32>
    %mul3A = vector.broadcast %get3A_13 : vector<256x1xf32> to vector<256x128xf32>
    %mul3A_14 = arith.mulf %add3A, %mul3A : vector<256x128xf32>
    %get3A_15 = arith.constant 0 : index
    %get3A_16 = arith.constant 0 : index
    %get3A_17 = vector.load %arg5[%get3A_15, %get3A_16] : memref<1x128xf32, #tpu.memory_space<vmem>>, vector<1x128xf32>
    %add3A_18 = vector.broadcast %get3A_17 : vector<1x128xf32> to vector<256x128xf32>
    %add3A_19 = arith.addf %mul3A_14, %add3A_18 : vector<256x128xf32>
    %max3A = arith.constant 0.000000e+00 : f32
    %max3A_20 = vector.broadcast %max3A : f32 to vector<256x128xf32>
    %max3A_21 = arith.maximumf %add3A_19, %max3A_20 : vector<256x128xf32>
    %get3A_22 = arith.constant 0 : index
    %get3A_23 = arith.constant 0 : index
    %get3A_24 = vector.load %arg3[%get3A_22, %get3A_23] : memref<256x1xf32, #tpu.memory_space<vmem>>, vector<256x1xf32>
    %get3A_25 = arith.constant 0 : index
    %get3A_26 = arith.constant 0 : index
    %get3A_27 = arith.constant 0 : index
    %get3A_28 = vector.load %arg2[%get3A_25, %get3A_26, %get3A_27] : memref<2x256x1xf32, #tpu.memory_space<vmem>>, vector<1x256x1xf32>
    %get3A_29 = vector.shape_cast %get3A_28 : vector<1x256x1xf32> to vector<256x1xf32>
    %get3A_30 = arith.constant 1 : index
    %get3A_31 = arith.constant 0 : index
    %get3A_32 = arith.constant 0 : index
    %get3A_33 = vector.load %arg2[%get3A_30, %get3A_31, %get3A_32] : memref<2x256x1xf32, #tpu.memory_space<vmem>>, vector<1x256x1xf32>
    %get3A_34 = vector.shape_cast %get3A_33 : vector<1x256x1xf32> to vector<256x1xf32>
    %add3A_35 = arith.addf %get3A_29, %get3A_34 : vector<256x1xf32>
    %mul3A_36 = arith.mulf %get3A_24, %add3A_35 : vector<256x1xf32>
    %mul3A_37 = arith.constant 256 : i32
    %mul3A_38 = arith.muli %arg0, %mul3A_37 : i32
    %iota3A = tpu.iota {dimensions = array<i32: 0>} : vector<256x1xi32>
    %add3A_39 = vector.broadcast %mul3A_38 : i32 to vector<256x1xi32>
    %add3A_40 = arith.addi %add3A_39, %iota3A : vector<256x1xi32>
    %lt3A = arith.constant 10000 : i32
    %lt3A_41 = vector.broadcast %lt3A : i32 to vector<256x1xi32>
    %lt3A_42 = arith.cmpi slt, %add3A_40, %lt3A_41 : vector<256x1xi32>
    %jit3A = arith.constant 0.000000e+00 : f32
    %broadcast_in_dim3A = vector.broadcast %jit3A : f32 to vector<256x1xf32>
    %select_n3A = arith.select %lt3A_42, %mul3A_36, %broadcast_in_dim3A : vector<256x1xi1>, vector<256x1xf32>
    %get3A_43 = arith.constant 0 : index
    %get3A_44 = arith.constant 0 : index
    %get3A_45 = vector.load %arg9[%get3A_43, %get3A_44] : memref<1x128xf32, #tpu.memory_space<vmem>>, vector<1x128xf32>
    %mul3A_46 = vector.broadcast %select_n3A : vector<256x1xf32> to vector<256x128xf32>
    %mul3A_47 = arith.mulf %max3A_21, %mul3A_46 : vector<256x128xf32>
    %reduce_sum3A = arith.constant dense<0.000000e+00> : vector<128xf32>
    %reduce_sum3A_48 = vector.multi_reduction <add>, %mul3A_47, %reduce_sum3A [0] : vector<256x128xf32> to vector<128xf32>
    %broadcast_in_dim3A_49 = vector.shape_cast %reduce_sum3A_48 : vector<128xf32> to vector<1x128xf32>
    %add3A_50 = arith.addf %get3A_45, %broadcast_in_dim3A_49 : vector<1x128xf32>
    %swap3A = arith.constant 0 : index
    %swap3A_51 = arith.constant 0 : index
    %swap3A_52 = vector.load %arg9[%swap3A, %swap3A_51] : memref<1x128xf32, #tpu.memory_space<vmem>>, vector<1x128xf32>
    tpu.vector_store %arg9[%swap3A, %swap3A_51], %add3A_50 {strides = array<i32>} : memref<1x128xf32, #tpu.memory_space<vmem>>, vector<1x128xf32>,
    %eq3A_53 = arith.constant 39 : i32
    %eq3A_54 = arith.cmpi eq, %arg0, %eq3A_53 : i32
    %convert_element_type3A_55 = arith.extui %eq3A_54 : i1 to i32
    %cond3A_56 = arith.constant 0 : i32
    %cond3A_57 = arith.cmpi ne, %convert_element_type3A_55, %cond3A_56 : i32
    scf.if %cond3A_57 {
      %get3A_58 = arith.constant 0 : index
      %get3A_59 = arith.constant 0 : index
      %get3A_60 = vector.load %arg9[%get3A_58, %get3A_59] : memref<1x128xf32, #tpu.memory_space<vmem>>, vector<1x128xf32>
      %get3A_61 = arith.constant 0 : index
      %get3A_62 = arith.constant 0 : index
      %get3A_63 = vector.load %arg6[%get3A_61, %get3A_62] : memref<128x40xf32, #tpu.memory_space<vmem>>, vector<128x40xf32>
      %dot_general3A = arith.constant dense<0.000000e+00> : vector<1x40xf32>
      %dot_general3A_64 = tpu.matmul %get3A_60, %get3A_63, %dot_general3A {dimension_numbers = #tpu.dot_dimension_numbers<[1], [0], [0], [1], [0, 0, 1, 1], [], []>, transpose_lhs_hint = false} : vector<1x128xf32>, vector<128x40xf32>, vector<1x40xf32> -> vector<1x40xf32>
      %mul3A_65 = arith.constant 9.99999974E-5 : f32
      %mul3A_66 = vector.broadcast %mul3A_65 : f32 to vector<1x40xf32>
      %mul3A_67 = arith.mulf %dot_general3A_64, %mul3A_66 : vector<1x40xf32>
      %get3A_68 = arith.constant 0 : index
      %get3A_69 = arith.constant 0 : index
      %get3A_70 = vector.load %arg7[%get3A_68, %get3A_69] : memref<1x40xf32, #tpu.memory_space<vmem>>, vector<1x40xf32>
      %add3A_71 = arith.addf %mul3A_67, %get3A_70 : vector<1x40xf32>
      %swap3A_72 = arith.constant 0 : index
      %swap3A_73 = arith.constant 0 : index
      %swap3A_74 = vector.load %arg8[%swap3A_72, %swap3A_73] : memref<1x40xf32, #tpu.memory_space<vmem>>, vector<1x40xf32>
      tpu.vector_store %arg8[%swap3A_72, %swap3A_73], %add3A_71 {strides = array<i32>} : memref<1x40xf32, #tpu.memory_space<vmem>>, vector<1x40xf32>,
    } else {
    }
    return
  }
  func.func @transform_0(%arg0: i32) -> (i32, i32, i32) {
    %c0_i32 = arith.constant 0 : i32
    %c0_i32_0 = arith.constant 0 : i32
    %c0_i32_1 = arith.constant 0 : i32
    return %c0_i32, %arg0, %c0_i32_0 : i32, i32, i32
  }
  func.func @transform_1(%arg0: i32) -> (i32, i32, i32) {
    %c0_i32 = arith.constant 0 : i32
    %c0_i32_0 = arith.constant 0 : i32
    %c0_i32_1 = arith.constant 0 : i32
    return %c0_i32, %arg0, %c0_i32_0 : i32, i32, i32
  }
  func.func @transform_2(%arg0: i32) -> (i32, i32) {
    %c0_i32 = arith.constant 0 : i32
    %c0_i32_0 = arith.constant 0 : i32
    return %arg0, %c0_i32 : i32, i32
  }
  func.func @transform_3(%arg0: i32) -> (i32, i32) {
    %c0_i32 = arith.constant 0 : i32
    %c0_i32_0 = arith.constant 0 : i32
    return %arg0, %c0_i32 : i32, i32
  }
  func.func @transform_4(%arg0: i32) -> (i32, i32) {
    %c0_i32 = arith.constant 0 : i32
    %c0_i32_0 = arith.constant 0 : i32
    %c0_i32_1 = arith.constant 0 : i32
    return %c0_i32, %c0_i32_0 : i32, i32
  }
  func.func @transform_5(%arg0: i32) -> (i32, i32) {
    %c0_i32 = arith.constant 0 : i32
    %c0_i32_0 = arith.constant 0 : i32
    %c0_i32_1 = arith.constant 0 : i32
    return %c0_i32, %c0_i32_0 : i32, i32
  }
  func.func @transform_6(%arg0: i32) -> (i32, i32) {
    %c0_i32 = arith.constant 0 : i32
    %c0_i32_0 = arith.constant 0 : i32
    %c0_i32_1 = arith.constant 0 : i32
    return %c0_i32, %c0_i32_0 : i32, i32
  }
  func.func @transform_7(%arg0: i32) -> (i32, i32) {
    %c0_i32 = arith.constant 0 : i32
    %c0_i32_0 = arith.constant 0 : i32
    %c0_i32_1 = arith.constant 0 : i32
    return %c0_i32, %c0_i32_0 : i32, i32
  }
}

</mosaic_0001>

<sc_bundles>
// kernel: kernel.6.cloned.1.call-start
scs
__scs_entry_jumppad:
0x0: {  	(pc) =	sbr.rel $0x88, $3  }
0x1: {  	(tag) =	ssettag $0x0;
	lr =	simm.s32 $0x1  }
0x2: {  	[smem:$0x3F9B] =	sst lr;
	_ =	strace $0xD0000000  }
0x3: {  	_ = 	snop  }
0x4: {  	_ = 	snop  }
0x5: {  	_ = 	snop  }
0x6: {  	_ = 	snop  }
0x7: {  	_ = 	snop  }
__scs_overlays_trampoline_lowered:
0x8: {  	[smem:$0x3FAA] =	sst s0  }
0x9: {  	[smem:$0x3FAB] =	sst s1  }
0xa: {  	[smem:$0x3FAC] =	sst s2  }
0xb: {  	[smem:$0x3FAD] =	sst s3  }
0xc: {  	[smem:$0x3FAE] =	sst s4  }
0xd: {  	[smem:$0x3FAF] =	sst s5  }
0xe: {  	[smem:$0x3FB0] =	sst s6  }
0xf: {  	[smem:$0x3FB1] =	sst s7  }
0x10: {  	[smem:$0x3FB2] =	sst s8  }
0x11: {  	[smem:$0x3FB3] =	sst s9;
	s0 =	simm.s32 @!p0 $0x0  }
0x12: {  	s1 =	sld [smem:$0x3F99];
	s0 =	simm.s32 @p0 $0x1  }
0x13: {  	[smem:$0x3FB4] =	sst s0;
	s0 =	simm.s32 @!p1 $0x0  }
0x14: {  	s2 =	sld [smem:$0x3F98];
	s0 =	simm.s32 @p1 $0x1  }
0x15: {  	[smem:$0x3FB5] =	sst s0;
	s0 =	simm.s32 @!p2 $0x0  }
0x16: {  	s3 =	sld [smem:$0x3FDB];
	s0 =	simm.s32 @p2 $0x1  }
0x17: {  	s4 =	simm.s32 $0x1BF5;
	[smem:$0x3FB7] =	sst s0  }
0x18: {  	s0 =	sld [smem:$0x3F9A];
	_ =	swait.ge [sflag:s4], $0x0  }
0x19: {  	s7 =	sld [smem:$0x3F9B]  }
0x1a: {  	s8 =	sadd.s32 $0xFFFFE003, lr  }
0x1b: {  	s9 =	sadd.s32 $0xFFFFFEF7, lr;
	s5 =	simm.s32 $0xFFFFFFFF;
	p2 =	slt.u32 s8, $0xFFFFF086  }
0x1c: {  	p1 =	slt.u32 s9, $0xF7A;
	s5 =	simm.s32 @!p2 $0x0  }
0x1d: {  	s5 =	simm.s32 @p1 $0x1;
	p0 =	seq.s32 s7, s2  }
0x1e: {  	s7 =	smul.u32 @!p0 $0xF7A, s2;
	p2 =	seq.s32 @!p0 s5, $0x0  }
0x1f: {  	s9 =	smul.u32 $0xF7A, s1;
	s8 =	simm.s32 @!p0 $0x1BF5;
	p2 =	por !p2, p0  }
0x20: {  	[sflag:s8] =	ssyncset.s32 @!p0 $0xFFFFF086;
	s6 =	sadd.s32 @!p0 s3, s7;
	s7 =	simm.s32 @!p0 $0x108  }
0x21: {  	s3 =	sadd.s32 s3, s9;
	s6 =	sadd.s32 @!p0 $0x88, s6;
	s7 =	simm.s32 @p2 $0x1082  }
0x22: {  	[simem:s7], [sflag:s8] =	dma.local @!p0 [hbm:s6], $0xF7A  }
0x23: {  	s9 =	sor.u32 $0xD0000000, s2;
	s6 =	simm.s32 $0x108;
	_ =	swait.ge @!p0 [sflag:s8], $0x0  }
0x24: {  	s3 =	sadd.s32 $0x88, s3;
	s6 =	simm.s32 @!p1 $0x1082;
	[sflag:s4] =	ssyncset.s32 $0xFFFFF086  }
0x25: {  	[simem:s6], [sflag:s4] =	dma.local [hbm:s3], $0xF7A  }
0x26: {  	[smem:$0x3F9B] =	sst s1;
	(tag) =	ssettag s2;
	_ =	strace s9  }
0x27: {  	s1 =	sld [smem:$0x3FAB]  }
0x28: {  	s2 =	sld [smem:$0x3FAC]  }
0x29: {  	s4 =	sld [smem:$0x3FAE]  }
0x2a: {  	p0 =	seq.s32 s5, $0x0;
	s5 =	sld [smem:$0x3FAF]  }
0x2b: {  	s6 =	sld [smem:$0x3FB0]  }
0x2c: {  	s7 =	sld [smem:$0x3FB1]  }
0x2d: {  	s3 =	simm.s32 $0x108;
	s8 =	sld [smem:$0x3FB2]  }
0x2e: {  	s3 =	simm.s32 @!p0 $0x1082;
	s9 =	sld [smem:$0x3FB3]  }
0x2f: {  	lr =	sadd.s32 s0, s3;
	s0 =	sld [smem:$0x3FAA]  }
0x30: {  	s3 =	sld [smem:$0x3FAD]  }
0x31: {  	[smem:$0x3FB6] =	sst s10  }
0x32: {  	s10 =	sld [smem:$0x3FB4];
	_ =	sdelay $0x3  }
0x33: {  	p0 =	seq.s32 s10, $0x1;
	s10 =	sld [smem:$0x3FB6];
	_ =	sdelay $0x3  }
0x34: {  	[smem:$0x3FB6] =	sst s10  }
0x35: {  	s10 =	sld [smem:$0x3FB5];
	_ =	sdelay $0x3  }
0x36: {  	p1 =	seq.s32 s10, $0x1;
	s10 =	sld [smem:$0x3FB6];
	_ =	sdelay $0x3  }
0x37: {  	[smem:$0x3FB6] =	sst s10  }
0x38: {  	s10 =	sld [smem:$0x3FB7]  }
0x39: {  	_ = 	snop;
	(pc) =	sbr.ind lr, $3  }
0x3a: {  	_ = 	snop  }
0x3b: {  	_ = 	snop  }
0x3c: {  	p2 =	seq.s32 s10, $0x1;
	s10 =	sld [smem:$0x3FB6]  }
0x3d: {  	_ =	shalt  }
0x3e: {  	_ =	shalt  }
0x3f: {  	_ =	shalt  }
0x40: {  	_ =	shalt  }
0x41: {  	_ =	shalt  }
0x42: {  	_ =	shalt  }
0x43: {  	_ =	shalt  }
0x44: {  	_ =	shalt  }
0x45: {  	_ =	shalt  }
0x46: {  	_ =	shalt  }
0x47: {  	_ =	shalt  }
0x48: {  	_ =	shalt  }
0x49: {  	_ =	shalt  }
0x4a: {  	_ =	shalt  }
0x4b: {  	_ =	shalt  }
0x4c: {  	_ =	shalt  }
0x4d: {  	_ =	shalt  }
0x4e: {  	_ =	shalt  }
0x4f: {  	_ =	shalt  }
0x50: {  	_ =	shalt  }
0x51: {  	_ =	shalt  }
0x52: {  	_ =	shalt  }
0x53: {  	_ =	shalt  }
0x54: {  	_ =	shalt  }
0x55: {  	_ =	shalt  }
0x56: {  	_ =	shalt  }
0x57: {  	_ =	shalt  }
0x58: {  	_ =	shalt  }
0x59: {  	_ =	shalt  }
0x5a: {  	_ =	shalt  }
0x5b: {  	_ =	shalt  }
0x5c: {  	_ =	shalt  }
0x5d: {  	_ =	shalt  }
0x5e: {  	_ =	shalt  }
0x5f: {  	_ =	shalt  }
0x60: {  	_ =	shalt  }
0x61: {  	_ =	shalt  }
0x62: {  	_ =	shalt  }
0x63: {  	_ =	shalt  }
0x64: {  	_ =	shalt  }
0x65: {  	_ =	shalt  }
0x66: {  	_ =	shalt  }
0x67: {  	_ =	shalt  }
0x68: {  	_ =	shalt  }
0x69: {  	_ =	shalt  }
0x6a: {  	_ =	shalt  }
0x6b: {  	_ =	shalt  }
0x6c: {  	_ =	shalt  }
0x6d: {  	_ =	shalt  }
0x6e: {  	_ =	shalt  }
0x6f: {  	_ =	shalt  }
0x70: {  	_ =	shalt  }
0x71: {  	_ =	shalt  }
0x72: {  	_ =	shalt  }
0x73: {  	_ =	shalt  }
0x74: {  	_ =	shalt  }
0x75: {  	_ =	shalt  }
0x76: {  	_ =	shalt  }
0x77: {  	_ =	shalt  }
0x78: {  	_ =	shalt  }
0x79: {  	_ =	shalt  }
0x7a: {  	_ =	shalt  }
0x7b: {  	_ =	shalt  }
0x7c: {  	_ =	shalt  }
0x7d: {  	_ =	shalt  }
0x7e: {  	_ =	shalt  }
0x7f: {  	_ =	shalt  }
0x80: {  	_ =	shalt  }
0x81: {  	_ =	shalt  }
0x82: {  	_ =	shalt  }
0x83: {  	_ =	shalt  }
0x84: {  	_ =	shalt  }
0x85: {  	_ =	shalt  }
0x86: {  	_ =	shalt  }
0x87: {  	_ =	shalt  }
.Lfunc_end0:
.L_simem_size_0:
called_computation_lowered:
.L_overlay_start_0:
0x88: {  	s2 =	sld [smem:$0x3FD9]  }
0x89: {  	s3 =	sld [smem:$0x3FFE];
	_ =	sdelay $0x1  }
0x8a: {  	s1 =	srdreg.scid  }
0x8b: {  	s0 =	sand.u32 $0x1, s1  }
0x8c: {  	s16 =	sshll.u32 s0, $0xA;
	s2 =	sadd.s32 s3, s2  }
0x8d: {  	s2 =	sadd.s32 s2, s16  }
0x8e: {  	[smem:$0x3FC2] =	sst s2  }
0x8f: {  	_ = 	snop  }
0x90: {  	(tm) =	ssettm $0x1  }
0x91: {  	s17 =	sld [smem:$0x3FFB];
	_ =	sdelay $0x3  }
0x92: {  	_ =	strace s17  }
0x93: {  	s2 =	sld [smem:$0x3FFC];
	_ =	sdelay $0x3  }
0x94: {  	_ =	strace s2  }
0x95: {  	s2 =	sld [smem:$0x3FFD];
	_ =	sdelay $0x3  }
0x96: {  	_ =	strace s2  }
0x97: {  	_ =	strace $0x8FFFFFFF  }
0x98: {  	s18 =	sld [smem:$0x3FDB];
	_ =	sdelay $0x1  }
0x99: {  	s19 =	simm.s32 $_scs_section_size  }
0x9a: {  	s4 =	simm.s32 $_size__tile_overlayer_lowered;
	s5 =	simm.s32 $_tile_overlayer_lowered  }
0x9b: {  	s22 =	simm.s32 $0x1BFF;
	s21 =	sshll.u32 s5, $0x1;
	s2 =	sadd.s32 s19, s18  }
0x9c: {  	s6 =	simm.s32 $0x0;
	s20 =	sshll.u32 s4, $0x1;
	s4 =	sadd.s32 s21, s2  }
0x9d: {  	[timem:s6], [sflag:s22] =	dma.local [hbm:s4], s20  }
0x9e: {  	_ =	swait.ge [sflag:s22], s20  }
0x9f: {  	s3 =	ssub.s32 $0x0, s20;
	[sflag:s22] =	ssyncset.done $0x0  }
0xa0: {  	[sflag:s22] =	ssyncadd.s32 s3;
	_ =	sdelay $0x1  }
0xa1: {  	s23 =	simm.s32 $0x1B8B  }
0xa2: {  	_ =	swait.ge [sflag:s23], $0x1  }
0xa3: {  	[sflag:s23] =	ssyncset.done $0x0  }
0xa4: {  	s25 =	simm.s32 $0x1B8E;
	s24 =	sld [smem:$0x3FFE];
	[sflag:s23] =	ssyncadd.s32 $0xFFFFFFFF  }
0xa5: {  	s26 =	simm.s32 $execute0_lowered;
	[smem:$0x3FD2] =	sst s25  }
0xa6: {  	s4 =	sshll.u32 s26, $0x1;
	_ =	strace $0x80000046;
	[dreg:$0x1] =	wrdreg $0xFFFFFFFF  }
0xa7: {  	s28 =	simm.s32 $_size_execute0_lowered;
	s2 =	sadd.s32 s2, s4;
	[dreg:$0x0] =	wrdreg $0x0  }
0xa8: {  	s4 =	sshll.u32 s28, $0x1;
	[dreg:$0x2] =	wrdreg s2  }
0xa9: {  	[dreg:$0x3] =	wrdreg s4  }
0xaa: {  	[dreg:$0x4] =	wrdreg $0xC0  }
0xab: {  	_ =	task [dreg:s6], $0x5FFFF  }
0xac: {  	[dreg:$0x1] =	wrdreg $0xFFFFFFFF  }
0xad: {  	[dreg:$0x0] =	wrdreg $0x60  }
0xae: {  	[dreg:$0x2] =	wrdreg s24  }
0xaf: {  	[dreg:$0x3] =	wrdreg $0x69000  }
0xb0: {  	[dreg:$0x4] =	wrdreg $0x6B800  }
0xb1: {  	[dreg:$0x5] =	wrdreg $0x9  }
0xb2: {  	_ =	task.clear_ibuf [dreg:s6], $0x6FFFF;
	_ =	strace $0x90000046  }
0xb3: {  	s29 =	simm.s32 $0x9;
	_ =	strace $0x80000048  }
0xb4: {  	_ =	swait.ge [sflag:s29], $0x1  }
0xb5: {  	[sflag:s29] =	ssyncadd.s32 $0xFFFFFFFF  }
0xb6: {  	_ =	strace $0x90000048  }
0xb7: {  	_ =	sfence  }
0xb8: {  	s30 =	sld [smem:$0x0];
	_ =	sdelay $0x2  }
0xb9: {  	s31 =	sshll.u32 s1, $0xD;
	s1 =	sshrl.u32 s1, $0x2  }
0xba: {  	s3 =	sand.u32 $0x4000, s31;
	s1 =	sadd.s32 s1, s30  }
0xbb: {  	s0 =	sor.u32 s3, s0;
	s1 =	sshll.u32 s1, $0x11  }
0xbc: {  	s0 =	sor.u32 s1, s0  }
0xbd: {  	s0 =	sadd.s32 $0x8F2B, s0  }
0xbe: {  	[sflag:s0] =	ssyncadd.remote.s32 $0x1  }
0xbf: {  	_ =	sfence.sel $0xFFFF  }
0xc0: {  	[dreg:$0x0] =	wrdreg $0xFFFFFFFF;
	(pc) =	sbr.abs _section_cstart, $3  }
0xc1: {  	[dreg:$0x1] =	wrdreg $0xFFFFFFFF  }
0xc2: {  	_ =	task.clear_ibuf [dreg:s6], $0x2FFFF;
	_ =	strace $0x9FFFFFFF  }
0xc3: {  	(tm) =	ssettm $0x7FFFFFFF  }
tec
execute0_lowered:
.L_overlay_start_1:
0x0: {  	(tag) =	ssettag $0x1  }
0x1: {  	s0 =	rddreg [dreg:$0x0]  }
0x2: {  	s2 =	rddreg [dreg:$0x1];
	s1 =	srdreg.scid  }
0x3: {  	s14 =	stileid.u32;
	s3 =	rddreg [dreg:$0x2]  }
0x4: {  	s4 =	simm.s32 $0x0;
	s23 =	simm.s32 $0x6880;
	s7 =	smul.u32 $0x280, s14  }
0x5: {  	s28 =	simm.s32 $0x6800;
	s30 =	simm.s32 $0x1;
	s13 =	smul.u32 $0x38, s14  }
0x6: {  	s31 =	simm.s32 $0x0;
	s1 =	sand.u32 $0x1, s1;
	s15 =	smul.u32 $0x68, s14  }
0x7: {  	[smem:$0x7FF] =	sst s4;
	s8 =	sadd.s32 $0xB600, s0;
	s17 =	smul.u32 $0x3400, s14  }
0x8: {  	s9 =	sadd.s32 $0x1600, s0;
	s5 =	smul.u32 $0x5000, s1;
	s6 =	ssub.s32 $0x2, s1  }
0x9: {  	_ =	strace $0x80000047;
	p0 =	seq.s32 s1, $0x0;
	s24 =	sshrl.u32 s6, $0x1  }
0xa: {  	s10 =	sadd.s32 $0x80, s7;
	s25 =	sadd.s32 $0x100, s7;
	s12 =	sadd.s32 $0x180, s7  }
0xb: {  	s16 =	sadd.s32 $0x680, s13;
	s17 =	sshrl.u32 s17, $0x3;
	s5 =	sadd.s32 s7, s5  }
0xc: {  	s22 =	ssub.s32 s6, s24;
	s6 =	sadd.s32 s7, s3;
	s11 =	sadd.s32 s10, s2  }
0xd: {  	s10 =	sadd.s32 s10, s3;
	s26 =	sadd.s32 s25, s2;
	s16 =	smov.u32 @p0 s15  }
0xe: {  	s15 =	simm.s32 $0x68;
	s19 =	sadd.s32 $0x380, s17;
	[dreg:$0x4] =	wrdreg s11  }
0xf: {  	s24 =	simm.s32 $0x2;
	s5 =	sshrl.u32 s5, $0x3;
	[dreg:$0x5] =	wrdreg s10  }
0x10: {  	[dreg:$0x6] =	wrdreg s26;
	s10 =	sadd.s32 s25, s3;
	s11 =	sadd.s32 s12, s2  }
0x11: {  	s12 =	sadd.s32 s12, s3;
	s29 =	sshll.u32 s16, $0x4;
	s15 =	simm.s32 @!p0 $0x38  }
0x12: {  	s18 =	sadd.s32 s8, s19;
	s19 =	sadd.s32 s9, s19;
	s22 =	smax.u32 s22, $0x1  }
0x13: {  	p0 =	sne.s32 s1, $0x0;
	s25 =	simm.s32 $0x3400;
	s26 =	simm.s32 $0x80  }
0x14: {  	s0 =	sadd.s32 s5, s0;
	s5 =	sadd.s32 s7, s2;
	s7 =	sadd.s32 $0x200, s7  }
0x15: {  	s16 =	sadd.s32 s8, s29;
	s17 =	sadd.s32 s9, s29;
	s13 =	sadd.s32 s7, s2  }
0x16: {  	v0 =	vimm.f32 $1.000000000e+00;
	v1 =	vimm.f32 $0.0e+00;
	s14 =	sadd.s32 s7, s3;
	s20 =	sadd.s32 $0x15600, s0;
	s21 =	sadd.s32 $0x15B00, s0  }
.LBB2_1:
0x17: {  	[tilespmem:$0x6800] =	vst v0  }
0x18: {  	[tilespmem:$0x6880] =	vst v1  }
0x19: {  	[tilespmem:$0x6810] =	vst v0  }
0x1a: {  	[tilespmem:$0x6890] =	vst v1  }
0x1b: {  	[tilespmem:$0x6820] =	vst v0  }
0x1c: {  	[tilespmem:$0x68A0] =	vst v1  }
0x1d: {  	[tilespmem:$0x6830] =	vst v0  }
0x1e: {  	[tilespmem:$0x68B0] =	vst v1  }
0x1f: {  	[tilespmem:$0x6840] =	vst v0  }
0x20: {  	[tilespmem:$0x68C0] =	vst v1  }
0x21: {  	[tilespmem:$0x6850] =	vst v0  }
0x22: {  	[tilespmem:$0x68D0] =	vst v1  }
0x23: {  	[tilespmem:$0x6860] =	vst v0  }
0x24: {  	[tilespmem:$0x68E0] =	vst v1  }
0x25: {  	[tilespmem:$0x6870] =	vst v0  }
0x26: {  	[tilespmem:$0x68F0] =	vst v1  }
0x27: {  	[spmem:s5] =	stream.linear.scatter [tilespmem:s23], [sflag:$0x2], $0x80, $0x38;
	[tilespmem:$0x6E00] =	vst v63  }
0x28: {  	_ =	swait.ge [sflag:s24], $0x80  }
0x29: {  	[sflag:s24] =	ssyncset.done $0x0  }
0x2a: {  	[sflag:s24] =	ssyncadd.s32 $0xFFFFFF80  }
0x2b: {  	[spmem:s6] =	stream.linear.scatter [tilespmem:s23], [sflag:$0x2], $0x80, $0x38;
	[tilespmem:$0x6E00] =	vst v63  }
0x2c: {  	_ =	swait.ge [sflag:s24], $0x80  }
0x2d: {  	[sflag:s24] =	ssyncset.done $0x0  }
0x2e: {  	s0 =	rddreg [dreg:$0x4];
	[sflag:s24] =	ssyncadd.s32 $0xFFFFFF80  }
0x2f: {  	[spmem:s0] =	stream.linear.scatter [tilespmem:s23], [sflag:$0x2], $0x80, $0x38;
	[tilespmem:$0x6E00] =	vst v63  }
0x30: {  	_ =	swait.ge [sflag:s24], $0x80  }
0x31: {  	[sflag:s24] =	ssyncset.done $0x0  }
0x32: {  	s7 =	rddreg [dreg:$0x5];
	[sflag:s24] =	ssyncadd.s32 $0xFFFFFF80  }
0x33: {  	[spmem:s7] =	stream.linear.scatter [tilespmem:s23], [sflag:$0x2], $0x80, $0x38;
	[tilespmem:$0x6E00] =	vst v63  }
0x34: {  	_ =	swait.ge [sflag:s24], $0x80  }
0x35: {  	[sflag:s24] =	ssyncset.done $0x0  }
0x36: {  	s8 =	rddreg [dreg:$0x6];
	[sflag:s24] =	ssyncadd.s32 $0xFFFFFF80  }
0x37: {  	[spmem:s8] =	stream.linear.scatter [tilespmem:s23], [sflag:$0x2], $0x80, $0x38;
	[tilespmem:$0x6E00] =	vst v63  }
0x38: {  	_ =	swait.ge [sflag:s24], $0x80  }
0x39: {  	[sflag:s24] =	ssyncset.done $0x0  }
0x3a: {  	[sflag:s24] =	ssyncadd.s32 $0xFFFFFF80  }
0x3b: {  	[spmem:s10] =	stream.linear.scatter [tilespmem:s23], [sflag:$0x2], $0x80, $0x38;
	[tilespmem:$0x6E00] =	vst v63  }
0x3c: {  	_ =	swait.ge [sflag:s24], $0x80  }
0x3d: {  	[sflag:s24] =	ssyncset.done $0x0  }
0x3e: {  	[sflag:s24] =	ssyncadd.s32 $0xFFFFFF80  }
0x3f: {  	[spmem:s11] =	stream.linear.scatter [tilespmem:s23], [sflag:$0x2], $0x80, $0x38;
	[tilespmem:$0x6E00] =	vst v63  }
0x40: {  	_ =	swait.ge [sflag:s24], $0x80  }
0x41: {  	[sflag:s24] =	ssyncset.done $0x0  }
0x42: {  	[sflag:s24] =	ssyncadd.s32 $0xFFFFFF80  }
0x43: {  	[spmem:s12] =	stream.linear.scatter [tilespmem:s23], [sflag:$0x2], $0x80, $0x38;
	[tilespmem:$0x6E00] =	vst v63  }
0x44: {  	_ =	swait.ge [sflag:s24], $0x80  }
0x45: {  	[sflag:s24] =	ssyncset.done $0x0  }
0x46: {  	[sflag:s24] =	ssyncadd.s32 $0xFFFFFF80  }
0x47: {  	[spmem:s13] =	stream.linear.scatter [tilespmem:s23], [sflag:$0x2], $0x80, $0x38;
	[tilespmem:$0x6E00] =	vst v63  }
0x48: {  	_ =	swait.ge [sflag:s24], $0x80  }
0x49: {  	[sflag:s24] =	ssyncset.done $0x0  }
0x4a: {  	[sflag:s24] =	ssyncadd.s32 $0xFFFFFF80  }
0x4b: {  	[spmem:s14] =	stream.linear.scatter [tilespmem:s23], [sflag:$0x2], $0x80, $0x38;
	[tilespmem:$0x6E00] =	vst v63  }
0x4c: {  	_ =	swait.ge [sflag:s24], $0x80  }
0x4d: {  	[sflag:s24] =	ssyncset.done $0x0  }
0x4e: {  	[sflag:s24] =	ssyncadd.s32 $0xFFFFFF80  }
0x4f: {  	[tilespmem:s4], [sflag:$0x2] =	stream.linear.gather [hbm4b:s16+s4], $0x1C00, $0x38;
	[tilespmem:$0x6E00] =	vst v63  }
0x50: {  	_ =	swait.ge [sflag:s24], $0x1C00  }
0x51: {  	[sflag:s24] =	ssyncset.done $0x0  }
0x52: {  	[sflag:s24] =	ssyncadd.s32 $0xFFFFE400  }
0x53: {  	[tilespmem:s25], [sflag:$0x2] =	stream.linear.gather [hbm4b:s17+s4], $0x1C00, $0x38;
	[tilespmem:$0x6E00] =	vst v63  }
0x54: {  	_ =	swait.ge [sflag:s24], $0x1C00  }
0x55: {  	[sflag:s24] =	ssyncset.done $0x0  }
0x56: {  	s1 =	simm.s32 @!p0 $0x1C00;
	s0 =	simm.s32 @!p0 $0x0;
	[sflag:s24] =	ssyncadd.s32 $0xFFFFE400  }
0x57: {  	[tilespmem:s1], [sflag:$0x2] =	stream.linear.gather @!p0 [hbm4b:s18+s0], $0x1800, $0x38;
	[tilespmem:$0x6E00] =	vst v63  }
0x58: {  	s1 =	simm.s32 @!p0 $0x2  }
0x59: {  	_ =	swait.ge @!p0 [sflag:s1], $0x1800  }
0x5a: {  	[sflag:s1] =	ssyncset.done @!p0 $0x0  }
0x5b: {  	s7 =	simm.s32 @!p0 $0x5000;
	[sflag:s1] =	ssyncadd.s32 @!p0 $0xFFFFE800  }
0x5c: {  	[tilespmem:s7], [sflag:$0x2] =	stream.linear.gather @!p0 [hbm4b:s19+s0], $0x1800, $0x38;
	[tilespmem:$0x6E00] =	vst v63  }
0x5d: {  	_ =	swait.ge @!p0 [sflag:s1], $0x1800  }
0x5e: {  	[sflag:s1] =	ssyncset.done @!p0 $0x0  }
0x5f: {  	[sflag:s1] =	ssyncadd.s32 @!p0 $0xFFFFE800  }
0x60: {  	[bflag:$0x0] =	sbarrier.arrive $0xFFFF  }
0x61: {  	[spmem:s2] =	stream.indirect.scatter.add.f32 [tilespmem:s28], [sflag:$0x1], $0x1, s4, s26, $0xb8;
	[tilespmem:$0x6E00] =	vst v63  }
0x62: {  	_ = 	snop  }
0x63: {  	[spmem:s3] =	stream.indirect.scatter.add.f32 [tilespmem:s28], [sflag:$0x1], $0x1, s25, s26, $0xb8;
	[tilespmem:$0x6E00] =	vst v63  }
0x64: {  	_ = 	snop  }
0x65: {  	[spmem:s2] =	stream.indirect.scatter.add.f32 [tilespmem:s28], [sflag:$0x1], $0x1, s26, s26, $0xb8;
	[tilespmem:$0x6E00] =	vst v63  }
0x66: {  	s9 =	simm.s32 $0x3480  }
0x67: {  	[spmem:s3] =	stream.indirect.scatter.add.f32 [tilespmem:s28], [sflag:$0x1], $0x1, s9, s26, $0xb8;
	[tilespmem:$0x6E00] =	vst v63  }
0x68: {  	_ =	swait.ge [sflag:s30], $0x80  }
0x69: {  	[sflag:s30] =	ssyncset.done $0x0  }
0x6a: {  	p2 =	sne.s32 s15, $0x1;
	[sflag:s30] =	ssyncadd.s32 $0xFFFFFF80  }
.Ltmp0:
0x6b: {  	p1 =	sle.u32 s15, $0x2;
	_ =	swait.ge [sflag:s30], $0x80;
	(pc) =	sbr.rel @!p2 .LBB2_3-.Ltmp0, $4  }
0x6c: {  	s29 =	simm.s32 $0x3580;
	s8 =	simm.s32 @!p1 $0x80;
	[sflag:s30] =	ssyncset.done $0x0  }
0x6d: {  	s0 =	simm.s32 $0x100;
	s9 =	simm.s32 @!p1 $0x6800;
	[sflag:s30] =	ssyncadd.s32 $0xFFFFFF80  }
0x6e: {  	[spmem:s2] =	stream.indirect.scatter.add.f32 @!p1 [tilespmem:s9], [sflag:$0x1], $0x1, s0, s8, $0xb8;
	[tilespmem:$0x6E00] =	vst v63  }
0x6f: {  	s7 =	simm.s32 $0x3500;
	s1 =	simm.s32 $0x1;
	s0 =	simm.s32 $0x180  }
.LBB2_2:
0x70: {  	[spmem:s3] =	stream.indirect.scatter.add.f32 @!p1 [tilespmem:s9], [sflag:$0x1], $0x1, s7, s8, $0xb8;
	[tilespmem:$0x6E00] =	vst v63  }
0x71: {  	s8 =	smov.u32 s1;
	s1 =	sadd.s32 $0x1, s1;
	_ =	swait.ge [sflag:s30], $0x80  }
0x72: {  	s7 =	smov.u32 s29;
	p2 =	sne.s32 s15, s1;
	[sflag:s30] =	ssyncset.done $0x0  }
0x73: {  	[sflag:s30] =	ssyncadd.s32 $0xFFFFFF80  }
.Ltmp1:
0x74: {  	s8 =	sadd.s32 $0x2, s8;
	_ =	swait.ge [sflag:s30], $0x80;
	(pc) =	sbr.rel @p2 .LBB2_2-.Ltmp1, $4  }
0x75: {  	p1 =	sge.u32 s8, s15;
	[sflag:s30] =	ssyncset.done $0x0  }
0x76: {  	s8 =	simm.s32 @!p1 $0x80;
	s9 =	simm.s32 @!p1 $0x6800;
	[sflag:s30] =	ssyncadd.s32 $0xFFFFFF80  }
0x77: {  	[spmem:s2] =	stream.indirect.scatter.add.f32 @!p1 [tilespmem:s9], [sflag:$0x1], $0x1, s0, s8, $0xb8;
	[tilespmem:$0x6E00] =	vst v63  }
0x78: {  	s29 =	sadd.s32 $0x80, s29;
	s0 =	sadd.s32 $0x80, s0  }
.LBB2_3:
0x79: {  	[spmem:s3] =	stream.indirect.scatter.add.f32 @!p1 [tilespmem:s9], [sflag:$0x1], $0x1, s7, s8, $0xb8;
	[tilespmem:$0x6E00] =	vst v63  }
0x7a: {  	s0 =	stileid.u32  }
0x7b: {  	s0 =	sshll.u32 s0, $0x6  }
0x7c: {  	s1 =	sshrl.u32 s5, $0x3;
	[bflag:$0x0] =	sbarrier.arrive $0xFFFF;
	s0 =	sor.u32 $0x1C02, s0  }
0x7d: {  	[hbm:s20], [sflag:s0] =	dma.local [spmem:s1], $0x50  }
0x7e: {  	s31 =	sadd.s32 $0x1, s31;
	_ =	swait.ge [sflag:s24], $0x50  }
0x7f: {  	p1 =	sne.s32 s31, s22;
	[sflag:s24] =	ssyncset.done $0x0  }
.Ltmp2:
0x80: {  	s29 =	sshrl.u32 s6, $0x3;
	[sflag:s24] =	ssyncadd.s32 $0xFFFFFFB0;
	(pc) =	sbr.rel @p1 .LBB2_1-.Ltmp2, $4  }
0x81: {  	[hbm:s21], [sflag:s0] =	dma.local [spmem:s29], $0x50  }
0x82: {  	_ =	swait.ge [sflag:s24], $0x50  }
0x83: {  	[sflag:s24] =	ssyncset.done $0x0  }
0x84: {  	[sflag:s24] =	ssyncadd.s32 $0xFFFFFFB0  }
0x85: {  	_ =	sfence.sel $0x180000  }
0x86: {  	[bflag:$0x0] =	sbarrier.arrive $0xFFFF  }
0x87: {  	_ =	strace $0x90000047  }
0x88: {  	s0 =	stileid.u32;
	[bflag:$0x2] =	sbarrier.arrive $0xFFFF  }
0x89: {  	p0 =	sne.s32 s0, $0x0;
	s0 =	rddreg [dreg:$0x3]  }
0x8a: {  	s0 =	sadd.s32 @!p0 $0x100000, s0  }
0x8b: {  	[sflag:s0] =	ssyncadd.tile.s32 @!p0 $0x1;
	_ =	shalt  }
.Lfunc_end2:
_tile_overlayer_lowered:
.L_overlay_start_2:
0x8c: {  	(tag) =	ssettag $0x2  }
0x8d: {  	s0 =	rddreg [dreg:$0x0];
	s2 =	stileid.u32  }
0x8e: {  	s1 =	rddreg [dreg:$0x1];
	p0 =	sne.s32 s2, $0x0  }
0x8f: {  	s3 =	rddreg [dreg:$0x2];
	[bflag:$0x3] =	sbarrier.arrive $0xFFFF;
	s2 =	simm.s32 @!p0 $0x1C02  }
0x90: {  	[timem:s3], [sflag:s2] =	dma.local @!p0 [hbm:s0], s1  }
0x91: {  	s0 =	simm.s32 @!p0 $0x2  }
0x92: {  	_ =	swait.ge @!p0 [sflag:s0], s1  }
0x93: {  	s1 =	ssub.s32 @!p0 $0x0, s1;
	[sflag:s0] =	ssyncset.done @!p0 $0x0  }
0x94: {  	[sflag:s0] =	ssyncadd.s32 @!p0 s1  }
0x95: {  	[bflag:$0x3] =	sbarrier.arrive $0xFFFF  }
0x96: {  	_ =	shalt  }

// kernel: kernel.9.cloned.1.call-start
scs
__scs_entry_jumppad:
0x0: {  	(pc) =	sbr.rel $0x88, $3  }
0x1: {  	(tag) =	ssettag $0x0;
	lr =	simm.s32 $0x1  }
0x2: {  	[smem:$0x3F9B] =	sst lr;
	_ =	strace $0xD0000000  }
0x3: {  	_ = 	snop  }
0x4: {  	_ = 	snop  }
0x5: {  	_ = 	snop  }
0x6: {  	_ = 	snop  }
0x7: {  	_ = 	snop  }
__scs_overlays_trampoline_lowered:
0x8: {  	[smem:$0x3FAA] =	sst s0  }
0x9: {  	[smem:$0x3FAB] =	sst s1  }
0xa: {  	[smem:$0x3FAC] =	sst s2  }
0xb: {  	[smem:$0x3FAD] =	sst s3  }
0xc: {  	[smem:$0x3FAE] =	sst s4  }
0xd: {  	[smem:$0x3FAF] =	sst s5  }
0xe: {  	[smem:$0x3FB0] =	sst s6  }
0xf: {  	[smem:$0x3FB1] =	sst s7  }
0x10: {  	[smem:$0x3FB2] =	sst s8  }
0x11: {  	[smem:$0x3FB3] =	sst s9;
	s0 =	simm.s32 @!p0 $0x0  }
0x12: {  	s1 =	sld [smem:$0x3F99];
	s0 =	simm.s32 @p0 $0x1  }
0x13: {  	[smem:$0x3FB4] =	sst s0;
	s0 =	simm.s32 @!p1 $0x0  }
0x14: {  	s2 =	sld [smem:$0x3F98];
	s0 =	simm.s32 @p1 $0x1  }
0x15: {  	[smem:$0x3FB5] =	sst s0;
	s0 =	simm.s32 @!p2 $0x0  }
0x16: {  	s3 =	sld [smem:$0x3FDB];
	s0 =	simm.s32 @p2 $0x1  }
0x17: {  	s4 =	simm.s32 $0x1BF5;
	[smem:$0x3FB7] =	sst s0  }
0x18: {  	s0 =	sld [smem:$0x3F9A];
	_ =	swait.ge [sflag:s4], $0x0  }
0x19: {  	s7 =	sld [smem:$0x3F9B]  }
0x1a: {  	s8 =	sadd.s32 $0xFFFFE003, lr  }
0x1b: {  	s9 =	sadd.s32 $0xFFFFFEF7, lr;
	s5 =	simm.s32 $0xFFFFFFFF;
	p2 =	slt.u32 s8, $0xFFFFF086  }
0x1c: {  	p1 =	slt.u32 s9, $0xF7A;
	s5 =	simm.s32 @!p2 $0x0  }
0x1d: {  	s5 =	simm.s32 @p1 $0x1;
	p0 =	seq.s32 s7, s2  }
0x1e: {  	s7 =	smul.u32 @!p0 $0xF7A, s2;
	p2 =	seq.s32 @!p0 s5, $0x0  }
0x1f: {  	s9 =	smul.u32 $0xF7A, s1;
	s8 =	simm.s32 @!p0 $0x1BF5;
	p2 =	por !p2, p0  }
0x20: {  	[sflag:s8] =	ssyncset.s32 @!p0 $0xFFFFF086;
	s6 =	sadd.s32 @!p0 s3, s7;
	s7 =	simm.s32 @!p0 $0x108  }
0x21: {  	s3 =	sadd.s32 s3, s9;
	s6 =	sadd.s32 @!p0 $0x88, s6;
	s7 =	simm.s32 @p2 $0x1082  }
0x22: {  	[simem:s7], [sflag:s8] =	dma.local @!p0 [hbm:s6], $0xF7A  }
0x23: {  	s9 =	sor.u32 $0xD0000000, s2;
	s6 =	simm.s32 $0x108;
	_ =	swait.ge @!p0 [sflag:s8], $0x0  }
0x24: {  	s3 =	sadd.s32 $0x88, s3;
	s6 =	simm.s32 @!p1 $0x1082;
	[sflag:s4] =	ssyncset.s32 $0xFFFFF086  }
0x25: {  	[simem:s6], [sflag:s4] =	dma.local [hbm:s3], $0xF7A  }
0x26: {  	[smem:$0x3F9B] =	sst s1;
	(tag) =	ssettag s2;
	_ =	strace s9  }
0x27: {  	s1 =	sld [smem:$0x3FAB]  }
0x28: {  	s2 =	sld [smem:$0x3FAC]  }
0x29: {  	s4 =	sld [smem:$0x3FAE]  }
0x2a: {  	p0 =	seq.s32 s5, $0x0;
	s5 =	sld [smem:$0x3FAF]  }
0x2b: {  	s6 =	sld [smem:$0x3FB0]  }
0x2c: {  	s7 =	sld [smem:$0x3FB1]  }
0x2d: {  	s3 =	simm.s32 $0x108;
	s8 =	sld [smem:$0x3FB2]  }
0x2e: {  	s3 =	simm.s32 @!p0 $0x1082;
	s9 =	sld [smem:$0x3FB3]  }
0x2f: {  	lr =	sadd.s32 s0, s3;
	s0 =	sld [smem:$0x3FAA]  }
0x30: {  	s3 =	sld [smem:$0x3FAD]  }
0x31: {  	[smem:$0x3FB6] =	sst s10  }
0x32: {  	s10 =	sld [smem:$0x3FB4];
	_ =	sdelay $0x3  }
0x33: {  	p0 =	seq.s32 s10, $0x1;
	s10 =	sld [smem:$0x3FB6];
	_ =	sdelay $0x3  }
0x34: {  	[smem:$0x3FB6] =	sst s10  }
0x35: {  	s10 =	sld [smem:$0x3FB5];
	_ =	sdelay $0x3  }
0x36: {  	p1 =	seq.s32 s10, $0x1;
	s10 =	sld [smem:$0x3FB6];
	_ =	sdelay $0x3  }
0x37: {  	[smem:$0x3FB6] =	sst s10  }
0x38: {  	s10 =	sld [smem:$0x3FB7]  }
0x39: {  	_ = 	snop;
	(pc) =	sbr.ind lr, $3  }
0x3a: {  	_ = 	snop  }
0x3b: {  	_ = 	snop  }
0x3c: {  	p2 =	seq.s32 s10, $0x1;
	s10 =	sld [smem:$0x3FB6]  }
0x3d: {  	_ =	shalt  }
0x3e: {  	_ =	shalt  }
0x3f: {  	_ =	shalt  }
0x40: {  	_ =	shalt  }
0x41: {  	_ =	shalt  }
0x42: {  	_ =	shalt  }
0x43: {  	_ =	shalt  }
0x44: {  	_ =	shalt  }
0x45: {  	_ =	shalt  }
0x46: {  	_ =	shalt  }
0x47: {  	_ =	shalt  }
0x48: {  	_ =	shalt  }
0x49: {  	_ =	shalt  }
0x4a: {  	_ =	shalt  }
0x4b: {  	_ =	shalt  }
0x4c: {  	_ =	shalt  }
0x4d: {  	_ =	shalt  }
0x4e: {  	_ =	shalt  }
0x4f: {  	_ =	shalt  }
0x50: {  	_ =	shalt  }
0x51: {  	_ =	shalt  }
0x52: {  	_ =	shalt  }
0x53: {  	_ =	shalt  }
0x54: {  	_ =	shalt  }
0x55: {  	_ =	shalt  }
0x56: {  	_ =	shalt  }
0x57: {  	_ =	shalt  }
0x58: {  	_ =	shalt  }
0x59: {  	_ =	shalt  }
0x5a: {  	_ =	shalt  }
0x5b: {  	_ =	shalt  }
0x5c: {  	_ =	shalt  }
0x5d: {  	_ =	shalt  }
0x5e: {  	_ =	shalt  }
0x5f: {  	_ =	shalt  }
0x60: {  	_ =	shalt  }
0x61: {  	_ =	shalt  }
0x62: {  	_ =	shalt  }
0x63: {  	_ =	shalt  }
0x64: {  	_ =	shalt  }
0x65: {  	_ =	shalt  }
0x66: {  	_ =	shalt  }
0x67: {  	_ =	shalt  }
0x68: {  	_ =	shalt  }
0x69: {  	_ =	shalt  }
0x6a: {  	_ =	shalt  }
0x6b: {  	_ =	shalt  }
0x6c: {  	_ =	shalt  }
0x6d: {  	_ =	shalt  }
0x6e: {  	_ =	shalt  }
0x6f: {  	_ =	shalt  }
0x70: {  	_ =	shalt  }
0x71: {  	_ =	shalt  }
0x72: {  	_ =	shalt  }
0x73: {  	_ =	shalt  }
0x74: {  	_ =	shalt  }
0x75: {  	_ =	shalt  }
0x76: {  	_ =	shalt  }
0x77: {  	_ =	shalt  }
0x78: {  	_ =	shalt  }
0x79: {  	_ =	shalt  }
0x7a: {  	_ =	shalt  }
0x7b: {  	_ =	shalt  }
0x7c: {  	_ =	shalt  }
0x7d: {  	_ =	shalt  }
0x7e: {  	_ =	shalt  }
0x7f: {  	_ =	shalt  }
0x80: {  	_ =	shalt  }
0x81: {  	_ =	shalt  }
0x82: {  	_ =	shalt  }
0x83: {  	_ =	shalt  }
0x84: {  	_ =	shalt  }
0x85: {  	_ =	shalt  }
0x86: {  	_ =	shalt  }
0x87: {  	_ =	shalt  }
.Lfunc_end0:
.L_simem_size_0:
called_computation.1_lowered:
.L_overlay_start_0:
0x88: {  	s2 =	sld [smem:$0x3FD9]  }
0x89: {  	s3 =	sld [smem:$0x3FFE];
	_ =	sdelay $0x1  }
0x8a: {  	s1 =	srdreg.scid  }
0x8b: {  	s0 =	sand.u32 $0x1, s1  }
0x8c: {  	s16 =	sshll.u32 s0, $0xA;
	s2 =	sadd.s32 s3, s2  }
0x8d: {  	s2 =	sadd.s32 s2, s16  }
0x8e: {  	[smem:$0x3FC2] =	sst s2  }
0x8f: {  	_ = 	snop  }
0x90: {  	(tm) =	ssettm $0x1  }
0x91: {  	s17 =	sld [smem:$0x3FFB];
	_ =	sdelay $0x3  }
0x92: {  	_ =	strace s17  }
0x93: {  	s2 =	sld [smem:$0x3FFC];
	_ =	sdelay $0x3  }
0x94: {  	_ =	strace s2  }
0x95: {  	s2 =	sld [smem:$0x3FFD];
	_ =	sdelay $0x3  }
0x96: {  	_ =	strace s2  }
0x97: {  	_ =	strace $0x8FFFFFFF  }
0x98: {  	s18 =	sld [smem:$0x3FDB];
	_ =	sdelay $0x1  }
0x99: {  	s19 =	simm.s32 $_scs_section_size  }
0x9a: {  	s4 =	simm.s32 $_size__tile_overlayer_lowered;
	s5 =	simm.s32 $_tile_overlayer_lowered  }
0x9b: {  	s22 =	simm.s32 $0x1BFF;
	s21 =	sshll.u32 s5, $0x1;
	s2 =	sadd.s32 s19, s18  }
0x9c: {  	s6 =	simm.s32 $0x0;
	s20 =	sshll.u32 s4, $0x1;
	s4 =	sadd.s32 s21, s2  }
0x9d: {  	[timem:s6], [sflag:s22] =	dma.local [hbm:s4], s20  }
0x9e: {  	_ =	swait.ge [sflag:s22], s20  }
0x9f: {  	s3 =	ssub.s32 $0x0, s20;
	[sflag:s22] =	ssyncset.done $0x0  }
0xa0: {  	[sflag:s22] =	ssyncadd.s32 s3;
	_ =	sdelay $0x1  }
0xa1: {  	s23 =	simm.s32 $0x1B8B  }
0xa2: {  	_ =	swait.ge [sflag:s23], $0x1  }
0xa3: {  	[sflag:s23] =	ssyncset.done $0x0  }
0xa4: {  	s25 =	simm.s32 $0x1B8E;
	s24 =	sld [smem:$0x3FFE];
	[sflag:s23] =	ssyncadd.s32 $0xFFFFFFFF  }
0xa5: {  	s26 =	simm.s32 $execute0_lowered;
	[smem:$0x3FD2] =	sst s25  }
0xa6: {  	s4 =	sshll.u32 s26, $0x1;
	_ =	strace $0x80000049;
	[dreg:$0x1] =	wrdreg $0xFFFFFFFF  }
0xa7: {  	s28 =	simm.s32 $_size_execute0_lowered;
	s2 =	sadd.s32 s2, s4;
	[dreg:$0x0] =	wrdreg $0x0  }
0xa8: {  	s4 =	sshll.u32 s28, $0x1;
	[dreg:$0x2] =	wrdreg s2  }
0xa9: {  	[dreg:$0x3] =	wrdreg s4  }
0xaa: {  	[dreg:$0x4] =	wrdreg $0xC0  }
0xab: {  	_ =	task [dreg:s6], $0x5FFFF  }
0xac: {  	[dreg:$0x1] =	wrdreg $0xFFFFFFFF  }
0xad: {  	[dreg:$0x0] =	wrdreg $0x60  }
0xae: {  	[dreg:$0x2] =	wrdreg s24  }
0xaf: {  	[dreg:$0x3] =	wrdreg $0x8C000  }
0xb0: {  	[dreg:$0x4] =	wrdreg $0x1CC000  }
0xb1: {  	[dreg:$0x5] =	wrdreg $0x9  }
0xb2: {  	_ =	task.clear_ibuf [dreg:s6], $0x6FFFF;
	_ =	strace $0x90000049  }
0xb3: {  	s29 =	simm.s32 $0x9;
	_ =	strace $0x8000004B  }
0xb4: {  	_ =	swait.ge [sflag:s29], $0x1  }
0xb5: {  	[sflag:s29] =	ssyncadd.s32 $0xFFFFFFFF  }
0xb6: {  	_ =	strace $0x9000004B  }
0xb7: {  	_ =	sfence  }
0xb8: {  	s30 =	sld [smem:$0x0];
	_ =	sdelay $0x2  }
0xb9: {  	s31 =	sshll.u32 s1, $0xD;
	s1 =	sshrl.u32 s1, $0x2  }
0xba: {  	s3 =	sand.u32 $0x4000, s31;
	s1 =	sadd.s32 s1, s30  }
0xbb: {  	s0 =	sor.u32 s3, s0;
	s1 =	sshll.u32 s1, $0x11  }
0xbc: {  	s0 =	sor.u32 s1, s0  }
0xbd: {  	s0 =	sadd.s32 $0x8F2B, s0  }
0xbe: {  	[sflag:s0] =	ssyncadd.remote.s32 $0x1  }
0xbf: {  	_ =	sfence.sel $0xFFFF  }
0xc0: {  	[dreg:$0x0] =	wrdreg $0xFFFFFFFF;
	(pc) =	sbr.abs _section_cstart, $3  }
0xc1: {  	[dreg:$0x1] =	wrdreg $0xFFFFFFFF  }
0xc2: {  	_ =	task.clear_ibuf [dreg:s6], $0x2FFFF;
	_ =	strace $0x9FFFFFFF  }
0xc3: {  	(tm) =	ssettm $0x7FFFFFFF  }
tec
execute0_lowered:
.L_overlay_start_1:
0x0: {  	(tag) =	ssettag $0x1  }
0x1: {  	s0 =	rddreg [dreg:$0x0]  }
0x2: {  	s1 =	rddreg [dreg:$0x1]  }
0x3: {  	s2 =	rddreg [dreg:$0x2]  }
0x4: {  	s31 =	simm.s32 $0x0;
	s3 =	srdreg.scid;
	s11 =	stileid.u32  }
0x5: {  	s14 =	simm.s32 $0x600;
	s28 =	simm.s32 $0x3;
	s5 =	smul.u32 $0x90, s11  }
0x6: {  	s30 =	simm.s32 $0x0;
	[smem:$0x7FF] =	sst s31;
	s7 =	smul.u32 $0x280, s11  }
0x7: {  	s3 =	sand.u32 $0x1, s3;
	s6 =	sshll.u32 s11, $0x4;
	s11 =	smul.u32 $0x50000, s11  }
0x8: {  	p0 =	seq.s32 s3, $0x0;
	s6 =	sor.u32 $0x900, s6;
	s8 =	smul.u32 $0x2800, s3  }
0x9: {  	_ =	strace $0x8000004A;
	s3 =	ssub.s32 $0x2, s3;
	s6 =	smov.u32 @p0 s5  }
0xa: {  	s5 =	sadd.s32 $0x15600, s0;
	s15 =	sshrl.u32 s3, $0x1;
	s11 =	sshrl.u32 s11, $0x2  }
0xb: {  	s16 =	sadd.s32 $0x80, s7;
	s17 =	sadd.s32 s7, s2;
	s12 =	sadd.s32 $0x100, s7  }
0xc: {  	s13 =	sadd.s32 $0x180, s7;
	s6 =	sshll.u32 s6, $0x4;
	s8 =	sadd.s32 s7, s8  }
0xd: {  	s3 =	ssub.s32 s3, s15;
	s4 =	sadd.s32 s11, s1;
	[dreg:$0x8] =	wrdreg s17  }
0xe: {  	s18 =	sshll.u32 s16, $0x7;
	s19 =	sshll.u32 s12, $0x7;
	s21 =	sshll.u32 s13, $0x7  }
0xf: {  	s22 =	sadd.s32 s12, s2;
	s7 =	sadd.s32 $0x200, s7;
	s23 =	sadd.s32 s13, s2  }
0x10: {  	s12 =	simm.s32 $0x580;
	s13 =	simm.s32 $0x8980;
	s15 =	simm.s32 $0x8A00  }
0x11: {  	s17 =	simm.s32 $0x680;
	s9 =	sadd.s32 s6, s0;
	s6 =	sadd.s32 $0x3D600, s0  }
0x12: {  	s10 =	sshll.u32 s8, $0x4;
	s8 =	sshrl.u32 s8, $0x3;
	[dreg:$0xc] =	wrdreg s22  }
0x13: {  	s11 =	sadd.s32 s18, s1;
	s20 =	sadd.s32 s19, s1;
	[dreg:$0xe] =	wrdreg s23  }
0x14: {  	s24 =	sshll.u32 s7, $0x7;
	s7 =	sadd.s32 s7, s2;
	s3 =	smax.u32 s3, $0x1  }
0x15: {  	s23 =	simm.s32 $0x400;
	s19 =	simm.s32 $0x8A80;
	s22 =	simm.s32 $0x780  }
0x16: {  	s18 =	simm.s32 $0x2;
	s10 =	sadd.s32 s10, s0;
	[dreg:$0x9] =	wrdreg s11  }
0x17: {  	s0 =	sadd.s32 s8, s0;
	s8 =	sadd.s32 s16, s2;
	[dreg:$0xb] =	wrdreg s20  }
0x18: {  	s11 =	simm.s32 $0x900;
	[dreg:$0x10] =	wrdreg s7;
	s26 =	sadd.s32 $0x1600, s9  }
0x19: {  	s29 =	sadd.s32 $0xB600, s9;
	[dreg:$0x13] =	wrdreg s3;
	s20 =	simm.s32 $0x800  }
0x1a: {  	s3 =	simm.s32 $0x480;
	s9 =	simm.s32 $0x8880;
	[dreg:$0xa] =	wrdreg s8  }
0x1b: {  	s7 =	simm.s32 $0x700;
	s16 =	simm.s32 $0x1;
	[dreg:$0x5] =	wrdreg s26  }
0x1c: {  	s8 =	sadd.s32 s21, s1;
	s11 =	simm.s32 @!p0 $0x100;
	[dreg:$0x6] =	wrdreg s29  }
0x1d: {  	s25 =	sadd.s32 $0x3E600, s10;
	s0 =	sadd.s32 $0x3DC00, s0;
	[dreg:$0xd] =	wrdreg s8  }
0x1e: {  	s21 =	simm.s32 $0x5;
	s10 =	simm.s32 $0x500;
	[dreg:$0x4] =	wrdreg s11  }
0x1f: {  	s26 =	simm.s32 $0x100;
	s8 =	sadd.s32 s24, s1;
	[dreg:$0x11] =	wrdreg s25  }
0x20: {  	[dreg:$0x12] =	wrdreg s0;
	s0 =	smov.u32 s4;
	s4 =	simm.s32 $0x8800  }
0x21: {  	s24 =	simm.s32 $0x80;
	s25 =	simm.s32 $0x4800;
	[dreg:$0xf] =	wrdreg s8  }
0x22: {  	v0 =	vimm.f32 $0.0e+00;
	s11 =	simm.s32 $0x8900;
	s8 =	simm.s32 $0x8B00;
	[dreg:$0x7] =	wrdreg s0  }
.LBB2_1:
0x23: {  	[dreg:$0x14] =	wrdreg s30;
	s29 =	simm.s32 $0x0;
	s30 =	simm.s32 $0x200  }
.LBB2_2:
0x24: {  	p0 =	sne.s32 s30, $0xFE00;
	[tilespmem:s29+$0x870] =	vst v0  }
0x25: {  	[tilespmem:s29+$0x800] =	vst v0  }
0x26: {  	[tilespmem:s29+$0x810] =	vst v0  }
.Ltmp0:
0x27: {  	[tilespmem:s29+$0x820] =	vst v0;
	(pc) =	sbr.rel @p0 .LBB2_2-.Ltmp0, $4  }
0x28: {  	[tilespmem:s29+$0x830] =	vst v0  }
0x29: {  	[tilespmem:s29+$0x840] =	vst v0  }
0x2a: {  	[tilespmem:s29+$0x850] =	vst v0  }
0x2b: {  	[tilespmem:s29+$0x860] =	vst v0;
	s29 =	sshra.s32 s30, $0x2;
	s30 =	sadd.s32 $0x200, s30  }
0x2c: {  	[tilespmem:s29+$0x870] =	vst v0  }
0x2d: {  	[tilespmem:s29+$0x800] =	vst v0  }
0x2e: {  	[tilespmem:s29+$0x810] =	vst v0  }
0x2f: {  	[tilespmem:s29+$0x820] =	vst v0  }
0x30: {  	[tilespmem:s29+$0x830] =	vst v0  }
0x31: {  	[tilespmem:s29+$0x840] =	vst v0  }
0x32: {  	[tilespmem:s29+$0x850] =	vst v0  }
0x33: {  	[tilespmem:s29+$0x860] =	vst v0  }
0x34: {  	[tilespmem:$0x8800] =	vst v0  }
0x35: {  	[tilespmem:$0x8810] =	vst v0  }
0x36: {  	[tilespmem:$0x8820] =	vst v0  }
0x37: {  	[tilespmem:$0x8830] =	vst v0  }
0x38: {  	[tilespmem:$0x8840] =	vst v0  }
0x39: {  	[tilespmem:$0x8850] =	vst v0  }
0x3a: {  	[tilespmem:$0x8860] =	vst v0  }
0x3b: {  	[tilespmem:$0x8870] =	vst v0  }
0x3c: {  	[spmem:s0] =	stream.linear.scatter [tilespmem:s20], [sflag:$0x5], $0x4000, $0x38;
	[tilespmem:$0x1CE80] =	vst v63  }
0x3d: {  	_ =	swait.ge [sflag:s21], $0x4000  }
0x3e: {  	[sflag:s21] =	ssyncset.done $0x0  }
0x3f: {  	s29 =	rddreg [dreg:$0x8];
	[sflag:s21] =	ssyncadd.s32 $0xFFFFC000  }
0x40: {  	[spmem:s29] =	stream.linear.scatter [tilespmem:s4], [sflag:$0x5], $0x80, $0x38;
	[tilespmem:$0x1CE80] =	vst v63  }
0x41: {  	_ =	swait.ge [sflag:s21], $0x80  }
0x42: {  	[sflag:s21] =	ssyncset.done $0x0  }
0x43: {  	s29 =	rddreg [dreg:$0x9];
	[sflag:s21] =	ssyncadd.s32 $0xFFFFFF80  }
0x44: {  	[spmem:s29] =	stream.linear.scatter [tilespmem:s20], [sflag:$0x5], $0x4000, $0x38;
	[tilespmem:$0x1CE80] =	vst v63  }
0x45: {  	_ =	swait.ge [sflag:s21], $0x4000  }
0x46: {  	[sflag:s21] =	ssyncset.done $0x0  }
0x47: {  	s29 =	rddreg [dreg:$0xa];
	[sflag:s21] =	ssyncadd.s32 $0xFFFFC000  }
0x48: {  	[spmem:s29] =	stream.linear.scatter [tilespmem:s4], [sflag:$0x5], $0x80, $0x38;
	[tilespmem:$0x1CE80] =	vst v63  }
0x49: {  	_ =	swait.ge [sflag:s21], $0x80  }
0x4a: {  	[sflag:s21] =	ssyncset.done $0x0  }
0x4b: {  	s29 =	rddreg [dreg:$0xb];
	[sflag:s21] =	ssyncadd.s32 $0xFFFFFF80  }
0x4c: {  	[spmem:s29] =	stream.linear.scatter [tilespmem:s20], [sflag:$0x5], $0x4000, $0x38;
	[tilespmem:$0x1CE80] =	vst v63  }
0x4d: {  	_ =	swait.ge [sflag:s21], $0x4000  }
0x4e: {  	[sflag:s21] =	ssyncset.done $0x0  }
0x4f: {  	s29 =	rddreg [dreg:$0xc];
	[sflag:s21] =	ssyncadd.s32 $0xFFFFC000  }
0x50: {  	[spmem:s29] =	stream.linear.scatter [tilespmem:s4], [sflag:$0x5], $0x80, $0x38;
	[tilespmem:$0x1CE80] =	vst v63  }
0x51: {  	_ =	swait.ge [sflag:s21], $0x80  }
0x52: {  	[sflag:s21] =	ssyncset.done $0x0  }
0x53: {  	s29 =	rddreg [dreg:$0xd];
	[sflag:s21] =	ssyncadd.s32 $0xFFFFFF80  }
0x54: {  	[spmem:s29] =	stream.linear.scatter [tilespmem:s20], [sflag:$0x5], $0x4000, $0x38;
	[tilespmem:$0x1CE80] =	vst v63  }
0x55: {  	_ =	swait.ge [sflag:s21], $0x4000  }
0x56: {  	[sflag:s21] =	ssyncset.done $0x0  }
0x57: {  	s29 =	rddreg [dreg:$0xe];
	[sflag:s21] =	ssyncadd.s32 $0xFFFFC000  }
0x58: {  	[spmem:s29] =	stream.linear.scatter [tilespmem:s4], [sflag:$0x5], $0x80, $0x38;
	[tilespmem:$0x1CE80] =	vst v63  }
0x59: {  	_ =	swait.ge [sflag:s21], $0x80  }
0x5a: {  	[sflag:s21] =	ssyncset.done $0x0  }
0x5b: {  	s29 =	rddreg [dreg:$0xf];
	[sflag:s21] =	ssyncadd.s32 $0xFFFFFF80  }
0x5c: {  	[spmem:s29] =	stream.linear.scatter [tilespmem:s20], [sflag:$0x5], $0x4000, $0x38;
	[tilespmem:$0x1CE80] =	vst v63  }
0x5d: {  	_ =	swait.ge [sflag:s21], $0x4000  }
0x5e: {  	[sflag:s21] =	ssyncset.done $0x0  }
0x5f: {  	s29 =	rddreg [dreg:$0x10];
	[sflag:s21] =	ssyncadd.s32 $0xFFFFC000  }
0x60: {  	[spmem:s29] =	stream.linear.scatter [tilespmem:s4], [sflag:$0x5], $0x80, $0x38;
	[tilespmem:$0x1CE80] =	vst v63  }
0x61: {  	_ =	swait.ge [sflag:s21], $0x80  }
0x62: {  	[sflag:s21] =	ssyncset.done $0x0  }
0x63: {  	[sflag:s21] =	ssyncadd.s32 $0xFFFFFF80  }
0x64: {  	[bflag:$0x0] =	sbarrier.arrive $0xFFFF  }
0x65: {  	s29 =	rddreg [dreg:$0x6]  }
0x66: {  	s29 =	sadd.s32 $0x0, s29  }
0x67: {  	[tilespmem:s31], [sflag:$0x5] =	stream.linear.gather [hbm4b:s29+s31], $0x400, $0x38;
	[tilespmem:$0x1CE80] =	vst v63  }
0x68: {  	_ =	swait.ge [sflag:s21], $0x400  }
0x69: {  	s29 =	rddreg [dreg:$0x5];
	[sflag:s21] =	ssyncset.done $0x0  }
0x6a: {  	[sflag:s21] =	ssyncadd.s32 $0xFFFFFC00;
	s29 =	sadd.s32 $0x0, s29  }
0x6b: {  	[tilespmem:s23], [sflag:$0x5] =	stream.linear.gather [hbm4b:s29+s31], $0x400, $0x38;
	[tilespmem:$0x1CE80] =	vst v63  }
0x6c: {  	_ =	swait.ge [sflag:s21], $0x400  }
0x6d: {  	[sflag:s21] =	ssyncset.done $0x0  }
0x6e: {  	p0 =	por $0x1, $0x1;
	[sflag:s21] =	ssyncadd.s32 $0xFFFFFC00  }
0x6f: {  	[tilespmem:s20], [sflag:$0x1] =	stream.indirect.gather [hbm4b:s5+s24], $0x80, s31, s24, $0xb8;
	[tilespmem:$0x1CE80] =	vst v63  }
0x70: {  	s29 =	simm.s32 @!p0 $0x4  }
0x71: {  	[tilespmem:s25], [sflag:$0x2] =	stream.indirect.gather [hbm4b:s5+s24], $0x80, s24, s24, $0xb8;
	[tilespmem:$0x1CE80] =	vst v63  }
0x72: {  	_ =	swait.ge @!p0 [sflag:s29], $0x80  }
0x73: {  	[sflag:s29] =	ssyncset.done @!p0 $0x0  }
0x74: {  	[sflag:s29] =	ssyncadd.s32 @!p0 $0xFFFFFF80  }
0x75: {  	_ =	swait.ge @!p0 [sflag:s29], $0x80  }
0x76: {  	[sflag:s29] =	ssyncset.done @!p0 $0x0  }
0x77: {  	[sflag:s29] =	ssyncadd.s32 @!p0 $0xFFFFFF80  }
0x78: {  	_ =	swait.ge @!p0 [sflag:s29], $0x80  }
0x79: {  	[sflag:s29] =	ssyncset.done @!p0 $0x0  }
0x7a: {  	[sflag:s29] =	ssyncadd.s32 @!p0 $0xFFFFFF80  }
0x7b: {  	_ =	swait.ge @!p0 [sflag:s29], $0x80  }
0x7c: {  	[sflag:s29] =	ssyncset.done @!p0 $0x0  }
0x7d: {  	[sflag:s29] =	ssyncadd.s32 @!p0 $0xFFFFFF80  }
0x7e: {  	_ =	swait.ge @!p0 [sflag:s29], $0x80  }
0x7f: {  	[sflag:s29] =	ssyncset.done @!p0 $0x0  }
0x80: {  	[sflag:s29] =	ssyncadd.s32 @!p0 $0xFFFFFF80  }
0x81: {  	_ =	swait.ge @!p0 [sflag:s29], $0x80  }
0x82: {  	[sflag:s29] =	ssyncset.done @!p0 $0x0  }
0x83: {  	[sflag:s29] =	ssyncadd.s32 @!p0 $0xFFFFFF80  }
0x84: {  	_ =	swait.ge @!p0 [sflag:s29], $0x80  }
0x85: {  	[sflag:s29] =	ssyncset.done @!p0 $0x0  }
0x86: {  	[sflag:s29] =	ssyncadd.s32 @!p0 $0xFFFFFF80  }
0x87: {  	_ =	swait.ge @!p0 [sflag:s29], $0x80  }
0x88: {  	[sflag:s29] =	ssyncset.done @!p0 $0x0  }
0x89: {  	[sflag:s29] =	ssyncadd.s32 @!p0 $0xFFFFFF80  }
0x8a: {  	[tilespmem:s4], [sflag:$0x3] =	stream.indirect.gather [hbm4b:s6+s24], $0x1, s23, s24, $0xb8;
	[tilespmem:$0x1CE80] =	vst v63  }
0x8b: {  	_ = 	snop  }
0x8c: {  	[tilespmem:s9], [sflag:$0x3] =	stream.indirect.gather [hbm4b:s6+s24], $0x1, s3, s24, $0xb8;
	[tilespmem:$0x1CE80] =	vst v63  }
0x8d: {  	_ = 	snop  }
0x8e: {  	[tilespmem:s11], [sflag:$0x3] =	stream.indirect.gather [hbm4b:s6+s24], $0x1, s10, s24, $0xb8;
	[tilespmem:$0x1CE80] =	vst v63  }
0x8f: {  	_ = 	snop  }
0x90: {  	[tilespmem:s13], [sflag:$0x3] =	stream.indirect.gather [hbm4b:s6+s24], $0x1, s12, s24, $0xb8;
	[tilespmem:$0x1CE80] =	vst v63  }
0x91: {  	_ = 	snop  }
0x92: {  	[tilespmem:s15], [sflag:$0x3] =	stream.indirect.gather [hbm4b:s6+s24], $0x1, s14, s24, $0xb8;
	[tilespmem:$0x1CE80] =	vst v63  }
0x93: {  	_ = 	snop  }
0x94: {  	[tilespmem:s19], [sflag:$0x3] =	stream.indirect.gather [hbm4b:s6+s24], $0x1, s17, s24, $0xb8;
	[tilespmem:$0x1CE80] =	vst v63  }
0x95: {  	_ = 	snop  }
0x96: {  	[tilespmem:s8], [sflag:$0x3] =	stream.indirect.gather [hbm4b:s6+s24], $0x1, s7, s24, $0xb8;
	[tilespmem:$0x1CE80] =	vst v63  }
0x97: {  	s31 =	simm.s32 $0x8B80  }
0x98: {  	[tilespmem:s31], [sflag:$0x3] =	stream.indirect.gather [hbm4b:s6+s24], $0x1, s22, s24, $0xb8;
	[tilespmem:$0x1CE80] =	vst v63  }
0x99: {  	_ =	swait.ge [sflag:s16], $0x4000  }
0x9a: {  	[sflag:s16] =	ssyncset.done $0x0  }
0x9b: {  	[sflag:s16] =	ssyncadd.s32 $0xFFFFC000  }
0x9c: {  	[spmem:s1] =	stream.indirect.scatter.add.f32 [tilespmem:s20], [sflag:$0x5], $0x80, s23, s24, $0xb8;
	[tilespmem:$0x1CE80] =	vst v63  }
0x9d: {  	_ =	swait.ge [sflag:s21], $0x4000  }
0x9e: {  	[sflag:s21] =	ssyncset.done $0x0  }
0x9f: {  	[sflag:s21] =	ssyncadd.s32 $0xFFFFC000  }
0xa0: {  	[tilespmem:s20], [sflag:$0x1] =	stream.indirect.gather [hbm4b:s5+s24], $0x80, s26, s24, $0xb8;
	[tilespmem:$0x1CE80] =	vst v63  }
0xa1: {  	_ =	swait.ge [sflag:s18], $0x4000  }
0xa2: {  	[sflag:s18] =	ssyncset.done $0x0  }
0xa3: {  	[sflag:s18] =	ssyncadd.s32 $0xFFFFC000  }
0xa4: {  	[spmem:s1] =	stream.indirect.scatter.add.f32 [tilespmem:s25], [sflag:$0x5], $0x80, s3, s24, $0xb8;
	[tilespmem:$0x1CE80] =	vst v63  }
0xa5: {  	_ =	swait.ge [sflag:s21], $0x4000  }
0xa6: {  	[sflag:s21] =	ssyncset.done $0x0  }
0xa7: {  	s3 =	simm.s32 $0x180;
	[sflag:s21] =	ssyncadd.s32 $0xFFFFC000  }
0xa8: {  	[tilespmem:s25], [sflag:$0x2] =	stream.indirect.gather [hbm4b:s5+s24], $0x80, s3, s24, $0xb8;
	[tilespmem:$0x1CE80] =	vst v63  }
0xa9: {  	_ =	swait.ge [sflag:s16], $0x4000  }
0xaa: {  	[sflag:s16] =	ssyncset.done $0x0  }
0xab: {  	[sflag:s16] =	ssyncadd.s32 $0xFFFFC000  }
0xac: {  	[spmem:s1] =	stream.indirect.scatter.add.f32 [tilespmem:s20], [sflag:$0x5], $0x80, s10, s24, $0xb8;
	[tilespmem:$0x1CE80] =	vst v63  }
0xad: {  	_ =	swait.ge [sflag:s21], $0x4000  }
0xae: {  	[sflag:s21] =	ssyncset.done $0x0  }
0xaf: {  	s10 =	simm.s32 $0x200;
	[sflag:s21] =	ssyncadd.s32 $0xFFFFC000  }
0xb0: {  	[tilespmem:s20], [sflag:$0x1] =	stream.indirect.gather [hbm4b:s5+s24], $0x80, s10, s24, $0xb8;
	[tilespmem:$0x1CE80] =	vst v63  }
0xb1: {  	_ =	swait.ge [sflag:s18], $0x4000  }
0xb2: {  	[sflag:s18] =	ssyncset.done $0x0  }
0xb3: {  	[sflag:s18] =	ssyncadd.s32 $0xFFFFC000  }
0xb4: {  	[spmem:s1] =	stream.indirect.scatter.add.f32 [tilespmem:s25], [sflag:$0x5], $0x80, s12, s24, $0xb8;
	[tilespmem:$0x1CE80] =	vst v63  }
0xb5: {  	_ =	swait.ge [sflag:s21], $0x4000  }
0xb6: {  	[sflag:s21] =	ssyncset.done $0x0  }
0xb7: {  	s30 =	simm.s32 $0x280;
	[sflag:s21] =	ssyncadd.s32 $0xFFFFC000  }
0xb8: {  	[tilespmem:s25], [sflag:$0x2] =	stream.indirect.gather [hbm4b:s5+s24], $0x80, s30, s24, $0xb8;
	[tilespmem:$0x1CE80] =	vst v63  }
0xb9: {  	_ =	swait.ge [sflag:s16], $0x4000  }
0xba: {  	[sflag:s16] =	ssyncset.done $0x0  }
0xbb: {  	[sflag:s16] =	ssyncadd.s32 $0xFFFFC000  }
0xbc: {  	[spmem:s1] =	stream.indirect.scatter.add.f32 [tilespmem:s20], [sflag:$0x5], $0x80, s14, s24, $0xb8;
	[tilespmem:$0x1CE80] =	vst v63  }
0xbd: {  	_ =	swait.ge [sflag:s21], $0x4000  }
0xbe: {  	[sflag:s21] =	ssyncset.done $0x0  }
0xbf: {  	s14 =	simm.s32 $0x300;
	[sflag:s21] =	ssyncadd.s32 $0xFFFFC000  }
0xc0: {  	[tilespmem:s20], [sflag:$0x1] =	stream.indirect.gather [hbm4b:s5+s24], $0x80, s14, s24, $0xb8;
	[tilespmem:$0x1CE80] =	vst v63  }
0xc1: {  	_ =	swait.ge [sflag:s18], $0x4000  }
0xc2: {  	[sflag:s18] =	ssyncset.done $0x0  }
0xc3: {  	[sflag:s18] =	ssyncadd.s32 $0xFFFFC000  }
0xc4: {  	[spmem:s1] =	stream.indirect.scatter.add.f32 [tilespmem:s25], [sflag:$0x5], $0x80, s17, s24, $0xb8;
	[tilespmem:$0x1CE80] =	vst v63  }
0xc5: {  	_ =	swait.ge [sflag:s21], $0x4000  }
0xc6: {  	[sflag:s21] =	ssyncset.done $0x0  }
0xc7: {  	s23 =	simm.s32 $0x380;
	[sflag:s21] =	ssyncadd.s32 $0xFFFFC000  }
0xc8: {  	[tilespmem:s25], [sflag:$0x2] =	stream.indirect.gather [hbm4b:s5+s24], $0x80, s23, s24, $0xb8;
	[tilespmem:$0x1CE80] =	vst v63  }
0xc9: {  	_ =	swait.ge [sflag:s16], $0x4000  }
0xca: {  	[sflag:s16] =	ssyncset.done $0x0  }
0xcb: {  	[sflag:s16] =	ssyncadd.s32 $0xFFFFC000  }
0xcc: {  	[spmem:s1] =	stream.indirect.scatter.add.f32 [tilespmem:s20], [sflag:$0x5], $0x80, s7, s24, $0xb8;
	[tilespmem:$0x1CE80] =	vst v63  }
0xcd: {  	_ =	swait.ge [sflag:s21], $0x4000  }
0xce: {  	[sflag:s21] =	ssyncset.done $0x0  }
0xcf: {  	[sflag:s21] =	ssyncadd.s32 $0xFFFFC000  }
0xd0: {  	_ =	swait.ge [sflag:s18], $0x4000  }
0xd1: {  	[sflag:s18] =	ssyncset.done $0x0  }
0xd2: {  	[sflag:s18] =	ssyncadd.s32 $0xFFFFC000  }
0xd3: {  	[spmem:s1] =	stream.indirect.scatter.add.f32 [tilespmem:s25], [sflag:$0x5], $0x80, s22, s24, $0xb8;
	[tilespmem:$0x1CE80] =	vst v63  }
0xd4: {  	_ =	swait.ge [sflag:s21], $0x4000  }
0xd5: {  	[sflag:s21] =	ssyncset.done $0x0  }
0xd6: {  	[sflag:s21] =	ssyncadd.s32 $0xFFFFC000  }
0xd7: {  	_ =	swait.ge [sflag:s28], $0x80  }
0xd8: {  	[sflag:s28] =	ssyncset.done $0x0  }
0xd9: {  	[sflag:s28] =	ssyncadd.s32 $0xFFFFFF80  }
0xda: {  	_ =	swait.ge [sflag:s28], $0x80  }
0xdb: {  	[sflag:s28] =	ssyncset.done $0x0  }
0xdc: {  	[sflag:s28] =	ssyncadd.s32 $0xFFFFFF80  }
0xdd: {  	_ =	swait.ge [sflag:s28], $0x80  }
0xde: {  	[sflag:s28] =	ssyncset.done $0x0  }
0xdf: {  	[sflag:s28] =	ssyncadd.s32 $0xFFFFFF80  }
0xe0: {  	_ =	swait.ge [sflag:s28], $0x80  }
0xe1: {  	[sflag:s28] =	ssyncset.done $0x0  }
0xe2: {  	[sflag:s28] =	ssyncadd.s32 $0xFFFFFF80  }
0xe3: {  	_ =	swait.ge [sflag:s28], $0x80  }
0xe4: {  	[sflag:s28] =	ssyncset.done $0x0  }
0xe5: {  	[sflag:s28] =	ssyncadd.s32 $0xFFFFFF80  }
0xe6: {  	_ =	swait.ge [sflag:s28], $0x80  }
0xe7: {  	[sflag:s28] =	ssyncset.done $0x0  }
0xe8: {  	[sflag:s28] =	ssyncadd.s32 $0xFFFFFF80  }
0xe9: {  	_ =	swait.ge [sflag:s28], $0x80  }
0xea: {  	[sflag:s28] =	ssyncset.done $0x0  }
0xeb: {  	[sflag:s28] =	ssyncadd.s32 $0xFFFFFF80  }
0xec: {  	_ =	swait.ge [sflag:s28], $0x80  }
0xed: {  	[sflag:s28] =	ssyncset.done $0x0  }
0xee: {  	s0 =	simm.s32 $0x0;
	[sflag:s28] =	ssyncadd.s32 $0xFFFFFF80  }
0xef: {  	[spmem:s2] =	stream.indirect.scatter.add.f32 [tilespmem:s4], [sflag:$0x4], $0x1, s0, s24, $0xb8;
	[tilespmem:$0x1CE80] =	vst v63  }
0xf0: {  	_ = 	snop  }
0xf1: {  	[spmem:s2] =	stream.indirect.scatter.add.f32 [tilespmem:s9], [sflag:$0x4], $0x1, s24, s24, $0xb8;
	[tilespmem:$0x1CE80] =	vst v63  }
0xf2: {  	_ = 	snop  }
0xf3: {  	[spmem:s2] =	stream.indirect.scatter.add.f32 [tilespmem:s11], [sflag:$0x4], $0x1, s26, s24, $0xb8;
	[tilespmem:$0x1CE80] =	vst v63  }
0xf4: {  	s29 =	rddreg [dreg:$0x4]  }
0xf5: {  	[spmem:s2] =	stream.indirect.scatter.add.f32 [tilespmem:s13], [sflag:$0x4], $0x1, s3, s24, $0xb8;
	[tilespmem:$0x1CE80] =	vst v63  }
0xf6: {  	p0 =	sne.s32 s29, $0x80  }
0xf7: {  	[spmem:s2] =	stream.indirect.scatter.add.f32 [tilespmem:s15], [sflag:$0x4], $0x1, s10, s24, $0xb8;
	[tilespmem:$0x1CE80] =	vst v63  }
.Ltmp1:
0xf8: {  	_ = 	snop;
	(pc) =	sbr.rel @!p0 .LBB2_5-.Ltmp1, $4  }
0xf9: {  	_ = 	snop  }
0xfa: {  	[spmem:s2] =	stream.indirect.scatter.add.f32 [tilespmem:s19], [sflag:$0x4], $0x1, s30, s24, $0xb8;
	[tilespmem:$0x1CE80] =	vst v63  }
0xfb: {  	s12 =	simm.s32 $0x380;
	s29 =	simm.s32 $0x80  }
0xfc: {  	[spmem:s2] =	stream.indirect.scatter.add.f32 [tilespmem:s8], [sflag:$0x4], $0x1, s14, s24, $0xb8;
	[tilespmem:$0x1CE80] =	vst v63  }
.LBB2_4:
0xfd: {  	s30 =	rddreg [dreg:$0x6]  }
0xfe: {  	s26 =	simm.s32 $0x8B80;
	s31 =	smov.u32 s29;
	s11 =	simm.s32 $0x380  }
0xff: {  	[spmem:s2] =	stream.indirect.scatter.add.f32 [tilespmem:s26], [sflag:$0x4], $0x1, s11, s24, $0xb8;
	[tilespmem:$0x1CE80] =	vst v63  }
0x100: {  	s30 =	sadd.s32 s31, s30  }
0x101: {  	[tilespmem:s0], [sflag:$0x5] =	stream.linear.gather [hbm4b:s30+s0], $0x400, $0x38;
	[tilespmem:$0x1CE80] =	vst v63  }
0x102: {  	_ =	swait.ge [sflag:s21], $0x400  }
0x103: {  	s22 =	rddreg [dreg:$0x5];
	[sflag:s21] =	ssyncset.done $0x0  }
0x104: {  	s4 =	simm.s32 $0x400;
	[sflag:s21] =	ssyncadd.s32 $0xFFFFFC00;
	s30 =	sadd.s32 s31, s22  }
0x105: {  	[tilespmem:s4], [sflag:$0x5] =	stream.linear.gather [hbm4b:s30+s0], $0x400, $0x38;
	[tilespmem:$0x1CE80] =	vst v63  }
0x106: {  	_ =	swait.ge [sflag:s21], $0x400  }
0x107: {  	[sflag:s21] =	ssyncset.done $0x0  }
0x108: {  	p0 =	seq.s32 s31, $0x0;
	[sflag:s21] =	ssyncadd.s32 $0xFFFFFC00  }
0x109: {  	[tilespmem:s20], [sflag:$0x1] =	stream.indirect.gather [hbm4b:s5+s24], $0x80, s0, s24, $0xb8;
	[tilespmem:$0x1CE80] =	vst v63  }
0x10a: {  	s30 =	simm.s32 @!p0 $0x4  }
0x10b: {  	[tilespmem:s25], [sflag:$0x2] =	stream.indirect.gather [hbm4b:s5+s24], $0x80, s24, s24, $0xb8;
	[tilespmem:$0x1CE80] =	vst v63  }
0x10c: {  	_ =	swait.ge @!p0 [sflag:s30], $0x80  }
0x10d: {  	[sflag:s30] =	ssyncset.done @!p0 $0x0  }
0x10e: {  	[sflag:s30] =	ssyncadd.s32 @!p0 $0xFFFFFF80  }
0x10f: {  	_ =	swait.ge @!p0 [sflag:s30], $0x80  }
0x110: {  	[sflag:s30] =	ssyncset.done @!p0 $0x0  }
0x111: {  	[sflag:s30] =	ssyncadd.s32 @!p0 $0xFFFFFF80  }
0x112: {  	_ =	swait.ge @!p0 [sflag:s30], $0x80  }
0x113: {  	[sflag:s30] =	ssyncset.done @!p0 $0x0  }
0x114: {  	[sflag:s30] =	ssyncadd.s32 @!p0 $0xFFFFFF80  }
0x115: {  	_ =	swait.ge @!p0 [sflag:s30], $0x80  }
0x116: {  	[sflag:s30] =	ssyncset.done @!p0 $0x0  }
0x117: {  	[sflag:s30] =	ssyncadd.s32 @!p0 $0xFFFFFF80  }
0x118: {  	_ =	swait.ge @!p0 [sflag:s30], $0x80  }
0x119: {  	[sflag:s30] =	ssyncset.done @!p0 $0x0  }
0x11a: {  	[sflag:s30] =	ssyncadd.s32 @!p0 $0xFFFFFF80  }
0x11b: {  	_ =	swait.ge @!p0 [sflag:s30], $0x80  }
0x11c: {  	[sflag:s30] =	ssyncset.done @!p0 $0x0  }
0x11d: {  	[sflag:s30] =	ssyncadd.s32 @!p0 $0xFFFFFF80  }
0x11e: {  	_ =	swait.ge @!p0 [sflag:s30], $0x80  }
0x11f: {  	[sflag:s30] =	ssyncset.done @!p0 $0x0  }
0x120: {  	[sflag:s30] =	ssyncadd.s32 @!p0 $0xFFFFFF80  }
0x121: {  	_ =	swait.ge @!p0 [sflag:s30], $0x80  }
0x122: {  	[sflag:s30] =	ssyncset.done @!p0 $0x0  }
0x123: {  	s13 =	simm.s32 $0x8800;
	[sflag:s30] =	ssyncadd.s32 @!p0 $0xFFFFFF80  }
0x124: {  	[tilespmem:s13], [sflag:$0x3] =	stream.indirect.gather [hbm4b:s6+s24], $0x1, s4, s24, $0xb8;
	[tilespmem:$0x1CE80] =	vst v63  }
0x125: {  	s3 =	simm.s32 $0x480;
	s14 =	simm.s32 $0x8880  }
0x126: {  	[tilespmem:s14], [sflag:$0x3] =	stream.indirect.gather [hbm4b:s6+s24], $0x1, s3, s24, $0xb8;
	[tilespmem:$0x1CE80] =	vst v63  }
0x127: {  	s9 =	simm.s32 $0x500;
	s15 =	simm.s32 $0x8900  }
0x128: {  	[tilespmem:s15], [sflag:$0x3] =	stream.indirect.gather [hbm4b:s6+s24], $0x1, s9, s24, $0xb8;
	[tilespmem:$0x1CE80] =	vst v63  }
0x129: {  	s10 =	simm.s32 $0x580;
	s17 =	simm.s32 $0x8980  }
0x12a: {  	[tilespmem:s17], [sflag:$0x3] =	stream.indirect.gather [hbm4b:s6+s24], $0x1, s10, s24, $0xb8;
	[tilespmem:$0x1CE80] =	vst v63  }
0x12b: {  	s12 =	simm.s32 $0x600;
	s19 =	simm.s32 $0x8A00  }
0x12c: {  	[tilespmem:s19], [sflag:$0x3] =	stream.indirect.gather [hbm4b:s6+s24], $0x1, s12, s24, $0xb8;
	[tilespmem:$0x1CE80] =	vst v63  }
0x12d: {  	s7 =	simm.s32 $0x8A80;
	s30 =	simm.s32 $0x680  }
0x12e: {  	[tilespmem:s7], [sflag:$0x3] =	stream.indirect.gather [hbm4b:s6+s24], $0x1, s30, s24, $0xb8;
	[tilespmem:$0x1CE80] =	vst v63  }
0x12f: {  	s8 =	simm.s32 $0x700;
	s22 =	simm.s32 $0x8B00  }
0x130: {  	[tilespmem:s22], [sflag:$0x3] =	stream.indirect.gather [hbm4b:s6+s24], $0x1, s8, s24, $0xb8;
	[tilespmem:$0x1CE80] =	vst v63  }
0x131: {  	s23 =	simm.s32 $0x780;
	s31 =	simm.s32 $0x8B80  }
0x132: {  	[tilespmem:s31], [sflag:$0x3] =	stream.indirect.gather [hbm4b:s6+s24], $0x1, s23, s24, $0xb8;
	[tilespmem:$0x1CE80] =	vst v63  }
0x133: {  	_ =	swait.ge [sflag:s16], $0x4000  }
0x134: {  	[sflag:s16] =	ssyncset.done $0x0  }
0x135: {  	[sflag:s16] =	ssyncadd.s32 $0xFFFFC000  }
0x136: {  	[spmem:s1] =	stream.indirect.scatter.add.f32 [tilespmem:s20], [sflag:$0x5], $0x80, s4, s24, $0xb8;
	[tilespmem:$0x1CE80] =	vst v63  }
0x137: {  	_ =	swait.ge [sflag:s21], $0x4000  }
0x138: {  	[sflag:s21] =	ssyncset.done $0x0  }
0x139: {  	s26 =	simm.s32 $0x100;
	[sflag:s21] =	ssyncadd.s32 $0xFFFFC000  }
0x13a: {  	[tilespmem:s20], [sflag:$0x1] =	stream.indirect.gather [hbm4b:s5+s24], $0x80, s26, s24, $0xb8;
	[tilespmem:$0x1CE80] =	vst v63  }
0x13b: {  	_ =	swait.ge [sflag:s18], $0x4000  }
0x13c: {  	[sflag:s18] =	ssyncset.done $0x0  }
0x13d: {  	[sflag:s18] =	ssyncadd.s32 $0xFFFFC000  }
0x13e: {  	[spmem:s1] =	stream.indirect.scatter.add.f32 [tilespmem:s25], [sflag:$0x5], $0x80, s3, s24, $0xb8;
	[tilespmem:$0x1CE80] =	vst v63  }
0x13f: {  	_ =	swait.ge [sflag:s21], $0x4000  }
0x140: {  	[sflag:s21] =	ssyncset.done $0x0  }
0x141: {  	s4 =	simm.s32 $0x180;
	[sflag:s21] =	ssyncadd.s32 $0xFFFFC000  }
0x142: {  	[tilespmem:s25], [sflag:$0x2] =	stream.indirect.gather [hbm4b:s5+s24], $0x80, s4, s24, $0xb8;
	[tilespmem:$0x1CE80] =	vst v63  }
0x143: {  	_ =	swait.ge [sflag:s16], $0x4000  }
0x144: {  	[sflag:s16] =	ssyncset.done $0x0  }
0x145: {  	[sflag:s16] =	ssyncadd.s32 $0xFFFFC000  }
0x146: {  	[spmem:s1] =	stream.indirect.scatter.add.f32 [tilespmem:s20], [sflag:$0x5], $0x80, s9, s24, $0xb8;
	[tilespmem:$0x1CE80] =	vst v63  }
0x147: {  	_ =	swait.ge [sflag:s21], $0x4000  }
0x148: {  	[sflag:s21] =	ssyncset.done $0x0  }
0x149: {  	s3 =	simm.s32 $0x200;
	[sflag:s21] =	ssyncadd.s32 $0xFFFFC000  }
0x14a: {  	[tilespmem:s20], [sflag:$0x1] =	stream.indirect.gather [hbm4b:s5+s24], $0x80, s3, s24, $0xb8;
	[tilespmem:$0x1CE80] =	vst v63  }
0x14b: {  	_ =	swait.ge [sflag:s18], $0x4000  }
0x14c: {  	[sflag:s18] =	ssyncset.done $0x0  }
0x14d: {  	[sflag:s18] =	ssyncadd.s32 $0xFFFFC000  }
0x14e: {  	[spmem:s1] =	stream.indirect.scatter.add.f32 [tilespmem:s25], [sflag:$0x5], $0x80, s10, s24, $0xb8;
	[tilespmem:$0x1CE80] =	vst v63  }
0x14f: {  	_ =	swait.ge [sflag:s21], $0x4000  }
0x150: {  	[sflag:s21] =	ssyncset.done $0x0  }
0x151: {  	s9 =	simm.s32 $0x280;
	[sflag:s21] =	ssyncadd.s32 $0xFFFFC000  }
0x152: {  	[tilespmem:s25], [sflag:$0x2] =	stream.indirect.gather [hbm4b:s5+s24], $0x80, s9, s24, $0xb8;
	[tilespmem:$0x1CE80] =	vst v63  }
0x153: {  	_ =	swait.ge [sflag:s16], $0x4000  }
0x154: {  	[sflag:s16] =	ssyncset.done $0x0  }
0x155: {  	[sflag:s16] =	ssyncadd.s32 $0xFFFFC000  }
0x156: {  	[spmem:s1] =	stream.indirect.scatter.add.f32 [tilespmem:s20], [sflag:$0x5], $0x80, s12, s24, $0xb8;
	[tilespmem:$0x1CE80] =	vst v63  }
0x157: {  	_ =	swait.ge [sflag:s21], $0x4000  }
0x158: {  	[sflag:s21] =	ssyncset.done $0x0  }
0x159: {  	s10 =	simm.s32 $0x300;
	[sflag:s21] =	ssyncadd.s32 $0xFFFFC000  }
0x15a: {  	[tilespmem:s20], [sflag:$0x1] =	stream.indirect.gather [hbm4b:s5+s24], $0x80, s10, s24, $0xb8;
	[tilespmem:$0x1CE80] =	vst v63  }
0x15b: {  	_ =	swait.ge [sflag:s18], $0x4000  }
0x15c: {  	[sflag:s18] =	ssyncset.done $0x0  }
0x15d: {  	[sflag:s18] =	ssyncadd.s32 $0xFFFFC000  }
0x15e: {  	[spmem:s1] =	stream.indirect.scatter.add.f32 [tilespmem:s25], [sflag:$0x5], $0x80, s30, s24, $0xb8;
	[tilespmem:$0x1CE80] =	vst v63  }
0x15f: {  	_ =	swait.ge [sflag:s21], $0x4000  }
0x160: {  	[sflag:s21] =	ssyncset.done $0x0  }
0x161: {  	[sflag:s21] =	ssyncadd.s32 $0xFFFFC000  }
0x162: {  	[tilespmem:s25], [sflag:$0x2] =	stream.indirect.gather [hbm4b:s5+s24], $0x80, s11, s24, $0xb8;
	[tilespmem:$0x1CE80] =	vst v63  }
0x163: {  	_ =	swait.ge [sflag:s16], $0x4000  }
0x164: {  	[sflag:s16] =	ssyncset.done $0x0  }
0x165: {  	[sflag:s16] =	ssyncadd.s32 $0xFFFFC000  }
0x166: {  	[spmem:s1] =	stream.indirect.scatter.add.f32 [tilespmem:s20], [sflag:$0x5], $0x80, s8, s24, $0xb8;
	[tilespmem:$0x1CE80] =	vst v63  }
0x167: {  	_ =	swait.ge [sflag:s21], $0x4000  }
0x168: {  	[sflag:s21] =	ssyncset.done $0x0  }
0x169: {  	[sflag:s21] =	ssyncadd.s32 $0xFFFFC000  }
0x16a: {  	_ =	swait.ge [sflag:s18], $0x4000  }
0x16b: {  	[sflag:s18] =	ssyncset.done $0x0  }
0x16c: {  	[sflag:s18] =	ssyncadd.s32 $0xFFFFC000  }
0x16d: {  	[spmem:s1] =	stream.indirect.scatter.add.f32 [tilespmem:s25], [sflag:$0x5], $0x80, s23, s24, $0xb8;
	[tilespmem:$0x1CE80] =	vst v63  }
0x16e: {  	_ =	swait.ge [sflag:s21], $0x4000  }
0x16f: {  	[sflag:s21] =	ssyncset.done $0x0  }
0x170: {  	[sflag:s21] =	ssyncadd.s32 $0xFFFFC000  }
0x171: {  	_ =	swait.ge [sflag:s28], $0x80  }
0x172: {  	[sflag:s28] =	ssyncset.done $0x0  }
0x173: {  	[sflag:s28] =	ssyncadd.s32 $0xFFFFFF80  }
0x174: {  	_ =	swait.ge [sflag:s28], $0x80  }
0x175: {  	[sflag:s28] =	ssyncset.done $0x0  }
0x176: {  	[sflag:s28] =	ssyncadd.s32 $0xFFFFFF80  }
0x177: {  	_ =	swait.ge [sflag:s28], $0x80  }
0x178: {  	[sflag:s28] =	ssyncset.done $0x0  }
0x179: {  	[sflag:s28] =	ssyncadd.s32 $0xFFFFFF80  }
0x17a: {  	_ =	swait.ge [sflag:s28], $0x80  }
0x17b: {  	[sflag:s28] =	ssyncset.done $0x0  }
0x17c: {  	[sflag:s28] =	ssyncadd.s32 $0xFFFFFF80  }
0x17d: {  	_ =	swait.ge [sflag:s28], $0x80  }
0x17e: {  	[sflag:s28] =	ssyncset.done $0x0  }
0x17f: {  	[sflag:s28] =	ssyncadd.s32 $0xFFFFFF80  }
0x180: {  	_ =	swait.ge [sflag:s28], $0x80  }
0x181: {  	[sflag:s28] =	ssyncset.done $0x0  }
0x182: {  	[sflag:s28] =	ssyncadd.s32 $0xFFFFFF80  }
0x183: {  	_ =	swait.ge [sflag:s28], $0x80  }
0x184: {  	[sflag:s28] =	ssyncset.done $0x0  }
0x185: {  	[sflag:s28] =	ssyncadd.s32 $0xFFFFFF80  }
0x186: {  	_ =	swait.ge [sflag:s28], $0x80  }
0x187: {  	[sflag:s28] =	ssyncset.done $0x0  }
0x188: {  	[sflag:s28] =	ssyncadd.s32 $0xFFFFFF80  }
0x189: {  	[spmem:s2] =	stream.indirect.scatter.add.f32 [tilespmem:s13], [sflag:$0x4], $0x1, s0, s24, $0xb8;
	[tilespmem:$0x1CE80] =	vst v63  }
0x18a: {  	_ = 	snop  }
0x18b: {  	[spmem:s2] =	stream.indirect.scatter.add.f32 [tilespmem:s14], [sflag:$0x4], $0x1, s24, s24, $0xb8;
	[tilespmem:$0x1CE80] =	vst v63  }
0x18c: {  	_ = 	snop  }
0x18d: {  	[spmem:s2] =	stream.indirect.scatter.add.f32 [tilespmem:s15], [sflag:$0x4], $0x1, s26, s24, $0xb8;
	[tilespmem:$0x1CE80] =	vst v63  }
0x18e: {  	s29 =	sadd.s32 $0x80, s29;
	s23 =	rddreg [dreg:$0x4]  }
0x18f: {  	[spmem:s2] =	stream.indirect.scatter.add.f32 [tilespmem:s17], [sflag:$0x4], $0x1, s4, s24, $0xb8;
	[tilespmem:$0x1CE80] =	vst v63  }
0x190: {  	p0 =	sne.s32 s23, s29  }
0x191: {  	[spmem:s2] =	stream.indirect.scatter.add.f32 [tilespmem:s19], [sflag:$0x4], $0x1, s3, s24, $0xb8;
	[tilespmem:$0x1CE80] =	vst v63  }
.Ltmp2:
0x192: {  	_ = 	snop;
	(pc) =	sbr.rel @p0 .LBB2_4-.Ltmp2, $4  }
0x193: {  	_ = 	snop  }
0x194: {  	[spmem:s2] =	stream.indirect.scatter.add.f32 [tilespmem:s7], [sflag:$0x4], $0x1, s9, s24, $0xb8;
	[tilespmem:$0x1CE80] =	vst v63  }
0x195: {  	s12 =	simm.s32 $0x380  }
0x196: {  	[spmem:s2] =	stream.indirect.scatter.add.f32 [tilespmem:s22], [sflag:$0x4], $0x1, s10, s24, $0xb8;
	[tilespmem:$0x1CE80] =	vst v63  }
.LBB2_5:
0x197: {  	[spmem:s2] =	stream.indirect.scatter.add.f32 [tilespmem:s31], [sflag:$0x4], $0x1, s12, s24, $0xb8;
	[tilespmem:$0x1CE80] =	vst v63  }
0x198: {  	s0 =	simm.s32 $0x4  }
0x199: {  	_ =	swait.ge [sflag:s0], $0x80  }
0x19a: {  	[sflag:s0] =	ssyncset.done $0x0  }
0x19b: {  	[sflag:s0] =	ssyncadd.s32 $0xFFFFFF80  }
0x19c: {  	_ =	swait.ge [sflag:s0], $0x80  }
0x19d: {  	[sflag:s0] =	ssyncset.done $0x0  }
0x19e: {  	[sflag:s0] =	ssyncadd.s32 $0xFFFFFF80  }
0x19f: {  	_ =	swait.ge [sflag:s0], $0x80  }
0x1a0: {  	[sflag:s0] =	ssyncset.done $0x0  }
0x1a1: {  	[sflag:s0] =	ssyncadd.s32 $0xFFFFFF80  }
0x1a2: {  	_ =	swait.ge [sflag:s0], $0x80  }
0x1a3: {  	[sflag:s0] =	ssyncset.done $0x0  }
0x1a4: {  	[sflag:s0] =	ssyncadd.s32 $0xFFFFFF80  }
0x1a5: {  	_ =	swait.ge [sflag:s0], $0x80  }
0x1a6: {  	[sflag:s0] =	ssyncset.done $0x0  }
0x1a7: {  	[sflag:s0] =	ssyncadd.s32 $0xFFFFFF80  }
0x1a8: {  	_ =	swait.ge [sflag:s0], $0x80  }
0x1a9: {  	[sflag:s0] =	ssyncset.done $0x0  }
0x1aa: {  	[sflag:s0] =	ssyncadd.s32 $0xFFFFFF80  }
0x1ab: {  	_ =	swait.ge [sflag:s0], $0x80  }
0x1ac: {  	[sflag:s0] =	ssyncset.done $0x0  }
0x1ad: {  	[sflag:s0] =	ssyncadd.s32 $0xFFFFFF80  }
0x1ae: {  	_ =	swait.ge [sflag:s0], $0x80  }
0x1af: {  	[sflag:s0] =	ssyncset.done $0x0  }
0x1b0: {  	[sflag:s0] =	ssyncadd.s32 $0xFFFFFF80  }
0x1b1: {  	s29 =	stileid.u32;
	[bflag:$0x0] =	sbarrier.arrive $0xFFFF  }
0x1b2: {  	s29 =	sshll.u32 s29, $0x6;
	s0 =	rddreg [dreg:$0x7]  }
0x1b3: {  	s29 =	sor.u32 $0x1C05, s29;
	s31 =	rddreg [dreg:$0x11];
	s30 =	sshrl.u32 s0, $0x3  }
0x1b4: {  	[hbm:s31], [sflag:s29] =	dma.local [spmem:s30], $0x2800  }
0x1b5: {  	_ =	swait.ge [sflag:s21], $0x2800  }
0x1b6: {  	[sflag:s21] =	ssyncset.done $0x0;
	s30 =	rddreg [dreg:$0x8]  }
0x1b7: {  	s31 =	rddreg [dreg:$0x12];
	[sflag:s21] =	ssyncadd.s32 $0xFFFFD800;
	s30 =	sshrl.u32 s30, $0x3  }
0x1b8: {  	[hbm:s31], [sflag:s29] =	dma.local [spmem:s30], $0x50  }
0x1b9: {  	_ =	swait.ge [sflag:s21], $0x50  }
0x1ba: {  	s4 =	simm.s32 $0x8800;
	s30 =	rddreg [dreg:$0x14]  }
0x1bb: {  	s3 =	simm.s32 $0x480;
	s23 =	rddreg [dreg:$0x13];
	s30 =	sadd.s32 $0x1, s30  }
0x1bc: {  	s9 =	simm.s32 $0x8880;
	s10 =	simm.s32 $0x500;
	p0 =	sne.s32 s30, s23  }
.Ltmp3:
0x1bd: {  	s11 =	simm.s32 $0x8900;
	s12 =	simm.s32 $0x580;
	(pc) =	sbr.rel @p0 .LBB2_1-.Ltmp3, $4  }
0x1be: {  	s13 =	simm.s32 $0x8980;
	s14 =	simm.s32 $0x600;
	s15 =	simm.s32 $0x8A00  }
0x1bf: {  	s17 =	simm.s32 $0x680;
	s19 =	simm.s32 $0x8A80;
	s7 =	simm.s32 $0x700  }
0x1c0: {  	s8 =	simm.s32 $0x8B00;
	s22 =	simm.s32 $0x780;
	[sflag:s21] =	ssyncset.done $0x0  }
0x1c1: {  	s31 =	simm.s32 $0x0;
	[sflag:s21] =	ssyncadd.s32 $0xFFFFFFB0;
	s23 =	simm.s32 $0x400  }
0x1c2: {  	_ =	sfence.sel $0x180000  }
0x1c3: {  	[bflag:$0x0] =	sbarrier.arrive $0xFFFF  }
0x1c4: {  	_ =	strace $0x9000004A  }
0x1c5: {  	s0 =	stileid.u32;
	[bflag:$0x2] =	sbarrier.arrive $0xFFFF  }
0x1c6: {  	p0 =	sne.s32 s0, $0x0;
	s0 =	rddreg [dreg:$0x3]  }
0x1c7: {  	s0 =	sadd.s32 @!p0 $0x100000, s0  }
0x1c8: {  	[sflag:s0] =	ssyncadd.tile.s32 @!p0 $0x1;
	_ =	shalt  }
.Lfunc_end2:
_tile_overlayer_lowered:
.L_overlay_start_2:
0x1c9: {  	(tag) =	ssettag $0x2  }
0x1ca: {  	s0 =	rddreg [dreg:$0x0];
	s2 =	stileid.u32  }
0x1cb: {  	s1 =	rddreg [dreg:$0x1];
	p0 =	sne.s32 s2, $0x0  }
0x1cc: {  	s3 =	rddreg [dreg:$0x2];
	[bflag:$0x3] =	sbarrier.arrive $0xFFFF;
	s2 =	simm.s32 @!p0 $0x1C05  }
0x1cd: {  	[timem:s3], [sflag:s2] =	dma.local @!p0 [hbm:s0], s1  }
0x1ce: {  	s0 =	simm.s32 @!p0 $0x5  }
0x1cf: {  	_ =	swait.ge @!p0 [sflag:s0], s1  }
0x1d0: {  	s1 =	ssub.s32 @!p0 $0x0, s1;
	[sflag:s0] =	ssyncset.done @!p0 $0x0  }
0x1d1: {  	[sflag:s0] =	ssyncadd.s32 @!p0 s1  }
0x1d2: {  	[bflag:$0x3] =	sbarrier.arrive $0xFFFF  }
0x1d3: {  	_ =	shalt  }

</sc_bundles>
